<compile_context>
chip_gen: v7x
topology: tpu7x:2x2x1
jax: 0.10.2.dev20260603
libtpu: 0.0.44.dev20260713+nightly
codegen_flags: <defaults>
</compile_context>

<pallas_src>
import functools

import jax
import jax.numpy as jnp
from jax import lax
from jax.experimental import pallas as pl
from jax.experimental.pallas import tpu as pltpu
from jax.experimental.pallas import tpu_sc as plsc

N_CHUNKS = 100000
D = 512
E = 768
K = 64
TOPD = 8
H = 256
TILE = 4096
COLS = 2048
GRID = (N_CHUNKS + TILE - 1) // TILE

NW = 16
CPW = COLS // NW
VPW = TOPD * CPW
DW = 24
CAND = NW * DW

_HI = lax.Precision.HIGHEST
_BIG = 2**30


def _dot(a, b, prec=_HI):
    return lax.dot_general(a, b, (((1,), (1,)), ((), ())),
                           preferred_element_type=jnp.float32,
                           precision=prec)



def _scan_body(bt_ref, ct_ref, vals_out, flat_out, vals_sc, rows_sc):
    i = pl.program_id(0)

    @pl.when(i == 0)
    def _init():
        vals_sc[...] = jnp.full((TOPD, COLS), -jnp.inf, jnp.float32)
        rows_sc[...] = jnp.zeros((TOPD, COLS), jnp.int32)

    ct = ct_ref[...]
    ct_b = ct.astype(jnp.bfloat16)
    bt_b = bt_ref[...].astype(jnp.bfloat16)
    d = _dot(bt_b, ct_b, prec=None)
    ones = jnp.ones((1, D), dtype=jnp.bfloat16)
    ss = _dot(ones, ct_b * ct_b, prec=None)
    q = d / (jnp.sqrt(ss) + 1e-8)
    col = lax.broadcasted_iota(jnp.int32, (1, TILE), 1)
    gidx = i * TILE + col
    q = jnp.where(gidx < N_CHUNKS, q, -jnp.inf)

    for h in range(TILE // COLS):
        x = q[:, h * COLS:(h + 1) * COLS]
        xr = jnp.full((1, COLS), 2 * i + h, jnp.int32)
        for l in range(TOPD):
            cur = vals_sc[pl.ds(l, 1), :]
            curr = rows_sc[pl.ds(l, 1), :]
            cond = x > cur
            vals_sc[pl.ds(l, 1), :] = jnp.where(cond, x, cur)
            rows_sc[pl.ds(l, 1), :] = jnp.where(cond, xr, curr)
            x = jnp.where(cond, cur, x)
            xr = jnp.where(cond, curr, xr)

    @pl.when(i == GRID - 1)
    def _tail():
        colc = lax.broadcasted_iota(jnp.int32, (TOPD, COLS), 1)
        vals_out[...] = vals_sc[...]
        flat_out[...] = rows_sc[...] * COLS + colc


def _coarse_scan(bt, chunk_traces):
    return pl.pallas_call(
        _scan_body,
        grid=(GRID,),
        in_specs=[
            pl.BlockSpec((1, D), lambda i: (0, 0)),
            pl.BlockSpec((TILE, D), lambda i: (i, 0)),
        ],
        out_specs=[
            pl.BlockSpec((TOPD, COLS), lambda i: (0, 0)),
            pl.BlockSpec((TOPD, COLS), lambda i: (0, 0)),
        ],
        out_shape=[
            jax.ShapeDtypeStruct((TOPD, COLS), jnp.float32),
            jax.ShapeDtypeStruct((TOPD, COLS), jnp.int32),
        ],
        scratch_shapes=[
            pltpu.VMEM((TOPD, COLS), jnp.float32),
            pltpu.VMEM((TOPD, COLS), jnp.int32),
        ],
    )(bt, chunk_traces)



_sc_mesh = plsc.VectorSubcoreMesh(core_axis_name="c", subcore_axis_name="s")


@functools.partial(
    pl.kernel,
    out_type=[
        jax.ShapeDtypeStruct((CAND,), jnp.int32),
        jax.ShapeDtypeStruct((CAND, D), jnp.float32),
        jax.ShapeDtypeStruct((CAND, E), jnp.float32),
    ],
    mesh=_sc_mesh,
    compiler_params=pltpu.CompilerParams(needs_layout_passes=False),
    scratch_types=[
        pltpu.VMEM((VPW,), jnp.float32),
        pltpu.VMEM((VPW,), jnp.int32),
        pltpu.VMEM((DW,), jnp.int32),
        pltpu.VMEM((DW, D), jnp.float32),
        pltpu.VMEM((DW, E), jnp.float32),
        pltpu.SemaphoreType.DMA,
    ],
)
def _sc_select(vals_hbm, flat_hbm, traces_hbm, embs_hbm,
               idx_out, trc_out, emb_out,
               vflat, iflat, idxs, trc_v, emb_v, sem):
    wid = lax.axis_index("s") * 2 + lax.axis_index("c")

    @pl.when(wid < NW)
    def _active():
        lane = lax.iota(jnp.int32, 16)
        ninf = jnp.float32(-jnp.inf)
        NG = VPW // 256

        def vmax16(a):
            for s in (8, 4, 2, 1):
                a = jnp.maximum(a, a.at[(lane + s) & 15]
                                .get(mode="promise_in_bounds"))
            return a

        for r in range(TOPD):
            pltpu.sync_copy(vals_hbm.at[r, pl.ds(wid * CPW, CPW)],
                            vflat.at[pl.ds(r * CPW, CPW)])
            pltpu.sync_copy(flat_hbm.at[r, pl.ds(wid * CPW, CPW)],
                            iflat.at[pl.ds(r * CPW, CPW)])

        p = []
        for g in range(NG):
            pg = jnp.full((16,), ninf, jnp.float32)
            for j in range(16):
                m = vmax16(vflat[pl.ds((g * 16 + j) * 16, 16)])
                pg = jnp.where(lane == j, m, pg)
            p.append(pg)

        def extract(k, p):
            mx = p[0]
            for g in range(1, NG):
                mx = jnp.maximum(mx, p[g])
            gms = vmax16(mx)
            vstar = jnp.full((16,), VPW, jnp.int32)
            for g in range(NG):
                f = plsc.all_reduce_ffs(p[g] == gms)
                vstar = jnp.minimum(
                    vstar, jnp.where(f < 16, f + 16 * g, jnp.int32(VPW)))
            addr = vstar * 16 + lane
            v = plsc.load_gather(vflat, [addr])
            l = plsc.all_reduce_ffs(v == gms)
            fid = plsc.load_gather(iflat, [vstar * 16 + l])
            plsc.store_scatter(idxs, [jnp.full((16,), k, jnp.int32)], fid,
                               mask=lane == 0)
            v2 = jnp.where(lane == l, ninf, v)
            plsc.store_scatter(vflat, [addr], v2)
            nm = vmax16(v2)
            newp = []
            for g in range(NG):
                sel = (vstar >= 16 * g) & (vstar < 16 * (g + 1)) \
                    & (lane == vstar - 16 * g)
                newp.append(jnp.where(sel, nm, p[g]))
            return tuple(newp)

        p = lax.fori_loop(0, DW, extract, tuple(p))

        pltpu.async_copy(traces_hbm.at[idxs], trc_v, sem).wait()
        pltpu.async_copy(embs_hbm.at[idxs], emb_v, sem).wait()
        pltpu.sync_copy(idxs, idx_out.at[pl.ds(wid * DW, DW)])
        pltpu.sync_copy(trc_v, trc_out.at[pl.ds(wid * DW, DW)])
        pltpu.sync_copy(emb_v, emb_out.at[pl.ds(wid * DW, DW)])



def _verify_body(bt_ref, be_ref, idx_ref, trc_ref, emb_ref,
                 w1_ref, b1_ref, w2t_ref, b2_ref, score_out, idx_out,
                 feats_sc):
    trc = trc_ref[...]
    bt = bt_ref[...]
    idxr = idx_ref[...]
    rss = jnp.sum(trc * trc, axis=1, keepdims=True)
    ctn = trc / (jnp.sqrt(rss) + 1e-8)
    btn = bt / (jnp.sqrt(jnp.sum(bt * bt)) + 1e-8)
    qe = _dot(btn, ctn, prec=None)

    def sel_body(k, carry):
        qcur, ordv, selv = carry
        m = jnp.max(qcur)
        loc_idx = jnp.min(jnp.where(qcur == m, idxr, _BIG))
        hit = idxr == loc_idx
        ordv = jnp.where(hit, k, ordv)
        selv = jnp.where(hit, 1, selv)
        return jnp.where(hit, -jnp.inf, qcur), ordv, selv

    _, ordv, selv = lax.fori_loop(
        0, K, sel_body,
        (qe, jnp.full((1, CAND), _BIG, jnp.int32),
         jnp.zeros((1, CAND), jnp.int32)))

    feats = feats_sc
    feats[:, :E] = emb_ref[...]
    feats[:, E:2 * E] = jnp.broadcast_to(be_ref[...], (CAND, E))
    feats[:, 2 * E:2 * E + D] = trc
    feats[:, 2 * E + D:] = jnp.broadcast_to(bt, (CAND, D))
    h = lax.dot_general(feats[...], w1_ref[...], (((1,), (0,)), ((), ())),
                        preferred_element_type=jnp.float32,
                        precision=None) + b1_ref[...]
    h = jnp.maximum(h, 0.0)
    sc = _dot(w2t_ref[...], h, prec=None) + b2_ref[0, 0]

    sc_m = jnp.where(selv == 1, sc, -jnp.inf)
    m2 = jnp.max(sc_m)
    loco = jnp.min(jnp.where(sc_m == m2, ordv, _BIG))
    best = jnp.min(jnp.where(ordv == loco, idxr, _BIG))
    score_out[0, 0] = m2
    idx_out[0, 0] = best


def _verify(bt, be, idxs, trc_g, emb_g, W1, b1r, w2t, b2r):
    return pl.pallas_call(
        _verify_body,
        in_specs=[
            pl.BlockSpec((1, D), lambda: (0, 0)),
            pl.BlockSpec((1, E), lambda: (0, 0)),
            pl.BlockSpec((1, CAND), lambda: (0, 0)),
            pl.BlockSpec((CAND, D), lambda: (0, 0)),
            pl.BlockSpec((CAND, E), lambda: (0, 0)),
            pl.BlockSpec((2 * E + 2 * D, H), lambda: (0, 0)),
            pl.BlockSpec((1, H), lambda: (0, 0)),
            pl.BlockSpec((1, H), lambda: (0, 0)),
            pl.BlockSpec((1, 1), lambda: (0, 0),
                         memory_space=pltpu.MemorySpace.SMEM),
        ],
        out_specs=[
            pl.BlockSpec(memory_space=pltpu.MemorySpace.SMEM),
            pl.BlockSpec(memory_space=pltpu.MemorySpace.SMEM),
        ],
        out_shape=[
            jax.ShapeDtypeStruct((1, 1), jnp.float32),
            jax.ShapeDtypeStruct((1, 1), jnp.int32),
        ],
        scratch_shapes=[
            pltpu.VMEM((CAND, 2 * E + 2 * D), jnp.float32),
        ],
    )(bt, be, idxs, trc_g, emb_g, W1, b1r, w2t, b2r)


@jax.jit
def kernel(backstory_embedding, backstory_trace, chunk_embeddings,
           chunk_traces, W1, b1, W2, b2):
    bt = backstory_trace.reshape(1, D)
    be = backstory_embedding.reshape(1, E)
    b1r = b1.reshape(1, H)
    w2t = W2.reshape(1, H)
    b2r = b2.reshape(1, 1)

    vals, flat = _coarse_scan(bt, chunk_traces)
    idxs, trc_g, emb_g = _sc_select(vals, flat, chunk_traces, chunk_embeddings)
    score, idx = _verify(bt, be, idxs.reshape(1, CAND), trc_g, emb_g,
                         W1, b1r, w2t, b2r)
    return score[0, 0], idx[0, 0]

# --- scband reference (transcript-rebuilt; emitter-appended) ---
"""Pipeline reference for scband-fast-nlimodel-4664334483935 (READ-ONLY COPY).

The authoritative reference and input builder live on the scoring server;
editing this copy changes nothing except your own understanding.
"""

import jax, jax.numpy as jnp
import numpy as np

N_EMBD = 768
NEURON_DIM = 512
TOP_K = 64
HIDDEN = 256
N_CHUNKS = 100000


def setup_inputs(seed: int = 0) -> dict:
    key = jax.random.key(seed)
    ks = jax.random.split(key, 6)
    backstory_embedding = jax.random.normal(ks[0], (N_EMBD,), dtype=jnp.float32)
    backstory_trace = jax.random.uniform(ks[1], (NEURON_DIM,), dtype=jnp.float32)
    chunk_embeddings = jax.random.normal(ks[2], (N_CHUNKS, N_EMBD), dtype=jnp.float32)
    chunk_traces = jax.random.uniform(ks[3], (N_CHUNKS, NEURON_DIM), dtype=jnp.float32)
    in_dim = 2 * N_EMBD + 2 * NEURON_DIM
    W1 = jax.random.normal(ks[4], (in_dim, HIDDEN), dtype=jnp.float32) * (1.0 / np.sqrt(in_dim))
    b1 = jnp.zeros((HIDDEN,), dtype=jnp.float32)
    W2 = jax.random.normal(ks[5], (HIDDEN, 1), dtype=jnp.float32) * (1.0 / np.sqrt(HIDDEN))
    b2 = jnp.zeros((1,), dtype=jnp.float32)
    return {
        "backstory_embedding": backstory_embedding,
        "backstory_trace": backstory_trace,
        "chunk_embeddings": chunk_embeddings,
        "chunk_traces": chunk_traces,
        "W1": W1,
        "b1": b1,
        "W2": W2,
        "b2": b2,
    }


def reference(backstory_embedding, backstory_trace, chunk_embeddings, chunk_traces, W1, b1, W2, b2):
    # SparseNeuronRetriever: cosine similarity between backstory trace and all chunk traces, top-k
    bt_n = backstory_trace / (jnp.linalg.norm(backstory_trace) + 1e-8)
    ct_n = chunk_traces / (jnp.linalg.norm(chunk_traces, axis=1, keepdims=True) + 1e-8)
    sims = ct_n @ bt_n  # [N_CHUNKS]
    _top_vals, retrieved_indices = jax.lax.top_k(sims, TOP_K)
    # LightweightVerifier applied to each retrieved chunk (vectorized over the top-k loop)
    sel_emb = jnp.take(chunk_embeddings, retrieved_indices, axis=0)  # [K, n_embd]
    sel_tr = jnp.take(chunk_traces, retrieved_indices, axis=0)       # [K, neuron_dim]
    be = jnp.broadcast_to(backstory_embedding[None, :], (TOP_K, N_EMBD))
    btr = jnp.broadcast_to(backstory_trace[None, :], (TOP_K, NEURON_DIM))
    feats = jnp.concatenate([sel_emb, be, sel_tr, btr], axis=1)
    h = jax.nn.relu(feats @ W1 + b1)
    chunk_scores = (h @ W2 + b2).squeeze(-1)  # [K]
    # MILAggregator (max): final score is max over retrieved chunk scores
    best_local = jnp.argmax(chunk_scores)
    final_score = chunk_scores[best_local]
    best_chunk_idx = retrieved_indices[best_local]
    return final_score, best_chunk_idx

if __name__ == "__main__":
    import jax
    _d = setup_inputs()
    print(jax.jit(kernel)(*tuple(_d.values())))

</pallas_src>

<mosaic_0001>
#map = affine_map<(d0, d1) -> (0, 0)>
#map1 = affine_map<(d0, d1) -> (0)>
module attributes {stable_mosaic.version = 14 : i64} {
  func.func @_sc_select(%arg0: i32, %arg1: i32, %arg2: memref<8x2048xf32, #tpu.memory_space<hbm>>, %arg3: memref<8x2048xi32, #tpu.memory_space<hbm>>, %arg4: memref<100000x512xf32, #tpu.memory_space<hbm>>, %arg5: memref<100000x768xf32, #tpu.memory_space<hbm>>, %arg6: memref<384xi32, #tpu.memory_space<hbm>>, %arg7: memref<384x512xf32, #tpu.memory_space<hbm>>, %arg8: memref<384x768xf32, #tpu.memory_space<hbm>>, %arg9: memref<1024xf32, #tpu.memory_space<vmem>>, %arg10: memref<1024xi32, #tpu.memory_space<vmem>>, %arg11: memref<24xi32, #tpu.memory_space<vmem>>, %arg12: memref<24x512xf32, #tpu.memory_space<vmem>>, %arg13: memref<24x768xf32, #tpu.memory_space<vmem>>, %arg14: memref<!tpu.dma_semaphore, #tpu.memory_space<semaphore_mem>>) attributes {dimension_semantics = [#tpu.dimension_semantics<core_parallel>, #tpu.dimension_semantics<subcore_parallel>], iteration_bounds = array<i64: 2, 16>, scalar_prefetch = 0 : i64, scratch_operands = 6 : i64, tpu.core_type = #tpu.core_type<sc_vector_subcore>, window_params = [{transform_indices = #map}, {transform_indices = #map}, {transform_indices = #map}, {transform_indices = #map}, {transform_indices = #map1}, {transform_indices = #map}, {transform_indices = #map}]} {
    %mul3A = arith.constant 2 : i32
    %mul3A_0 = arith.muli %arg1, %mul3A : i32
    %add3A = arith.addi %mul3A_0, %arg0 : i32
    %lt3A = arith.constant 16 : i32
    %lt3A_1 = arith.cmpi slt, %add3A, %lt3A : i32
    %convert_element_type3A = arith.extui %lt3A_1 : i1 to i32
    %cond3A = arith.constant 0 : i32
    %cond3A_2 = arith.cmpi ne, %convert_element_type3A, %cond3A : i32
    scf.if %cond3A_2 {
      %iota3A = tpu.iota {dimensions = array<i32: 0>} : vector<16xi32>
      %mul3A_3 = arith.constant 128 : i32
      %mul3A_4 = arith.muli %add3A, %mul3A_3 : i32
      %run_scoped3A = arith.constant 0 : i32
      "tpu.region"() ({
        %run_scoped3A_4809 = tpu.sem_alloc : memref<!tpu.dma_semaphore, #tpu.memory_space<semaphore_mem>>
        %dma_start3A_4810 = arith.constant 0 : i32
        %dma_start3A_4811 = tpu.memref_slice %arg9[%dma_start3A_4810] : memref<1024xf32, #tpu.memory_space<vmem>> -> memref<128xf32, #tpu.memory_space<vmem>>
        %dma_start3A_4812 = tpu.memref_slice %arg2[%run_scoped3A, %mul3A_4] : memref<8x2048xf32, #tpu.memory_space<hbm>> -> memref<1x128xf32, #tpu.memory_space<hbm>>
        %dma_start3A_4813 = tpu.memref_squeeze %dma_start3A_4812 : memref<1x128xf32, #tpu.memory_space<hbm>> -> memref<128xf32, #tpu.memory_space<hbm>>
        %dma_start3A_4814 = arith.constant 0 : i32
        %dma_start3A_4815 = tpu.memref_slice %arg9[%dma_start3A_4814] : memref<1024xf32, #tpu.memory_space<vmem>> -> memref<128xf32, #tpu.memory_space<vmem>>
        %dma_start3A_4816 = tpu.memref_slice %arg2[%run_scoped3A, %mul3A_4] : memref<8x2048xf32, #tpu.memory_space<hbm>> -> memref<1x128xf32, #tpu.memory_space<hbm>>
        %dma_start3A_4817 = tpu.memref_squeeze %dma_start3A_4816 : memref<1x128xf32, #tpu.memory_space<hbm>> -> memref<128xf32, #tpu.memory_space<hbm>>
        tpu.enqueue_dma source(%dma_start3A_4817 : memref<128xf32, #tpu.memory_space<hbm>>) target(%dma_start3A_4815 : memref<128xf32, #tpu.memory_space<vmem>>) target_semaphore(%run_scoped3A_4809 : memref<!tpu.dma_semaphore, #tpu.memory_space<semaphore_mem>>)
        %dma_wait3A_4818 = arith.constant 0 : i32
        %dma_wait3A_4819 = tpu.memref_slice %arg9[%dma_wait3A_4818] : memref<1024xf32, #tpu.memory_space<vmem>> -> memref<128xf32, #tpu.memory_space<vmem>>
        %dma_wait3A_4820 = tpu.memref_slice %arg2[%run_scoped3A, %mul3A_4] : memref<8x2048xf32, #tpu.memory_space<hbm>> -> memref<1x128xf32, #tpu.memory_space<hbm>>
        %dma_wait3A_4821 = tpu.memref_squeeze %dma_wait3A_4820 : memref<1x128xf32, #tpu.memory_space<hbm>> -> memref<128xf32, #tpu.memory_space<hbm>>
        %dma_wait3A_4822 = arith.constant 0 : i32
        %dma_wait3A_4823 = tpu.memref_slice %arg9[%dma_wait3A_4822] : memref<1024xf32, #tpu.memory_space<vmem>> -> memref<128xf32, #tpu.memory_space<vmem>>
        %dma_wait3A_4824 = tpu.memref_slice %arg2[%run_scoped3A, %mul3A_4] : memref<8x2048xf32, #tpu.memory_space<hbm>> -> memref<1x128xf32, #tpu.memory_space<hbm>>
        %dma_wait3A_4825 = tpu.memref_squeeze %dma_wait3A_4824 : memref<1x128xf32, #tpu.memory_space<hbm>> -> memref<128xf32, #tpu.memory_space<hbm>>
        tpu.wait_dma2 semaphore(%run_scoped3A_4809 : memref<!tpu.dma_semaphore, #tpu.memory_space<semaphore_mem>>) src(%dma_wait3A_4825 : memref<128xf32, #tpu.memory_space<hbm>>) dst(%dma_wait3A_4823 : memref<128xf32, #tpu.memory_space<vmem>>)
        tpu.yield
      }) : () -> ()
      %mul3A_5 = arith.constant 128 : i32
      %mul3A_6 = arith.muli %add3A, %mul3A_5 : i32
      %run_scoped3A_7 = arith.constant 0 : i32
      "tpu.region"() ({
        %run_scoped3A_4809 = tpu.sem_alloc : memref<!tpu.dma_semaphore, #tpu.memory_space<semaphore_mem>>
        %dma_start3A_4810 = arith.constant 0 : i32
        %dma_start3A_4811 = tpu.memref_slice %arg10[%dma_start3A_4810] : memref<1024xi32, #tpu.memory_space<vmem>> -> memref<128xi32, #tpu.memory_space<vmem>>
        %dma_start3A_4812 = tpu.memref_slice %arg3[%run_scoped3A_7, %mul3A_6] : memref<8x2048xi32, #tpu.memory_space<hbm>> -> memref<1x128xi32, #tpu.memory_space<hbm>>
        %dma_start3A_4813 = tpu.memref_squeeze %dma_start3A_4812 : memref<1x128xi32, #tpu.memory_space<hbm>> -> memref<128xi32, #tpu.memory_space<hbm>>
        %dma_start3A_4814 = arith.constant 0 : i32
        %dma_start3A_4815 = tpu.memref_slice %arg10[%dma_start3A_4814] : memref<1024xi32, #tpu.memory_space<vmem>> -> memref<128xi32, #tpu.memory_space<vmem>>
        %dma_start3A_4816 = tpu.memref_slice %arg3[%run_scoped3A_7, %mul3A_6] : memref<8x2048xi32, #tpu.memory_space<hbm>> -> memref<1x128xi32, #tpu.memory_space<hbm>>
        %dma_start3A_4817 = tpu.memref_squeeze %dma_start3A_4816 : memref<1x128xi32, #tpu.memory_space<hbm>> -> memref<128xi32, #tpu.memory_space<hbm>>
        tpu.enqueue_dma source(%dma_start3A_4817 : memref<128xi32, #tpu.memory_space<hbm>>) target(%dma_start3A_4815 : memref<128xi32, #tpu.memory_space<vmem>>) target_semaphore(%run_scoped3A_4809 : memref<!tpu.dma_semaphore, #tpu.memory_space<semaphore_mem>>)
        %dma_wait3A_4818 = arith.constant 0 : i32
        %dma_wait3A_4819 = tpu.memref_slice %arg10[%dma_wait3A_4818] : memref<1024xi32, #tpu.memory_space<vmem>> -> memref<128xi32, #tpu.memory_space<vmem>>
        %dma_wait3A_4820 = tpu.memref_slice %arg3[%run_scoped3A_7, %mul3A_6] : memref<8x2048xi32, #tpu.memory_space<hbm>> -> memref<1x128xi32, #tpu.memory_space<hbm>>
        %dma_wait3A_4821 = tpu.memref_squeeze %dma_wait3A_4820 : memref<1x128xi32, #tpu.memory_space<hbm>> -> memref<128xi32, #tpu.memory_space<hbm>>
        %dma_wait3A_4822 = arith.constant 0 : i32
        %dma_wait3A_4823 = tpu.memref_slice %arg10[%dma_wait3A_4822] : memref<1024xi32, #tpu.memory_space<vmem>> -> memref<128xi32, #tpu.memory_space<vmem>>
        %dma_wait3A_4824 = tpu.memref_slice %arg3[%run_scoped3A_7, %mul3A_6] : memref<8x2048xi32, #tpu.memory_space<hbm>> -> memref<1x128xi32, #tpu.memory_space<hbm>>
        %dma_wait3A_4825 = tpu.memref_squeeze %dma_wait3A_4824 : memref<1x128xi32, #tpu.memory_space<hbm>> -> memref<128xi32, #tpu.memory_space<hbm>>
        tpu.wait_dma2 semaphore(%run_scoped3A_4809 : memref<!tpu.dma_semaphore, #tpu.memory_space<semaphore_mem>>) src(%dma_wait3A_4825 : memref<128xi32, #tpu.memory_space<hbm>>) dst(%dma_wait3A_4823 : memref<128xi32, #tpu.memory_space<vmem>>)
        tpu.yield
      }) : () -> ()
      %mul3A_8 = arith.constant 128 : i32
      %mul3A_9 = arith.muli %add3A, %mul3A_8 : i32
      %run_scoped3A_10 = arith.constant 1 : i32
      "tpu.region"() ({
        %run_scoped3A_4809 = tpu.sem_alloc : memref<!tpu.dma_semaphore, #tpu.memory_space<semaphore_mem>>
        %dma_start3A_4810 = arith.constant 128 : i32
        %dma_start3A_4811 = tpu.memref_slice %arg9[%dma_start3A_4810] : memref<1024xf32, #tpu.memory_space<vmem>> -> memref<128xf32, #tpu.memory_space<vmem>>
        %dma_start3A_4812 = tpu.memref_slice %arg2[%run_scoped3A_10, %mul3A_9] : memref<8x2048xf32, #tpu.memory_space<hbm>> -> memref<1x128xf32, #tpu.memory_space<hbm>>
        %dma_start3A_4813 = tpu.memref_squeeze %dma_start3A_4812 : memref<1x128xf32, #tpu.memory_space<hbm>> -> memref<128xf32, #tpu.memory_space<hbm>>
        %dma_start3A_4814 = arith.constant 128 : i32
        %dma_start3A_4815 = tpu.memref_slice %arg9[%dma_start3A_4814] : memref<1024xf32, #tpu.memory_space<vmem>> -> memref<128xf32, #tpu.memory_space<vmem>>
        %dma_start3A_4816 = tpu.memref_slice %arg2[%run_scoped3A_10, %mul3A_9] : memref<8x2048xf32, #tpu.memory_space<hbm>> -> memref<1x128xf32, #tpu.memory_space<hbm>>
        %dma_start3A_4817 = tpu.memref_squeeze %dma_start3A_4816 : memref<1x128xf32, #tpu.memory_space<hbm>> -> memref<128xf32, #tpu.memory_space<hbm>>
        tpu.enqueue_dma source(%dma_start3A_4817 : memref<128xf32, #tpu.memory_space<hbm>>) target(%dma_start3A_4815 : memref<128xf32, #tpu.memory_space<vmem>>) target_semaphore(%run_scoped3A_4809 : memref<!tpu.dma_semaphore, #tpu.memory_space<semaphore_mem>>)
        %dma_wait3A_4818 = arith.constant 128 : i32
        %dma_wait3A_4819 = tpu.memref_slice %arg9[%dma_wait3A_4818] : memref<1024xf32, #tpu.memory_space<vmem>> -> memref<128xf32, #tpu.memory_space<vmem>>
        %dma_wait3A_4820 = tpu.memref_slice %arg2[%run_scoped3A_10, %mul3A_9] : memref<8x2048xf32, #tpu.memory_space<hbm>> -> memref<1x128xf32, #tpu.memory_space<hbm>>
        %dma_wait3A_4821 = tpu.memref_squeeze %dma_wait3A_4820 : memref<1x128xf32, #tpu.memory_space<hbm>> -> memref<128xf32, #tpu.memory_space<hbm>>
        %dma_wait3A_4822 = arith.constant 128 : i32
        %dma_wait3A_4823 = tpu.memref_slice %arg9[%dma_wait3A_4822] : memref<1024xf32, #tpu.memory_space<vmem>> -> memref<128xf32, #tpu.memory_space<vmem>>
        %dma_wait3A_4824 = tpu.memref_slice %arg2[%run_scoped3A_10, %mul3A_9] : memref<8x2048xf32, #tpu.memory_space<hbm>> -> memref<1x128xf32, #tpu.memory_space<hbm>>
        %dma_wait3A_4825 = tpu.memref_squeeze %dma_wait3A_4824 : memref<1x128xf32, #tpu.memory_space<hbm>> -> memref<128xf32, #tpu.memory_space<hbm>>
        tpu.wait_dma2 semaphore(%run_scoped3A_4809 : memref<!tpu.dma_semaphore, #tpu.memory_space<semaphore_mem>>) src(%dma_wait3A_4825 : memref<128xf32, #tpu.memory_space<hbm>>) dst(%dma_wait3A_4823 : memref<128xf32, #tpu.memory_space<vmem>>)
        tpu.yield
      }) : () -> ()
      %mul3A_11 = arith.constant 128 : i32
      %mul3A_12 = arith.muli %add3A, %mul3A_11 : i32
      %run_scoped3A_13 = arith.constant 1 : i32
      "tpu.region"() ({
        %run_scoped3A_4809 = tpu.sem_alloc : memref<!tpu.dma_semaphore, #tpu.memory_space<semaphore_mem>>
        %dma_start3A_4810 = arith.constant 128 : i32
        %dma_start3A_4811 = tpu.memref_slice %arg10[%dma_start3A_4810] : memref<1024xi32, #tpu.memory_space<vmem>> -> memref<128xi32, #tpu.memory_space<vmem>>
        %dma_start3A_4812 = tpu.memref_slice %arg3[%run_scoped3A_13, %mul3A_12] : memref<8x2048xi32, #tpu.memory_space<hbm>> -> memref<1x128xi32, #tpu.memory_space<hbm>>
        %dma_start3A_4813 = tpu.memref_squeeze %dma_start3A_4812 : memref<1x128xi32, #tpu.memory_space<hbm>> -> memref<128xi32, #tpu.memory_space<hbm>>
        %dma_start3A_4814 = arith.constant 128 : i32
        %dma_start3A_4815 = tpu.memref_slice %arg10[%dma_start3A_4814] : memref<1024xi32, #tpu.memory_space<vmem>> -> memref<128xi32, #tpu.memory_space<vmem>>
        %dma_start3A_4816 = tpu.memref_slice %arg3[%run_scoped3A_13, %mul3A_12] : memref<8x2048xi32, #tpu.memory_space<hbm>> -> memref<1x128xi32, #tpu.memory_space<hbm>>
        %dma_start3A_4817 = tpu.memref_squeeze %dma_start3A_4816 : memref<1x128xi32, #tpu.memory_space<hbm>> -> memref<128xi32, #tpu.memory_space<hbm>>
        tpu.enqueue_dma source(%dma_start3A_4817 : memref<128xi32, #tpu.memory_space<hbm>>) target(%dma_start3A_4815 : memref<128xi32, #tpu.memory_space<vmem>>) target_semaphore(%run_scoped3A_4809 : memref<!tpu.dma_semaphore, #tpu.memory_space<semaphore_mem>>)
        %dma_wait3A_4818 = arith.constant 128 : i32
        %dma_wait3A_4819 = tpu.memref_slice %arg10[%dma_wait3A_4818] : memref<1024xi32, #tpu.memory_space<vmem>> -> memref<128xi32, #tpu.memory_space<vmem>>
        %dma_wait3A_4820 = tpu.memref_slice %arg3[%run_scoped3A_13, %mul3A_12] : memref<8x2048xi32, #tpu.memory_space<hbm>> -> memref<1x128xi32, #tpu.memory_space<hbm>>
        %dma_wait3A_4821 = tpu.memref_squeeze %dma_wait3A_4820 : memref<1x128xi32, #tpu.memory_space<hbm>> -> memref<128xi32, #tpu.memory_space<hbm>>
        %dma_wait3A_4822 = arith.constant 128 : i32
        %dma_wait3A_4823 = tpu.memref_slice %arg10[%dma_wait3A_4822] : memref<1024xi32, #tpu.memory_space<vmem>> -> memref<128xi32, #tpu.memory_space<vmem>>
        %dma_wait3A_4824 = tpu.memref_slice %arg3[%run_scoped3A_13, %mul3A_12] : memref<8x2048xi32, #tpu.memory_space<hbm>> -> memref<1x128xi32, #tpu.memory_space<hbm>>
        %dma_wait3A_4825 = tpu.memref_squeeze %dma_wait3A_4824 : memref<1x128xi32, #tpu.memory_space<hbm>> -> memref<128xi32, #tpu.memory_space<hbm>>
        tpu.wait_dma2 semaphore(%run_scoped3A_4809 : memref<!tpu.dma_semaphore, #tpu.memory_space<semaphore_mem>>) src(%dma_wait3A_4825 : memref<128xi32, #tpu.memory_space<hbm>>) dst(%dma_wait3A_4823 : memref<128xi32, #tpu.memory_space<vmem>>)
        tpu.yield
      }) : () -> ()
      %mul3A_14 = arith.constant 128 : i32
      %mul3A_15 = arith.muli %add3A, %mul3A_14 : i32
      %run_scoped3A_16 = arith.constant 2 : i32
      "tpu.region"() ({
        %run_scoped3A_4809 = tpu.sem_alloc : memref<!tpu.dma_semaphore, #tpu.memory_space<semaphore_mem>>
        %dma_start3A_4810 = arith.constant 256 : i32
        %dma_start3A_4811 = tpu.memref_slice %arg9[%dma_start3A_4810] : memref<1024xf32, #tpu.memory_space<vmem>> -> memref<128xf32, #tpu.memory_space<vmem>>
        %dma_start3A_4812 = tpu.memref_slice %arg2[%run_scoped3A_16, %mul3A_15] : memref<8x2048xf32, #tpu.memory_space<hbm>> -> memref<1x128xf32, #tpu.memory_space<hbm>>
        %dma_start3A_4813 = tpu.memref_squeeze %dma_start3A_4812 : memref<1x128xf32, #tpu.memory_space<hbm>> -> memref<128xf32, #tpu.memory_space<hbm>>
        %dma_start3A_4814 = arith.constant 256 : i32
        %dma_start3A_4815 = tpu.memref_slice %arg9[%dma_start3A_4814] : memref<1024xf32, #tpu.memory_space<vmem>> -> memref<128xf32, #tpu.memory_space<vmem>>
        %dma_start3A_4816 = tpu.memref_slice %arg2[%run_scoped3A_16, %mul3A_15] : memref<8x2048xf32, #tpu.memory_space<hbm>> -> memref<1x128xf32, #tpu.memory_space<hbm>>
        %dma_start3A_4817 = tpu.memref_squeeze %dma_start3A_4816 : memref<1x128xf32, #tpu.memory_space<hbm>> -> memref<128xf32, #tpu.memory_space<hbm>>
        tpu.enqueue_dma source(%dma_start3A_4817 : memref<128xf32, #tpu.memory_space<hbm>>) target(%dma_start3A_4815 : memref<128xf32, #tpu.memory_space<vmem>>) target_semaphore(%run_scoped3A_4809 : memref<!tpu.dma_semaphore, #tpu.memory_space<semaphore_mem>>)
        %dma_wait3A_4818 = arith.constant 256 : i32
        %dma_wait3A_4819 = tpu.memref_slice %arg9[%dma_wait3A_4818] : memref<1024xf32, #tpu.memory_space<vmem>> -> memref<128xf32, #tpu.memory_space<vmem>>
        %dma_wait3A_4820 = tpu.memref_slice %arg2[%run_scoped3A_16, %mul3A_15] : memref<8x2048xf32, #tpu.memory_space<hbm>> -> memref<1x128xf32, #tpu.memory_space<hbm>>
        %dma_wait3A_4821 = tpu.memref_squeeze %dma_wait3A_4820 : memref<1x128xf32, #tpu.memory_space<hbm>> -> memref<128xf32, #tpu.memory_space<hbm>>
        %dma_wait3A_4822 = arith.constant 256 : i32
        %dma_wait3A_4823 = tpu.memref_slice %arg9[%dma_wait3A_4822] : memref<1024xf32, #tpu.memory_space<vmem>> -> memref<128xf32, #tpu.memory_space<vmem>>
        %dma_wait3A_4824 = tpu.memref_slice %arg2[%run_scoped3A_16, %mul3A_15] : memref<8x2048xf32, #tpu.memory_space<hbm>> -> memref<1x128xf32, #tpu.memory_space<hbm>>
        %dma_wait3A_4825 = tpu.memref_squeeze %dma_wait3A_4824 : memref<1x128xf32, #tpu.memory_space<hbm>> -> memref<128xf32, #tpu.memory_space<hbm>>
        tpu.wait_dma2 semaphore(%run_scoped3A_4809 : memref<!tpu.dma_semaphore, #tpu.memory_space<semaphore_mem>>) src(%dma_wait3A_4825 : memref<128xf32, #tpu.memory_space<hbm>>) dst(%dma_wait3A_4823 : memref<128xf32, #tpu.memory_space<vmem>>)
        tpu.yield
      }) : () -> ()
      %mul3A_17 = arith.constant 128 : i32
      %mul3A_18 = arith.muli %add3A, %mul3A_17 : i32
      %run_scoped3A_19 = arith.constant 2 : i32
      "tpu.region"() ({
        %run_scoped3A_4809 = tpu.sem_alloc : memref<!tpu.dma_semaphore, #tpu.memory_space<semaphore_mem>>
        %dma_start3A_4810 = arith.constant 256 : i32
        %dma_start3A_4811 = tpu.memref_slice %arg10[%dma_start3A_4810] : memref<1024xi32, #tpu.memory_space<vmem>> -> memref<128xi32, #tpu.memory_space<vmem>>
        %dma_start3A_4812 = tpu.memref_slice %arg3[%run_scoped3A_19, %mul3A_18] : memref<8x2048xi32, #tpu.memory_space<hbm>> -> memref<1x128xi32, #tpu.memory_space<hbm>>
        %dma_start3A_4813 = tpu.memref_squeeze %dma_start3A_4812 : memref<1x128xi32, #tpu.memory_space<hbm>> -> memref<128xi32, #tpu.memory_space<hbm>>
        %dma_start3A_4814 = arith.constant 256 : i32
        %dma_start3A_4815 = tpu.memref_slice %arg10[%dma_start3A_4814] : memref<1024xi32, #tpu.memory_space<vmem>> -> memref<128xi32, #tpu.memory_space<vmem>>
        %dma_start3A_4816 = tpu.memref_slice %arg3[%run_scoped3A_19, %mul3A_18] : memref<8x2048xi32, #tpu.memory_space<hbm>> -> memref<1x128xi32, #tpu.memory_space<hbm>>
        %dma_start3A_4817 = tpu.memref_squeeze %dma_start3A_4816 : memref<1x128xi32, #tpu.memory_space<hbm>> -> memref<128xi32, #tpu.memory_space<hbm>>
        tpu.enqueue_dma source(%dma_start3A_4817 : memref<128xi32, #tpu.memory_space<hbm>>) target(%dma_start3A_4815 : memref<128xi32, #tpu.memory_space<vmem>>) target_semaphore(%run_scoped3A_4809 : memref<!tpu.dma_semaphore, #tpu.memory_space<semaphore_mem>>)
        %dma_wait3A_4818 = arith.constant 256 : i32
        %dma_wait3A_4819 = tpu.memref_slice %arg10[%dma_wait3A_4818] : memref<1024xi32, #tpu.memory_space<vmem>> -> memref<128xi32, #tpu.memory_space<vmem>>
        %dma_wait3A_4820 = tpu.memref_slice %arg3[%run_scoped3A_19, %mul3A_18] : memref<8x2048xi32, #tpu.memory_space<hbm>> -> memref<1x128xi32, #tpu.memory_space<hbm>>
        %dma_wait3A_4821 = tpu.memref_squeeze %dma_wait3A_4820 : memref<1x128xi32, #tpu.memory_space<hbm>> -> memref<128xi32, #tpu.memory_space<hbm>>
        %dma_wait3A_4822 = arith.constant 256 : i32
        %dma_wait3A_4823 = tpu.memref_slice %arg10[%dma_wait3A_4822] : memref<1024xi32, #tpu.memory_space<vmem>> -> memref<128xi32, #tpu.memory_space<vmem>>
        %dma_wait3A_4824 = tpu.memref_slice %arg3[%run_scoped3A_19, %mul3A_18] : memref<8x2048xi32, #tpu.memory_space<hbm>> -> memref<1x128xi32, #tpu.memory_space<hbm>>
        %dma_wait3A_4825 = tpu.memref_squeeze %dma_wait3A_4824 : memref<1x128xi32, #tpu.memory_space<hbm>> -> memref<128xi32, #tpu.memory_space<hbm>>
        tpu.wait_dma2 semaphore(%run_scoped3A_4809 : memref<!tpu.dma_semaphore, #tpu.memory_space<semaphore_mem>>) src(%dma_wait3A_4825 : memref<128xi32, #tpu.memory_space<hbm>>) dst(%dma_wait3A_4823 : memref<128xi32, #tpu.memory_space<vmem>>)
        tpu.yield
      }) : () -> ()
      %mul3A_20 = arith.constant 128 : i32
      %mul3A_21 = arith.muli %add3A, %mul3A_20 : i32
      %run_scoped3A_22 = arith.constant 3 : i32
      "tpu.region"() ({
        %run_scoped3A_4809 = tpu.sem_alloc : memref<!tpu.dma_semaphore, #tpu.memory_space<semaphore_mem>>
        %dma_start3A_4810 = arith.constant 384 : i32
        %dma_start3A_4811 = tpu.memref_slice %arg9[%dma_start3A_4810] : memref<1024xf32, #tpu.memory_space<vmem>> -> memref<128xf32, #tpu.memory_space<vmem>>
        %dma_start3A_4812 = tpu.memref_slice %arg2[%run_scoped3A_22, %mul3A_21] : memref<8x2048xf32, #tpu.memory_space<hbm>> -> memref<1x128xf32, #tpu.memory_space<hbm>>
        %dma_start3A_4813 = tpu.memref_squeeze %dma_start3A_4812 : memref<1x128xf32, #tpu.memory_space<hbm>> -> memref<128xf32, #tpu.memory_space<hbm>>
        %dma_start3A_4814 = arith.constant 384 : i32
        %dma_start3A_4815 = tpu.memref_slice %arg9[%dma_start3A_4814] : memref<1024xf32, #tpu.memory_space<vmem>> -> memref<128xf32, #tpu.memory_space<vmem>>
        %dma_start3A_4816 = tpu.memref_slice %arg2[%run_scoped3A_22, %mul3A_21] : memref<8x2048xf32, #tpu.memory_space<hbm>> -> memref<1x128xf32, #tpu.memory_space<hbm>>
        %dma_start3A_4817 = tpu.memref_squeeze %dma_start3A_4816 : memref<1x128xf32, #tpu.memory_space<hbm>> -> memref<128xf32, #tpu.memory_space<hbm>>
        tpu.enqueue_dma source(%dma_start3A_4817 : memref<128xf32, #tpu.memory_space<hbm>>) target(%dma_start3A_4815 : memref<128xf32, #tpu.memory_space<vmem>>) target_semaphore(%run_scoped3A_4809 : memref<!tpu.dma_semaphore, #tpu.memory_space<semaphore_mem>>)
        %dma_wait3A_4818 = arith.constant 384 : i32
        %dma_wait3A_4819 = tpu.memref_slice %arg9[%dma_wait3A_4818] : memref<1024xf32, #tpu.memory_space<vmem>> -> memref<128xf32, #tpu.memory_space<vmem>>
        %dma_wait3A_4820 = tpu.memref_slice %arg2[%run_scoped3A_22, %mul3A_21] : memref<8x2048xf32, #tpu.memory_space<hbm>> -> memref<1x128xf32, #tpu.memory_space<hbm>>
        %dma_wait3A_4821 = tpu.memref_squeeze %dma_wait3A_4820 : memref<1x128xf32, #tpu.memory_space<hbm>> -> memref<128xf32, #tpu.memory_space<hbm>>
        %dma_wait3A_4822 = arith.constant 384 : i32
        %dma_wait3A_4823 = tpu.memref_slice %arg9[%dma_wait3A_4822] : memref<1024xf32, #tpu.memory_space<vmem>> -> memref<128xf32, #tpu.memory_space<vmem>>
        %dma_wait3A_4824 = tpu.memref_slice %arg2[%run_scoped3A_22, %mul3A_21] : memref<8x2048xf32, #tpu.memory_space<hbm>> -> memref<1x128xf32, #tpu.memory_space<hbm>>
        %dma_wait3A_4825 = tpu.memref_squeeze %dma_wait3A_4824 : memref<1x128xf32, #tpu.memory_space<hbm>> -> memref<128xf32, #tpu.memory_space<hbm>>
        tpu.wait_dma2 semaphore(%run_scoped3A_4809 : memref<!tpu.dma_semaphore, #tpu.memory_space<semaphore_mem>>) src(%dma_wait3A_4825 : memref<128xf32, #tpu.memory_space<hbm>>) dst(%dma_wait3A_4823 : memref<128xf32, #tpu.memory_space<vmem>>)
        tpu.yield
      }) : () -> ()
      %mul3A_23 = arith.constant 128 : i32
      %mul3A_24 = arith.muli %add3A, %mul3A_23 : i32
      %run_scoped3A_25 = arith.constant 3 : i32
      "tpu.region"() ({
        %run_scoped3A_4809 = tpu.sem_alloc : memref<!tpu.dma_semaphore, #tpu.memory_space<semaphore_mem>>
        %dma_start3A_4810 = arith.constant 384 : i32
        %dma_start3A_4811 = tpu.memref_slice %arg10[%dma_start3A_4810] : memref<1024xi32, #tpu.memory_space<vmem>> -> memref<128xi32, #tpu.memory_space<vmem>>
        %dma_start3A_4812 = tpu.memref_slice %arg3[%run_scoped3A_25, %mul3A_24] : memref<8x2048xi32, #tpu.memory_space<hbm>> -> memref<1x128xi32, #tpu.memory_space<hbm>>
        %dma_start3A_4813 = tpu.memref_squeeze %dma_start3A_4812 : memref<1x128xi32, #tpu.memory_space<hbm>> -> memref<128xi32, #tpu.memory_space<hbm>>
        %dma_start3A_4814 = arith.constant 384 : i32
        %dma_start3A_4815 = tpu.memref_slice %arg10[%dma_start3A_4814] : memref<1024xi32, #tpu.memory_space<vmem>> -> memref<128xi32, #tpu.memory_space<vmem>>
        %dma_start3A_4816 = tpu.memref_slice %arg3[%run_scoped3A_25, %mul3A_24] : memref<8x2048xi32, #tpu.memory_space<hbm>> -> memref<1x128xi32, #tpu.memory_space<hbm>>
        %dma_start3A_4817 = tpu.memref_squeeze %dma_start3A_4816 : memref<1x128xi32, #tpu.memory_space<hbm>> -> memref<128xi32, #tpu.memory_space<hbm>>
        tpu.enqueue_dma source(%dma_start3A_4817 : memref<128xi32, #tpu.memory_space<hbm>>) target(%dma_start3A_4815 : memref<128xi32, #tpu.memory_space<vmem>>) target_semaphore(%run_scoped3A_4809 : memref<!tpu.dma_semaphore, #tpu.memory_space<semaphore_mem>>)
        %dma_wait3A_4818 = arith.constant 384 : i32
        %dma_wait3A_4819 = tpu.memref_slice %arg10[%dma_wait3A_4818] : memref<1024xi32, #tpu.memory_space<vmem>> -> memref<128xi32, #tpu.memory_space<vmem>>
        %dma_wait3A_4820 = tpu.memref_slice %arg3[%run_scoped3A_25, %mul3A_24] : memref<8x2048xi32, #tpu.memory_space<hbm>> -> memref<1x128xi32, #tpu.memory_space<hbm>>
        %dma_wait3A_4821 = tpu.memref_squeeze %dma_wait3A_4820 : memref<1x128xi32, #tpu.memory_space<hbm>> -> memref<128xi32, #tpu.memory_space<hbm>>
        %dma_wait3A_4822 = arith.constant 384 : i32
        %dma_wait3A_4823 = tpu.memref_slice %arg10[%dma_wait3A_4822] : memref<1024xi32, #tpu.memory_space<vmem>> -> memref<128xi32, #tpu.memory_space<vmem>>
        %dma_wait3A_4824 = tpu.memref_slice %arg3[%run_scoped3A_25, %mul3A_24] : memref<8x2048xi32, #tpu.memory_space<hbm>> -> memref<1x128xi32, #tpu.memory_space<hbm>>
        %dma_wait3A_4825 = tpu.memref_squeeze %dma_wait3A_4824 : memref<1x128xi32, #tpu.memory_space<hbm>> -> memref<128xi32, #tpu.memory_space<hbm>>
        tpu.wait_dma2 semaphore(%run_scoped3A_4809 : memref<!tpu.dma_semaphore, #tpu.memory_space<semaphore_mem>>) src(%dma_wait3A_4825 : memref<128xi32, #tpu.memory_space<hbm>>) dst(%dma_wait3A_4823 : memref<128xi32, #tpu.memory_space<vmem>>)
        tpu.yield
      }) : () -> ()
      %mul3A_26 = arith.constant 128 : i32
      %mul3A_27 = arith.muli %add3A, %mul3A_26 : i32
      %run_scoped3A_28 = arith.constant 4 : i32
      "tpu.region"() ({
        %run_scoped3A_4809 = tpu.sem_alloc : memref<!tpu.dma_semaphore, #tpu.memory_space<semaphore_mem>>
        %dma_start3A_4810 = arith.constant 512 : i32
        %dma_start3A_4811 = tpu.memref_slice %arg9[%dma_start3A_4810] : memref<1024xf32, #tpu.memory_space<vmem>> -> memref<128xf32, #tpu.memory_space<vmem>>
        %dma_start3A_4812 = tpu.memref_slice %arg2[%run_scoped3A_28, %mul3A_27] : memref<8x2048xf32, #tpu.memory_space<hbm>> -> memref<1x128xf32, #tpu.memory_space<hbm>>
        %dma_start3A_4813 = tpu.memref_squeeze %dma_start3A_4812 : memref<1x128xf32, #tpu.memory_space<hbm>> -> memref<128xf32, #tpu.memory_space<hbm>>
        %dma_start3A_4814 = arith.constant 512 : i32
        %dma_start3A_4815 = tpu.memref_slice %arg9[%dma_start3A_4814] : memref<1024xf32, #tpu.memory_space<vmem>> -> memref<128xf32, #tpu.memory_space<vmem>>
        %dma_start3A_4816 = tpu.memref_slice %arg2[%run_scoped3A_28, %mul3A_27] : memref<8x2048xf32, #tpu.memory_space<hbm>> -> memref<1x128xf32, #tpu.memory_space<hbm>>
        %dma_start3A_4817 = tpu.memref_squeeze %dma_start3A_4816 : memref<1x128xf32, #tpu.memory_space<hbm>> -> memref<128xf32, #tpu.memory_space<hbm>>
        tpu.enqueue_dma source(%dma_start3A_4817 : memref<128xf32, #tpu.memory_space<hbm>>) target(%dma_start3A_4815 : memref<128xf32, #tpu.memory_space<vmem>>) target_semaphore(%run_scoped3A_4809 : memref<!tpu.dma_semaphore, #tpu.memory_space<semaphore_mem>>)
        %dma_wait3A_4818 = arith.constant 512 : i32
        %dma_wait3A_4819 = tpu.memref_slice %arg9[%dma_wait3A_4818] : memref<1024xf32, #tpu.memory_space<vmem>> -> memref<128xf32, #tpu.memory_space<vmem>>
        %dma_wait3A_4820 = tpu.memref_slice %arg2[%run_scoped3A_28, %mul3A_27] : memref<8x2048xf32, #tpu.memory_space<hbm>> -> memref<1x128xf32, #tpu.memory_space<hbm>>
        %dma_wait3A_4821 = tpu.memref_squeeze %dma_wait3A_4820 : memref<1x128xf32, #tpu.memory_space<hbm>> -> memref<128xf32, #tpu.memory_space<hbm>>
        %dma_wait3A_4822 = arith.constant 512 : i32
        %dma_wait3A_4823 = tpu.memref_slice %arg9[%dma_wait3A_4822] : memref<1024xf32, #tpu.memory_space<vmem>> -> memref<128xf32, #tpu.memory_space<vmem>>
        %dma_wait3A_4824 = tpu.memref_slice %arg2[%run_scoped3A_28, %mul3A_27] : memref<8x2048xf32, #tpu.memory_space<hbm>> -> memref<1x128xf32, #tpu.memory_space<hbm>>
        %dma_wait3A_4825 = tpu.memref_squeeze %dma_wait3A_4824 : memref<1x128xf32, #tpu.memory_space<hbm>> -> memref<128xf32, #tpu.memory_space<hbm>>
        tpu.wait_dma2 semaphore(%run_scoped3A_4809 : memref<!tpu.dma_semaphore, #tpu.memory_space<semaphore_mem>>) src(%dma_wait3A_4825 : memref<128xf32, #tpu.memory_space<hbm>>) dst(%dma_wait3A_4823 : memref<128xf32, #tpu.memory_space<vmem>>)
        tpu.yield
      }) : () -> ()
      %mul3A_29 = arith.constant 128 : i32
      %mul3A_30 = arith.muli %add3A, %mul3A_29 : i32
      %run_scoped3A_31 = arith.constant 4 : i32
      "tpu.region"() ({
        %run_scoped3A_4809 = tpu.sem_alloc : memref<!tpu.dma_semaphore, #tpu.memory_space<semaphore_mem>>
        %dma_start3A_4810 = arith.constant 512 : i32
        %dma_start3A_4811 = tpu.memref_slice %arg10[%dma_start3A_4810] : memref<1024xi32, #tpu.memory_space<vmem>> -> memref<128xi32, #tpu.memory_space<vmem>>
        %dma_start3A_4812 = tpu.memref_slice %arg3[%run_scoped3A_31, %mul3A_30] : memref<8x2048xi32, #tpu.memory_space<hbm>> -> memref<1x128xi32, #tpu.memory_space<hbm>>
        %dma_start3A_4813 = tpu.memref_squeeze %dma_start3A_4812 : memref<1x128xi32, #tpu.memory_space<hbm>> -> memref<128xi32, #tpu.memory_space<hbm>>
        %dma_start3A_4814 = arith.constant 512 : i32
        %dma_start3A_4815 = tpu.memref_slice %arg10[%dma_start3A_4814] : memref<1024xi32, #tpu.memory_space<vmem>> -> memref<128xi32, #tpu.memory_space<vmem>>
        %dma_start3A_4816 = tpu.memref_slice %arg3[%run_scoped3A_31, %mul3A_30] : memref<8x2048xi32, #tpu.memory_space<hbm>> -> memref<1x128xi32, #tpu.memory_space<hbm>>
        %dma_start3A_4817 = tpu.memref_squeeze %dma_start3A_4816 : memref<1x128xi32, #tpu.memory_space<hbm>> -> memref<128xi32, #tpu.memory_space<hbm>>
        tpu.enqueue_dma source(%dma_start3A_4817 : memref<128xi32, #tpu.memory_space<hbm>>) target(%dma_start3A_4815 : memref<128xi32, #tpu.memory_space<vmem>>) target_semaphore(%run_scoped3A_4809 : memref<!tpu.dma_semaphore, #tpu.memory_space<semaphore_mem>>)
        %dma_wait3A_4818 = arith.constant 512 : i32
        %dma_wait3A_4819 = tpu.memref_slice %arg10[%dma_wait3A_4818] : memref<1024xi32, #tpu.memory_space<vmem>> -> memref<128xi32, #tpu.memory_space<vmem>>
        %dma_wait3A_4820 = tpu.memref_slice %arg3[%run_scoped3A_31, %mul3A_30] : memref<8x2048xi32, #tpu.memory_space<hbm>> -> memref<1x128xi32, #tpu.memory_space<hbm>>
        %dma_wait3A_4821 = tpu.memref_squeeze %dma_wait3A_4820 : memref<1x128xi32, #tpu.memory_space<hbm>> -> memref<128xi32, #tpu.memory_space<hbm>>
        %dma_wait3A_4822 = arith.constant 512 : i32
        %dma_wait3A_4823 = tpu.memref_slice %arg10[%dma_wait3A_4822] : memref<1024xi32, #tpu.memory_space<vmem>> -> memref<128xi32, #tpu.memory_space<vmem>>
        %dma_wait3A_4824 = tpu.memref_slice %arg3[%run_scoped3A_31, %mul3A_30] : memref<8x2048xi32, #tpu.memory_space<hbm>> -> memref<1x128xi32, #tpu.memory_space<hbm>>
        %dma_wait3A_4825 = tpu.memref_squeeze %dma_wait3A_4824 : memref<1x128xi32, #tpu.memory_space<hbm>> -> memref<128xi32, #tpu.memory_space<hbm>>
        tpu.wait_dma2 semaphore(%run_scoped3A_4809 : memref<!tpu.dma_semaphore, #tpu.memory_space<semaphore_mem>>) src(%dma_wait3A_4825 : memref<128xi32, #tpu.memory_space<hbm>>) dst(%dma_wait3A_4823 : memref<128xi32, #tpu.memory_space<vmem>>)
        tpu.yield
      }) : () -> ()
      %mul3A_32 = arith.constant 128 : i32
      %mul3A_33 = arith.muli %add3A, %mul3A_32 : i32
      %run_scoped3A_34 = arith.constant 5 : i32
      "tpu.region"() ({
        %run_scoped3A_4809 = tpu.sem_alloc : memref<!tpu.dma_semaphore, #tpu.memory_space<semaphore_mem>>
        %dma_start3A_4810 = arith.constant 640 : i32
        %dma_start3A_4811 = tpu.memref_slice %arg9[%dma_start3A_4810] : memref<1024xf32, #tpu.memory_space<vmem>> -> memref<128xf32, #tpu.memory_space<vmem>>
        %dma_start3A_4812 = tpu.memref_slice %arg2[%run_scoped3A_34, %mul3A_33] : memref<8x2048xf32, #tpu.memory_space<hbm>> -> memref<1x128xf32, #tpu.memory_space<hbm>>
        %dma_start3A_4813 = tpu.memref_squeeze %dma_start3A_4812 : memref<1x128xf32, #tpu.memory_space<hbm>> -> memref<128xf32, #tpu.memory_space<hbm>>
        %dma_start3A_4814 = arith.constant 640 : i32
        %dma_start3A_4815 = tpu.memref_slice %arg9[%dma_start3A_4814] : memref<1024xf32, #tpu.memory_space<vmem>> -> memref<128xf32, #tpu.memory_space<vmem>>
        %dma_start3A_4816 = tpu.memref_slice %arg2[%run_scoped3A_34, %mul3A_33] : memref<8x2048xf32, #tpu.memory_space<hbm>> -> memref<1x128xf32, #tpu.memory_space<hbm>>
        %dma_start3A_4817 = tpu.memref_squeeze %dma_start3A_4816 : memref<1x128xf32, #tpu.memory_space<hbm>> -> memref<128xf32, #tpu.memory_space<hbm>>
        tpu.enqueue_dma source(%dma_start3A_4817 : memref<128xf32, #tpu.memory_space<hbm>>) target(%dma_start3A_4815 : memref<128xf32, #tpu.memory_space<vmem>>) target_semaphore(%run_scoped3A_4809 : memref<!tpu.dma_semaphore, #tpu.memory_space<semaphore_mem>>)
        %dma_wait3A_4818 = arith.constant 640 : i32
        %dma_wait3A_4819 = tpu.memref_slice %arg9[%dma_wait3A_4818] : memref<1024xf32, #tpu.memory_space<vmem>> -> memref<128xf32, #tpu.memory_space<vmem>>
        %dma_wait3A_4820 = tpu.memref_slice %arg2[%run_scoped3A_34, %mul3A_33] : memref<8x2048xf32, #tpu.memory_space<hbm>> -> memref<1x128xf32, #tpu.memory_space<hbm>>
        %dma_wait3A_4821 = tpu.memref_squeeze %dma_wait3A_4820 : memref<1x128xf32, #tpu.memory_space<hbm>> -> memref<128xf32, #tpu.memory_space<hbm>>
        %dma_wait3A_4822 = arith.constant 640 : i32
        %dma_wait3A_4823 = tpu.memref_slice %arg9[%dma_wait3A_4822] : memref<1024xf32, #tpu.memory_space<vmem>> -> memref<128xf32, #tpu.memory_space<vmem>>
        %dma_wait3A_4824 = tpu.memref_slice %arg2[%run_scoped3A_34, %mul3A_33] : memref<8x2048xf32, #tpu.memory_space<hbm>> -> memref<1x128xf32, #tpu.memory_space<hbm>>
        %dma_wait3A_4825 = tpu.memref_squeeze %dma_wait3A_4824 : memref<1x128xf32, #tpu.memory_space<hbm>> -> memref<128xf32, #tpu.memory_space<hbm>>
        tpu.wait_dma2 semaphore(%run_scoped3A_4809 : memref<!tpu.dma_semaphore, #tpu.memory_space<semaphore_mem>>) src(%dma_wait3A_4825 : memref<128xf32, #tpu.memory_space<hbm>>) dst(%dma_wait3A_4823 : memref<128xf32, #tpu.memory_space<vmem>>)
        tpu.yield
      }) : () -> ()
      %mul3A_35 = arith.constant 128 : i32
      %mul3A_36 = arith.muli %add3A, %mul3A_35 : i32
      %run_scoped3A_37 = arith.constant 5 : i32
      "tpu.region"() ({
        %run_scoped3A_4809 = tpu.sem_alloc : memref<!tpu.dma_semaphore, #tpu.memory_space<semaphore_mem>>
        %dma_start3A_4810 = arith.constant 640 : i32
        %dma_start3A_4811 = tpu.memref_slice %arg10[%dma_start3A_4810] : memref<1024xi32, #tpu.memory_space<vmem>> -> memref<128xi32, #tpu.memory_space<vmem>>
        %dma_start3A_4812 = tpu.memref_slice %arg3[%run_scoped3A_37, %mul3A_36] : memref<8x2048xi32, #tpu.memory_space<hbm>> -> memref<1x128xi32, #tpu.memory_space<hbm>>
        %dma_start3A_4813 = tpu.memref_squeeze %dma_start3A_4812 : memref<1x128xi32, #tpu.memory_space<hbm>> -> memref<128xi32, #tpu.memory_space<hbm>>
        %dma_start3A_4814 = arith.constant 640 : i32
        %dma_start3A_4815 = tpu.memref_slice %arg10[%dma_start3A_4814] : memref<1024xi32, #tpu.memory_space<vmem>> -> memref<128xi32, #tpu.memory_space<vmem>>
        %dma_start3A_4816 = tpu.memref_slice %arg3[%run_scoped3A_37, %mul3A_36] : memref<8x2048xi32, #tpu.memory_space<hbm>> -> memref<1x128xi32, #tpu.memory_space<hbm>>
        %dma_start3A_4817 = tpu.memref_squeeze %dma_start3A_4816 : memref<1x128xi32, #tpu.memory_space<hbm>> -> memref<128xi32, #tpu.memory_space<hbm>>
        tpu.enqueue_dma source(%dma_start3A_4817 : memref<128xi32, #tpu.memory_space<hbm>>) target(%dma_start3A_4815 : memref<128xi32, #tpu.memory_space<vmem>>) target_semaphore(%run_scoped3A_4809 : memref<!tpu.dma_semaphore, #tpu.memory_space<semaphore_mem>>)
        %dma_wait3A_4818 = arith.constant 640 : i32
        %dma_wait3A_4819 = tpu.memref_slice %arg10[%dma_wait3A_4818] : memref<1024xi32, #tpu.memory_space<vmem>> -> memref<128xi32, #tpu.memory_space<vmem>>
        %dma_wait3A_4820 = tpu.memref_slice %arg3[%run_scoped3A_37, %mul3A_36] : memref<8x2048xi32, #tpu.memory_space<hbm>> -> memref<1x128xi32, #tpu.memory_space<hbm>>
        %dma_wait3A_4821 = tpu.memref_squeeze %dma_wait3A_4820 : memref<1x128xi32, #tpu.memory_space<hbm>> -> memref<128xi32, #tpu.memory_space<hbm>>
        %dma_wait3A_4822 = arith.constant 640 : i32
        %dma_wait3A_4823 = tpu.memref_slice %arg10[%dma_wait3A_4822] : memref<1024xi32, #tpu.memory_space<vmem>> -> memref<128xi32, #tpu.memory_space<vmem>>
        %dma_wait3A_4824 = tpu.memref_slice %arg3[%run_scoped3A_37, %mul3A_36] : memref<8x2048xi32, #tpu.memory_space<hbm>> -> memref<1x128xi32, #tpu.memory_space<hbm>>
        %dma_wait3A_4825 = tpu.memref_squeeze %dma_wait3A_4824 : memref<1x128xi32, #tpu.memory_space<hbm>> -> memref<128xi32, #tpu.memory_space<hbm>>
        tpu.wait_dma2 semaphore(%run_scoped3A_4809 : memref<!tpu.dma_semaphore, #tpu.memory_space<semaphore_mem>>) src(%dma_wait3A_4825 : memref<128xi32, #tpu.memory_space<hbm>>) dst(%dma_wait3A_4823 : memref<128xi32, #tpu.memory_space<vmem>>)
        tpu.yield
      }) : () -> ()
      %mul3A_38 = arith.constant 128 : i32
      %mul3A_39 = arith.muli %add3A, %mul3A_38 : i32
      %run_scoped3A_40 = arith.constant 6 : i32
      "tpu.region"() ({
        %run_scoped3A_4809 = tpu.sem_alloc : memref<!tpu.dma_semaphore, #tpu.memory_space<semaphore_mem>>
        %dma_start3A_4810 = arith.constant 768 : i32
        %dma_start3A_4811 = tpu.memref_slice %arg9[%dma_start3A_4810] : memref<1024xf32, #tpu.memory_space<vmem>> -> memref<128xf32, #tpu.memory_space<vmem>>
        %dma_start3A_4812 = tpu.memref_slice %arg2[%run_scoped3A_40, %mul3A_39] : memref<8x2048xf32, #tpu.memory_space<hbm>> -> memref<1x128xf32, #tpu.memory_space<hbm>>
        %dma_start3A_4813 = tpu.memref_squeeze %dma_start3A_4812 : memref<1x128xf32, #tpu.memory_space<hbm>> -> memref<128xf32, #tpu.memory_space<hbm>>
        %dma_start3A_4814 = arith.constant 768 : i32
        %dma_start3A_4815 = tpu.memref_slice %arg9[%dma_start3A_4814] : memref<1024xf32, #tpu.memory_space<vmem>> -> memref<128xf32, #tpu.memory_space<vmem>>
        %dma_start3A_4816 = tpu.memref_slice %arg2[%run_scoped3A_40, %mul3A_39] : memref<8x2048xf32, #tpu.memory_space<hbm>> -> memref<1x128xf32, #tpu.memory_space<hbm>>
        %dma_start3A_4817 = tpu.memref_squeeze %dma_start3A_4816 : memref<1x128xf32, #tpu.memory_space<hbm>> -> memref<128xf32, #tpu.memory_space<hbm>>
        tpu.enqueue_dma source(%dma_start3A_4817 : memref<128xf32, #tpu.memory_space<hbm>>) target(%dma_start3A_4815 : memref<128xf32, #tpu.memory_space<vmem>>) target_semaphore(%run_scoped3A_4809 : memref<!tpu.dma_semaphore, #tpu.memory_space<semaphore_mem>>)
        %dma_wait3A_4818 = arith.constant 768 : i32
        %dma_wait3A_4819 = tpu.memref_slice %arg9[%dma_wait3A_4818] : memref<1024xf32, #tpu.memory_space<vmem>> -> memref<128xf32, #tpu.memory_space<vmem>>
        %dma_wait3A_4820 = tpu.memref_slice %arg2[%run_scoped3A_40, %mul3A_39] : memref<8x2048xf32, #tpu.memory_space<hbm>> -> memref<1x128xf32, #tpu.memory_space<hbm>>
        %dma_wait3A_4821 = tpu.memref_squeeze %dma_wait3A_4820 : memref<1x128xf32, #tpu.memory_space<hbm>> -> memref<128xf32, #tpu.memory_space<hbm>>
        %dma_wait3A_4822 = arith.constant 768 : i32
        %dma_wait3A_4823 = tpu.memref_slice %arg9[%dma_wait3A_4822] : memref<1024xf32, #tpu.memory_space<vmem>> -> memref<128xf32, #tpu.memory_space<vmem>>
        %dma_wait3A_4824 = tpu.memref_slice %arg2[%run_scoped3A_40, %mul3A_39] : memref<8x2048xf32, #tpu.memory_space<hbm>> -> memref<1x128xf32, #tpu.memory_space<hbm>>
        %dma_wait3A_4825 = tpu.memref_squeeze %dma_wait3A_4824 : memref<1x128xf32, #tpu.memory_space<hbm>> -> memref<128xf32, #tpu.memory_space<hbm>>
        tpu.wait_dma2 semaphore(%run_scoped3A_4809 : memref<!tpu.dma_semaphore, #tpu.memory_space<semaphore_mem>>) src(%dma_wait3A_4825 : memref<128xf32, #tpu.memory_space<hbm>>) dst(%dma_wait3A_4823 : memref<128xf32, #tpu.memory_space<vmem>>)
        tpu.yield
      }) : () -> ()
      %mul3A_41 = arith.constant 128 : i32
      %mul3A_42 = arith.muli %add3A, %mul3A_41 : i32
      %run_scoped3A_43 = arith.constant 6 : i32
      "tpu.region"() ({
        %run_scoped3A_4809 = tpu.sem_alloc : memref<!tpu.dma_semaphore, #tpu.memory_space<semaphore_mem>>
        %dma_start3A_4810 = arith.constant 768 : i32
        %dma_start3A_4811 = tpu.memref_slice %arg10[%dma_start3A_4810] : memref<1024xi32, #tpu.memory_space<vmem>> -> memref<128xi32, #tpu.memory_space<vmem>>
        %dma_start3A_4812 = tpu.memref_slice %arg3[%run_scoped3A_43, %mul3A_42] : memref<8x2048xi32, #tpu.memory_space<hbm>> -> memref<1x128xi32, #tpu.memory_space<hbm>>
        %dma_start3A_4813 = tpu.memref_squeeze %dma_start3A_4812 : memref<1x128xi32, #tpu.memory_space<hbm>> -> memref<128xi32, #tpu.memory_space<hbm>>
        %dma_start3A_4814 = arith.constant 768 : i32
        %dma_start3A_4815 = tpu.memref_slice %arg10[%dma_start3A_4814] : memref<1024xi32, #tpu.memory_space<vmem>> -> memref<128xi32, #tpu.memory_space<vmem>>
        %dma_start3A_4816 = tpu.memref_slice %arg3[%run_scoped3A_43, %mul3A_42] : memref<8x2048xi32, #tpu.memory_space<hbm>> -> memref<1x128xi32, #tpu.memory_space<hbm>>
        %dma_start3A_4817 = tpu.memref_squeeze %dma_start3A_4816 : memref<1x128xi32, #tpu.memory_space<hbm>> -> memref<128xi32, #tpu.memory_space<hbm>>
        tpu.enqueue_dma source(%dma_start3A_4817 : memref<128xi32, #tpu.memory_space<hbm>>) target(%dma_start3A_4815 : memref<128xi32, #tpu.memory_space<vmem>>) target_semaphore(%run_scoped3A_4809 : memref<!tpu.dma_semaphore, #tpu.memory_space<semaphore_mem>>)
        %dma_wait3A_4818 = arith.constant 768 : i32
        %dma_wait3A_4819 = tpu.memref_slice %arg10[%dma_wait3A_4818] : memref<1024xi32, #tpu.memory_space<vmem>> -> memref<128xi32, #tpu.memory_space<vmem>>
        %dma_wait3A_4820 = tpu.memref_slice %arg3[%run_scoped3A_43, %mul3A_42] : memref<8x2048xi32, #tpu.memory_space<hbm>> -> memref<1x128xi32, #tpu.memory_space<hbm>>
        %dma_wait3A_4821 = tpu.memref_squeeze %dma_wait3A_4820 : memref<1x128xi32, #tpu.memory_space<hbm>> -> memref<128xi32, #tpu.memory_space<hbm>>
        %dma_wait3A_4822 = arith.constant 768 : i32
        %dma_wait3A_4823 = tpu.memref_slice %arg10[%dma_wait3A_4822] : memref<1024xi32, #tpu.memory_space<vmem>> -> memref<128xi32, #tpu.memory_space<vmem>>
        %dma_wait3A_4824 = tpu.memref_slice %arg3[%run_scoped3A_43, %mul3A_42] : memref<8x2048xi32, #tpu.memory_space<hbm>> -> memref<1x128xi32, #tpu.memory_space<hbm>>
        %dma_wait3A_4825 = tpu.memref_squeeze %dma_wait3A_4824 : memref<1x128xi32, #tpu.memory_space<hbm>> -> memref<128xi32, #tpu.memory_space<hbm>>
        tpu.wait_dma2 semaphore(%run_scoped3A_4809 : memref<!tpu.dma_semaphore, #tpu.memory_space<semaphore_mem>>) src(%dma_wait3A_4825 : memref<128xi32, #tpu.memory_space<hbm>>) dst(%dma_wait3A_4823 : memref<128xi32, #tpu.memory_space<vmem>>)
        tpu.yield
      }) : () -> ()
      %mul3A_44 = arith.constant 128 : i32
      %mul3A_45 = arith.muli %add3A, %mul3A_44 : i32
      %run_scoped3A_46 = arith.constant 7 : i32
      "tpu.region"() ({
        %run_scoped3A_4809 = tpu.sem_alloc : memref<!tpu.dma_semaphore, #tpu.memory_space<semaphore_mem>>
        %dma_start3A_4810 = arith.constant 896 : i32
        %dma_start3A_4811 = tpu.memref_slice %arg9[%dma_start3A_4810] : memref<1024xf32, #tpu.memory_space<vmem>> -> memref<128xf32, #tpu.memory_space<vmem>>
        %dma_start3A_4812 = tpu.memref_slice %arg2[%run_scoped3A_46, %mul3A_45] : memref<8x2048xf32, #tpu.memory_space<hbm>> -> memref<1x128xf32, #tpu.memory_space<hbm>>
        %dma_start3A_4813 = tpu.memref_squeeze %dma_start3A_4812 : memref<1x128xf32, #tpu.memory_space<hbm>> -> memref<128xf32, #tpu.memory_space<hbm>>
        %dma_start3A_4814 = arith.constant 896 : i32
        %dma_start3A_4815 = tpu.memref_slice %arg9[%dma_start3A_4814] : memref<1024xf32, #tpu.memory_space<vmem>> -> memref<128xf32, #tpu.memory_space<vmem>>
        %dma_start3A_4816 = tpu.memref_slice %arg2[%run_scoped3A_46, %mul3A_45] : memref<8x2048xf32, #tpu.memory_space<hbm>> -> memref<1x128xf32, #tpu.memory_space<hbm>>
        %dma_start3A_4817 = tpu.memref_squeeze %dma_start3A_4816 : memref<1x128xf32, #tpu.memory_space<hbm>> -> memref<128xf32, #tpu.memory_space<hbm>>
        tpu.enqueue_dma source(%dma_start3A_4817 : memref<128xf32, #tpu.memory_space<hbm>>) target(%dma_start3A_4815 : memref<128xf32, #tpu.memory_space<vmem>>) target_semaphore(%run_scoped3A_4809 : memref<!tpu.dma_semaphore, #tpu.memory_space<semaphore_mem>>)
        %dma_wait3A_4818 = arith.constant 896 : i32
        %dma_wait3A_4819 = tpu.memref_slice %arg9[%dma_wait3A_4818] : memref<1024xf32, #tpu.memory_space<vmem>> -> memref<128xf32, #tpu.memory_space<vmem>>
        %dma_wait3A_4820 = tpu.memref_slice %arg2[%run_scoped3A_46, %mul3A_45] : memref<8x2048xf32, #tpu.memory_space<hbm>> -> memref<1x128xf32, #tpu.memory_space<hbm>>
        %dma_wait3A_4821 = tpu.memref_squeeze %dma_wait3A_4820 : memref<1x128xf32, #tpu.memory_space<hbm>> -> memref<128xf32, #tpu.memory_space<hbm>>
        %dma_wait3A_4822 = arith.constant 896 : i32
        %dma_wait3A_4823 = tpu.memref_slice %arg9[%dma_wait3A_4822] : memref<1024xf32, #tpu.memory_space<vmem>> -> memref<128xf32, #tpu.memory_space<vmem>>
        %dma_wait3A_4824 = tpu.memref_slice %arg2[%run_scoped3A_46, %mul3A_45] : memref<8x2048xf32, #tpu.memory_space<hbm>> -> memref<1x128xf32, #tpu.memory_space<hbm>>
        %dma_wait3A_4825 = tpu.memref_squeeze %dma_wait3A_4824 : memref<1x128xf32, #tpu.memory_space<hbm>> -> memref<128xf32, #tpu.memory_space<hbm>>
        tpu.wait_dma2 semaphore(%run_scoped3A_4809 : memref<!tpu.dma_semaphore, #tpu.memory_space<semaphore_mem>>) src(%dma_wait3A_4825 : memref<128xf32, #tpu.memory_space<hbm>>) dst(%dma_wait3A_4823 : memref<128xf32, #tpu.memory_space<vmem>>)
        tpu.yield
      }) : () -> ()
      %mul3A_47 = arith.constant 128 : i32
      %mul3A_48 = arith.muli %add3A, %mul3A_47 : i32
      %run_scoped3A_49 = arith.constant 7 : i32
      "tpu.region"() ({
        %run_scoped3A_4809 = tpu.sem_alloc : memref<!tpu.dma_semaphore, #tpu.memory_space<semaphore_mem>>
        %dma_start3A_4810 = arith.constant 896 : i32
        %dma_start3A_4811 = tpu.memref_slice %arg10[%dma_start3A_4810] : memref<1024xi32, #tpu.memory_space<vmem>> -> memref<128xi32, #tpu.memory_space<vmem>>
        %dma_start3A_4812 = tpu.memref_slice %arg3[%run_scoped3A_49, %mul3A_48] : memref<8x2048xi32, #tpu.memory_space<hbm>> -> memref<1x128xi32, #tpu.memory_space<hbm>>
        %dma_start3A_4813 = tpu.memref_squeeze %dma_start3A_4812 : memref<1x128xi32, #tpu.memory_space<hbm>> -> memref<128xi32, #tpu.memory_space<hbm>>
        %dma_start3A_4814 = arith.constant 896 : i32
        %dma_start3A_4815 = tpu.memref_slice %arg10[%dma_start3A_4814] : memref<1024xi32, #tpu.memory_space<vmem>> -> memref<128xi32, #tpu.memory_space<vmem>>
        %dma_start3A_4816 = tpu.memref_slice %arg3[%run_scoped3A_49, %mul3A_48] : memref<8x2048xi32, #tpu.memory_space<hbm>> -> memref<1x128xi32, #tpu.memory_space<hbm>>
        %dma_start3A_4817 = tpu.memref_squeeze %dma_start3A_4816 : memref<1x128xi32, #tpu.memory_space<hbm>> -> memref<128xi32, #tpu.memory_space<hbm>>
        tpu.enqueue_dma source(%dma_start3A_4817 : memref<128xi32, #tpu.memory_space<hbm>>) target(%dma_start3A_4815 : memref<128xi32, #tpu.memory_space<vmem>>) target_semaphore(%run_scoped3A_4809 : memref<!tpu.dma_semaphore, #tpu.memory_space<semaphore_mem>>)
        %dma_wait3A_4818 = arith.constant 896 : i32
        %dma_wait3A_4819 = tpu.memref_slice %arg10[%dma_wait3A_4818] : memref<1024xi32, #tpu.memory_space<vmem>> -> memref<128xi32, #tpu.memory_space<vmem>>
        %dma_wait3A_4820 = tpu.memref_slice %arg3[%run_scoped3A_49, %mul3A_48] : memref<8x2048xi32, #tpu.memory_space<hbm>> -> memref<1x128xi32, #tpu.memory_space<hbm>>
        %dma_wait3A_4821 = tpu.memref_squeeze %dma_wait3A_4820 : memref<1x128xi32, #tpu.memory_space<hbm>> -> memref<128xi32, #tpu.memory_space<hbm>>
        %dma_wait3A_4822 = arith.constant 896 : i32
        %dma_wait3A_4823 = tpu.memref_slice %arg10[%dma_wait3A_4822] : memref<1024xi32, #tpu.memory_space<vmem>> -> memref<128xi32, #tpu.memory_space<vmem>>
        %dma_wait3A_4824 = tpu.memref_slice %arg3[%run_scoped3A_49, %mul3A_48] : memref<8x2048xi32, #tpu.memory_space<hbm>> -> memref<1x128xi32, #tpu.memory_space<hbm>>
        %dma_wait3A_4825 = tpu.memref_squeeze %dma_wait3A_4824 : memref<1x128xi32, #tpu.memory_space<hbm>> -> memref<128xi32, #tpu.memory_space<hbm>>
        tpu.wait_dma2 semaphore(%run_scoped3A_4809 : memref<!tpu.dma_semaphore, #tpu.memory_space<semaphore_mem>>) src(%dma_wait3A_4825 : memref<128xi32, #tpu.memory_space<hbm>>) dst(%dma_wait3A_4823 : memref<128xi32, #tpu.memory_space<vmem>>)
        tpu.yield
      }) : () -> ()
      %broadcast_in_dim3A = arith.constant 0xFF800000 : f32
      %broadcast_in_dim3A_50 = vector.broadcast %broadcast_in_dim3A : f32 to vector<16xf32>
      %get3A = arith.constant 0 : index
      %get3A_51 = tpu.vector_load %arg9[%get3A] {strides = array<i32>} : memref<1024xf32, #tpu.memory_space<vmem>>, vector<16xf32>,
      %add3A_52 = arith.constant 8 : i32
      %add3A_53 = vector.broadcast %add3A_52 : i32 to vector<16xi32>
      %add3A_54 = arith.addi %iota3A, %add3A_53 : vector<16xi32>
      %and3A = arith.constant 15 : i32
      %and3A_55 = vector.broadcast %and3A : i32 to vector<16xi32>
      %and3A_56 = arith.andi %add3A_54, %and3A_55 : vector<16xi32>
      %lt3A_57 = arith.constant 0 : i32
      %lt3A_58 = vector.broadcast %lt3A_57 : i32 to vector<16xi32>
      %lt3A_59 = arith.cmpi slt, %and3A_56, %lt3A_58 : vector<16xi32>
      %add3A_60 = arith.constant 16 : i32
      %add3A_61 = vector.broadcast %add3A_60 : i32 to vector<16xi32>
      %add3A_62 = arith.addi %and3A_56, %add3A_61 : vector<16xi32>
      %select_n3A = arith.select %lt3A_59, %add3A_62, %and3A_56 : vector<16xi1>, vector<16xi32>
      %broadcast_in_dim3A_63 = vector.shape_cast %select_n3A : vector<16xi32> to vector<16x1xi32>
      %gather3A = vector.shape_cast %broadcast_in_dim3A_63 : vector<16x1xi32> to vector<16xi32>
      %gather3A_64 = tpu.dynamic_gather %get3A_51[%gather3A] in [0] : vector<16xf32>, vector<16xi32> -> vector<16xf32>
      %max3A = arith.maximumf %get3A_51, %gather3A_64 : vector<16xf32>
      %add3A_65 = arith.constant 4 : i32
      %add3A_66 = vector.broadcast %add3A_65 : i32 to vector<16xi32>
      %add3A_67 = arith.addi %iota3A, %add3A_66 : vector<16xi32>
      %and3A_68 = arith.constant 15 : i32
      %and3A_69 = vector.broadcast %and3A_68 : i32 to vector<16xi32>
      %and3A_70 = arith.andi %add3A_67, %and3A_69 : vector<16xi32>
      %lt3A_71 = arith.constant 0 : i32
      %lt3A_72 = vector.broadcast %lt3A_71 : i32 to vector<16xi32>
      %lt3A_73 = arith.cmpi slt, %and3A_70, %lt3A_72 : vector<16xi32>
      %add3A_74 = arith.constant 16 : i32
      %add3A_75 = vector.broadcast %add3A_74 : i32 to vector<16xi32>
      %add3A_76 = arith.addi %and3A_70, %add3A_75 : vector<16xi32>
      %select_n3A_77 = arith.select %lt3A_73, %add3A_76, %and3A_70 : vector<16xi1>, vector<16xi32>
      %broadcast_in_dim3A_78 = vector.shape_cast %select_n3A_77 : vector<16xi32> to vector<16x1xi32>
      %gather3A_79 = vector.shape_cast %broadcast_in_dim3A_78 : vector<16x1xi32> to vector<16xi32>
      %gather3A_80 = tpu.dynamic_gather %max3A[%gather3A_79] in [0] : vector<16xf32>, vector<16xi32> -> vector<16xf32>
      %max3A_81 = arith.maximumf %max3A, %gather3A_80 : vector<16xf32>
      %add3A_82 = arith.constant 2 : i32
      %add3A_83 = vector.broadcast %add3A_82 : i32 to vector<16xi32>
      %add3A_84 = arith.addi %iota3A, %add3A_83 : vector<16xi32>
      %and3A_85 = arith.constant 15 : i32
      %and3A_86 = vector.broadcast %and3A_85 : i32 to vector<16xi32>
      %and3A_87 = arith.andi %add3A_84, %and3A_86 : vector<16xi32>
      %lt3A_88 = arith.constant 0 : i32
      %lt3A_89 = vector.broadcast %lt3A_88 : i32 to vector<16xi32>
      %lt3A_90 = arith.cmpi slt, %and3A_87, %lt3A_89 : vector<16xi32>
      %add3A_91 = arith.constant 16 : i32
      %add3A_92 = vector.broadcast %add3A_91 : i32 to vector<16xi32>
      %add3A_93 = arith.addi %and3A_87, %add3A_92 : vector<16xi32>
      %select_n3A_94 = arith.select %lt3A_90, %add3A_93, %and3A_87 : vector<16xi1>, vector<16xi32>
      %broadcast_in_dim3A_95 = vector.shape_cast %select_n3A_94 : vector<16xi32> to vector<16x1xi32>
      %gather3A_96 = vector.shape_cast %broadcast_in_dim3A_95 : vector<16x1xi32> to vector<16xi32>
      %gather3A_97 = tpu.dynamic_gather %max3A_81[%gather3A_96] in [0] : vector<16xf32>, vector<16xi32> -> vector<16xf32>
      %max3A_98 = arith.maximumf %max3A_81, %gather3A_97 : vector<16xf32>
      %add3A_99 = arith.constant 1 : i32
      %add3A_100 = vector.broadcast %add3A_99 : i32 to vector<16xi32>
      %add3A_101 = arith.addi %iota3A, %add3A_100 : vector<16xi32>
      %and3A_102 = arith.constant 15 : i32
      %and3A_103 = vector.broadcast %and3A_102 : i32 to vector<16xi32>
      %and3A_104 = arith.andi %add3A_101, %and3A_103 : vector<16xi32>
      %lt3A_105 = arith.constant 0 : i32
      %lt3A_106 = vector.broadcast %lt3A_105 : i32 to vector<16xi32>
      %lt3A_107 = arith.cmpi slt, %and3A_104, %lt3A_106 : vector<16xi32>
      %add3A_108 = arith.constant 16 : i32
      %add3A_109 = vector.broadcast %add3A_108 : i32 to vector<16xi32>
      %add3A_110 = arith.addi %and3A_104, %add3A_109 : vector<16xi32>
      %select_n3A_111 = arith.select %lt3A_107, %add3A_110, %and3A_104 : vector<16xi1>, vector<16xi32>
      %broadcast_in_dim3A_112 = vector.shape_cast %select_n3A_111 : vector<16xi32> to vector<16x1xi32>
      %gather3A_113 = vector.shape_cast %broadcast_in_dim3A_112 : vector<16x1xi32> to vector<16xi32>
      %gather3A_114 = tpu.dynamic_gather %max3A_98[%gather3A_113] in [0] : vector<16xf32>, vector<16xi32> -> vector<16xf32>
      %max3A_115 = arith.maximumf %max3A_98, %gather3A_114 : vector<16xf32>
      %eq3A = arith.constant 0 : i32
      %eq3A_116 = vector.broadcast %eq3A : i32 to vector<16xi32>
      %eq3A_117 = arith.cmpi eq, %iota3A, %eq3A_116 : vector<16xi32>
      %select_n3A_118 = arith.select %eq3A_117, %max3A_115, %broadcast_in_dim3A_50 : vector<16xi1>, vector<16xf32>
      %get3A_119 = arith.constant 16 : index
      %get3A_120 = tpu.vector_load %arg9[%get3A_119] {strides = array<i32>} : memref<1024xf32, #tpu.memory_space<vmem>>, vector<16xf32>,
      %add3A_121 = arith.constant 8 : i32
      %add3A_122 = vector.broadcast %add3A_121 : i32 to vector<16xi32>
      %add3A_123 = arith.addi %iota3A, %add3A_122 : vector<16xi32>
      %and3A_124 = arith.constant 15 : i32
      %and3A_125 = vector.broadcast %and3A_124 : i32 to vector<16xi32>
      %and3A_126 = arith.andi %add3A_123, %and3A_125 : vector<16xi32>
      %lt3A_127 = arith.constant 0 : i32
      %lt3A_128 = vector.broadcast %lt3A_127 : i32 to vector<16xi32>
      %lt3A_129 = arith.cmpi slt, %and3A_126, %lt3A_128 : vector<16xi32>
      %add3A_130 = arith.constant 16 : i32
      %add3A_131 = vector.broadcast %add3A_130 : i32 to vector<16xi32>
      %add3A_132 = arith.addi %and3A_126, %add3A_131 : vector<16xi32>
      %select_n3A_133 = arith.select %lt3A_129, %add3A_132, %and3A_126 : vector<16xi1>, vector<16xi32>
      %broadcast_in_dim3A_134 = vector.shape_cast %select_n3A_133 : vector<16xi32> to vector<16x1xi32>
      %gather3A_135 = vector.shape_cast %broadcast_in_dim3A_134 : vector<16x1xi32> to vector<16xi32>
      %gather3A_136 = tpu.dynamic_gather %get3A_120[%gather3A_135] in [0] : vector<16xf32>, vector<16xi32> -> vector<16xf32>
      %max3A_137 = arith.maximumf %get3A_120, %gather3A_136 : vector<16xf32>
      %add3A_138 = arith.constant 4 : i32
      %add3A_139 = vector.broadcast %add3A_138 : i32 to vector<16xi32>
      %add3A_140 = arith.addi %iota3A, %add3A_139 : vector<16xi32>
      %and3A_141 = arith.constant 15 : i32
      %and3A_142 = vector.broadcast %and3A_141 : i32 to vector<16xi32>
      %and3A_143 = arith.andi %add3A_140, %and3A_142 : vector<16xi32>
      %lt3A_144 = arith.constant 0 : i32
      %lt3A_145 = vector.broadcast %lt3A_144 : i32 to vector<16xi32>
      %lt3A_146 = arith.cmpi slt, %and3A_143, %lt3A_145 : vector<16xi32>
      %add3A_147 = arith.constant 16 : i32
      %add3A_148 = vector.broadcast %add3A_147 : i32 to vector<16xi32>
      %add3A_149 = arith.addi %and3A_143, %add3A_148 : vector<16xi32>
      %select_n3A_150 = arith.select %lt3A_146, %add3A_149, %and3A_143 : vector<16xi1>, vector<16xi32>
      %broadcast_in_dim3A_151 = vector.shape_cast %select_n3A_150 : vector<16xi32> to vector<16x1xi32>
      %gather3A_152 = vector.shape_cast %broadcast_in_dim3A_151 : vector<16x1xi32> to vector<16xi32>
      %gather3A_153 = tpu.dynamic_gather %max3A_137[%gather3A_152] in [0] : vector<16xf32>, vector<16xi32> -> vector<16xf32>
      %max3A_154 = arith.maximumf %max3A_137, %gather3A_153 : vector<16xf32>
      %add3A_155 = arith.constant 2 : i32
      %add3A_156 = vector.broadcast %add3A_155 : i32 to vector<16xi32>
      %add3A_157 = arith.addi %iota3A, %add3A_156 : vector<16xi32>
      %and3A_158 = arith.constant 15 : i32
      %and3A_159 = vector.broadcast %and3A_158 : i32 to vector<16xi32>
      %and3A_160 = arith.andi %add3A_157, %and3A_159 : vector<16xi32>
      %lt3A_161 = arith.constant 0 : i32
      %lt3A_162 = vector.broadcast %lt3A_161 : i32 to vector<16xi32>
      %lt3A_163 = arith.cmpi slt, %and3A_160, %lt3A_162 : vector<16xi32>
      %add3A_164 = arith.constant 16 : i32
      %add3A_165 = vector.broadcast %add3A_164 : i32 to vector<16xi32>
      %add3A_166 = arith.addi %and3A_160, %add3A_165 : vector<16xi32>
      %select_n3A_167 = arith.select %lt3A_163, %add3A_166, %and3A_160 : vector<16xi1>, vector<16xi32>
      %broadcast_in_dim3A_168 = vector.shape_cast %select_n3A_167 : vector<16xi32> to vector<16x1xi32>
      %gather3A_169 = vector.shape_cast %broadcast_in_dim3A_168 : vector<16x1xi32> to vector<16xi32>
      %gather3A_170 = tpu.dynamic_gather %max3A_154[%gather3A_169] in [0] : vector<16xf32>, vector<16xi32> -> vector<16xf32>
      %max3A_171 = arith.maximumf %max3A_154, %gather3A_170 : vector<16xf32>
      %add3A_172 = arith.constant 1 : i32
      %add3A_173 = vector.broadcast %add3A_172 : i32 to vector<16xi32>
      %add3A_174 = arith.addi %iota3A, %add3A_173 : vector<16xi32>
      %and3A_175 = arith.constant 15 : i32
      %and3A_176 = vector.broadcast %and3A_175 : i32 to vector<16xi32>
      %and3A_177 = arith.andi %add3A_174, %and3A_176 : vector<16xi32>
      %lt3A_178 = arith.constant 0 : i32
      %lt3A_179 = vector.broadcast %lt3A_178 : i32 to vector<16xi32>
      %lt3A_180 = arith.cmpi slt, %and3A_177, %lt3A_179 : vector<16xi32>
      %add3A_181 = arith.constant 16 : i32
      %add3A_182 = vector.broadcast %add3A_181 : i32 to vector<16xi32>
      %add3A_183 = arith.addi %and3A_177, %add3A_182 : vector<16xi32>
      %select_n3A_184 = arith.select %lt3A_180, %add3A_183, %and3A_177 : vector<16xi1>, vector<16xi32>
      %broadcast_in_dim3A_185 = vector.shape_cast %select_n3A_184 : vector<16xi32> to vector<16x1xi32>
      %gather3A_186 = vector.shape_cast %broadcast_in_dim3A_185 : vector<16x1xi32> to vector<16xi32>
      %gather3A_187 = tpu.dynamic_gather %max3A_171[%gather3A_186] in [0] : vector<16xf32>, vector<16xi32> -> vector<16xf32>
      %max3A_188 = arith.maximumf %max3A_171, %gather3A_187 : vector<16xf32>
      %eq3A_189 = arith.constant 1 : i32
      %eq3A_190 = vector.broadcast %eq3A_189 : i32 to vector<16xi32>
      %eq3A_191 = arith.cmpi eq, %iota3A, %eq3A_190 : vector<16xi32>
      %select_n3A_192 = arith.select %eq3A_191, %max3A_188, %select_n3A_118 : vector<16xi1>, vector<16xf32>
      %get3A_193 = arith.constant 32 : index
      %get3A_194 = tpu.vector_load %arg9[%get3A_193] {strides = array<i32>} : memref<1024xf32, #tpu.memory_space<vmem>>, vector<16xf32>,
      %add3A_195 = arith.constant 8 : i32
      %add3A_196 = vector.broadcast %add3A_195 : i32 to vector<16xi32>
      %add3A_197 = arith.addi %iota3A, %add3A_196 : vector<16xi32>
      %and3A_198 = arith.constant 15 : i32
      %and3A_199 = vector.broadcast %and3A_198 : i32 to vector<16xi32>
      %and3A_200 = arith.andi %add3A_197, %and3A_199 : vector<16xi32>
      %lt3A_201 = arith.constant 0 : i32
      %lt3A_202 = vector.broadcast %lt3A_201 : i32 to vector<16xi32>
      %lt3A_203 = arith.cmpi slt, %and3A_200, %lt3A_202 : vector<16xi32>
      %add3A_204 = arith.constant 16 : i32
      %add3A_205 = vector.broadcast %add3A_204 : i32 to vector<16xi32>
      %add3A_206 = arith.addi %and3A_200, %add3A_205 : vector<16xi32>
      %select_n3A_207 = arith.select %lt3A_203, %add3A_206, %and3A_200 : vector<16xi1>, vector<16xi32>
      %broadcast_in_dim3A_208 = vector.shape_cast %select_n3A_207 : vector<16xi32> to vector<16x1xi32>
      %gather3A_209 = vector.shape_cast %broadcast_in_dim3A_208 : vector<16x1xi32> to vector<16xi32>
      %gather3A_210 = tpu.dynamic_gather %get3A_194[%gather3A_209] in [0] : vector<16xf32>, vector<16xi32> -> vector<16xf32>
      %max3A_211 = arith.maximumf %get3A_194, %gather3A_210 : vector<16xf32>
      %add3A_212 = arith.constant 4 : i32
      %add3A_213 = vector.broadcast %add3A_212 : i32 to vector<16xi32>
      %add3A_214 = arith.addi %iota3A, %add3A_213 : vector<16xi32>
      %and3A_215 = arith.constant 15 : i32
      %and3A_216 = vector.broadcast %and3A_215 : i32 to vector<16xi32>
      %and3A_217 = arith.andi %add3A_214, %and3A_216 : vector<16xi32>
      %lt3A_218 = arith.constant 0 : i32
      %lt3A_219 = vector.broadcast %lt3A_218 : i32 to vector<16xi32>
      %lt3A_220 = arith.cmpi slt, %and3A_217, %lt3A_219 : vector<16xi32>
      %add3A_221 = arith.constant 16 : i32
      %add3A_222 = vector.broadcast %add3A_221 : i32 to vector<16xi32>
      %add3A_223 = arith.addi %and3A_217, %add3A_222 : vector<16xi32>
      %select_n3A_224 = arith.select %lt3A_220, %add3A_223, %and3A_217 : vector<16xi1>, vector<16xi32>
      %broadcast_in_dim3A_225 = vector.shape_cast %select_n3A_224 : vector<16xi32> to vector<16x1xi32>
      %gather3A_226 = vector.shape_cast %broadcast_in_dim3A_225 : vector<16x1xi32> to vector<16xi32>
      %gather3A_227 = tpu.dynamic_gather %max3A_211[%gather3A_226] in [0] : vector<16xf32>, vector<16xi32> -> vector<16xf32>
      %max3A_228 = arith.maximumf %max3A_211, %gather3A_227 : vector<16xf32>
      %add3A_229 = arith.constant 2 : i32
      %add3A_230 = vector.broadcast %add3A_229 : i32 to vector<16xi32>
      %add3A_231 = arith.addi %iota3A, %add3A_230 : vector<16xi32>
      %and3A_232 = arith.constant 15 : i32
      %and3A_233 = vector.broadcast %and3A_232 : i32 to vector<16xi32>
      %and3A_234 = arith.andi %add3A_231, %and3A_233 : vector<16xi32>
      %lt3A_235 = arith.constant 0 : i32
      %lt3A_236 = vector.broadcast %lt3A_235 : i32 to vector<16xi32>
      %lt3A_237 = arith.cmpi slt, %and3A_234, %lt3A_236 : vector<16xi32>
      %add3A_238 = arith.constant 16 : i32
      %add3A_239 = vector.broadcast %add3A_238 : i32 to vector<16xi32>
      %add3A_240 = arith.addi %and3A_234, %add3A_239 : vector<16xi32>
      %select_n3A_241 = arith.select %lt3A_237, %add3A_240, %and3A_234 : vector<16xi1>, vector<16xi32>
      %broadcast_in_dim3A_242 = vector.shape_cast %select_n3A_241 : vector<16xi32> to vector<16x1xi32>
      %gather3A_243 = vector.shape_cast %broadcast_in_dim3A_242 : vector<16x1xi32> to vector<16xi32>
      %gather3A_244 = tpu.dynamic_gather %max3A_228[%gather3A_243] in [0] : vector<16xf32>, vector<16xi32> -> vector<16xf32>
      %max3A_245 = arith.maximumf %max3A_228, %gather3A_244 : vector<16xf32>
      %add3A_246 = arith.constant 1 : i32
      %add3A_247 = vector.broadcast %add3A_246 : i32 to vector<16xi32>
      %add3A_248 = arith.addi %iota3A, %add3A_247 : vector<16xi32>
      %and3A_249 = arith.constant 15 : i32
      %and3A_250 = vector.broadcast %and3A_249 : i32 to vector<16xi32>
      %and3A_251 = arith.andi %add3A_248, %and3A_250 : vector<16xi32>
      %lt3A_252 = arith.constant 0 : i32
      %lt3A_253 = vector.broadcast %lt3A_252 : i32 to vector<16xi32>
      %lt3A_254 = arith.cmpi slt, %and3A_251, %lt3A_253 : vector<16xi32>
      %add3A_255 = arith.constant 16 : i32
      %add3A_256 = vector.broadcast %add3A_255 : i32 to vector<16xi32>
      %add3A_257 = arith.addi %and3A_251, %add3A_256 : vector<16xi32>
      %select_n3A_258 = arith.select %lt3A_254, %add3A_257, %and3A_251 : vector<16xi1>, vector<16xi32>
      %broadcast_in_dim3A_259 = vector.shape_cast %select_n3A_258 : vector<16xi32> to vector<16x1xi32>
      %gather3A_260 = vector.shape_cast %broadcast_in_dim3A_259 : vector<16x1xi32> to vector<16xi32>
      %gather3A_261 = tpu.dynamic_gather %max3A_245[%gather3A_260] in [0] : vector<16xf32>, vector<16xi32> -> vector<16xf32>
      %max3A_262 = arith.maximumf %max3A_245, %gather3A_261 : vector<16xf32>
      %eq3A_263 = arith.constant 2 : i32
      %eq3A_264 = vector.broadcast %eq3A_263 : i32 to vector<16xi32>
      %eq3A_265 = arith.cmpi eq, %iota3A, %eq3A_264 : vector<16xi32>
      %select_n3A_266 = arith.select %eq3A_265, %max3A_262, %select_n3A_192 : vector<16xi1>, vector<16xf32>
      %get3A_267 = arith.constant 48 : index
      %get3A_268 = tpu.vector_load %arg9[%get3A_267] {strides = array<i32>} : memref<1024xf32, #tpu.memory_space<vmem>>, vector<16xf32>,
      %add3A_269 = arith.constant 8 : i32
      %add3A_270 = vector.broadcast %add3A_269 : i32 to vector<16xi32>
      %add3A_271 = arith.addi %iota3A, %add3A_270 : vector<16xi32>
      %and3A_272 = arith.constant 15 : i32
      %and3A_273 = vector.broadcast %and3A_272 : i32 to vector<16xi32>
      %and3A_274 = arith.andi %add3A_271, %and3A_273 : vector<16xi32>
      %lt3A_275 = arith.constant 0 : i32
      %lt3A_276 = vector.broadcast %lt3A_275 : i32 to vector<16xi32>
      %lt3A_277 = arith.cmpi slt, %and3A_274, %lt3A_276 : vector<16xi32>
      %add3A_278 = arith.constant 16 : i32
      %add3A_279 = vector.broadcast %add3A_278 : i32 to vector<16xi32>
      %add3A_280 = arith.addi %and3A_274, %add3A_279 : vector<16xi32>
      %select_n3A_281 = arith.select %lt3A_277, %add3A_280, %and3A_274 : vector<16xi1>, vector<16xi32>
      %broadcast_in_dim3A_282 = vector.shape_cast %select_n3A_281 : vector<16xi32> to vector<16x1xi32>
      %gather3A_283 = vector.shape_cast %broadcast_in_dim3A_282 : vector<16x1xi32> to vector<16xi32>
      %gather3A_284 = tpu.dynamic_gather %get3A_268[%gather3A_283] in [0] : vector<16xf32>, vector<16xi32> -> vector<16xf32>
      %max3A_285 = arith.maximumf %get3A_268, %gather3A_284 : vector<16xf32>
      %add3A_286 = arith.constant 4 : i32
      %add3A_287 = vector.broadcast %add3A_286 : i32 to vector<16xi32>
      %add3A_288 = arith.addi %iota3A, %add3A_287 : vector<16xi32>
      %and3A_289 = arith.constant 15 : i32
      %and3A_290 = vector.broadcast %and3A_289 : i32 to vector<16xi32>
      %and3A_291 = arith.andi %add3A_288, %and3A_290 : vector<16xi32>
      %lt3A_292 = arith.constant 0 : i32
      %lt3A_293 = vector.broadcast %lt3A_292 : i32 to vector<16xi32>
      %lt3A_294 = arith.cmpi slt, %and3A_291, %lt3A_293 : vector<16xi32>
      %add3A_295 = arith.constant 16 : i32
      %add3A_296 = vector.broadcast %add3A_295 : i32 to vector<16xi32>
      %add3A_297 = arith.addi %and3A_291, %add3A_296 : vector<16xi32>
      %select_n3A_298 = arith.select %lt3A_294, %add3A_297, %and3A_291 : vector<16xi1>, vector<16xi32>
      %broadcast_in_dim3A_299 = vector.shape_cast %select_n3A_298 : vector<16xi32> to vector<16x1xi32>
      %gather3A_300 = vector.shape_cast %broadcast_in_dim3A_299 : vector<16x1xi32> to vector<16xi32>
      %gather3A_301 = tpu.dynamic_gather %max3A_285[%gather3A_300] in [0] : vector<16xf32>, vector<16xi32> -> vector<16xf32>
      %max3A_302 = arith.maximumf %max3A_285, %gather3A_301 : vector<16xf32>
      %add3A_303 = arith.constant 2 : i32
      %add3A_304 = vector.broadcast %add3A_303 : i32 to vector<16xi32>
      %add3A_305 = arith.addi %iota3A, %add3A_304 : vector<16xi32>
      %and3A_306 = arith.constant 15 : i32
      %and3A_307 = vector.broadcast %and3A_306 : i32 to vector<16xi32>
      %and3A_308 = arith.andi %add3A_305, %and3A_307 : vector<16xi32>
      %lt3A_309 = arith.constant 0 : i32
      %lt3A_310 = vector.broadcast %lt3A_309 : i32 to vector<16xi32>
      %lt3A_311 = arith.cmpi slt, %and3A_308, %lt3A_310 : vector<16xi32>
      %add3A_312 = arith.constant 16 : i32
      %add3A_313 = vector.broadcast %add3A_312 : i32 to vector<16xi32>
      %add3A_314 = arith.addi %and3A_308, %add3A_313 : vector<16xi32>
      %select_n3A_315 = arith.select %lt3A_311, %add3A_314, %and3A_308 : vector<16xi1>, vector<16xi32>
      %broadcast_in_dim3A_316 = vector.shape_cast %select_n3A_315 : vector<16xi32> to vector<16x1xi32>
      %gather3A_317 = vector.shape_cast %broadcast_in_dim3A_316 : vector<16x1xi32> to vector<16xi32>
      %gather3A_318 = tpu.dynamic_gather %max3A_302[%gather3A_317] in [0] : vector<16xf32>, vector<16xi32> -> vector<16xf32>
      %max3A_319 = arith.maximumf %max3A_302, %gather3A_318 : vector<16xf32>
      %add3A_320 = arith.constant 1 : i32
      %add3A_321 = vector.broadcast %add3A_320 : i32 to vector<16xi32>
      %add3A_322 = arith.addi %iota3A, %add3A_321 : vector<16xi32>
      %and3A_323 = arith.constant 15 : i32
      %and3A_324 = vector.broadcast %and3A_323 : i32 to vector<16xi32>
      %and3A_325 = arith.andi %add3A_322, %and3A_324 : vector<16xi32>
      %lt3A_326 = arith.constant 0 : i32
      %lt3A_327 = vector.broadcast %lt3A_326 : i32 to vector<16xi32>
      %lt3A_328 = arith.cmpi slt, %and3A_325, %lt3A_327 : vector<16xi32>
      %add3A_329 = arith.constant 16 : i32
      %add3A_330 = vector.broadcast %add3A_329 : i32 to vector<16xi32>
      %add3A_331 = arith.addi %and3A_325, %add3A_330 : vector<16xi32>
      %select_n3A_332 = arith.select %lt3A_328, %add3A_331, %and3A_325 : vector<16xi1>, vector<16xi32>
      %broadcast_in_dim3A_333 = vector.shape_cast %select_n3A_332 : vector<16xi32> to vector<16x1xi32>
      %gather3A_334 = vector.shape_cast %broadcast_in_dim3A_333 : vector<16x1xi32> to vector<16xi32>
      %gather3A_335 = tpu.dynamic_gather %max3A_319[%gather3A_334] in [0] : vector<16xf32>, vector<16xi32> -> vector<16xf32>
      %max3A_336 = arith.maximumf %max3A_319, %gather3A_335 : vector<16xf32>
      %eq3A_337 = arith.constant 3 : i32
      %eq3A_338 = vector.broadcast %eq3A_337 : i32 to vector<16xi32>
      %eq3A_339 = arith.cmpi eq, %iota3A, %eq3A_338 : vector<16xi32>
      %select_n3A_340 = arith.select %eq3A_339, %max3A_336, %select_n3A_266 : vector<16xi1>, vector<16xf32>
      %get3A_341 = arith.constant 64 : index
      %get3A_342 = tpu.vector_load %arg9[%get3A_341] {strides = array<i32>} : memref<1024xf32, #tpu.memory_space<vmem>>, vector<16xf32>,
      %add3A_343 = arith.constant 8 : i32
      %add3A_344 = vector.broadcast %add3A_343 : i32 to vector<16xi32>
      %add3A_345 = arith.addi %iota3A, %add3A_344 : vector<16xi32>
      %and3A_346 = arith.constant 15 : i32
      %and3A_347 = vector.broadcast %and3A_346 : i32 to vector<16xi32>
      %and3A_348 = arith.andi %add3A_345, %and3A_347 : vector<16xi32>
      %lt3A_349 = arith.constant 0 : i32
      %lt3A_350 = vector.broadcast %lt3A_349 : i32 to vector<16xi32>
      %lt3A_351 = arith.cmpi slt, %and3A_348, %lt3A_350 : vector<16xi32>
      %add3A_352 = arith.constant 16 : i32
      %add3A_353 = vector.broadcast %add3A_352 : i32 to vector<16xi32>
      %add3A_354 = arith.addi %and3A_348, %add3A_353 : vector<16xi32>
      %select_n3A_355 = arith.select %lt3A_351, %add3A_354, %and3A_348 : vector<16xi1>, vector<16xi32>
      %broadcast_in_dim3A_356 = vector.shape_cast %select_n3A_355 : vector<16xi32> to vector<16x1xi32>
      %gather3A_357 = vector.shape_cast %broadcast_in_dim3A_356 : vector<16x1xi32> to vector<16xi32>
      %gather3A_358 = tpu.dynamic_gather %get3A_342[%gather3A_357] in [0] : vector<16xf32>, vector<16xi32> -> vector<16xf32>
      %max3A_359 = arith.maximumf %get3A_342, %gather3A_358 : vector<16xf32>
      %add3A_360 = arith.constant 4 : i32
      %add3A_361 = vector.broadcast %add3A_360 : i32 to vector<16xi32>
      %add3A_362 = arith.addi %iota3A, %add3A_361 : vector<16xi32>
      %and3A_363 = arith.constant 15 : i32
      %and3A_364 = vector.broadcast %and3A_363 : i32 to vector<16xi32>
      %and3A_365 = arith.andi %add3A_362, %and3A_364 : vector<16xi32>
      %lt3A_366 = arith.constant 0 : i32
      %lt3A_367 = vector.broadcast %lt3A_366 : i32 to vector<16xi32>
      %lt3A_368 = arith.cmpi slt, %and3A_365, %lt3A_367 : vector<16xi32>
      %add3A_369 = arith.constant 16 : i32
      %add3A_370 = vector.broadcast %add3A_369 : i32 to vector<16xi32>
      %add3A_371 = arith.addi %and3A_365, %add3A_370 : vector<16xi32>
      %select_n3A_372 = arith.select %lt3A_368, %add3A_371, %and3A_365 : vector<16xi1>, vector<16xi32>
      %broadcast_in_dim3A_373 = vector.shape_cast %select_n3A_372 : vector<16xi32> to vector<16x1xi32>
      %gather3A_374 = vector.shape_cast %broadcast_in_dim3A_373 : vector<16x1xi32> to vector<16xi32>
      %gather3A_375 = tpu.dynamic_gather %max3A_359[%gather3A_374] in [0] : vector<16xf32>, vector<16xi32> -> vector<16xf32>
      %max3A_376 = arith.maximumf %max3A_359, %gather3A_375 : vector<16xf32>
      %add3A_377 = arith.constant 2 : i32
      %add3A_378 = vector.broadcast %add3A_377 : i32 to vector<16xi32>
      %add3A_379 = arith.addi %iota3A, %add3A_378 : vector<16xi32>
      %and3A_380 = arith.constant 15 : i32
      %and3A_381 = vector.broadcast %and3A_380 : i32 to vector<16xi32>
      %and3A_382 = arith.andi %add3A_379, %and3A_381 : vector<16xi32>
      %lt3A_383 = arith.constant 0 : i32
      %lt3A_384 = vector.broadcast %lt3A_383 : i32 to vector<16xi32>
      %lt3A_385 = arith.cmpi slt, %and3A_382, %lt3A_384 : vector<16xi32>
      %add3A_386 = arith.constant 16 : i32
      %add3A_387 = vector.broadcast %add3A_386 : i32 to vector<16xi32>
      %add3A_388 = arith.addi %and3A_382, %add3A_387 : vector<16xi32>
      %select_n3A_389 = arith.select %lt3A_385, %add3A_388, %and3A_382 : vector<16xi1>, vector<16xi32>
      %broadcast_in_dim3A_390 = vector.shape_cast %select_n3A_389 : vector<16xi32> to vector<16x1xi32>
      %gather3A_391 = vector.shape_cast %broadcast_in_dim3A_390 : vector<16x1xi32> to vector<16xi32>
      %gather3A_392 = tpu.dynamic_gather %max3A_376[%gather3A_391] in [0] : vector<16xf32>, vector<16xi32> -> vector<16xf32>
      %max3A_393 = arith.maximumf %max3A_376, %gather3A_392 : vector<16xf32>
      %add3A_394 = arith.constant 1 : i32
      %add3A_395 = vector.broadcast %add3A_394 : i32 to vector<16xi32>
      %add3A_396 = arith.addi %iota3A, %add3A_395 : vector<16xi32>
      %and3A_397 = arith.constant 15 : i32
      %and3A_398 = vector.broadcast %and3A_397 : i32 to vector<16xi32>
      %and3A_399 = arith.andi %add3A_396, %and3A_398 : vector<16xi32>
      %lt3A_400 = arith.constant 0 : i32
      %lt3A_401 = vector.broadcast %lt3A_400 : i32 to vector<16xi32>
      %lt3A_402 = arith.cmpi slt, %and3A_399, %lt3A_401 : vector<16xi32>
      %add3A_403 = arith.constant 16 : i32
      %add3A_404 = vector.broadcast %add3A_403 : i32 to vector<16xi32>
      %add3A_405 = arith.addi %and3A_399, %add3A_404 : vector<16xi32>
      %select_n3A_406 = arith.select %lt3A_402, %add3A_405, %and3A_399 : vector<16xi1>, vector<16xi32>
      %broadcast_in_dim3A_407 = vector.shape_cast %select_n3A_406 : vector<16xi32> to vector<16x1xi32>
      %gather3A_408 = vector.shape_cast %broadcast_in_dim3A_407 : vector<16x1xi32> to vector<16xi32>
      %gather3A_409 = tpu.dynamic_gather %max3A_393[%gather3A_408] in [0] : vector<16xf32>, vector<16xi32> -> vector<16xf32>
      %max3A_410 = arith.maximumf %max3A_393, %gather3A_409 : vector<16xf32>
      %eq3A_411 = arith.constant 4 : i32
      %eq3A_412 = vector.broadcast %eq3A_411 : i32 to vector<16xi32>
      %eq3A_413 = arith.cmpi eq, %iota3A, %eq3A_412 : vector<16xi32>
      %select_n3A_414 = arith.select %eq3A_413, %max3A_410, %select_n3A_340 : vector<16xi1>, vector<16xf32>
      %get3A_415 = arith.constant 80 : index
      %get3A_416 = tpu.vector_load %arg9[%get3A_415] {strides = array<i32>} : memref<1024xf32, #tpu.memory_space<vmem>>, vector<16xf32>,
      %add3A_417 = arith.constant 8 : i32
      %add3A_418 = vector.broadcast %add3A_417 : i32 to vector<16xi32>
      %add3A_419 = arith.addi %iota3A, %add3A_418 : vector<16xi32>
      %and3A_420 = arith.constant 15 : i32
      %and3A_421 = vector.broadcast %and3A_420 : i32 to vector<16xi32>
      %and3A_422 = arith.andi %add3A_419, %and3A_421 : vector<16xi32>
      %lt3A_423 = arith.constant 0 : i32
      %lt3A_424 = vector.broadcast %lt3A_423 : i32 to vector<16xi32>
      %lt3A_425 = arith.cmpi slt, %and3A_422, %lt3A_424 : vector<16xi32>
      %add3A_426 = arith.constant 16 : i32
      %add3A_427 = vector.broadcast %add3A_426 : i32 to vector<16xi32>
      %add3A_428 = arith.addi %and3A_422, %add3A_427 : vector<16xi32>
      %select_n3A_429 = arith.select %lt3A_425, %add3A_428, %and3A_422 : vector<16xi1>, vector<16xi32>
      %broadcast_in_dim3A_430 = vector.shape_cast %select_n3A_429 : vector<16xi32> to vector<16x1xi32>
      %gather3A_431 = vector.shape_cast %broadcast_in_dim3A_430 : vector<16x1xi32> to vector<16xi32>
      %gather3A_432 = tpu.dynamic_gather %get3A_416[%gather3A_431] in [0] : vector<16xf32>, vector<16xi32> -> vector<16xf32>
      %max3A_433 = arith.maximumf %get3A_416, %gather3A_432 : vector<16xf32>
      %add3A_434 = arith.constant 4 : i32
      %add3A_435 = vector.broadcast %add3A_434 : i32 to vector<16xi32>
      %add3A_436 = arith.addi %iota3A, %add3A_435 : vector<16xi32>
      %and3A_437 = arith.constant 15 : i32
      %and3A_438 = vector.broadcast %and3A_437 : i32 to vector<16xi32>
      %and3A_439 = arith.andi %add3A_436, %and3A_438 : vector<16xi32>
      %lt3A_440 = arith.constant 0 : i32
      %lt3A_441 = vector.broadcast %lt3A_440 : i32 to vector<16xi32>
      %lt3A_442 = arith.cmpi slt, %and3A_439, %lt3A_441 : vector<16xi32>
      %add3A_443 = arith.constant 16 : i32
      %add3A_444 = vector.broadcast %add3A_443 : i32 to vector<16xi32>
      %add3A_445 = arith.addi %and3A_439, %add3A_444 : vector<16xi32>
      %select_n3A_446 = arith.select %lt3A_442, %add3A_445, %and3A_439 : vector<16xi1>, vector<16xi32>
      %broadcast_in_dim3A_447 = vector.shape_cast %select_n3A_446 : vector<16xi32> to vector<16x1xi32>
      %gather3A_448 = vector.shape_cast %broadcast_in_dim3A_447 : vector<16x1xi32> to vector<16xi32>
      %gather3A_449 = tpu.dynamic_gather %max3A_433[%gather3A_448] in [0] : vector<16xf32>, vector<16xi32> -> vector<16xf32>
      %max3A_450 = arith.maximumf %max3A_433, %gather3A_449 : vector<16xf32>
      %add3A_451 = arith.constant 2 : i32
      %add3A_452 = vector.broadcast %add3A_451 : i32 to vector<16xi32>
      %add3A_453 = arith.addi %iota3A, %add3A_452 : vector<16xi32>
      %and3A_454 = arith.constant 15 : i32
      %and3A_455 = vector.broadcast %and3A_454 : i32 to vector<16xi32>
      %and3A_456 = arith.andi %add3A_453, %and3A_455 : vector<16xi32>
      %lt3A_457 = arith.constant 0 : i32
      %lt3A_458 = vector.broadcast %lt3A_457 : i32 to vector<16xi32>
      %lt3A_459 = arith.cmpi slt, %and3A_456, %lt3A_458 : vector<16xi32>
      %add3A_460 = arith.constant 16 : i32
      %add3A_461 = vector.broadcast %add3A_460 : i32 to vector<16xi32>
      %add3A_462 = arith.addi %and3A_456, %add3A_461 : vector<16xi32>
      %select_n3A_463 = arith.select %lt3A_459, %add3A_462, %and3A_456 : vector<16xi1>, vector<16xi32>
      %broadcast_in_dim3A_464 = vector.shape_cast %select_n3A_463 : vector<16xi32> to vector<16x1xi32>
      %gather3A_465 = vector.shape_cast %broadcast_in_dim3A_464 : vector<16x1xi32> to vector<16xi32>
      %gather3A_466 = tpu.dynamic_gather %max3A_450[%gather3A_465] in [0] : vector<16xf32>, vector<16xi32> -> vector<16xf32>
      %max3A_467 = arith.maximumf %max3A_450, %gather3A_466 : vector<16xf32>
      %add3A_468 = arith.constant 1 : i32
      %add3A_469 = vector.broadcast %add3A_468 : i32 to vector<16xi32>
      %add3A_470 = arith.addi %iota3A, %add3A_469 : vector<16xi32>
      %and3A_471 = arith.constant 15 : i32
      %and3A_472 = vector.broadcast %and3A_471 : i32 to vector<16xi32>
      %and3A_473 = arith.andi %add3A_470, %and3A_472 : vector<16xi32>
      %lt3A_474 = arith.constant 0 : i32
      %lt3A_475 = vector.broadcast %lt3A_474 : i32 to vector<16xi32>
      %lt3A_476 = arith.cmpi slt, %and3A_473, %lt3A_475 : vector<16xi32>
      %add3A_477 = arith.constant 16 : i32
      %add3A_478 = vector.broadcast %add3A_477 : i32 to vector<16xi32>
      %add3A_479 = arith.addi %and3A_473, %add3A_478 : vector<16xi32>
      %select_n3A_480 = arith.select %lt3A_476, %add3A_479, %and3A_473 : vector<16xi1>, vector<16xi32>
      %broadcast_in_dim3A_481 = vector.shape_cast %select_n3A_480 : vector<16xi32> to vector<16x1xi32>
      %gather3A_482 = vector.shape_cast %broadcast_in_dim3A_481 : vector<16x1xi32> to vector<16xi32>
      %gather3A_483 = tpu.dynamic_gather %max3A_467[%gather3A_482] in [0] : vector<16xf32>, vector<16xi32> -> vector<16xf32>
      %max3A_484 = arith.maximumf %max3A_467, %gather3A_483 : vector<16xf32>
      %eq3A_485 = arith.constant 5 : i32
      %eq3A_486 = vector.broadcast %eq3A_485 : i32 to vector<16xi32>
      %eq3A_487 = arith.cmpi eq, %iota3A, %eq3A_486 : vector<16xi32>
      %select_n3A_488 = arith.select %eq3A_487, %max3A_484, %select_n3A_414 : vector<16xi1>, vector<16xf32>
      %get3A_489 = arith.constant 96 : index
      %get3A_490 = tpu.vector_load %arg9[%get3A_489] {strides = array<i32>} : memref<1024xf32, #tpu.memory_space<vmem>>, vector<16xf32>,
      %add3A_491 = arith.constant 8 : i32
      %add3A_492 = vector.broadcast %add3A_491 : i32 to vector<16xi32>
      %add3A_493 = arith.addi %iota3A, %add3A_492 : vector<16xi32>
      %and3A_494 = arith.constant 15 : i32
      %and3A_495 = vector.broadcast %and3A_494 : i32 to vector<16xi32>
      %and3A_496 = arith.andi %add3A_493, %and3A_495 : vector<16xi32>
      %lt3A_497 = arith.constant 0 : i32
      %lt3A_498 = vector.broadcast %lt3A_497 : i32 to vector<16xi32>
      %lt3A_499 = arith.cmpi slt, %and3A_496, %lt3A_498 : vector<16xi32>
      %add3A_500 = arith.constant 16 : i32
      %add3A_501 = vector.broadcast %add3A_500 : i32 to vector<16xi32>
      %add3A_502 = arith.addi %and3A_496, %add3A_501 : vector<16xi32>
      %select_n3A_503 = arith.select %lt3A_499, %add3A_502, %and3A_496 : vector<16xi1>, vector<16xi32>
      %broadcast_in_dim3A_504 = vector.shape_cast %select_n3A_503 : vector<16xi32> to vector<16x1xi32>
      %gather3A_505 = vector.shape_cast %broadcast_in_dim3A_504 : vector<16x1xi32> to vector<16xi32>
      %gather3A_506 = tpu.dynamic_gather %get3A_490[%gather3A_505] in [0] : vector<16xf32>, vector<16xi32> -> vector<16xf32>
      %max3A_507 = arith.maximumf %get3A_490, %gather3A_506 : vector<16xf32>
      %add3A_508 = arith.constant 4 : i32
      %add3A_509 = vector.broadcast %add3A_508 : i32 to vector<16xi32>
      %add3A_510 = arith.addi %iota3A, %add3A_509 : vector<16xi32>
      %and3A_511 = arith.constant 15 : i32
      %and3A_512 = vector.broadcast %and3A_511 : i32 to vector<16xi32>
      %and3A_513 = arith.andi %add3A_510, %and3A_512 : vector<16xi32>
      %lt3A_514 = arith.constant 0 : i32
      %lt3A_515 = vector.broadcast %lt3A_514 : i32 to vector<16xi32>
      %lt3A_516 = arith.cmpi slt, %and3A_513, %lt3A_515 : vector<16xi32>
      %add3A_517 = arith.constant 16 : i32
      %add3A_518 = vector.broadcast %add3A_517 : i32 to vector<16xi32>
      %add3A_519 = arith.addi %and3A_513, %add3A_518 : vector<16xi32>
      %select_n3A_520 = arith.select %lt3A_516, %add3A_519, %and3A_513 : vector<16xi1>, vector<16xi32>
      %broadcast_in_dim3A_521 = vector.shape_cast %select_n3A_520 : vector<16xi32> to vector<16x1xi32>
      %gather3A_522 = vector.shape_cast %broadcast_in_dim3A_521 : vector<16x1xi32> to vector<16xi32>
      %gather3A_523 = tpu.dynamic_gather %max3A_507[%gather3A_522] in [0] : vector<16xf32>, vector<16xi32> -> vector<16xf32>
      %max3A_524 = arith.maximumf %max3A_507, %gather3A_523 : vector<16xf32>
      %add3A_525 = arith.constant 2 : i32
      %add3A_526 = vector.broadcast %add3A_525 : i32 to vector<16xi32>
      %add3A_527 = arith.addi %iota3A, %add3A_526 : vector<16xi32>
      %and3A_528 = arith.constant 15 : i32
      %and3A_529 = vector.broadcast %and3A_528 : i32 to vector<16xi32>
      %and3A_530 = arith.andi %add3A_527, %and3A_529 : vector<16xi32>
      %lt3A_531 = arith.constant 0 : i32
      %lt3A_532 = vector.broadcast %lt3A_531 : i32 to vector<16xi32>
      %lt3A_533 = arith.cmpi slt, %and3A_530, %lt3A_532 : vector<16xi32>
      %add3A_534 = arith.constant 16 : i32
      %add3A_535 = vector.broadcast %add3A_534 : i32 to vector<16xi32>
      %add3A_536 = arith.addi %and3A_530, %add3A_535 : vector<16xi32>
      %select_n3A_537 = arith.select %lt3A_533, %add3A_536, %and3A_530 : vector<16xi1>, vector<16xi32>
      %broadcast_in_dim3A_538 = vector.shape_cast %select_n3A_537 : vector<16xi32> to vector<16x1xi32>
      %gather3A_539 = vector.shape_cast %broadcast_in_dim3A_538 : vector<16x1xi32> to vector<16xi32>
      %gather3A_540 = tpu.dynamic_gather %max3A_524[%gather3A_539] in [0] : vector<16xf32>, vector<16xi32> -> vector<16xf32>
      %max3A_541 = arith.maximumf %max3A_524, %gather3A_540 : vector<16xf32>
      %add3A_542 = arith.constant 1 : i32
      %add3A_543 = vector.broadcast %add3A_542 : i32 to vector<16xi32>
      %add3A_544 = arith.addi %iota3A, %add3A_543 : vector<16xi32>
      %and3A_545 = arith.constant 15 : i32
      %and3A_546 = vector.broadcast %and3A_545 : i32 to vector<16xi32>
      %and3A_547 = arith.andi %add3A_544, %and3A_546 : vector<16xi32>
      %lt3A_548 = arith.constant 0 : i32
      %lt3A_549 = vector.broadcast %lt3A_548 : i32 to vector<16xi32>
      %lt3A_550 = arith.cmpi slt, %and3A_547, %lt3A_549 : vector<16xi32>
      %add3A_551 = arith.constant 16 : i32
      %add3A_552 = vector.broadcast %add3A_551 : i32 to vector<16xi32>
      %add3A_553 = arith.addi %and3A_547, %add3A_552 : vector<16xi32>
      %select_n3A_554 = arith.select %lt3A_550, %add3A_553, %and3A_547 : vector<16xi1>, vector<16xi32>
      %broadcast_in_dim3A_555 = vector.shape_cast %select_n3A_554 : vector<16xi32> to vector<16x1xi32>
      %gather3A_556 = vector.shape_cast %broadcast_in_dim3A_555 : vector<16x1xi32> to vector<16xi32>
      %gather3A_557 = tpu.dynamic_gather %max3A_541[%gather3A_556] in [0] : vector<16xf32>, vector<16xi32> -> vector<16xf32>
      %max3A_558 = arith.maximumf %max3A_541, %gather3A_557 : vector<16xf32>
      %eq3A_559 = arith.constant 6 : i32
      %eq3A_560 = vector.broadcast %eq3A_559 : i32 to vector<16xi32>
      %eq3A_561 = arith.cmpi eq, %iota3A, %eq3A_560 : vector<16xi32>
      %select_n3A_562 = arith.select %eq3A_561, %max3A_558, %select_n3A_488 : vector<16xi1>, vector<16xf32>
      %get3A_563 = arith.constant 112 : index
      %get3A_564 = tpu.vector_load %arg9[%get3A_563] {strides = array<i32>} : memref<1024xf32, #tpu.memory_space<vmem>>, vector<16xf32>,
      %add3A_565 = arith.constant 8 : i32
      %add3A_566 = vector.broadcast %add3A_565 : i32 to vector<16xi32>
      %add3A_567 = arith.addi %iota3A, %add3A_566 : vector<16xi32>
      %and3A_568 = arith.constant 15 : i32
      %and3A_569 = vector.broadcast %and3A_568 : i32 to vector<16xi32>
      %and3A_570 = arith.andi %add3A_567, %and3A_569 : vector<16xi32>
      %lt3A_571 = arith.constant 0 : i32
      %lt3A_572 = vector.broadcast %lt3A_571 : i32 to vector<16xi32>
      %lt3A_573 = arith.cmpi slt, %and3A_570, %lt3A_572 : vector<16xi32>
      %add3A_574 = arith.constant 16 : i32
      %add3A_575 = vector.broadcast %add3A_574 : i32 to vector<16xi32>
      %add3A_576 = arith.addi %and3A_570, %add3A_575 : vector<16xi32>
      %select_n3A_577 = arith.select %lt3A_573, %add3A_576, %and3A_570 : vector<16xi1>, vector<16xi32>
      %broadcast_in_dim3A_578 = vector.shape_cast %select_n3A_577 : vector<16xi32> to vector<16x1xi32>
      %gather3A_579 = vector.shape_cast %broadcast_in_dim3A_578 : vector<16x1xi32> to vector<16xi32>
      %gather3A_580 = tpu.dynamic_gather %get3A_564[%gather3A_579] in [0] : vector<16xf32>, vector<16xi32> -> vector<16xf32>
      %max3A_581 = arith.maximumf %get3A_564, %gather3A_580 : vector<16xf32>
      %add3A_582 = arith.constant 4 : i32
      %add3A_583 = vector.broadcast %add3A_582 : i32 to vector<16xi32>
      %add3A_584 = arith.addi %iota3A, %add3A_583 : vector<16xi32>
      %and3A_585 = arith.constant 15 : i32
      %and3A_586 = vector.broadcast %and3A_585 : i32 to vector<16xi32>
      %and3A_587 = arith.andi %add3A_584, %and3A_586 : vector<16xi32>
      %lt3A_588 = arith.constant 0 : i32
      %lt3A_589 = vector.broadcast %lt3A_588 : i32 to vector<16xi32>
      %lt3A_590 = arith.cmpi slt, %and3A_587, %lt3A_589 : vector<16xi32>
      %add3A_591 = arith.constant 16 : i32
      %add3A_592 = vector.broadcast %add3A_591 : i32 to vector<16xi32>
      %add3A_593 = arith.addi %and3A_587, %add3A_592 : vector<16xi32>
      %select_n3A_594 = arith.select %lt3A_590, %add3A_593, %and3A_587 : vector<16xi1>, vector<16xi32>
      %broadcast_in_dim3A_595 = vector.shape_cast %select_n3A_594 : vector<16xi32> to vector<16x1xi32>
      %gather3A_596 = vector.shape_cast %broadcast_in_dim3A_595 : vector<16x1xi32> to vector<16xi32>
      %gather3A_597 = tpu.dynamic_gather %max3A_581[%gather3A_596] in [0] : vector<16xf32>, vector<16xi32> -> vector<16xf32>
      %max3A_598 = arith.maximumf %max3A_581, %gather3A_597 : vector<16xf32>
      %add3A_599 = arith.constant 2 : i32
      %add3A_600 = vector.broadcast %add3A_599 : i32 to vector<16xi32>
      %add3A_601 = arith.addi %iota3A, %add3A_600 : vector<16xi32>
      %and3A_602 = arith.constant 15 : i32
      %and3A_603 = vector.broadcast %and3A_602 : i32 to vector<16xi32>
      %and3A_604 = arith.andi %add3A_601, %and3A_603 : vector<16xi32>
      %lt3A_605 = arith.constant 0 : i32
      %lt3A_606 = vector.broadcast %lt3A_605 : i32 to vector<16xi32>
      %lt3A_607 = arith.cmpi slt, %and3A_604, %lt3A_606 : vector<16xi32>
      %add3A_608 = arith.constant 16 : i32
      %add3A_609 = vector.broadcast %add3A_608 : i32 to vector<16xi32>
      %add3A_610 = arith.addi %and3A_604, %add3A_609 : vector<16xi32>
      %select_n3A_611 = arith.select %lt3A_607, %add3A_610, %and3A_604 : vector<16xi1>, vector<16xi32>
      %broadcast_in_dim3A_612 = vector.shape_cast %select_n3A_611 : vector<16xi32> to vector<16x1xi32>
      %gather3A_613 = vector.shape_cast %broadcast_in_dim3A_612 : vector<16x1xi32> to vector<16xi32>
      %gather3A_614 = tpu.dynamic_gather %max3A_598[%gather3A_613] in [0] : vector<16xf32>, vector<16xi32> -> vector<16xf32>
      %max3A_615 = arith.maximumf %max3A_598, %gather3A_614 : vector<16xf32>
      %add3A_616 = arith.constant 1 : i32
      %add3A_617 = vector.broadcast %add3A_616 : i32 to vector<16xi32>
      %add3A_618 = arith.addi %iota3A, %add3A_617 : vector<16xi32>
      %and3A_619 = arith.constant 15 : i32
      %and3A_620 = vector.broadcast %and3A_619 : i32 to vector<16xi32>
      %and3A_621 = arith.andi %add3A_618, %and3A_620 : vector<16xi32>
      %lt3A_622 = arith.constant 0 : i32
      %lt3A_623 = vector.broadcast %lt3A_622 : i32 to vector<16xi32>
      %lt3A_624 = arith.cmpi slt, %and3A_621, %lt3A_623 : vector<16xi32>
      %add3A_625 = arith.constant 16 : i32
      %add3A_626 = vector.broadcast %add3A_625 : i32 to vector<16xi32>
      %add3A_627 = arith.addi %and3A_621, %add3A_626 : vector<16xi32>
      %select_n3A_628 = arith.select %lt3A_624, %add3A_627, %and3A_621 : vector<16xi1>, vector<16xi32>
      %broadcast_in_dim3A_629 = vector.shape_cast %select_n3A_628 : vector<16xi32> to vector<16x1xi32>
      %gather3A_630 = vector.shape_cast %broadcast_in_dim3A_629 : vector<16x1xi32> to vector<16xi32>
      %gather3A_631 = tpu.dynamic_gather %max3A_615[%gather3A_630] in [0] : vector<16xf32>, vector<16xi32> -> vector<16xf32>
      %max3A_632 = arith.maximumf %max3A_615, %gather3A_631 : vector<16xf32>
      %eq3A_633 = arith.constant 7 : i32
      %eq3A_634 = vector.broadcast %eq3A_633 : i32 to vector<16xi32>
      %eq3A_635 = arith.cmpi eq, %iota3A, %eq3A_634 : vector<16xi32>
      %select_n3A_636 = arith.select %eq3A_635, %max3A_632, %select_n3A_562 : vector<16xi1>, vector<16xf32>
      %get3A_637 = arith.constant 128 : index
      %get3A_638 = tpu.vector_load %arg9[%get3A_637] {strides = array<i32>} : memref<1024xf32, #tpu.memory_space<vmem>>, vector<16xf32>,
      %add3A_639 = arith.constant 8 : i32
      %add3A_640 = vector.broadcast %add3A_639 : i32 to vector<16xi32>
      %add3A_641 = arith.addi %iota3A, %add3A_640 : vector<16xi32>
      %and3A_642 = arith.constant 15 : i32
      %and3A_643 = vector.broadcast %and3A_642 : i32 to vector<16xi32>
      %and3A_644 = arith.andi %add3A_641, %and3A_643 : vector<16xi32>
      %lt3A_645 = arith.constant 0 : i32
      %lt3A_646 = vector.broadcast %lt3A_645 : i32 to vector<16xi32>
      %lt3A_647 = arith.cmpi slt, %and3A_644, %lt3A_646 : vector<16xi32>
      %add3A_648 = arith.constant 16 : i32
      %add3A_649 = vector.broadcast %add3A_648 : i32 to vector<16xi32>
      %add3A_650 = arith.addi %and3A_644, %add3A_649 : vector<16xi32>
      %select_n3A_651 = arith.select %lt3A_647, %add3A_650, %and3A_644 : vector<16xi1>, vector<16xi32>
      %broadcast_in_dim3A_652 = vector.shape_cast %select_n3A_651 : vector<16xi32> to vector<16x1xi32>
      %gather3A_653 = vector.shape_cast %broadcast_in_dim3A_652 : vector<16x1xi32> to vector<16xi32>
      %gather3A_654 = tpu.dynamic_gather %get3A_638[%gather3A_653] in [0] : vector<16xf32>, vector<16xi32> -> vector<16xf32>
      %max3A_655 = arith.maximumf %get3A_638, %gather3A_654 : vector<16xf32>
      %add3A_656 = arith.constant 4 : i32
      %add3A_657 = vector.broadcast %add3A_656 : i32 to vector<16xi32>
      %add3A_658 = arith.addi %iota3A, %add3A_657 : vector<16xi32>
      %and3A_659 = arith.constant 15 : i32
      %and3A_660 = vector.broadcast %and3A_659 : i32 to vector<16xi32>
      %and3A_661 = arith.andi %add3A_658, %and3A_660 : vector<16xi32>
      %lt3A_662 = arith.constant 0 : i32
      %lt3A_663 = vector.broadcast %lt3A_662 : i32 to vector<16xi32>
      %lt3A_664 = arith.cmpi slt, %and3A_661, %lt3A_663 : vector<16xi32>
      %add3A_665 = arith.constant 16 : i32
      %add3A_666 = vector.broadcast %add3A_665 : i32 to vector<16xi32>
      %add3A_667 = arith.addi %and3A_661, %add3A_666 : vector<16xi32>
      %select_n3A_668 = arith.select %lt3A_664, %add3A_667, %and3A_661 : vector<16xi1>, vector<16xi32>
      %broadcast_in_dim3A_669 = vector.shape_cast %select_n3A_668 : vector<16xi32> to vector<16x1xi32>
      %gather3A_670 = vector.shape_cast %broadcast_in_dim3A_669 : vector<16x1xi32> to vector<16xi32>
      %gather3A_671 = tpu.dynamic_gather %max3A_655[%gather3A_670] in [0] : vector<16xf32>, vector<16xi32> -> vector<16xf32>
      %max3A_672 = arith.maximumf %max3A_655, %gather3A_671 : vector<16xf32>
      %add3A_673 = arith.constant 2 : i32
      %add3A_674 = vector.broadcast %add3A_673 : i32 to vector<16xi32>
      %add3A_675 = arith.addi %iota3A, %add3A_674 : vector<16xi32>
      %and3A_676 = arith.constant 15 : i32
      %and3A_677 = vector.broadcast %and3A_676 : i32 to vector<16xi32>
      %and3A_678 = arith.andi %add3A_675, %and3A_677 : vector<16xi32>
      %lt3A_679 = arith.constant 0 : i32
      %lt3A_680 = vector.broadcast %lt3A_679 : i32 to vector<16xi32>
      %lt3A_681 = arith.cmpi slt, %and3A_678, %lt3A_680 : vector<16xi32>
      %add3A_682 = arith.constant 16 : i32
      %add3A_683 = vector.broadcast %add3A_682 : i32 to vector<16xi32>
      %add3A_684 = arith.addi %and3A_678, %add3A_683 : vector<16xi32>
      %select_n3A_685 = arith.select %lt3A_681, %add3A_684, %and3A_678 : vector<16xi1>, vector<16xi32>
      %broadcast_in_dim3A_686 = vector.shape_cast %select_n3A_685 : vector<16xi32> to vector<16x1xi32>
      %gather3A_687 = vector.shape_cast %broadcast_in_dim3A_686 : vector<16x1xi32> to vector<16xi32>
      %gather3A_688 = tpu.dynamic_gather %max3A_672[%gather3A_687] in [0] : vector<16xf32>, vector<16xi32> -> vector<16xf32>
      %max3A_689 = arith.maximumf %max3A_672, %gather3A_688 : vector<16xf32>
      %add3A_690 = arith.constant 1 : i32
      %add3A_691 = vector.broadcast %add3A_690 : i32 to vector<16xi32>
      %add3A_692 = arith.addi %iota3A, %add3A_691 : vector<16xi32>
      %and3A_693 = arith.constant 15 : i32
      %and3A_694 = vector.broadcast %and3A_693 : i32 to vector<16xi32>
      %and3A_695 = arith.andi %add3A_692, %and3A_694 : vector<16xi32>
      %lt3A_696 = arith.constant 0 : i32
      %lt3A_697 = vector.broadcast %lt3A_696 : i32 to vector<16xi32>
      %lt3A_698 = arith.cmpi slt, %and3A_695, %lt3A_697 : vector<16xi32>
      %add3A_699 = arith.constant 16 : i32
      %add3A_700 = vector.broadcast %add3A_699 : i32 to vector<16xi32>
      %add3A_701 = arith.addi %and3A_695, %add3A_700 : vector<16xi32>
      %select_n3A_702 = arith.select %lt3A_698, %add3A_701, %and3A_695 : vector<16xi1>, vector<16xi32>
      %broadcast_in_dim3A_703 = vector.shape_cast %select_n3A_702 : vector<16xi32> to vector<16x1xi32>
      %gather3A_704 = vector.shape_cast %broadcast_in_dim3A_703 : vector<16x1xi32> to vector<16xi32>
      %gather3A_705 = tpu.dynamic_gather %max3A_689[%gather3A_704] in [0] : vector<16xf32>, vector<16xi32> -> vector<16xf32>
      %max3A_706 = arith.maximumf %max3A_689, %gather3A_705 : vector<16xf32>
      %eq3A_707 = arith.constant 8 : i32
      %eq3A_708 = vector.broadcast %eq3A_707 : i32 to vector<16xi32>
      %eq3A_709 = arith.cmpi eq, %iota3A, %eq3A_708 : vector<16xi32>
      %select_n3A_710 = arith.select %eq3A_709, %max3A_706, %select_n3A_636 : vector<16xi1>, vector<16xf32>
      %get3A_711 = arith.constant 144 : index
      %get3A_712 = tpu.vector_load %arg9[%get3A_711] {strides = array<i32>} : memref<1024xf32, #tpu.memory_space<vmem>>, vector<16xf32>,
      %add3A_713 = arith.constant 8 : i32
      %add3A_714 = vector.broadcast %add3A_713 : i32 to vector<16xi32>
      %add3A_715 = arith.addi %iota3A, %add3A_714 : vector<16xi32>
      %and3A_716 = arith.constant 15 : i32
      %and3A_717 = vector.broadcast %and3A_716 : i32 to vector<16xi32>
      %and3A_718 = arith.andi %add3A_715, %and3A_717 : vector<16xi32>
      %lt3A_719 = arith.constant 0 : i32
      %lt3A_720 = vector.broadcast %lt3A_719 : i32 to vector<16xi32>
      %lt3A_721 = arith.cmpi slt, %and3A_718, %lt3A_720 : vector<16xi32>
      %add3A_722 = arith.constant 16 : i32
      %add3A_723 = vector.broadcast %add3A_722 : i32 to vector<16xi32>
      %add3A_724 = arith.addi %and3A_718, %add3A_723 : vector<16xi32>
      %select_n3A_725 = arith.select %lt3A_721, %add3A_724, %and3A_718 : vector<16xi1>, vector<16xi32>
      %broadcast_in_dim3A_726 = vector.shape_cast %select_n3A_725 : vector<16xi32> to vector<16x1xi32>
      %gather3A_727 = vector.shape_cast %broadcast_in_dim3A_726 : vector<16x1xi32> to vector<16xi32>
      %gather3A_728 = tpu.dynamic_gather %get3A_712[%gather3A_727] in [0] : vector<16xf32>, vector<16xi32> -> vector<16xf32>
      %max3A_729 = arith.maximumf %get3A_712, %gather3A_728 : vector<16xf32>
      %add3A_730 = arith.constant 4 : i32
      %add3A_731 = vector.broadcast %add3A_730 : i32 to vector<16xi32>
      %add3A_732 = arith.addi %iota3A, %add3A_731 : vector<16xi32>
      %and3A_733 = arith.constant 15 : i32
      %and3A_734 = vector.broadcast %and3A_733 : i32 to vector<16xi32>
      %and3A_735 = arith.andi %add3A_732, %and3A_734 : vector<16xi32>
      %lt3A_736 = arith.constant 0 : i32
      %lt3A_737 = vector.broadcast %lt3A_736 : i32 to vector<16xi32>
      %lt3A_738 = arith.cmpi slt, %and3A_735, %lt3A_737 : vector<16xi32>
      %add3A_739 = arith.constant 16 : i32
      %add3A_740 = vector.broadcast %add3A_739 : i32 to vector<16xi32>
      %add3A_741 = arith.addi %and3A_735, %add3A_740 : vector<16xi32>
      %select_n3A_742 = arith.select %lt3A_738, %add3A_741, %and3A_735 : vector<16xi1>, vector<16xi32>
      %broadcast_in_dim3A_743 = vector.shape_cast %select_n3A_742 : vector<16xi32> to vector<16x1xi32>
      %gather3A_744 = vector.shape_cast %broadcast_in_dim3A_743 : vector<16x1xi32> to vector<16xi32>
      %gather3A_745 = tpu.dynamic_gather %max3A_729[%gather3A_744] in [0] : vector<16xf32>, vector<16xi32> -> vector<16xf32>
      %max3A_746 = arith.maximumf %max3A_729, %gather3A_745 : vector<16xf32>
      %add3A_747 = arith.constant 2 : i32
      %add3A_748 = vector.broadcast %add3A_747 : i32 to vector<16xi32>
      %add3A_749 = arith.addi %iota3A, %add3A_748 : vector<16xi32>
      %and3A_750 = arith.constant 15 : i32
      %and3A_751 = vector.broadcast %and3A_750 : i32 to vector<16xi32>
      %and3A_752 = arith.andi %add3A_749, %and3A_751 : vector<16xi32>
      %lt3A_753 = arith.constant 0 : i32
      %lt3A_754 = vector.broadcast %lt3A_753 : i32 to vector<16xi32>
      %lt3A_755 = arith.cmpi slt, %and3A_752, %lt3A_754 : vector<16xi32>
      %add3A_756 = arith.constant 16 : i32
      %add3A_757 = vector.broadcast %add3A_756 : i32 to vector<16xi32>
      %add3A_758 = arith.addi %and3A_752, %add3A_757 : vector<16xi32>
      %select_n3A_759 = arith.select %lt3A_755, %add3A_758, %and3A_752 : vector<16xi1>, vector<16xi32>
      %broadcast_in_dim3A_760 = vector.shape_cast %select_n3A_759 : vector<16xi32> to vector<16x1xi32>
      %gather3A_761 = vector.shape_cast %broadcast_in_dim3A_760 : vector<16x1xi32> to vector<16xi32>
      %gather3A_762 = tpu.dynamic_gather %max3A_746[%gather3A_761] in [0] : vector<16xf32>, vector<16xi32> -> vector<16xf32>
      %max3A_763 = arith.maximumf %max3A_746, %gather3A_762 : vector<16xf32>
      %add3A_764 = arith.constant 1 : i32
      %add3A_765 = vector.broadcast %add3A_764 : i32 to vector<16xi32>
      %add3A_766 = arith.addi %iota3A, %add3A_765 : vector<16xi32>
      %and3A_767 = arith.constant 15 : i32
      %and3A_768 = vector.broadcast %and3A_767 : i32 to vector<16xi32>
      %and3A_769 = arith.andi %add3A_766, %and3A_768 : vector<16xi32>
      %lt3A_770 = arith.constant 0 : i32
      %lt3A_771 = vector.broadcast %lt3A_770 : i32 to vector<16xi32>
      %lt3A_772 = arith.cmpi slt, %and3A_769, %lt3A_771 : vector<16xi32>
      %add3A_773 = arith.constant 16 : i32
      %add3A_774 = vector.broadcast %add3A_773 : i32 to vector<16xi32>
      %add3A_775 = arith.addi %and3A_769, %add3A_774 : vector<16xi32>
      %select_n3A_776 = arith.select %lt3A_772, %add3A_775, %and3A_769 : vector<16xi1>, vector<16xi32>
      %broadcast_in_dim3A_777 = vector.shape_cast %select_n3A_776 : vector<16xi32> to vector<16x1xi32>
      %gather3A_778 = vector.shape_cast %broadcast_in_dim3A_777 : vector<16x1xi32> to vector<16xi32>
      %gather3A_779 = tpu.dynamic_gather %max3A_763[%gather3A_778] in [0] : vector<16xf32>, vector<16xi32> -> vector<16xf32>
      %max3A_780 = arith.maximumf %max3A_763, %gather3A_779 : vector<16xf32>
      %eq3A_781 = arith.constant 9 : i32
      %eq3A_782 = vector.broadcast %eq3A_781 : i32 to vector<16xi32>
      %eq3A_783 = arith.cmpi eq, %iota3A, %eq3A_782 : vector<16xi32>
      %select_n3A_784 = arith.select %eq3A_783, %max3A_780, %select_n3A_710 : vector<16xi1>, vector<16xf32>
      %get3A_785 = arith.constant 160 : index
      %get3A_786 = tpu.vector_load %arg9[%get3A_785] {strides = array<i32>} : memref<1024xf32, #tpu.memory_space<vmem>>, vector<16xf32>,
      %add3A_787 = arith.constant 8 : i32
      %add3A_788 = vector.broadcast %add3A_787 : i32 to vector<16xi32>
      %add3A_789 = arith.addi %iota3A, %add3A_788 : vector<16xi32>
      %and3A_790 = arith.constant 15 : i32
      %and3A_791 = vector.broadcast %and3A_790 : i32 to vector<16xi32>
      %and3A_792 = arith.andi %add3A_789, %and3A_791 : vector<16xi32>
      %lt3A_793 = arith.constant 0 : i32
      %lt3A_794 = vector.broadcast %lt3A_793 : i32 to vector<16xi32>
      %lt3A_795 = arith.cmpi slt, %and3A_792, %lt3A_794 : vector<16xi32>
      %add3A_796 = arith.constant 16 : i32
      %add3A_797 = vector.broadcast %add3A_796 : i32 to vector<16xi32>
      %add3A_798 = arith.addi %and3A_792, %add3A_797 : vector<16xi32>
      %select_n3A_799 = arith.select %lt3A_795, %add3A_798, %and3A_792 : vector<16xi1>, vector<16xi32>
      %broadcast_in_dim3A_800 = vector.shape_cast %select_n3A_799 : vector<16xi32> to vector<16x1xi32>
      %gather3A_801 = vector.shape_cast %broadcast_in_dim3A_800 : vector<16x1xi32> to vector<16xi32>
      %gather3A_802 = tpu.dynamic_gather %get3A_786[%gather3A_801] in [0] : vector<16xf32>, vector<16xi32> -> vector<16xf32>
      %max3A_803 = arith.maximumf %get3A_786, %gather3A_802 : vector<16xf32>
      %add3A_804 = arith.constant 4 : i32
      %add3A_805 = vector.broadcast %add3A_804 : i32 to vector<16xi32>
      %add3A_806 = arith.addi %iota3A, %add3A_805 : vector<16xi32>
      %and3A_807 = arith.constant 15 : i32
      %and3A_808 = vector.broadcast %and3A_807 : i32 to vector<16xi32>
      %and3A_809 = arith.andi %add3A_806, %and3A_808 : vector<16xi32>
      %lt3A_810 = arith.constant 0 : i32
      %lt3A_811 = vector.broadcast %lt3A_810 : i32 to vector<16xi32>
      %lt3A_812 = arith.cmpi slt, %and3A_809, %lt3A_811 : vector<16xi32>
      %add3A_813 = arith.constant 16 : i32
      %add3A_814 = vector.broadcast %add3A_813 : i32 to vector<16xi32>
      %add3A_815 = arith.addi %and3A_809, %add3A_814 : vector<16xi32>
      %select_n3A_816 = arith.select %lt3A_812, %add3A_815, %and3A_809 : vector<16xi1>, vector<16xi32>
      %broadcast_in_dim3A_817 = vector.shape_cast %select_n3A_816 : vector<16xi32> to vector<16x1xi32>
      %gather3A_818 = vector.shape_cast %broadcast_in_dim3A_817 : vector<16x1xi32> to vector<16xi32>
      %gather3A_819 = tpu.dynamic_gather %max3A_803[%gather3A_818] in [0] : vector<16xf32>, vector<16xi32> -> vector<16xf32>
      %max3A_820 = arith.maximumf %max3A_803, %gather3A_819 : vector<16xf32>
      %add3A_821 = arith.constant 2 : i32
      %add3A_822 = vector.broadcast %add3A_821 : i32 to vector<16xi32>
      %add3A_823 = arith.addi %iota3A, %add3A_822 : vector<16xi32>
      %and3A_824 = arith.constant 15 : i32
      %and3A_825 = vector.broadcast %and3A_824 : i32 to vector<16xi32>
      %and3A_826 = arith.andi %add3A_823, %and3A_825 : vector<16xi32>
      %lt3A_827 = arith.constant 0 : i32
      %lt3A_828 = vector.broadcast %lt3A_827 : i32 to vector<16xi32>
      %lt3A_829 = arith.cmpi slt, %and3A_826, %lt3A_828 : vector<16xi32>
      %add3A_830 = arith.constant 16 : i32
      %add3A_831 = vector.broadcast %add3A_830 : i32 to vector<16xi32>
      %add3A_832 = arith.addi %and3A_826, %add3A_831 : vector<16xi32>
      %select_n3A_833 = arith.select %lt3A_829, %add3A_832, %and3A_826 : vector<16xi1>, vector<16xi32>
      %broadcast_in_dim3A_834 = vector.shape_cast %select_n3A_833 : vector<16xi32> to vector<16x1xi32>
      %gather3A_835 = vector.shape_cast %broadcast_in_dim3A_834 : vector<16x1xi32> to vector<16xi32>
      %gather3A_836 = tpu.dynamic_gather %max3A_820[%gather3A_835] in [0] : vector<16xf32>, vector<16xi32> -> vector<16xf32>
      %max3A_837 = arith.maximumf %max3A_820, %gather3A_836 : vector<16xf32>
      %add3A_838 = arith.constant 1 : i32
      %add3A_839 = vector.broadcast %add3A_838 : i32 to vector<16xi32>
      %add3A_840 = arith.addi %iota3A, %add3A_839 : vector<16xi32>
      %and3A_841 = arith.constant 15 : i32
      %and3A_842 = vector.broadcast %and3A_841 : i32 to vector<16xi32>
      %and3A_843 = arith.andi %add3A_840, %and3A_842 : vector<16xi32>
      %lt3A_844 = arith.constant 0 : i32
      %lt3A_845 = vector.broadcast %lt3A_844 : i32 to vector<16xi32>
      %lt3A_846 = arith.cmpi slt, %and3A_843, %lt3A_845 : vector<16xi32>
      %add3A_847 = arith.constant 16 : i32
      %add3A_848 = vector.broadcast %add3A_847 : i32 to vector<16xi32>
      %add3A_849 = arith.addi %and3A_843, %add3A_848 : vector<16xi32>
      %select_n3A_850 = arith.select %lt3A_846, %add3A_849, %and3A_843 : vector<16xi1>, vector<16xi32>
      %broadcast_in_dim3A_851 = vector.shape_cast %select_n3A_850 : vector<16xi32> to vector<16x1xi32>
      %gather3A_852 = vector.shape_cast %broadcast_in_dim3A_851 : vector<16x1xi32> to vector<16xi32>
      %gather3A_853 = tpu.dynamic_gather %max3A_837[%gather3A_852] in [0] : vector<16xf32>, vector<16xi32> -> vector<16xf32>
      %max3A_854 = arith.maximumf %max3A_837, %gather3A_853 : vector<16xf32>
      %eq3A_855 = arith.constant 10 : i32
      %eq3A_856 = vector.broadcast %eq3A_855 : i32 to vector<16xi32>
      %eq3A_857 = arith.cmpi eq, %iota3A, %eq3A_856 : vector<16xi32>
      %select_n3A_858 = arith.select %eq3A_857, %max3A_854, %select_n3A_784 : vector<16xi1>, vector<16xf32>
      %get3A_859 = arith.constant 176 : index
      %get3A_860 = tpu.vector_load %arg9[%get3A_859] {strides = array<i32>} : memref<1024xf32, #tpu.memory_space<vmem>>, vector<16xf32>,
      %add3A_861 = arith.constant 8 : i32
      %add3A_862 = vector.broadcast %add3A_861 : i32 to vector<16xi32>
      %add3A_863 = arith.addi %iota3A, %add3A_862 : vector<16xi32>
      %and3A_864 = arith.constant 15 : i32
      %and3A_865 = vector.broadcast %and3A_864 : i32 to vector<16xi32>
      %and3A_866 = arith.andi %add3A_863, %and3A_865 : vector<16xi32>
      %lt3A_867 = arith.constant 0 : i32
      %lt3A_868 = vector.broadcast %lt3A_867 : i32 to vector<16xi32>
      %lt3A_869 = arith.cmpi slt, %and3A_866, %lt3A_868 : vector<16xi32>
      %add3A_870 = arith.constant 16 : i32
      %add3A_871 = vector.broadcast %add3A_870 : i32 to vector<16xi32>
      %add3A_872 = arith.addi %and3A_866, %add3A_871 : vector<16xi32>
      %select_n3A_873 = arith.select %lt3A_869, %add3A_872, %and3A_866 : vector<16xi1>, vector<16xi32>
      %broadcast_in_dim3A_874 = vector.shape_cast %select_n3A_873 : vector<16xi32> to vector<16x1xi32>
      %gather3A_875 = vector.shape_cast %broadcast_in_dim3A_874 : vector<16x1xi32> to vector<16xi32>
      %gather3A_876 = tpu.dynamic_gather %get3A_860[%gather3A_875] in [0] : vector<16xf32>, vector<16xi32> -> vector<16xf32>
      %max3A_877 = arith.maximumf %get3A_860, %gather3A_876 : vector<16xf32>
      %add3A_878 = arith.constant 4 : i32
      %add3A_879 = vector.broadcast %add3A_878 : i32 to vector<16xi32>
      %add3A_880 = arith.addi %iota3A, %add3A_879 : vector<16xi32>
      %and3A_881 = arith.constant 15 : i32
      %and3A_882 = vector.broadcast %and3A_881 : i32 to vector<16xi32>
      %and3A_883 = arith.andi %add3A_880, %and3A_882 : vector<16xi32>
      %lt3A_884 = arith.constant 0 : i32
      %lt3A_885 = vector.broadcast %lt3A_884 : i32 to vector<16xi32>
      %lt3A_886 = arith.cmpi slt, %and3A_883, %lt3A_885 : vector<16xi32>
      %add3A_887 = arith.constant 16 : i32
      %add3A_888 = vector.broadcast %add3A_887 : i32 to vector<16xi32>
      %add3A_889 = arith.addi %and3A_883, %add3A_888 : vector<16xi32>
      %select_n3A_890 = arith.select %lt3A_886, %add3A_889, %and3A_883 : vector<16xi1>, vector<16xi32>
      %broadcast_in_dim3A_891 = vector.shape_cast %select_n3A_890 : vector<16xi32> to vector<16x1xi32>
      %gather3A_892 = vector.shape_cast %broadcast_in_dim3A_891 : vector<16x1xi32> to vector<16xi32>
      %gather3A_893 = tpu.dynamic_gather %max3A_877[%gather3A_892] in [0] : vector<16xf32>, vector<16xi32> -> vector<16xf32>
      %max3A_894 = arith.maximumf %max3A_877, %gather3A_893 : vector<16xf32>
      %add3A_895 = arith.constant 2 : i32
      %add3A_896 = vector.broadcast %add3A_895 : i32 to vector<16xi32>
      %add3A_897 = arith.addi %iota3A, %add3A_896 : vector<16xi32>
      %and3A_898 = arith.constant 15 : i32
      %and3A_899 = vector.broadcast %and3A_898 : i32 to vector<16xi32>
      %and3A_900 = arith.andi %add3A_897, %and3A_899 : vector<16xi32>
      %lt3A_901 = arith.constant 0 : i32
      %lt3A_902 = vector.broadcast %lt3A_901 : i32 to vector<16xi32>
      %lt3A_903 = arith.cmpi slt, %and3A_900, %lt3A_902 : vector<16xi32>
      %add3A_904 = arith.constant 16 : i32
      %add3A_905 = vector.broadcast %add3A_904 : i32 to vector<16xi32>
      %add3A_906 = arith.addi %and3A_900, %add3A_905 : vector<16xi32>
      %select_n3A_907 = arith.select %lt3A_903, %add3A_906, %and3A_900 : vector<16xi1>, vector<16xi32>
      %broadcast_in_dim3A_908 = vector.shape_cast %select_n3A_907 : vector<16xi32> to vector<16x1xi32>
      %gather3A_909 = vector.shape_cast %broadcast_in_dim3A_908 : vector<16x1xi32> to vector<16xi32>
      %gather3A_910 = tpu.dynamic_gather %max3A_894[%gather3A_909] in [0] : vector<16xf32>, vector<16xi32> -> vector<16xf32>
      %max3A_911 = arith.maximumf %max3A_894, %gather3A_910 : vector<16xf32>
      %add3A_912 = arith.constant 1 : i32
      %add3A_913 = vector.broadcast %add3A_912 : i32 to vector<16xi32>
      %add3A_914 = arith.addi %iota3A, %add3A_913 : vector<16xi32>
      %and3A_915 = arith.constant 15 : i32
      %and3A_916 = vector.broadcast %and3A_915 : i32 to vector<16xi32>
      %and3A_917 = arith.andi %add3A_914, %and3A_916 : vector<16xi32>
      %lt3A_918 = arith.constant 0 : i32
      %lt3A_919 = vector.broadcast %lt3A_918 : i32 to vector<16xi32>
      %lt3A_920 = arith.cmpi slt, %and3A_917, %lt3A_919 : vector<16xi32>
      %add3A_921 = arith.constant 16 : i32
      %add3A_922 = vector.broadcast %add3A_921 : i32 to vector<16xi32>
      %add3A_923 = arith.addi %and3A_917, %add3A_922 : vector<16xi32>
      %select_n3A_924 = arith.select %lt3A_920, %add3A_923, %and3A_917 : vector<16xi1>, vector<16xi32>
      %broadcast_in_dim3A_925 = vector.shape_cast %select_n3A_924 : vector<16xi32> to vector<16x1xi32>
      %gather3A_926 = vector.shape_cast %broadcast_in_dim3A_925 : vector<16x1xi32> to vector<16xi32>
      %gather3A_927 = tpu.dynamic_gather %max3A_911[%gather3A_926] in [0] : vector<16xf32>, vector<16xi32> -> vector<16xf32>
      %max3A_928 = arith.maximumf %max3A_911, %gather3A_927 : vector<16xf32>
      %eq3A_929 = arith.constant 11 : i32
      %eq3A_930 = vector.broadcast %eq3A_929 : i32 to vector<16xi32>
      %eq3A_931 = arith.cmpi eq, %iota3A, %eq3A_930 : vector<16xi32>
      %select_n3A_932 = arith.select %eq3A_931, %max3A_928, %select_n3A_858 : vector<16xi1>, vector<16xf32>
      %get3A_933 = arith.constant 192 : index
      %get3A_934 = tpu.vector_load %arg9[%get3A_933] {strides = array<i32>} : memref<1024xf32, #tpu.memory_space<vmem>>, vector<16xf32>,
      %add3A_935 = arith.constant 8 : i32
      %add3A_936 = vector.broadcast %add3A_935 : i32 to vector<16xi32>
      %add3A_937 = arith.addi %iota3A, %add3A_936 : vector<16xi32>
      %and3A_938 = arith.constant 15 : i32
      %and3A_939 = vector.broadcast %and3A_938 : i32 to vector<16xi32>
      %and3A_940 = arith.andi %add3A_937, %and3A_939 : vector<16xi32>
      %lt3A_941 = arith.constant 0 : i32
      %lt3A_942 = vector.broadcast %lt3A_941 : i32 to vector<16xi32>
      %lt3A_943 = arith.cmpi slt, %and3A_940, %lt3A_942 : vector<16xi32>
      %add3A_944 = arith.constant 16 : i32
      %add3A_945 = vector.broadcast %add3A_944 : i32 to vector<16xi32>
      %add3A_946 = arith.addi %and3A_940, %add3A_945 : vector<16xi32>
      %select_n3A_947 = arith.select %lt3A_943, %add3A_946, %and3A_940 : vector<16xi1>, vector<16xi32>
      %broadcast_in_dim3A_948 = vector.shape_cast %select_n3A_947 : vector<16xi32> to vector<16x1xi32>
      %gather3A_949 = vector.shape_cast %broadcast_in_dim3A_948 : vector<16x1xi32> to vector<16xi32>
      %gather3A_950 = tpu.dynamic_gather %get3A_934[%gather3A_949] in [0] : vector<16xf32>, vector<16xi32> -> vector<16xf32>
      %max3A_951 = arith.maximumf %get3A_934, %gather3A_950 : vector<16xf32>
      %add3A_952 = arith.constant 4 : i32
      %add3A_953 = vector.broadcast %add3A_952 : i32 to vector<16xi32>
      %add3A_954 = arith.addi %iota3A, %add3A_953 : vector<16xi32>
      %and3A_955 = arith.constant 15 : i32
      %and3A_956 = vector.broadcast %and3A_955 : i32 to vector<16xi32>
      %and3A_957 = arith.andi %add3A_954, %and3A_956 : vector<16xi32>
      %lt3A_958 = arith.constant 0 : i32
      %lt3A_959 = vector.broadcast %lt3A_958 : i32 to vector<16xi32>
      %lt3A_960 = arith.cmpi slt, %and3A_957, %lt3A_959 : vector<16xi32>
      %add3A_961 = arith.constant 16 : i32
      %add3A_962 = vector.broadcast %add3A_961 : i32 to vector<16xi32>
      %add3A_963 = arith.addi %and3A_957, %add3A_962 : vector<16xi32>
      %select_n3A_964 = arith.select %lt3A_960, %add3A_963, %and3A_957 : vector<16xi1>, vector<16xi32>
      %broadcast_in_dim3A_965 = vector.shape_cast %select_n3A_964 : vector<16xi32> to vector<16x1xi32>
      %gather3A_966 = vector.shape_cast %broadcast_in_dim3A_965 : vector<16x1xi32> to vector<16xi32>
      %gather3A_967 = tpu.dynamic_gather %max3A_951[%gather3A_966] in [0] : vector<16xf32>, vector<16xi32> -> vector<16xf32>
      %max3A_968 = arith.maximumf %max3A_951, %gather3A_967 : vector<16xf32>
      %add3A_969 = arith.constant 2 : i32
      %add3A_970 = vector.broadcast %add3A_969 : i32 to vector<16xi32>
      %add3A_971 = arith.addi %iota3A, %add3A_970 : vector<16xi32>
      %and3A_972 = arith.constant 15 : i32
      %and3A_973 = vector.broadcast %and3A_972 : i32 to vector<16xi32>
      %and3A_974 = arith.andi %add3A_971, %and3A_973 : vector<16xi32>
      %lt3A_975 = arith.constant 0 : i32
      %lt3A_976 = vector.broadcast %lt3A_975 : i32 to vector<16xi32>
      %lt3A_977 = arith.cmpi slt, %and3A_974, %lt3A_976 : vector<16xi32>
      %add3A_978 = arith.constant 16 : i32
      %add3A_979 = vector.broadcast %add3A_978 : i32 to vector<16xi32>
      %add3A_980 = arith.addi %and3A_974, %add3A_979 : vector<16xi32>
      %select_n3A_981 = arith.select %lt3A_977, %add3A_980, %and3A_974 : vector<16xi1>, vector<16xi32>
      %broadcast_in_dim3A_982 = vector.shape_cast %select_n3A_981 : vector<16xi32> to vector<16x1xi32>
      %gather3A_983 = vector.shape_cast %broadcast_in_dim3A_982 : vector<16x1xi32> to vector<16xi32>
      %gather3A_984 = tpu.dynamic_gather %max3A_968[%gather3A_983] in [0] : vector<16xf32>, vector<16xi32> -> vector<16xf32>
      %max3A_985 = arith.maximumf %max3A_968, %gather3A_984 : vector<16xf32>
      %add3A_986 = arith.constant 1 : i32
      %add3A_987 = vector.broadcast %add3A_986 : i32 to vector<16xi32>
      %add3A_988 = arith.addi %iota3A, %add3A_987 : vector<16xi32>
      %and3A_989 = arith.constant 15 : i32
      %and3A_990 = vector.broadcast %and3A_989 : i32 to vector<16xi32>
      %and3A_991 = arith.andi %add3A_988, %and3A_990 : vector<16xi32>
      %lt3A_992 = arith.constant 0 : i32
      %lt3A_993 = vector.broadcast %lt3A_992 : i32 to vector<16xi32>
      %lt3A_994 = arith.cmpi slt, %and3A_991, %lt3A_993 : vector<16xi32>
      %add3A_995 = arith.constant 16 : i32
      %add3A_996 = vector.broadcast %add3A_995 : i32 to vector<16xi32>
      %add3A_997 = arith.addi %and3A_991, %add3A_996 : vector<16xi32>
      %select_n3A_998 = arith.select %lt3A_994, %add3A_997, %and3A_991 : vector<16xi1>, vector<16xi32>
      %broadcast_in_dim3A_999 = vector.shape_cast %select_n3A_998 : vector<16xi32> to vector<16x1xi32>
      %gather3A_1000 = vector.shape_cast %broadcast_in_dim3A_999 : vector<16x1xi32> to vector<16xi32>
      %gather3A_1001 = tpu.dynamic_gather %max3A_985[%gather3A_1000] in [0] : vector<16xf32>, vector<16xi32> -> vector<16xf32>
      %max3A_1002 = arith.maximumf %max3A_985, %gather3A_1001 : vector<16xf32>
      %eq3A_1003 = arith.constant 12 : i32
      %eq3A_1004 = vector.broadcast %eq3A_1003 : i32 to vector<16xi32>
      %eq3A_1005 = arith.cmpi eq, %iota3A, %eq3A_1004 : vector<16xi32>
      %select_n3A_1006 = arith.select %eq3A_1005, %max3A_1002, %select_n3A_932 : vector<16xi1>, vector<16xf32>
      %get3A_1007 = arith.constant 208 : index
      %get3A_1008 = tpu.vector_load %arg9[%get3A_1007] {strides = array<i32>} : memref<1024xf32, #tpu.memory_space<vmem>>, vector<16xf32>,
      %add3A_1009 = arith.constant 8 : i32
      %add3A_1010 = vector.broadcast %add3A_1009 : i32 to vector<16xi32>
      %add3A_1011 = arith.addi %iota3A, %add3A_1010 : vector<16xi32>
      %and3A_1012 = arith.constant 15 : i32
      %and3A_1013 = vector.broadcast %and3A_1012 : i32 to vector<16xi32>
      %and3A_1014 = arith.andi %add3A_1011, %and3A_1013 : vector<16xi32>
      %lt3A_1015 = arith.constant 0 : i32
      %lt3A_1016 = vector.broadcast %lt3A_1015 : i32 to vector<16xi32>
      %lt3A_1017 = arith.cmpi slt, %and3A_1014, %lt3A_1016 : vector<16xi32>
      %add3A_1018 = arith.constant 16 : i32
      %add3A_1019 = vector.broadcast %add3A_1018 : i32 to vector<16xi32>
      %add3A_1020 = arith.addi %and3A_1014, %add3A_1019 : vector<16xi32>
      %select_n3A_1021 = arith.select %lt3A_1017, %add3A_1020, %and3A_1014 : vector<16xi1>, vector<16xi32>
      %broadcast_in_dim3A_1022 = vector.shape_cast %select_n3A_1021 : vector<16xi32> to vector<16x1xi32>
      %gather3A_1023 = vector.shape_cast %broadcast_in_dim3A_1022 : vector<16x1xi32> to vector<16xi32>
      %gather3A_1024 = tpu.dynamic_gather %get3A_1008[%gather3A_1023] in [0] : vector<16xf32>, vector<16xi32> -> vector<16xf32>
      %max3A_1025 = arith.maximumf %get3A_1008, %gather3A_1024 : vector<16xf32>
      %add3A_1026 = arith.constant 4 : i32
      %add3A_1027 = vector.broadcast %add3A_1026 : i32 to vector<16xi32>
      %add3A_1028 = arith.addi %iota3A, %add3A_1027 : vector<16xi32>
      %and3A_1029 = arith.constant 15 : i32
      %and3A_1030 = vector.broadcast %and3A_1029 : i32 to vector<16xi32>
      %and3A_1031 = arith.andi %add3A_1028, %and3A_1030 : vector<16xi32>
      %lt3A_1032 = arith.constant 0 : i32
      %lt3A_1033 = vector.broadcast %lt3A_1032 : i32 to vector<16xi32>
      %lt3A_1034 = arith.cmpi slt, %and3A_1031, %lt3A_1033 : vector<16xi32>
      %add3A_1035 = arith.constant 16 : i32
      %add3A_1036 = vector.broadcast %add3A_1035 : i32 to vector<16xi32>
      %add3A_1037 = arith.addi %and3A_1031, %add3A_1036 : vector<16xi32>
      %select_n3A_1038 = arith.select %lt3A_1034, %add3A_1037, %and3A_1031 : vector<16xi1>, vector<16xi32>
      %broadcast_in_dim3A_1039 = vector.shape_cast %select_n3A_1038 : vector<16xi32> to vector<16x1xi32>
      %gather3A_1040 = vector.shape_cast %broadcast_in_dim3A_1039 : vector<16x1xi32> to vector<16xi32>
      %gather3A_1041 = tpu.dynamic_gather %max3A_1025[%gather3A_1040] in [0] : vector<16xf32>, vector<16xi32> -> vector<16xf32>
      %max3A_1042 = arith.maximumf %max3A_1025, %gather3A_1041 : vector<16xf32>
      %add3A_1043 = arith.constant 2 : i32
      %add3A_1044 = vector.broadcast %add3A_1043 : i32 to vector<16xi32>
      %add3A_1045 = arith.addi %iota3A, %add3A_1044 : vector<16xi32>
      %and3A_1046 = arith.constant 15 : i32
      %and3A_1047 = vector.broadcast %and3A_1046 : i32 to vector<16xi32>
      %and3A_1048 = arith.andi %add3A_1045, %and3A_1047 : vector<16xi32>
      %lt3A_1049 = arith.constant 0 : i32
      %lt3A_1050 = vector.broadcast %lt3A_1049 : i32 to vector<16xi32>
      %lt3A_1051 = arith.cmpi slt, %and3A_1048, %lt3A_1050 : vector<16xi32>
      %add3A_1052 = arith.constant 16 : i32
      %add3A_1053 = vector.broadcast %add3A_1052 : i32 to vector<16xi32>
      %add3A_1054 = arith.addi %and3A_1048, %add3A_1053 : vector<16xi32>
      %select_n3A_1055 = arith.select %lt3A_1051, %add3A_1054, %and3A_1048 : vector<16xi1>, vector<16xi32>
      %broadcast_in_dim3A_1056 = vector.shape_cast %select_n3A_1055 : vector<16xi32> to vector<16x1xi32>
      %gather3A_1057 = vector.shape_cast %broadcast_in_dim3A_1056 : vector<16x1xi32> to vector<16xi32>
      %gather3A_1058 = tpu.dynamic_gather %max3A_1042[%gather3A_1057] in [0] : vector<16xf32>, vector<16xi32> -> vector<16xf32>
      %max3A_1059 = arith.maximumf %max3A_1042, %gather3A_1058 : vector<16xf32>
      %add3A_1060 = arith.constant 1 : i32
      %add3A_1061 = vector.broadcast %add3A_1060 : i32 to vector<16xi32>
      %add3A_1062 = arith.addi %iota3A, %add3A_1061 : vector<16xi32>
      %and3A_1063 = arith.constant 15 : i32
      %and3A_1064 = vector.broadcast %and3A_1063 : i32 to vector<16xi32>
      %and3A_1065 = arith.andi %add3A_1062, %and3A_1064 : vector<16xi32>
      %lt3A_1066 = arith.constant 0 : i32
      %lt3A_1067 = vector.broadcast %lt3A_1066 : i32 to vector<16xi32>
      %lt3A_1068 = arith.cmpi slt, %and3A_1065, %lt3A_1067 : vector<16xi32>
      %add3A_1069 = arith.constant 16 : i32
      %add3A_1070 = vector.broadcast %add3A_1069 : i32 to vector<16xi32>
      %add3A_1071 = arith.addi %and3A_1065, %add3A_1070 : vector<16xi32>
      %select_n3A_1072 = arith.select %lt3A_1068, %add3A_1071, %and3A_1065 : vector<16xi1>, vector<16xi32>
      %broadcast_in_dim3A_1073 = vector.shape_cast %select_n3A_1072 : vector<16xi32> to vector<16x1xi32>
      %gather3A_1074 = vector.shape_cast %broadcast_in_dim3A_1073 : vector<16x1xi32> to vector<16xi32>
      %gather3A_1075 = tpu.dynamic_gather %max3A_1059[%gather3A_1074] in [0] : vector<16xf32>, vector<16xi32> -> vector<16xf32>
      %max3A_1076 = arith.maximumf %max3A_1059, %gather3A_1075 : vector<16xf32>
      %eq3A_1077 = arith.constant 13 : i32
      %eq3A_1078 = vector.broadcast %eq3A_1077 : i32 to vector<16xi32>
      %eq3A_1079 = arith.cmpi eq, %iota3A, %eq3A_1078 : vector<16xi32>
      %select_n3A_1080 = arith.select %eq3A_1079, %max3A_1076, %select_n3A_1006 : vector<16xi1>, vector<16xf32>
      %get3A_1081 = arith.constant 224 : index
      %get3A_1082 = tpu.vector_load %arg9[%get3A_1081] {strides = array<i32>} : memref<1024xf32, #tpu.memory_space<vmem>>, vector<16xf32>,
      %add3A_1083 = arith.constant 8 : i32
      %add3A_1084 = vector.broadcast %add3A_1083 : i32 to vector<16xi32>
      %add3A_1085 = arith.addi %iota3A, %add3A_1084 : vector<16xi32>
      %and3A_1086 = arith.constant 15 : i32
      %and3A_1087 = vector.broadcast %and3A_1086 : i32 to vector<16xi32>
      %and3A_1088 = arith.andi %add3A_1085, %and3A_1087 : vector<16xi32>
      %lt3A_1089 = arith.constant 0 : i32
      %lt3A_1090 = vector.broadcast %lt3A_1089 : i32 to vector<16xi32>
      %lt3A_1091 = arith.cmpi slt, %and3A_1088, %lt3A_1090 : vector<16xi32>
      %add3A_1092 = arith.constant 16 : i32
      %add3A_1093 = vector.broadcast %add3A_1092 : i32 to vector<16xi32>
      %add3A_1094 = arith.addi %and3A_1088, %add3A_1093 : vector<16xi32>
      %select_n3A_1095 = arith.select %lt3A_1091, %add3A_1094, %and3A_1088 : vector<16xi1>, vector<16xi32>
      %broadcast_in_dim3A_1096 = vector.shape_cast %select_n3A_1095 : vector<16xi32> to vector<16x1xi32>
      %gather3A_1097 = vector.shape_cast %broadcast_in_dim3A_1096 : vector<16x1xi32> to vector<16xi32>
      %gather3A_1098 = tpu.dynamic_gather %get3A_1082[%gather3A_1097] in [0] : vector<16xf32>, vector<16xi32> -> vector<16xf32>
      %max3A_1099 = arith.maximumf %get3A_1082, %gather3A_1098 : vector<16xf32>
      %add3A_1100 = arith.constant 4 : i32
      %add3A_1101 = vector.broadcast %add3A_1100 : i32 to vector<16xi32>
      %add3A_1102 = arith.addi %iota3A, %add3A_1101 : vector<16xi32>
      %and3A_1103 = arith.constant 15 : i32
      %and3A_1104 = vector.broadcast %and3A_1103 : i32 to vector<16xi32>
      %and3A_1105 = arith.andi %add3A_1102, %and3A_1104 : vector<16xi32>
      %lt3A_1106 = arith.constant 0 : i32
      %lt3A_1107 = vector.broadcast %lt3A_1106 : i32 to vector<16xi32>
      %lt3A_1108 = arith.cmpi slt, %and3A_1105, %lt3A_1107 : vector<16xi32>
      %add3A_1109 = arith.constant 16 : i32
      %add3A_1110 = vector.broadcast %add3A_1109 : i32 to vector<16xi32>
      %add3A_1111 = arith.addi %and3A_1105, %add3A_1110 : vector<16xi32>
      %select_n3A_1112 = arith.select %lt3A_1108, %add3A_1111, %and3A_1105 : vector<16xi1>, vector<16xi32>
      %broadcast_in_dim3A_1113 = vector.shape_cast %select_n3A_1112 : vector<16xi32> to vector<16x1xi32>
      %gather3A_1114 = vector.shape_cast %broadcast_in_dim3A_1113 : vector<16x1xi32> to vector<16xi32>
      %gather3A_1115 = tpu.dynamic_gather %max3A_1099[%gather3A_1114] in [0] : vector<16xf32>, vector<16xi32> -> vector<16xf32>
      %max3A_1116 = arith.maximumf %max3A_1099, %gather3A_1115 : vector<16xf32>
      %add3A_1117 = arith.constant 2 : i32
      %add3A_1118 = vector.broadcast %add3A_1117 : i32 to vector<16xi32>
      %add3A_1119 = arith.addi %iota3A, %add3A_1118 : vector<16xi32>
      %and3A_1120 = arith.constant 15 : i32
      %and3A_1121 = vector.broadcast %and3A_1120 : i32 to vector<16xi32>
      %and3A_1122 = arith.andi %add3A_1119, %and3A_1121 : vector<16xi32>
      %lt3A_1123 = arith.constant 0 : i32
      %lt3A_1124 = vector.broadcast %lt3A_1123 : i32 to vector<16xi32>
      %lt3A_1125 = arith.cmpi slt, %and3A_1122, %lt3A_1124 : vector<16xi32>
      %add3A_1126 = arith.constant 16 : i32
      %add3A_1127 = vector.broadcast %add3A_1126 : i32 to vector<16xi32>
      %add3A_1128 = arith.addi %and3A_1122, %add3A_1127 : vector<16xi32>
      %select_n3A_1129 = arith.select %lt3A_1125, %add3A_1128, %and3A_1122 : vector<16xi1>, vector<16xi32>
      %broadcast_in_dim3A_1130 = vector.shape_cast %select_n3A_1129 : vector<16xi32> to vector<16x1xi32>
      %gather3A_1131 = vector.shape_cast %broadcast_in_dim3A_1130 : vector<16x1xi32> to vector<16xi32>
      %gather3A_1132 = tpu.dynamic_gather %max3A_1116[%gather3A_1131] in [0] : vector<16xf32>, vector<16xi32> -> vector<16xf32>
      %max3A_1133 = arith.maximumf %max3A_1116, %gather3A_1132 : vector<16xf32>
      %add3A_1134 = arith.constant 1 : i32
      %add3A_1135 = vector.broadcast %add3A_1134 : i32 to vector<16xi32>
      %add3A_1136 = arith.addi %iota3A, %add3A_1135 : vector<16xi32>
      %and3A_1137 = arith.constant 15 : i32
      %and3A_1138 = vector.broadcast %and3A_1137 : i32 to vector<16xi32>
      %and3A_1139 = arith.andi %add3A_1136, %and3A_1138 : vector<16xi32>
      %lt3A_1140 = arith.constant 0 : i32
      %lt3A_1141 = vector.broadcast %lt3A_1140 : i32 to vector<16xi32>
      %lt3A_1142 = arith.cmpi slt, %and3A_1139, %lt3A_1141 : vector<16xi32>
      %add3A_1143 = arith.constant 16 : i32
      %add3A_1144 = vector.broadcast %add3A_1143 : i32 to vector<16xi32>
      %add3A_1145 = arith.addi %and3A_1139, %add3A_1144 : vector<16xi32>
      %select_n3A_1146 = arith.select %lt3A_1142, %add3A_1145, %and3A_1139 : vector<16xi1>, vector<16xi32>
      %broadcast_in_dim3A_1147 = vector.shape_cast %select_n3A_1146 : vector<16xi32> to vector<16x1xi32>
      %gather3A_1148 = vector.shape_cast %broadcast_in_dim3A_1147 : vector<16x1xi32> to vector<16xi32>
      %gather3A_1149 = tpu.dynamic_gather %max3A_1133[%gather3A_1148] in [0] : vector<16xf32>, vector<16xi32> -> vector<16xf32>
      %max3A_1150 = arith.maximumf %max3A_1133, %gather3A_1149 : vector<16xf32>
      %eq3A_1151 = arith.constant 14 : i32
      %eq3A_1152 = vector.broadcast %eq3A_1151 : i32 to vector<16xi32>
      %eq3A_1153 = arith.cmpi eq, %iota3A, %eq3A_1152 : vector<16xi32>
      %select_n3A_1154 = arith.select %eq3A_1153, %max3A_1150, %select_n3A_1080 : vector<16xi1>, vector<16xf32>
      %get3A_1155 = arith.constant 240 : index
      %get3A_1156 = tpu.vector_load %arg9[%get3A_1155] {strides = array<i32>} : memref<1024xf32, #tpu.memory_space<vmem>>, vector<16xf32>,
      %add3A_1157 = arith.constant 8 : i32
      %add3A_1158 = vector.broadcast %add3A_1157 : i32 to vector<16xi32>
      %add3A_1159 = arith.addi %iota3A, %add3A_1158 : vector<16xi32>
      %and3A_1160 = arith.constant 15 : i32
      %and3A_1161 = vector.broadcast %and3A_1160 : i32 to vector<16xi32>
      %and3A_1162 = arith.andi %add3A_1159, %and3A_1161 : vector<16xi32>
      %lt3A_1163 = arith.constant 0 : i32
      %lt3A_1164 = vector.broadcast %lt3A_1163 : i32 to vector<16xi32>
      %lt3A_1165 = arith.cmpi slt, %and3A_1162, %lt3A_1164 : vector<16xi32>
      %add3A_1166 = arith.constant 16 : i32
      %add3A_1167 = vector.broadcast %add3A_1166 : i32 to vector<16xi32>
      %add3A_1168 = arith.addi %and3A_1162, %add3A_1167 : vector<16xi32>
      %select_n3A_1169 = arith.select %lt3A_1165, %add3A_1168, %and3A_1162 : vector<16xi1>, vector<16xi32>
      %broadcast_in_dim3A_1170 = vector.shape_cast %select_n3A_1169 : vector<16xi32> to vector<16x1xi32>
      %gather3A_1171 = vector.shape_cast %broadcast_in_dim3A_1170 : vector<16x1xi32> to vector<16xi32>
      %gather3A_1172 = tpu.dynamic_gather %get3A_1156[%gather3A_1171] in [0] : vector<16xf32>, vector<16xi32> -> vector<16xf32>
      %max3A_1173 = arith.maximumf %get3A_1156, %gather3A_1172 : vector<16xf32>
      %add3A_1174 = arith.constant 4 : i32
      %add3A_1175 = vector.broadcast %add3A_1174 : i32 to vector<16xi32>
      %add3A_1176 = arith.addi %iota3A, %add3A_1175 : vector<16xi32>
      %and3A_1177 = arith.constant 15 : i32
      %and3A_1178 = vector.broadcast %and3A_1177 : i32 to vector<16xi32>
      %and3A_1179 = arith.andi %add3A_1176, %and3A_1178 : vector<16xi32>
      %lt3A_1180 = arith.constant 0 : i32
      %lt3A_1181 = vector.broadcast %lt3A_1180 : i32 to vector<16xi32>
      %lt3A_1182 = arith.cmpi slt, %and3A_1179, %lt3A_1181 : vector<16xi32>
      %add3A_1183 = arith.constant 16 : i32
      %add3A_1184 = vector.broadcast %add3A_1183 : i32 to vector<16xi32>
      %add3A_1185 = arith.addi %and3A_1179, %add3A_1184 : vector<16xi32>
      %select_n3A_1186 = arith.select %lt3A_1182, %add3A_1185, %and3A_1179 : vector<16xi1>, vector<16xi32>
      %broadcast_in_dim3A_1187 = vector.shape_cast %select_n3A_1186 : vector<16xi32> to vector<16x1xi32>
      %gather3A_1188 = vector.shape_cast %broadcast_in_dim3A_1187 : vector<16x1xi32> to vector<16xi32>
      %gather3A_1189 = tpu.dynamic_gather %max3A_1173[%gather3A_1188] in [0] : vector<16xf32>, vector<16xi32> -> vector<16xf32>
      %max3A_1190 = arith.maximumf %max3A_1173, %gather3A_1189 : vector<16xf32>
      %add3A_1191 = arith.constant 2 : i32
      %add3A_1192 = vector.broadcast %add3A_1191 : i32 to vector<16xi32>
      %add3A_1193 = arith.addi %iota3A, %add3A_1192 : vector<16xi32>
      %and3A_1194 = arith.constant 15 : i32
      %and3A_1195 = vector.broadcast %and3A_1194 : i32 to vector<16xi32>
      %and3A_1196 = arith.andi %add3A_1193, %and3A_1195 : vector<16xi32>
      %lt3A_1197 = arith.constant 0 : i32
      %lt3A_1198 = vector.broadcast %lt3A_1197 : i32 to vector<16xi32>
      %lt3A_1199 = arith.cmpi slt, %and3A_1196, %lt3A_1198 : vector<16xi32>
      %add3A_1200 = arith.constant 16 : i32
      %add3A_1201 = vector.broadcast %add3A_1200 : i32 to vector<16xi32>
      %add3A_1202 = arith.addi %and3A_1196, %add3A_1201 : vector<16xi32>
      %select_n3A_1203 = arith.select %lt3A_1199, %add3A_1202, %and3A_1196 : vector<16xi1>, vector<16xi32>
      %broadcast_in_dim3A_1204 = vector.shape_cast %select_n3A_1203 : vector<16xi32> to vector<16x1xi32>
      %gather3A_1205 = vector.shape_cast %broadcast_in_dim3A_1204 : vector<16x1xi32> to vector<16xi32>
      %gather3A_1206 = tpu.dynamic_gather %max3A_1190[%gather3A_1205] in [0] : vector<16xf32>, vector<16xi32> -> vector<16xf32>
      %max3A_1207 = arith.maximumf %max3A_1190, %gather3A_1206 : vector<16xf32>
      %add3A_1208 = arith.constant 1 : i32
      %add3A_1209 = vector.broadcast %add3A_1208 : i32 to vector<16xi32>
      %add3A_1210 = arith.addi %iota3A, %add3A_1209 : vector<16xi32>
      %and3A_1211 = arith.constant 15 : i32
      %and3A_1212 = vector.broadcast %and3A_1211 : i32 to vector<16xi32>
      %and3A_1213 = arith.andi %add3A_1210, %and3A_1212 : vector<16xi32>
      %lt3A_1214 = arith.constant 0 : i32
      %lt3A_1215 = vector.broadcast %lt3A_1214 : i32 to vector<16xi32>
      %lt3A_1216 = arith.cmpi slt, %and3A_1213, %lt3A_1215 : vector<16xi32>
      %add3A_1217 = arith.constant 16 : i32
      %add3A_1218 = vector.broadcast %add3A_1217 : i32 to vector<16xi32>
      %add3A_1219 = arith.addi %and3A_1213, %add3A_1218 : vector<16xi32>
      %select_n3A_1220 = arith.select %lt3A_1216, %add3A_1219, %and3A_1213 : vector<16xi1>, vector<16xi32>
      %broadcast_in_dim3A_1221 = vector.shape_cast %select_n3A_1220 : vector<16xi32> to vector<16x1xi32>
      %gather3A_1222 = vector.shape_cast %broadcast_in_dim3A_1221 : vector<16x1xi32> to vector<16xi32>
      %gather3A_1223 = tpu.dynamic_gather %max3A_1207[%gather3A_1222] in [0] : vector<16xf32>, vector<16xi32> -> vector<16xf32>
      %max3A_1224 = arith.maximumf %max3A_1207, %gather3A_1223 : vector<16xf32>
      %eq3A_1225 = arith.constant 15 : i32
      %eq3A_1226 = vector.broadcast %eq3A_1225 : i32 to vector<16xi32>
      %eq3A_1227 = arith.cmpi eq, %iota3A, %eq3A_1226 : vector<16xi32>
      %select_n3A_1228 = arith.select %eq3A_1227, %max3A_1224, %select_n3A_1154 : vector<16xi1>, vector<16xf32>
      %broadcast_in_dim3A_1229 = arith.constant 0xFF800000 : f32
      %broadcast_in_dim3A_1230 = vector.broadcast %broadcast_in_dim3A_1229 : f32 to vector<16xf32>
      %get3A_1231 = arith.constant 256 : index
      %get3A_1232 = tpu.vector_load %arg9[%get3A_1231] {strides = array<i32>} : memref<1024xf32, #tpu.memory_space<vmem>>, vector<16xf32>,
      %add3A_1233 = arith.constant 8 : i32
      %add3A_1234 = vector.broadcast %add3A_1233 : i32 to vector<16xi32>
      %add3A_1235 = arith.addi %iota3A, %add3A_1234 : vector<16xi32>
      %and3A_1236 = arith.constant 15 : i32
      %and3A_1237 = vector.broadcast %and3A_1236 : i32 to vector<16xi32>
      %and3A_1238 = arith.andi %add3A_1235, %and3A_1237 : vector<16xi32>
      %lt3A_1239 = arith.constant 0 : i32
      %lt3A_1240 = vector.broadcast %lt3A_1239 : i32 to vector<16xi32>
      %lt3A_1241 = arith.cmpi slt, %and3A_1238, %lt3A_1240 : vector<16xi32>
      %add3A_1242 = arith.constant 16 : i32
      %add3A_1243 = vector.broadcast %add3A_1242 : i32 to vector<16xi32>
      %add3A_1244 = arith.addi %and3A_1238, %add3A_1243 : vector<16xi32>
      %select_n3A_1245 = arith.select %lt3A_1241, %add3A_1244, %and3A_1238 : vector<16xi1>, vector<16xi32>
      %broadcast_in_dim3A_1246 = vector.shape_cast %select_n3A_1245 : vector<16xi32> to vector<16x1xi32>
      %gather3A_1247 = vector.shape_cast %broadcast_in_dim3A_1246 : vector<16x1xi32> to vector<16xi32>
      %gather3A_1248 = tpu.dynamic_gather %get3A_1232[%gather3A_1247] in [0] : vector<16xf32>, vector<16xi32> -> vector<16xf32>
      %max3A_1249 = arith.maximumf %get3A_1232, %gather3A_1248 : vector<16xf32>
      %add3A_1250 = arith.constant 4 : i32
      %add3A_1251 = vector.broadcast %add3A_1250 : i32 to vector<16xi32>
      %add3A_1252 = arith.addi %iota3A, %add3A_1251 : vector<16xi32>
      %and3A_1253 = arith.constant 15 : i32
      %and3A_1254 = vector.broadcast %and3A_1253 : i32 to vector<16xi32>
      %and3A_1255 = arith.andi %add3A_1252, %and3A_1254 : vector<16xi32>
      %lt3A_1256 = arith.constant 0 : i32
      %lt3A_1257 = vector.broadcast %lt3A_1256 : i32 to vector<16xi32>
      %lt3A_1258 = arith.cmpi slt, %and3A_1255, %lt3A_1257 : vector<16xi32>
      %add3A_1259 = arith.constant 16 : i32
      %add3A_1260 = vector.broadcast %add3A_1259 : i32 to vector<16xi32>
      %add3A_1261 = arith.addi %and3A_1255, %add3A_1260 : vector<16xi32>
      %select_n3A_1262 = arith.select %lt3A_1258, %add3A_1261, %and3A_1255 : vector<16xi1>, vector<16xi32>
      %broadcast_in_dim3A_1263 = vector.shape_cast %select_n3A_1262 : vector<16xi32> to vector<16x1xi32>
      %gather3A_1264 = vector.shape_cast %broadcast_in_dim3A_1263 : vector<16x1xi32> to vector<16xi32>
      %gather3A_1265 = tpu.dynamic_gather %max3A_1249[%gather3A_1264] in [0] : vector<16xf32>, vector<16xi32> -> vector<16xf32>
      %max3A_1266 = arith.maximumf %max3A_1249, %gather3A_1265 : vector<16xf32>
      %add3A_1267 = arith.constant 2 : i32
      %add3A_1268 = vector.broadcast %add3A_1267 : i32 to vector<16xi32>
      %add3A_1269 = arith.addi %iota3A, %add3A_1268 : vector<16xi32>
      %and3A_1270 = arith.constant 15 : i32
      %and3A_1271 = vector.broadcast %and3A_1270 : i32 to vector<16xi32>
      %and3A_1272 = arith.andi %add3A_1269, %and3A_1271 : vector<16xi32>
      %lt3A_1273 = arith.constant 0 : i32
      %lt3A_1274 = vector.broadcast %lt3A_1273 : i32 to vector<16xi32>
      %lt3A_1275 = arith.cmpi slt, %and3A_1272, %lt3A_1274 : vector<16xi32>
      %add3A_1276 = arith.constant 16 : i32
      %add3A_1277 = vector.broadcast %add3A_1276 : i32 to vector<16xi32>
      %add3A_1278 = arith.addi %and3A_1272, %add3A_1277 : vector<16xi32>
      %select_n3A_1279 = arith.select %lt3A_1275, %add3A_1278, %and3A_1272 : vector<16xi1>, vector<16xi32>
      %broadcast_in_dim3A_1280 = vector.shape_cast %select_n3A_1279 : vector<16xi32> to vector<16x1xi32>
      %gather3A_1281 = vector.shape_cast %broadcast_in_dim3A_1280 : vector<16x1xi32> to vector<16xi32>
      %gather3A_1282 = tpu.dynamic_gather %max3A_1266[%gather3A_1281] in [0] : vector<16xf32>, vector<16xi32> -> vector<16xf32>
      %max3A_1283 = arith.maximumf %max3A_1266, %gather3A_1282 : vector<16xf32>
      %add3A_1284 = arith.constant 1 : i32
      %add3A_1285 = vector.broadcast %add3A_1284 : i32 to vector<16xi32>
      %add3A_1286 = arith.addi %iota3A, %add3A_1285 : vector<16xi32>
      %and3A_1287 = arith.constant 15 : i32
      %and3A_1288 = vector.broadcast %and3A_1287 : i32 to vector<16xi32>
      %and3A_1289 = arith.andi %add3A_1286, %and3A_1288 : vector<16xi32>
      %lt3A_1290 = arith.constant 0 : i32
      %lt3A_1291 = vector.broadcast %lt3A_1290 : i32 to vector<16xi32>
      %lt3A_1292 = arith.cmpi slt, %and3A_1289, %lt3A_1291 : vector<16xi32>
      %add3A_1293 = arith.constant 16 : i32
      %add3A_1294 = vector.broadcast %add3A_1293 : i32 to vector<16xi32>
      %add3A_1295 = arith.addi %and3A_1289, %add3A_1294 : vector<16xi32>
      %select_n3A_1296 = arith.select %lt3A_1292, %add3A_1295, %and3A_1289 : vector<16xi1>, vector<16xi32>
      %broadcast_in_dim3A_1297 = vector.shape_cast %select_n3A_1296 : vector<16xi32> to vector<16x1xi32>
      %gather3A_1298 = vector.shape_cast %broadcast_in_dim3A_1297 : vector<16x1xi32> to vector<16xi32>
      %gather3A_1299 = tpu.dynamic_gather %max3A_1283[%gather3A_1298] in [0] : vector<16xf32>, vector<16xi32> -> vector<16xf32>
      %max3A_1300 = arith.maximumf %max3A_1283, %gather3A_1299 : vector<16xf32>
      %eq3A_1301 = arith.constant 0 : i32
      %eq3A_1302 = vector.broadcast %eq3A_1301 : i32 to vector<16xi32>
      %eq3A_1303 = arith.cmpi eq, %iota3A, %eq3A_1302 : vector<16xi32>
      %select_n3A_1304 = arith.select %eq3A_1303, %max3A_1300, %broadcast_in_dim3A_1230 : vector<16xi1>, vector<16xf32>
      %get3A_1305 = arith.constant 272 : index
      %get3A_1306 = tpu.vector_load %arg9[%get3A_1305] {strides = array<i32>} : memref<1024xf32, #tpu.memory_space<vmem>>, vector<16xf32>,
      %add3A_1307 = arith.constant 8 : i32
      %add3A_1308 = vector.broadcast %add3A_1307 : i32 to vector<16xi32>
      %add3A_1309 = arith.addi %iota3A, %add3A_1308 : vector<16xi32>
      %and3A_1310 = arith.constant 15 : i32
      %and3A_1311 = vector.broadcast %and3A_1310 : i32 to vector<16xi32>
      %and3A_1312 = arith.andi %add3A_1309, %and3A_1311 : vector<16xi32>
      %lt3A_1313 = arith.constant 0 : i32
      %lt3A_1314 = vector.broadcast %lt3A_1313 : i32 to vector<16xi32>
      %lt3A_1315 = arith.cmpi slt, %and3A_1312, %lt3A_1314 : vector<16xi32>
      %add3A_1316 = arith.constant 16 : i32
      %add3A_1317 = vector.broadcast %add3A_1316 : i32 to vector<16xi32>
      %add3A_1318 = arith.addi %and3A_1312, %add3A_1317 : vector<16xi32>
      %select_n3A_1319 = arith.select %lt3A_1315, %add3A_1318, %and3A_1312 : vector<16xi1>, vector<16xi32>
      %broadcast_in_dim3A_1320 = vector.shape_cast %select_n3A_1319 : vector<16xi32> to vector<16x1xi32>
      %gather3A_1321 = vector.shape_cast %broadcast_in_dim3A_1320 : vector<16x1xi32> to vector<16xi32>
      %gather3A_1322 = tpu.dynamic_gather %get3A_1306[%gather3A_1321] in [0] : vector<16xf32>, vector<16xi32> -> vector<16xf32>
      %max3A_1323 = arith.maximumf %get3A_1306, %gather3A_1322 : vector<16xf32>
      %add3A_1324 = arith.constant 4 : i32
      %add3A_1325 = vector.broadcast %add3A_1324 : i32 to vector<16xi32>
      %add3A_1326 = arith.addi %iota3A, %add3A_1325 : vector<16xi32>
      %and3A_1327 = arith.constant 15 : i32
      %and3A_1328 = vector.broadcast %and3A_1327 : i32 to vector<16xi32>
      %and3A_1329 = arith.andi %add3A_1326, %and3A_1328 : vector<16xi32>
      %lt3A_1330 = arith.constant 0 : i32
      %lt3A_1331 = vector.broadcast %lt3A_1330 : i32 to vector<16xi32>
      %lt3A_1332 = arith.cmpi slt, %and3A_1329, %lt3A_1331 : vector<16xi32>
      %add3A_1333 = arith.constant 16 : i32
      %add3A_1334 = vector.broadcast %add3A_1333 : i32 to vector<16xi32>
      %add3A_1335 = arith.addi %and3A_1329, %add3A_1334 : vector<16xi32>
      %select_n3A_1336 = arith.select %lt3A_1332, %add3A_1335, %and3A_1329 : vector<16xi1>, vector<16xi32>
      %broadcast_in_dim3A_1337 = vector.shape_cast %select_n3A_1336 : vector<16xi32> to vector<16x1xi32>
      %gather3A_1338 = vector.shape_cast %broadcast_in_dim3A_1337 : vector<16x1xi32> to vector<16xi32>
      %gather3A_1339 = tpu.dynamic_gather %max3A_1323[%gather3A_1338] in [0] : vector<16xf32>, vector<16xi32> -> vector<16xf32>
      %max3A_1340 = arith.maximumf %max3A_1323, %gather3A_1339 : vector<16xf32>
      %add3A_1341 = arith.constant 2 : i32
      %add3A_1342 = vector.broadcast %add3A_1341 : i32 to vector<16xi32>
      %add3A_1343 = arith.addi %iota3A, %add3A_1342 : vector<16xi32>
      %and3A_1344 = arith.constant 15 : i32
      %and3A_1345 = vector.broadcast %and3A_1344 : i32 to vector<16xi32>
      %and3A_1346 = arith.andi %add3A_1343, %and3A_1345 : vector<16xi32>
      %lt3A_1347 = arith.constant 0 : i32
      %lt3A_1348 = vector.broadcast %lt3A_1347 : i32 to vector<16xi32>
      %lt3A_1349 = arith.cmpi slt, %and3A_1346, %lt3A_1348 : vector<16xi32>
      %add3A_1350 = arith.constant 16 : i32
      %add3A_1351 = vector.broadcast %add3A_1350 : i32 to vector<16xi32>
      %add3A_1352 = arith.addi %and3A_1346, %add3A_1351 : vector<16xi32>
      %select_n3A_1353 = arith.select %lt3A_1349, %add3A_1352, %and3A_1346 : vector<16xi1>, vector<16xi32>
      %broadcast_in_dim3A_1354 = vector.shape_cast %select_n3A_1353 : vector<16xi32> to vector<16x1xi32>
      %gather3A_1355 = vector.shape_cast %broadcast_in_dim3A_1354 : vector<16x1xi32> to vector<16xi32>
      %gather3A_1356 = tpu.dynamic_gather %max3A_1340[%gather3A_1355] in [0] : vector<16xf32>, vector<16xi32> -> vector<16xf32>
      %max3A_1357 = arith.maximumf %max3A_1340, %gather3A_1356 : vector<16xf32>
      %add3A_1358 = arith.constant 1 : i32
      %add3A_1359 = vector.broadcast %add3A_1358 : i32 to vector<16xi32>
      %add3A_1360 = arith.addi %iota3A, %add3A_1359 : vector<16xi32>
      %and3A_1361 = arith.constant 15 : i32
      %and3A_1362 = vector.broadcast %and3A_1361 : i32 to vector<16xi32>
      %and3A_1363 = arith.andi %add3A_1360, %and3A_1362 : vector<16xi32>
      %lt3A_1364 = arith.constant 0 : i32
      %lt3A_1365 = vector.broadcast %lt3A_1364 : i32 to vector<16xi32>
      %lt3A_1366 = arith.cmpi slt, %and3A_1363, %lt3A_1365 : vector<16xi32>
      %add3A_1367 = arith.constant 16 : i32
      %add3A_1368 = vector.broadcast %add3A_1367 : i32 to vector<16xi32>
      %add3A_1369 = arith.addi %and3A_1363, %add3A_1368 : vector<16xi32>
      %select_n3A_1370 = arith.select %lt3A_1366, %add3A_1369, %and3A_1363 : vector<16xi1>, vector<16xi32>
      %broadcast_in_dim3A_1371 = vector.shape_cast %select_n3A_1370 : vector<16xi32> to vector<16x1xi32>
      %gather3A_1372 = vector.shape_cast %broadcast_in_dim3A_1371 : vector<16x1xi32> to vector<16xi32>
      %gather3A_1373 = tpu.dynamic_gather %max3A_1357[%gather3A_1372] in [0] : vector<16xf32>, vector<16xi32> -> vector<16xf32>
      %max3A_1374 = arith.maximumf %max3A_1357, %gather3A_1373 : vector<16xf32>
      %eq3A_1375 = arith.constant 1 : i32
      %eq3A_1376 = vector.broadcast %eq3A_1375 : i32 to vector<16xi32>
      %eq3A_1377 = arith.cmpi eq, %iota3A, %eq3A_1376 : vector<16xi32>
      %select_n3A_1378 = arith.select %eq3A_1377, %max3A_1374, %select_n3A_1304 : vector<16xi1>, vector<16xf32>
      %get3A_1379 = arith.constant 288 : index
      %get3A_1380 = tpu.vector_load %arg9[%get3A_1379] {strides = array<i32>} : memref<1024xf32, #tpu.memory_space<vmem>>, vector<16xf32>,
      %add3A_1381 = arith.constant 8 : i32
      %add3A_1382 = vector.broadcast %add3A_1381 : i32 to vector<16xi32>
      %add3A_1383 = arith.addi %iota3A, %add3A_1382 : vector<16xi32>
      %and3A_1384 = arith.constant 15 : i32
      %and3A_1385 = vector.broadcast %and3A_1384 : i32 to vector<16xi32>
      %and3A_1386 = arith.andi %add3A_1383, %and3A_1385 : vector<16xi32>
      %lt3A_1387 = arith.constant 0 : i32
      %lt3A_1388 = vector.broadcast %lt3A_1387 : i32 to vector<16xi32>
      %lt3A_1389 = arith.cmpi slt, %and3A_1386, %lt3A_1388 : vector<16xi32>
      %add3A_1390 = arith.constant 16 : i32
      %add3A_1391 = vector.broadcast %add3A_1390 : i32 to vector<16xi32>
      %add3A_1392 = arith.addi %and3A_1386, %add3A_1391 : vector<16xi32>
      %select_n3A_1393 = arith.select %lt3A_1389, %add3A_1392, %and3A_1386 : vector<16xi1>, vector<16xi32>
      %broadcast_in_dim3A_1394 = vector.shape_cast %select_n3A_1393 : vector<16xi32> to vector<16x1xi32>
      %gather3A_1395 = vector.shape_cast %broadcast_in_dim3A_1394 : vector<16x1xi32> to vector<16xi32>
      %gather3A_1396 = tpu.dynamic_gather %get3A_1380[%gather3A_1395] in [0] : vector<16xf32>, vector<16xi32> -> vector<16xf32>
      %max3A_1397 = arith.maximumf %get3A_1380, %gather3A_1396 : vector<16xf32>
      %add3A_1398 = arith.constant 4 : i32
      %add3A_1399 = vector.broadcast %add3A_1398 : i32 to vector<16xi32>
      %add3A_1400 = arith.addi %iota3A, %add3A_1399 : vector<16xi32>
      %and3A_1401 = arith.constant 15 : i32
      %and3A_1402 = vector.broadcast %and3A_1401 : i32 to vector<16xi32>
      %and3A_1403 = arith.andi %add3A_1400, %and3A_1402 : vector<16xi32>
      %lt3A_1404 = arith.constant 0 : i32
      %lt3A_1405 = vector.broadcast %lt3A_1404 : i32 to vector<16xi32>
      %lt3A_1406 = arith.cmpi slt, %and3A_1403, %lt3A_1405 : vector<16xi32>
      %add3A_1407 = arith.constant 16 : i32
      %add3A_1408 = vector.broadcast %add3A_1407 : i32 to vector<16xi32>
      %add3A_1409 = arith.addi %and3A_1403, %add3A_1408 : vector<16xi32>
      %select_n3A_1410 = arith.select %lt3A_1406, %add3A_1409, %and3A_1403 : vector<16xi1>, vector<16xi32>
      %broadcast_in_dim3A_1411 = vector.shape_cast %select_n3A_1410 : vector<16xi32> to vector<16x1xi32>
      %gather3A_1412 = vector.shape_cast %broadcast_in_dim3A_1411 : vector<16x1xi32> to vector<16xi32>
      %gather3A_1413 = tpu.dynamic_gather %max3A_1397[%gather3A_1412] in [0] : vector<16xf32>, vector<16xi32> -> vector<16xf32>
      %max3A_1414 = arith.maximumf %max3A_1397, %gather3A_1413 : vector<16xf32>
      %add3A_1415 = arith.constant 2 : i32
      %add3A_1416 = vector.broadcast %add3A_1415 : i32 to vector<16xi32>
      %add3A_1417 = arith.addi %iota3A, %add3A_1416 : vector<16xi32>
      %and3A_1418 = arith.constant 15 : i32
      %and3A_1419 = vector.broadcast %and3A_1418 : i32 to vector<16xi32>
      %and3A_1420 = arith.andi %add3A_1417, %and3A_1419 : vector<16xi32>
      %lt3A_1421 = arith.constant 0 : i32
      %lt3A_1422 = vector.broadcast %lt3A_1421 : i32 to vector<16xi32>
      %lt3A_1423 = arith.cmpi slt, %and3A_1420, %lt3A_1422 : vector<16xi32>
      %add3A_1424 = arith.constant 16 : i32
      %add3A_1425 = vector.broadcast %add3A_1424 : i32 to vector<16xi32>
      %add3A_1426 = arith.addi %and3A_1420, %add3A_1425 : vector<16xi32>
      %select_n3A_1427 = arith.select %lt3A_1423, %add3A_1426, %and3A_1420 : vector<16xi1>, vector<16xi32>
      %broadcast_in_dim3A_1428 = vector.shape_cast %select_n3A_1427 : vector<16xi32> to vector<16x1xi32>
      %gather3A_1429 = vector.shape_cast %broadcast_in_dim3A_1428 : vector<16x1xi32> to vector<16xi32>
      %gather3A_1430 = tpu.dynamic_gather %max3A_1414[%gather3A_1429] in [0] : vector<16xf32>, vector<16xi32> -> vector<16xf32>
      %max3A_1431 = arith.maximumf %max3A_1414, %gather3A_1430 : vector<16xf32>
      %add3A_1432 = arith.constant 1 : i32
      %add3A_1433 = vector.broadcast %add3A_1432 : i32 to vector<16xi32>
      %add3A_1434 = arith.addi %iota3A, %add3A_1433 : vector<16xi32>
      %and3A_1435 = arith.constant 15 : i32
      %and3A_1436 = vector.broadcast %and3A_1435 : i32 to vector<16xi32>
      %and3A_1437 = arith.andi %add3A_1434, %and3A_1436 : vector<16xi32>
      %lt3A_1438 = arith.constant 0 : i32
      %lt3A_1439 = vector.broadcast %lt3A_1438 : i32 to vector<16xi32>
      %lt3A_1440 = arith.cmpi slt, %and3A_1437, %lt3A_1439 : vector<16xi32>
      %add3A_1441 = arith.constant 16 : i32
      %add3A_1442 = vector.broadcast %add3A_1441 : i32 to vector<16xi32>
      %add3A_1443 = arith.addi %and3A_1437, %add3A_1442 : vector<16xi32>
      %select_n3A_1444 = arith.select %lt3A_1440, %add3A_1443, %and3A_1437 : vector<16xi1>, vector<16xi32>
      %broadcast_in_dim3A_1445 = vector.shape_cast %select_n3A_1444 : vector<16xi32> to vector<16x1xi32>
      %gather3A_1446 = vector.shape_cast %broadcast_in_dim3A_1445 : vector<16x1xi32> to vector<16xi32>
      %gather3A_1447 = tpu.dynamic_gather %max3A_1431[%gather3A_1446] in [0] : vector<16xf32>, vector<16xi32> -> vector<16xf32>
      %max3A_1448 = arith.maximumf %max3A_1431, %gather3A_1447 : vector<16xf32>
      %eq3A_1449 = arith.constant 2 : i32
      %eq3A_1450 = vector.broadcast %eq3A_1449 : i32 to vector<16xi32>
      %eq3A_1451 = arith.cmpi eq, %iota3A, %eq3A_1450 : vector<16xi32>
      %select_n3A_1452 = arith.select %eq3A_1451, %max3A_1448, %select_n3A_1378 : vector<16xi1>, vector<16xf32>
      %get3A_1453 = arith.constant 304 : index
      %get3A_1454 = tpu.vector_load %arg9[%get3A_1453] {strides = array<i32>} : memref<1024xf32, #tpu.memory_space<vmem>>, vector<16xf32>,
      %add3A_1455 = arith.constant 8 : i32
      %add3A_1456 = vector.broadcast %add3A_1455 : i32 to vector<16xi32>
      %add3A_1457 = arith.addi %iota3A, %add3A_1456 : vector<16xi32>
      %and3A_1458 = arith.constant 15 : i32
      %and3A_1459 = vector.broadcast %and3A_1458 : i32 to vector<16xi32>
      %and3A_1460 = arith.andi %add3A_1457, %and3A_1459 : vector<16xi32>
      %lt3A_1461 = arith.constant 0 : i32
      %lt3A_1462 = vector.broadcast %lt3A_1461 : i32 to vector<16xi32>
      %lt3A_1463 = arith.cmpi slt, %and3A_1460, %lt3A_1462 : vector<16xi32>
      %add3A_1464 = arith.constant 16 : i32
      %add3A_1465 = vector.broadcast %add3A_1464 : i32 to vector<16xi32>
      %add3A_1466 = arith.addi %and3A_1460, %add3A_1465 : vector<16xi32>
      %select_n3A_1467 = arith.select %lt3A_1463, %add3A_1466, %and3A_1460 : vector<16xi1>, vector<16xi32>
      %broadcast_in_dim3A_1468 = vector.shape_cast %select_n3A_1467 : vector<16xi32> to vector<16x1xi32>
      %gather3A_1469 = vector.shape_cast %broadcast_in_dim3A_1468 : vector<16x1xi32> to vector<16xi32>
      %gather3A_1470 = tpu.dynamic_gather %get3A_1454[%gather3A_1469] in [0] : vector<16xf32>, vector<16xi32> -> vector<16xf32>
      %max3A_1471 = arith.maximumf %get3A_1454, %gather3A_1470 : vector<16xf32>
      %add3A_1472 = arith.constant 4 : i32
      %add3A_1473 = vector.broadcast %add3A_1472 : i32 to vector<16xi32>
      %add3A_1474 = arith.addi %iota3A, %add3A_1473 : vector<16xi32>
      %and3A_1475 = arith.constant 15 : i32
      %and3A_1476 = vector.broadcast %and3A_1475 : i32 to vector<16xi32>
      %and3A_1477 = arith.andi %add3A_1474, %and3A_1476 : vector<16xi32>
      %lt3A_1478 = arith.constant 0 : i32
      %lt3A_1479 = vector.broadcast %lt3A_1478 : i32 to vector<16xi32>
      %lt3A_1480 = arith.cmpi slt, %and3A_1477, %lt3A_1479 : vector<16xi32>
      %add3A_1481 = arith.constant 16 : i32
      %add3A_1482 = vector.broadcast %add3A_1481 : i32 to vector<16xi32>
      %add3A_1483 = arith.addi %and3A_1477, %add3A_1482 : vector<16xi32>
      %select_n3A_1484 = arith.select %lt3A_1480, %add3A_1483, %and3A_1477 : vector<16xi1>, vector<16xi32>
      %broadcast_in_dim3A_1485 = vector.shape_cast %select_n3A_1484 : vector<16xi32> to vector<16x1xi32>
      %gather3A_1486 = vector.shape_cast %broadcast_in_dim3A_1485 : vector<16x1xi32> to vector<16xi32>
      %gather3A_1487 = tpu.dynamic_gather %max3A_1471[%gather3A_1486] in [0] : vector<16xf32>, vector<16xi32> -> vector<16xf32>
      %max3A_1488 = arith.maximumf %max3A_1471, %gather3A_1487 : vector<16xf32>
      %add3A_1489 = arith.constant 2 : i32
      %add3A_1490 = vector.broadcast %add3A_1489 : i32 to vector<16xi32>
      %add3A_1491 = arith.addi %iota3A, %add3A_1490 : vector<16xi32>
      %and3A_1492 = arith.constant 15 : i32
      %and3A_1493 = vector.broadcast %and3A_1492 : i32 to vector<16xi32>
      %and3A_1494 = arith.andi %add3A_1491, %and3A_1493 : vector<16xi32>
      %lt3A_1495 = arith.constant 0 : i32
      %lt3A_1496 = vector.broadcast %lt3A_1495 : i32 to vector<16xi32>
      %lt3A_1497 = arith.cmpi slt, %and3A_1494, %lt3A_1496 : vector<16xi32>
      %add3A_1498 = arith.constant 16 : i32
      %add3A_1499 = vector.broadcast %add3A_1498 : i32 to vector<16xi32>
      %add3A_1500 = arith.addi %and3A_1494, %add3A_1499 : vector<16xi32>
      %select_n3A_1501 = arith.select %lt3A_1497, %add3A_1500, %and3A_1494 : vector<16xi1>, vector<16xi32>
      %broadcast_in_dim3A_1502 = vector.shape_cast %select_n3A_1501 : vector<16xi32> to vector<16x1xi32>
      %gather3A_1503 = vector.shape_cast %broadcast_in_dim3A_1502 : vector<16x1xi32> to vector<16xi32>
      %gather3A_1504 = tpu.dynamic_gather %max3A_1488[%gather3A_1503] in [0] : vector<16xf32>, vector<16xi32> -> vector<16xf32>
      %max3A_1505 = arith.maximumf %max3A_1488, %gather3A_1504 : vector<16xf32>
      %add3A_1506 = arith.constant 1 : i32
      %add3A_1507 = vector.broadcast %add3A_1506 : i32 to vector<16xi32>
      %add3A_1508 = arith.addi %iota3A, %add3A_1507 : vector<16xi32>
      %and3A_1509 = arith.constant 15 : i32
      %and3A_1510 = vector.broadcast %and3A_1509 : i32 to vector<16xi32>
      %and3A_1511 = arith.andi %add3A_1508, %and3A_1510 : vector<16xi32>
      %lt3A_1512 = arith.constant 0 : i32
      %lt3A_1513 = vector.broadcast %lt3A_1512 : i32 to vector<16xi32>
      %lt3A_1514 = arith.cmpi slt, %and3A_1511, %lt3A_1513 : vector<16xi32>
      %add3A_1515 = arith.constant 16 : i32
      %add3A_1516 = vector.broadcast %add3A_1515 : i32 to vector<16xi32>
      %add3A_1517 = arith.addi %and3A_1511, %add3A_1516 : vector<16xi32>
      %select_n3A_1518 = arith.select %lt3A_1514, %add3A_1517, %and3A_1511 : vector<16xi1>, vector<16xi32>
      %broadcast_in_dim3A_1519 = vector.shape_cast %select_n3A_1518 : vector<16xi32> to vector<16x1xi32>
      %gather3A_1520 = vector.shape_cast %broadcast_in_dim3A_1519 : vector<16x1xi32> to vector<16xi32>
      %gather3A_1521 = tpu.dynamic_gather %max3A_1505[%gather3A_1520] in [0] : vector<16xf32>, vector<16xi32> -> vector<16xf32>
      %max3A_1522 = arith.maximumf %max3A_1505, %gather3A_1521 : vector<16xf32>
      %eq3A_1523 = arith.constant 3 : i32
      %eq3A_1524 = vector.broadcast %eq3A_1523 : i32 to vector<16xi32>
      %eq3A_1525 = arith.cmpi eq, %iota3A, %eq3A_1524 : vector<16xi32>
      %select_n3A_1526 = arith.select %eq3A_1525, %max3A_1522, %select_n3A_1452 : vector<16xi1>, vector<16xf32>
      %get3A_1527 = arith.constant 320 : index
      %get3A_1528 = tpu.vector_load %arg9[%get3A_1527] {strides = array<i32>} : memref<1024xf32, #tpu.memory_space<vmem>>, vector<16xf32>,
      %add3A_1529 = arith.constant 8 : i32
      %add3A_1530 = vector.broadcast %add3A_1529 : i32 to vector<16xi32>
      %add3A_1531 = arith.addi %iota3A, %add3A_1530 : vector<16xi32>
      %and3A_1532 = arith.constant 15 : i32
      %and3A_1533 = vector.broadcast %and3A_1532 : i32 to vector<16xi32>
      %and3A_1534 = arith.andi %add3A_1531, %and3A_1533 : vector<16xi32>
      %lt3A_1535 = arith.constant 0 : i32
      %lt3A_1536 = vector.broadcast %lt3A_1535 : i32 to vector<16xi32>
      %lt3A_1537 = arith.cmpi slt, %and3A_1534, %lt3A_1536 : vector<16xi32>
      %add3A_1538 = arith.constant 16 : i32
      %add3A_1539 = vector.broadcast %add3A_1538 : i32 to vector<16xi32>
      %add3A_1540 = arith.addi %and3A_1534, %add3A_1539 : vector<16xi32>
      %select_n3A_1541 = arith.select %lt3A_1537, %add3A_1540, %and3A_1534 : vector<16xi1>, vector<16xi32>
      %broadcast_in_dim3A_1542 = vector.shape_cast %select_n3A_1541 : vector<16xi32> to vector<16x1xi32>
      %gather3A_1543 = vector.shape_cast %broadcast_in_dim3A_1542 : vector<16x1xi32> to vector<16xi32>
      %gather3A_1544 = tpu.dynamic_gather %get3A_1528[%gather3A_1543] in [0] : vector<16xf32>, vector<16xi32> -> vector<16xf32>
      %max3A_1545 = arith.maximumf %get3A_1528, %gather3A_1544 : vector<16xf32>
      %add3A_1546 = arith.constant 4 : i32
      %add3A_1547 = vector.broadcast %add3A_1546 : i32 to vector<16xi32>
      %add3A_1548 = arith.addi %iota3A, %add3A_1547 : vector<16xi32>
      %and3A_1549 = arith.constant 15 : i32
      %and3A_1550 = vector.broadcast %and3A_1549 : i32 to vector<16xi32>
      %and3A_1551 = arith.andi %add3A_1548, %and3A_1550 : vector<16xi32>
      %lt3A_1552 = arith.constant 0 : i32
      %lt3A_1553 = vector.broadcast %lt3A_1552 : i32 to vector<16xi32>
      %lt3A_1554 = arith.cmpi slt, %and3A_1551, %lt3A_1553 : vector<16xi32>
      %add3A_1555 = arith.constant 16 : i32
      %add3A_1556 = vector.broadcast %add3A_1555 : i32 to vector<16xi32>
      %add3A_1557 = arith.addi %and3A_1551, %add3A_1556 : vector<16xi32>
      %select_n3A_1558 = arith.select %lt3A_1554, %add3A_1557, %and3A_1551 : vector<16xi1>, vector<16xi32>
      %broadcast_in_dim3A_1559 = vector.shape_cast %select_n3A_1558 : vector<16xi32> to vector<16x1xi32>
      %gather3A_1560 = vector.shape_cast %broadcast_in_dim3A_1559 : vector<16x1xi32> to vector<16xi32>
      %gather3A_1561 = tpu.dynamic_gather %max3A_1545[%gather3A_1560] in [0] : vector<16xf32>, vector<16xi32> -> vector<16xf32>
      %max3A_1562 = arith.maximumf %max3A_1545, %gather3A_1561 : vector<16xf32>
      %add3A_1563 = arith.constant 2 : i32
      %add3A_1564 = vector.broadcast %add3A_1563 : i32 to vector<16xi32>
      %add3A_1565 = arith.addi %iota3A, %add3A_1564 : vector<16xi32>
      %and3A_1566 = arith.constant 15 : i32
      %and3A_1567 = vector.broadcast %and3A_1566 : i32 to vector<16xi32>
      %and3A_1568 = arith.andi %add3A_1565, %and3A_1567 : vector<16xi32>
      %lt3A_1569 = arith.constant 0 : i32
      %lt3A_1570 = vector.broadcast %lt3A_1569 : i32 to vector<16xi32>
      %lt3A_1571 = arith.cmpi slt, %and3A_1568, %lt3A_1570 : vector<16xi32>
      %add3A_1572 = arith.constant 16 : i32
      %add3A_1573 = vector.broadcast %add3A_1572 : i32 to vector<16xi32>
      %add3A_1574 = arith.addi %and3A_1568, %add3A_1573 : vector<16xi32>
      %select_n3A_1575 = arith.select %lt3A_1571, %add3A_1574, %and3A_1568 : vector<16xi1>, vector<16xi32>
      %broadcast_in_dim3A_1576 = vector.shape_cast %select_n3A_1575 : vector<16xi32> to vector<16x1xi32>
      %gather3A_1577 = vector.shape_cast %broadcast_in_dim3A_1576 : vector<16x1xi32> to vector<16xi32>
      %gather3A_1578 = tpu.dynamic_gather %max3A_1562[%gather3A_1577] in [0] : vector<16xf32>, vector<16xi32> -> vector<16xf32>
      %max3A_1579 = arith.maximumf %max3A_1562, %gather3A_1578 : vector<16xf32>
      %add3A_1580 = arith.constant 1 : i32
      %add3A_1581 = vector.broadcast %add3A_1580 : i32 to vector<16xi32>
      %add3A_1582 = arith.addi %iota3A, %add3A_1581 : vector<16xi32>
      %and3A_1583 = arith.constant 15 : i32
      %and3A_1584 = vector.broadcast %and3A_1583 : i32 to vector<16xi32>
      %and3A_1585 = arith.andi %add3A_1582, %and3A_1584 : vector<16xi32>
      %lt3A_1586 = arith.constant 0 : i32
      %lt3A_1587 = vector.broadcast %lt3A_1586 : i32 to vector<16xi32>
      %lt3A_1588 = arith.cmpi slt, %and3A_1585, %lt3A_1587 : vector<16xi32>
      %add3A_1589 = arith.constant 16 : i32
      %add3A_1590 = vector.broadcast %add3A_1589 : i32 to vector<16xi32>
      %add3A_1591 = arith.addi %and3A_1585, %add3A_1590 : vector<16xi32>
      %select_n3A_1592 = arith.select %lt3A_1588, %add3A_1591, %and3A_1585 : vector<16xi1>, vector<16xi32>
      %broadcast_in_dim3A_1593 = vector.shape_cast %select_n3A_1592 : vector<16xi32> to vector<16x1xi32>
      %gather3A_1594 = vector.shape_cast %broadcast_in_dim3A_1593 : vector<16x1xi32> to vector<16xi32>
      %gather3A_1595 = tpu.dynamic_gather %max3A_1579[%gather3A_1594] in [0] : vector<16xf32>, vector<16xi32> -> vector<16xf32>
      %max3A_1596 = arith.maximumf %max3A_1579, %gather3A_1595 : vector<16xf32>
      %eq3A_1597 = arith.constant 4 : i32
      %eq3A_1598 = vector.broadcast %eq3A_1597 : i32 to vector<16xi32>
      %eq3A_1599 = arith.cmpi eq, %iota3A, %eq3A_1598 : vector<16xi32>
      %select_n3A_1600 = arith.select %eq3A_1599, %max3A_1596, %select_n3A_1526 : vector<16xi1>, vector<16xf32>
      %get3A_1601 = arith.constant 336 : index
      %get3A_1602 = tpu.vector_load %arg9[%get3A_1601] {strides = array<i32>} : memref<1024xf32, #tpu.memory_space<vmem>>, vector<16xf32>,
      %add3A_1603 = arith.constant 8 : i32
      %add3A_1604 = vector.broadcast %add3A_1603 : i32 to vector<16xi32>
      %add3A_1605 = arith.addi %iota3A, %add3A_1604 : vector<16xi32>
      %and3A_1606 = arith.constant 15 : i32
      %and3A_1607 = vector.broadcast %and3A_1606 : i32 to vector<16xi32>
      %and3A_1608 = arith.andi %add3A_1605, %and3A_1607 : vector<16xi32>
      %lt3A_1609 = arith.constant 0 : i32
      %lt3A_1610 = vector.broadcast %lt3A_1609 : i32 to vector<16xi32>
      %lt3A_1611 = arith.cmpi slt, %and3A_1608, %lt3A_1610 : vector<16xi32>
      %add3A_1612 = arith.constant 16 : i32
      %add3A_1613 = vector.broadcast %add3A_1612 : i32 to vector<16xi32>
      %add3A_1614 = arith.addi %and3A_1608, %add3A_1613 : vector<16xi32>
      %select_n3A_1615 = arith.select %lt3A_1611, %add3A_1614, %and3A_1608 : vector<16xi1>, vector<16xi32>
      %broadcast_in_dim3A_1616 = vector.shape_cast %select_n3A_1615 : vector<16xi32> to vector<16x1xi32>
      %gather3A_1617 = vector.shape_cast %broadcast_in_dim3A_1616 : vector<16x1xi32> to vector<16xi32>
      %gather3A_1618 = tpu.dynamic_gather %get3A_1602[%gather3A_1617] in [0] : vector<16xf32>, vector<16xi32> -> vector<16xf32>
      %max3A_1619 = arith.maximumf %get3A_1602, %gather3A_1618 : vector<16xf32>
      %add3A_1620 = arith.constant 4 : i32
      %add3A_1621 = vector.broadcast %add3A_1620 : i32 to vector<16xi32>
      %add3A_1622 = arith.addi %iota3A, %add3A_1621 : vector<16xi32>
      %and3A_1623 = arith.constant 15 : i32
      %and3A_1624 = vector.broadcast %and3A_1623 : i32 to vector<16xi32>
      %and3A_1625 = arith.andi %add3A_1622, %and3A_1624 : vector<16xi32>
      %lt3A_1626 = arith.constant 0 : i32
      %lt3A_1627 = vector.broadcast %lt3A_1626 : i32 to vector<16xi32>
      %lt3A_1628 = arith.cmpi slt, %and3A_1625, %lt3A_1627 : vector<16xi32>
      %add3A_1629 = arith.constant 16 : i32
      %add3A_1630 = vector.broadcast %add3A_1629 : i32 to vector<16xi32>
      %add3A_1631 = arith.addi %and3A_1625, %add3A_1630 : vector<16xi32>
      %select_n3A_1632 = arith.select %lt3A_1628, %add3A_1631, %and3A_1625 : vector<16xi1>, vector<16xi32>
      %broadcast_in_dim3A_1633 = vector.shape_cast %select_n3A_1632 : vector<16xi32> to vector<16x1xi32>
      %gather3A_1634 = vector.shape_cast %broadcast_in_dim3A_1633 : vector<16x1xi32> to vector<16xi32>
      %gather3A_1635 = tpu.dynamic_gather %max3A_1619[%gather3A_1634] in [0] : vector<16xf32>, vector<16xi32> -> vector<16xf32>
      %max3A_1636 = arith.maximumf %max3A_1619, %gather3A_1635 : vector<16xf32>
      %add3A_1637 = arith.constant 2 : i32
      %add3A_1638 = vector.broadcast %add3A_1637 : i32 to vector<16xi32>
      %add3A_1639 = arith.addi %iota3A, %add3A_1638 : vector<16xi32>
      %and3A_1640 = arith.constant 15 : i32
      %and3A_1641 = vector.broadcast %and3A_1640 : i32 to vector<16xi32>
      %and3A_1642 = arith.andi %add3A_1639, %and3A_1641 : vector<16xi32>
      %lt3A_1643 = arith.constant 0 : i32
      %lt3A_1644 = vector.broadcast %lt3A_1643 : i32 to vector<16xi32>
      %lt3A_1645 = arith.cmpi slt, %and3A_1642, %lt3A_1644 : vector<16xi32>
      %add3A_1646 = arith.constant 16 : i32
      %add3A_1647 = vector.broadcast %add3A_1646 : i32 to vector<16xi32>
      %add3A_1648 = arith.addi %and3A_1642, %add3A_1647 : vector<16xi32>
      %select_n3A_1649 = arith.select %lt3A_1645, %add3A_1648, %and3A_1642 : vector<16xi1>, vector<16xi32>
      %broadcast_in_dim3A_1650 = vector.shape_cast %select_n3A_1649 : vector<16xi32> to vector<16x1xi32>
      %gather3A_1651 = vector.shape_cast %broadcast_in_dim3A_1650 : vector<16x1xi32> to vector<16xi32>
      %gather3A_1652 = tpu.dynamic_gather %max3A_1636[%gather3A_1651] in [0] : vector<16xf32>, vector<16xi32> -> vector<16xf32>
      %max3A_1653 = arith.maximumf %max3A_1636, %gather3A_1652 : vector<16xf32>
      %add3A_1654 = arith.constant 1 : i32
      %add3A_1655 = vector.broadcast %add3A_1654 : i32 to vector<16xi32>
      %add3A_1656 = arith.addi %iota3A, %add3A_1655 : vector<16xi32>
      %and3A_1657 = arith.constant 15 : i32
      %and3A_1658 = vector.broadcast %and3A_1657 : i32 to vector<16xi32>
      %and3A_1659 = arith.andi %add3A_1656, %and3A_1658 : vector<16xi32>
      %lt3A_1660 = arith.constant 0 : i32
      %lt3A_1661 = vector.broadcast %lt3A_1660 : i32 to vector<16xi32>
      %lt3A_1662 = arith.cmpi slt, %and3A_1659, %lt3A_1661 : vector<16xi32>
      %add3A_1663 = arith.constant 16 : i32
      %add3A_1664 = vector.broadcast %add3A_1663 : i32 to vector<16xi32>
      %add3A_1665 = arith.addi %and3A_1659, %add3A_1664 : vector<16xi32>
      %select_n3A_1666 = arith.select %lt3A_1662, %add3A_1665, %and3A_1659 : vector<16xi1>, vector<16xi32>
      %broadcast_in_dim3A_1667 = vector.shape_cast %select_n3A_1666 : vector<16xi32> to vector<16x1xi32>
      %gather3A_1668 = vector.shape_cast %broadcast_in_dim3A_1667 : vector<16x1xi32> to vector<16xi32>
      %gather3A_1669 = tpu.dynamic_gather %max3A_1653[%gather3A_1668] in [0] : vector<16xf32>, vector<16xi32> -> vector<16xf32>
      %max3A_1670 = arith.maximumf %max3A_1653, %gather3A_1669 : vector<16xf32>
      %eq3A_1671 = arith.constant 5 : i32
      %eq3A_1672 = vector.broadcast %eq3A_1671 : i32 to vector<16xi32>
      %eq3A_1673 = arith.cmpi eq, %iota3A, %eq3A_1672 : vector<16xi32>
      %select_n3A_1674 = arith.select %eq3A_1673, %max3A_1670, %select_n3A_1600 : vector<16xi1>, vector<16xf32>
      %get3A_1675 = arith.constant 352 : index
      %get3A_1676 = tpu.vector_load %arg9[%get3A_1675] {strides = array<i32>} : memref<1024xf32, #tpu.memory_space<vmem>>, vector<16xf32>,
      %add3A_1677 = arith.constant 8 : i32
      %add3A_1678 = vector.broadcast %add3A_1677 : i32 to vector<16xi32>
      %add3A_1679 = arith.addi %iota3A, %add3A_1678 : vector<16xi32>
      %and3A_1680 = arith.constant 15 : i32
      %and3A_1681 = vector.broadcast %and3A_1680 : i32 to vector<16xi32>
      %and3A_1682 = arith.andi %add3A_1679, %and3A_1681 : vector<16xi32>
      %lt3A_1683 = arith.constant 0 : i32
      %lt3A_1684 = vector.broadcast %lt3A_1683 : i32 to vector<16xi32>
      %lt3A_1685 = arith.cmpi slt, %and3A_1682, %lt3A_1684 : vector<16xi32>
      %add3A_1686 = arith.constant 16 : i32
      %add3A_1687 = vector.broadcast %add3A_1686 : i32 to vector<16xi32>
      %add3A_1688 = arith.addi %and3A_1682, %add3A_1687 : vector<16xi32>
      %select_n3A_1689 = arith.select %lt3A_1685, %add3A_1688, %and3A_1682 : vector<16xi1>, vector<16xi32>
      %broadcast_in_dim3A_1690 = vector.shape_cast %select_n3A_1689 : vector<16xi32> to vector<16x1xi32>
      %gather3A_1691 = vector.shape_cast %broadcast_in_dim3A_1690 : vector<16x1xi32> to vector<16xi32>
      %gather3A_1692 = tpu.dynamic_gather %get3A_1676[%gather3A_1691] in [0] : vector<16xf32>, vector<16xi32> -> vector<16xf32>
      %max3A_1693 = arith.maximumf %get3A_1676, %gather3A_1692 : vector<16xf32>
      %add3A_1694 = arith.constant 4 : i32
      %add3A_1695 = vector.broadcast %add3A_1694 : i32 to vector<16xi32>
      %add3A_1696 = arith.addi %iota3A, %add3A_1695 : vector<16xi32>
      %and3A_1697 = arith.constant 15 : i32
      %and3A_1698 = vector.broadcast %and3A_1697 : i32 to vector<16xi32>
      %and3A_1699 = arith.andi %add3A_1696, %and3A_1698 : vector<16xi32>
      %lt3A_1700 = arith.constant 0 : i32
      %lt3A_1701 = vector.broadcast %lt3A_1700 : i32 to vector<16xi32>
      %lt3A_1702 = arith.cmpi slt, %and3A_1699, %lt3A_1701 : vector<16xi32>
      %add3A_1703 = arith.constant 16 : i32
      %add3A_1704 = vector.broadcast %add3A_1703 : i32 to vector<16xi32>
      %add3A_1705 = arith.addi %and3A_1699, %add3A_1704 : vector<16xi32>
      %select_n3A_1706 = arith.select %lt3A_1702, %add3A_1705, %and3A_1699 : vector<16xi1>, vector<16xi32>
      %broadcast_in_dim3A_1707 = vector.shape_cast %select_n3A_1706 : vector<16xi32> to vector<16x1xi32>
      %gather3A_1708 = vector.shape_cast %broadcast_in_dim3A_1707 : vector<16x1xi32> to vector<16xi32>
      %gather3A_1709 = tpu.dynamic_gather %max3A_1693[%gather3A_1708] in [0] : vector<16xf32>, vector<16xi32> -> vector<16xf32>
      %max3A_1710 = arith.maximumf %max3A_1693, %gather3A_1709 : vector<16xf32>
      %add3A_1711 = arith.constant 2 : i32
      %add3A_1712 = vector.broadcast %add3A_1711 : i32 to vector<16xi32>
      %add3A_1713 = arith.addi %iota3A, %add3A_1712 : vector<16xi32>
      %and3A_1714 = arith.constant 15 : i32
      %and3A_1715 = vector.broadcast %and3A_1714 : i32 to vector<16xi32>
      %and3A_1716 = arith.andi %add3A_1713, %and3A_1715 : vector<16xi32>
      %lt3A_1717 = arith.constant 0 : i32
      %lt3A_1718 = vector.broadcast %lt3A_1717 : i32 to vector<16xi32>
      %lt3A_1719 = arith.cmpi slt, %and3A_1716, %lt3A_1718 : vector<16xi32>
      %add3A_1720 = arith.constant 16 : i32
      %add3A_1721 = vector.broadcast %add3A_1720 : i32 to vector<16xi32>
      %add3A_1722 = arith.addi %and3A_1716, %add3A_1721 : vector<16xi32>
      %select_n3A_1723 = arith.select %lt3A_1719, %add3A_1722, %and3A_1716 : vector<16xi1>, vector<16xi32>
      %broadcast_in_dim3A_1724 = vector.shape_cast %select_n3A_1723 : vector<16xi32> to vector<16x1xi32>
      %gather3A_1725 = vector.shape_cast %broadcast_in_dim3A_1724 : vector<16x1xi32> to vector<16xi32>
      %gather3A_1726 = tpu.dynamic_gather %max3A_1710[%gather3A_1725] in [0] : vector<16xf32>, vector<16xi32> -> vector<16xf32>
      %max3A_1727 = arith.maximumf %max3A_1710, %gather3A_1726 : vector<16xf32>
      %add3A_1728 = arith.constant 1 : i32
      %add3A_1729 = vector.broadcast %add3A_1728 : i32 to vector<16xi32>
      %add3A_1730 = arith.addi %iota3A, %add3A_1729 : vector<16xi32>
      %and3A_1731 = arith.constant 15 : i32
      %and3A_1732 = vector.broadcast %and3A_1731 : i32 to vector<16xi32>
      %and3A_1733 = arith.andi %add3A_1730, %and3A_1732 : vector<16xi32>
      %lt3A_1734 = arith.constant 0 : i32
      %lt3A_1735 = vector.broadcast %lt3A_1734 : i32 to vector<16xi32>
      %lt3A_1736 = arith.cmpi slt, %and3A_1733, %lt3A_1735 : vector<16xi32>
      %add3A_1737 = arith.constant 16 : i32
      %add3A_1738 = vector.broadcast %add3A_1737 : i32 to vector<16xi32>
      %add3A_1739 = arith.addi %and3A_1733, %add3A_1738 : vector<16xi32>
      %select_n3A_1740 = arith.select %lt3A_1736, %add3A_1739, %and3A_1733 : vector<16xi1>, vector<16xi32>
      %broadcast_in_dim3A_1741 = vector.shape_cast %select_n3A_1740 : vector<16xi32> to vector<16x1xi32>
      %gather3A_1742 = vector.shape_cast %broadcast_in_dim3A_1741 : vector<16x1xi32> to vector<16xi32>
      %gather3A_1743 = tpu.dynamic_gather %max3A_1727[%gather3A_1742] in [0] : vector<16xf32>, vector<16xi32> -> vector<16xf32>
      %max3A_1744 = arith.maximumf %max3A_1727, %gather3A_1743 : vector<16xf32>
      %eq3A_1745 = arith.constant 6 : i32
      %eq3A_1746 = vector.broadcast %eq3A_1745 : i32 to vector<16xi32>
      %eq3A_1747 = arith.cmpi eq, %iota3A, %eq3A_1746 : vector<16xi32>
      %select_n3A_1748 = arith.select %eq3A_1747, %max3A_1744, %select_n3A_1674 : vector<16xi1>, vector<16xf32>
      %get3A_1749 = arith.constant 368 : index
      %get3A_1750 = tpu.vector_load %arg9[%get3A_1749] {strides = array<i32>} : memref<1024xf32, #tpu.memory_space<vmem>>, vector<16xf32>,
      %add3A_1751 = arith.constant 8 : i32
      %add3A_1752 = vector.broadcast %add3A_1751 : i32 to vector<16xi32>
      %add3A_1753 = arith.addi %iota3A, %add3A_1752 : vector<16xi32>
      %and3A_1754 = arith.constant 15 : i32
      %and3A_1755 = vector.broadcast %and3A_1754 : i32 to vector<16xi32>
      %and3A_1756 = arith.andi %add3A_1753, %and3A_1755 : vector<16xi32>
      %lt3A_1757 = arith.constant 0 : i32
      %lt3A_1758 = vector.broadcast %lt3A_1757 : i32 to vector<16xi32>
      %lt3A_1759 = arith.cmpi slt, %and3A_1756, %lt3A_1758 : vector<16xi32>
      %add3A_1760 = arith.constant 16 : i32
      %add3A_1761 = vector.broadcast %add3A_1760 : i32 to vector<16xi32>
      %add3A_1762 = arith.addi %and3A_1756, %add3A_1761 : vector<16xi32>
      %select_n3A_1763 = arith.select %lt3A_1759, %add3A_1762, %and3A_1756 : vector<16xi1>, vector<16xi32>
      %broadcast_in_dim3A_1764 = vector.shape_cast %select_n3A_1763 : vector<16xi32> to vector<16x1xi32>
      %gather3A_1765 = vector.shape_cast %broadcast_in_dim3A_1764 : vector<16x1xi32> to vector<16xi32>
      %gather3A_1766 = tpu.dynamic_gather %get3A_1750[%gather3A_1765] in [0] : vector<16xf32>, vector<16xi32> -> vector<16xf32>
      %max3A_1767 = arith.maximumf %get3A_1750, %gather3A_1766 : vector<16xf32>
      %add3A_1768 = arith.constant 4 : i32
      %add3A_1769 = vector.broadcast %add3A_1768 : i32 to vector<16xi32>
      %add3A_1770 = arith.addi %iota3A, %add3A_1769 : vector<16xi32>
      %and3A_1771 = arith.constant 15 : i32
      %and3A_1772 = vector.broadcast %and3A_1771 : i32 to vector<16xi32>
      %and3A_1773 = arith.andi %add3A_1770, %and3A_1772 : vector<16xi32>
      %lt3A_1774 = arith.constant 0 : i32
      %lt3A_1775 = vector.broadcast %lt3A_1774 : i32 to vector<16xi32>
      %lt3A_1776 = arith.cmpi slt, %and3A_1773, %lt3A_1775 : vector<16xi32>
      %add3A_1777 = arith.constant 16 : i32
      %add3A_1778 = vector.broadcast %add3A_1777 : i32 to vector<16xi32>
      %add3A_1779 = arith.addi %and3A_1773, %add3A_1778 : vector<16xi32>
      %select_n3A_1780 = arith.select %lt3A_1776, %add3A_1779, %and3A_1773 : vector<16xi1>, vector<16xi32>
      %broadcast_in_dim3A_1781 = vector.shape_cast %select_n3A_1780 : vector<16xi32> to vector<16x1xi32>
      %gather3A_1782 = vector.shape_cast %broadcast_in_dim3A_1781 : vector<16x1xi32> to vector<16xi32>
      %gather3A_1783 = tpu.dynamic_gather %max3A_1767[%gather3A_1782] in [0] : vector<16xf32>, vector<16xi32> -> vector<16xf32>
      %max3A_1784 = arith.maximumf %max3A_1767, %gather3A_1783 : vector<16xf32>
      %add3A_1785 = arith.constant 2 : i32
      %add3A_1786 = vector.broadcast %add3A_1785 : i32 to vector<16xi32>
      %add3A_1787 = arith.addi %iota3A, %add3A_1786 : vector<16xi32>
      %and3A_1788 = arith.constant 15 : i32
      %and3A_1789 = vector.broadcast %and3A_1788 : i32 to vector<16xi32>
      %and3A_1790 = arith.andi %add3A_1787, %and3A_1789 : vector<16xi32>
      %lt3A_1791 = arith.constant 0 : i32
      %lt3A_1792 = vector.broadcast %lt3A_1791 : i32 to vector<16xi32>
      %lt3A_1793 = arith.cmpi slt, %and3A_1790, %lt3A_1792 : vector<16xi32>
      %add3A_1794 = arith.constant 16 : i32
      %add3A_1795 = vector.broadcast %add3A_1794 : i32 to vector<16xi32>
      %add3A_1796 = arith.addi %and3A_1790, %add3A_1795 : vector<16xi32>
      %select_n3A_1797 = arith.select %lt3A_1793, %add3A_1796, %and3A_1790 : vector<16xi1>, vector<16xi32>
      %broadcast_in_dim3A_1798 = vector.shape_cast %select_n3A_1797 : vector<16xi32> to vector<16x1xi32>
      %gather3A_1799 = vector.shape_cast %broadcast_in_dim3A_1798 : vector<16x1xi32> to vector<16xi32>
      %gather3A_1800 = tpu.dynamic_gather %max3A_1784[%gather3A_1799] in [0] : vector<16xf32>, vector<16xi32> -> vector<16xf32>
      %max3A_1801 = arith.maximumf %max3A_1784, %gather3A_1800 : vector<16xf32>
      %add3A_1802 = arith.constant 1 : i32
      %add3A_1803 = vector.broadcast %add3A_1802 : i32 to vector<16xi32>
      %add3A_1804 = arith.addi %iota3A, %add3A_1803 : vector<16xi32>
      %and3A_1805 = arith.constant 15 : i32
      %and3A_1806 = vector.broadcast %and3A_1805 : i32 to vector<16xi32>
      %and3A_1807 = arith.andi %add3A_1804, %and3A_1806 : vector<16xi32>
      %lt3A_1808 = arith.constant 0 : i32
      %lt3A_1809 = vector.broadcast %lt3A_1808 : i32 to vector<16xi32>
      %lt3A_1810 = arith.cmpi slt, %and3A_1807, %lt3A_1809 : vector<16xi32>
      %add3A_1811 = arith.constant 16 : i32
      %add3A_1812 = vector.broadcast %add3A_1811 : i32 to vector<16xi32>
      %add3A_1813 = arith.addi %and3A_1807, %add3A_1812 : vector<16xi32>
      %select_n3A_1814 = arith.select %lt3A_1810, %add3A_1813, %and3A_1807 : vector<16xi1>, vector<16xi32>
      %broadcast_in_dim3A_1815 = vector.shape_cast %select_n3A_1814 : vector<16xi32> to vector<16x1xi32>
      %gather3A_1816 = vector.shape_cast %broadcast_in_dim3A_1815 : vector<16x1xi32> to vector<16xi32>
      %gather3A_1817 = tpu.dynamic_gather %max3A_1801[%gather3A_1816] in [0] : vector<16xf32>, vector<16xi32> -> vector<16xf32>
      %max3A_1818 = arith.maximumf %max3A_1801, %gather3A_1817 : vector<16xf32>
      %eq3A_1819 = arith.constant 7 : i32
      %eq3A_1820 = vector.broadcast %eq3A_1819 : i32 to vector<16xi32>
      %eq3A_1821 = arith.cmpi eq, %iota3A, %eq3A_1820 : vector<16xi32>
      %select_n3A_1822 = arith.select %eq3A_1821, %max3A_1818, %select_n3A_1748 : vector<16xi1>, vector<16xf32>
      %get3A_1823 = arith.constant 384 : index
      %get3A_1824 = tpu.vector_load %arg9[%get3A_1823] {strides = array<i32>} : memref<1024xf32, #tpu.memory_space<vmem>>, vector<16xf32>,
      %add3A_1825 = arith.constant 8 : i32
      %add3A_1826 = vector.broadcast %add3A_1825 : i32 to vector<16xi32>
      %add3A_1827 = arith.addi %iota3A, %add3A_1826 : vector<16xi32>
      %and3A_1828 = arith.constant 15 : i32
      %and3A_1829 = vector.broadcast %and3A_1828 : i32 to vector<16xi32>
      %and3A_1830 = arith.andi %add3A_1827, %and3A_1829 : vector<16xi32>
      %lt3A_1831 = arith.constant 0 : i32
      %lt3A_1832 = vector.broadcast %lt3A_1831 : i32 to vector<16xi32>
      %lt3A_1833 = arith.cmpi slt, %and3A_1830, %lt3A_1832 : vector<16xi32>
      %add3A_1834 = arith.constant 16 : i32
      %add3A_1835 = vector.broadcast %add3A_1834 : i32 to vector<16xi32>
      %add3A_1836 = arith.addi %and3A_1830, %add3A_1835 : vector<16xi32>
      %select_n3A_1837 = arith.select %lt3A_1833, %add3A_1836, %and3A_1830 : vector<16xi1>, vector<16xi32>
      %broadcast_in_dim3A_1838 = vector.shape_cast %select_n3A_1837 : vector<16xi32> to vector<16x1xi32>
      %gather3A_1839 = vector.shape_cast %broadcast_in_dim3A_1838 : vector<16x1xi32> to vector<16xi32>
      %gather3A_1840 = tpu.dynamic_gather %get3A_1824[%gather3A_1839] in [0] : vector<16xf32>, vector<16xi32> -> vector<16xf32>
      %max3A_1841 = arith.maximumf %get3A_1824, %gather3A_1840 : vector<16xf32>
      %add3A_1842 = arith.constant 4 : i32
      %add3A_1843 = vector.broadcast %add3A_1842 : i32 to vector<16xi32>
      %add3A_1844 = arith.addi %iota3A, %add3A_1843 : vector<16xi32>
      %and3A_1845 = arith.constant 15 : i32
      %and3A_1846 = vector.broadcast %and3A_1845 : i32 to vector<16xi32>
      %and3A_1847 = arith.andi %add3A_1844, %and3A_1846 : vector<16xi32>
      %lt3A_1848 = arith.constant 0 : i32
      %lt3A_1849 = vector.broadcast %lt3A_1848 : i32 to vector<16xi32>
      %lt3A_1850 = arith.cmpi slt, %and3A_1847, %lt3A_1849 : vector<16xi32>
      %add3A_1851 = arith.constant 16 : i32
      %add3A_1852 = vector.broadcast %add3A_1851 : i32 to vector<16xi32>
      %add3A_1853 = arith.addi %and3A_1847, %add3A_1852 : vector<16xi32>
      %select_n3A_1854 = arith.select %lt3A_1850, %add3A_1853, %and3A_1847 : vector<16xi1>, vector<16xi32>
      %broadcast_in_dim3A_1855 = vector.shape_cast %select_n3A_1854 : vector<16xi32> to vector<16x1xi32>
      %gather3A_1856 = vector.shape_cast %broadcast_in_dim3A_1855 : vector<16x1xi32> to vector<16xi32>
      %gather3A_1857 = tpu.dynamic_gather %max3A_1841[%gather3A_1856] in [0] : vector<16xf32>, vector<16xi32> -> vector<16xf32>
      %max3A_1858 = arith.maximumf %max3A_1841, %gather3A_1857 : vector<16xf32>
      %add3A_1859 = arith.constant 2 : i32
      %add3A_1860 = vector.broadcast %add3A_1859 : i32 to vector<16xi32>
      %add3A_1861 = arith.addi %iota3A, %add3A_1860 : vector<16xi32>
      %and3A_1862 = arith.constant 15 : i32
      %and3A_1863 = vector.broadcast %and3A_1862 : i32 to vector<16xi32>
      %and3A_1864 = arith.andi %add3A_1861, %and3A_1863 : vector<16xi32>
      %lt3A_1865 = arith.constant 0 : i32
      %lt3A_1866 = vector.broadcast %lt3A_1865 : i32 to vector<16xi32>
      %lt3A_1867 = arith.cmpi slt, %and3A_1864, %lt3A_1866 : vector<16xi32>
      %add3A_1868 = arith.constant 16 : i32
      %add3A_1869 = vector.broadcast %add3A_1868 : i32 to vector<16xi32>
      %add3A_1870 = arith.addi %and3A_1864, %add3A_1869 : vector<16xi32>
      %select_n3A_1871 = arith.select %lt3A_1867, %add3A_1870, %and3A_1864 : vector<16xi1>, vector<16xi32>
      %broadcast_in_dim3A_1872 = vector.shape_cast %select_n3A_1871 : vector<16xi32> to vector<16x1xi32>
      %gather3A_1873 = vector.shape_cast %broadcast_in_dim3A_1872 : vector<16x1xi32> to vector<16xi32>
      %gather3A_1874 = tpu.dynamic_gather %max3A_1858[%gather3A_1873] in [0] : vector<16xf32>, vector<16xi32> -> vector<16xf32>
      %max3A_1875 = arith.maximumf %max3A_1858, %gather3A_1874 : vector<16xf32>
      %add3A_1876 = arith.constant 1 : i32
      %add3A_1877 = vector.broadcast %add3A_1876 : i32 to vector<16xi32>
      %add3A_1878 = arith.addi %iota3A, %add3A_1877 : vector<16xi32>
      %and3A_1879 = arith.constant 15 : i32
      %and3A_1880 = vector.broadcast %and3A_1879 : i32 to vector<16xi32>
      %and3A_1881 = arith.andi %add3A_1878, %and3A_1880 : vector<16xi32>
      %lt3A_1882 = arith.constant 0 : i32
      %lt3A_1883 = vector.broadcast %lt3A_1882 : i32 to vector<16xi32>
      %lt3A_1884 = arith.cmpi slt, %and3A_1881, %lt3A_1883 : vector<16xi32>
      %add3A_1885 = arith.constant 16 : i32
      %add3A_1886 = vector.broadcast %add3A_1885 : i32 to vector<16xi32>
      %add3A_1887 = arith.addi %and3A_1881, %add3A_1886 : vector<16xi32>
      %select_n3A_1888 = arith.select %lt3A_1884, %add3A_1887, %and3A_1881 : vector<16xi1>, vector<16xi32>
      %broadcast_in_dim3A_1889 = vector.shape_cast %select_n3A_1888 : vector<16xi32> to vector<16x1xi32>
      %gather3A_1890 = vector.shape_cast %broadcast_in_dim3A_1889 : vector<16x1xi32> to vector<16xi32>
      %gather3A_1891 = tpu.dynamic_gather %max3A_1875[%gather3A_1890] in [0] : vector<16xf32>, vector<16xi32> -> vector<16xf32>
      %max3A_1892 = arith.maximumf %max3A_1875, %gather3A_1891 : vector<16xf32>
      %eq3A_1893 = arith.constant 8 : i32
      %eq3A_1894 = vector.broadcast %eq3A_1893 : i32 to vector<16xi32>
      %eq3A_1895 = arith.cmpi eq, %iota3A, %eq3A_1894 : vector<16xi32>
      %select_n3A_1896 = arith.select %eq3A_1895, %max3A_1892, %select_n3A_1822 : vector<16xi1>, vector<16xf32>
      %get3A_1897 = arith.constant 400 : index
      %get3A_1898 = tpu.vector_load %arg9[%get3A_1897] {strides = array<i32>} : memref<1024xf32, #tpu.memory_space<vmem>>, vector<16xf32>,
      %add3A_1899 = arith.constant 8 : i32
      %add3A_1900 = vector.broadcast %add3A_1899 : i32 to vector<16xi32>
      %add3A_1901 = arith.addi %iota3A, %add3A_1900 : vector<16xi32>
      %and3A_1902 = arith.constant 15 : i32
      %and3A_1903 = vector.broadcast %and3A_1902 : i32 to vector<16xi32>
      %and3A_1904 = arith.andi %add3A_1901, %and3A_1903 : vector<16xi32>
      %lt3A_1905 = arith.constant 0 : i32
      %lt3A_1906 = vector.broadcast %lt3A_1905 : i32 to vector<16xi32>
      %lt3A_1907 = arith.cmpi slt, %and3A_1904, %lt3A_1906 : vector<16xi32>
      %add3A_1908 = arith.constant 16 : i32
      %add3A_1909 = vector.broadcast %add3A_1908 : i32 to vector<16xi32>
      %add3A_1910 = arith.addi %and3A_1904, %add3A_1909 : vector<16xi32>
      %select_n3A_1911 = arith.select %lt3A_1907, %add3A_1910, %and3A_1904 : vector<16xi1>, vector<16xi32>
      %broadcast_in_dim3A_1912 = vector.shape_cast %select_n3A_1911 : vector<16xi32> to vector<16x1xi32>
      %gather3A_1913 = vector.shape_cast %broadcast_in_dim3A_1912 : vector<16x1xi32> to vector<16xi32>
      %gather3A_1914 = tpu.dynamic_gather %get3A_1898[%gather3A_1913] in [0] : vector<16xf32>, vector<16xi32> -> vector<16xf32>
      %max3A_1915 = arith.maximumf %get3A_1898, %gather3A_1914 : vector<16xf32>
      %add3A_1916 = arith.constant 4 : i32
      %add3A_1917 = vector.broadcast %add3A_1916 : i32 to vector<16xi32>
      %add3A_1918 = arith.addi %iota3A, %add3A_1917 : vector<16xi32>
      %and3A_1919 = arith.constant 15 : i32
      %and3A_1920 = vector.broadcast %and3A_1919 : i32 to vector<16xi32>
      %and3A_1921 = arith.andi %add3A_1918, %and3A_1920 : vector<16xi32>
      %lt3A_1922 = arith.constant 0 : i32
      %lt3A_1923 = vector.broadcast %lt3A_1922 : i32 to vector<16xi32>
      %lt3A_1924 = arith.cmpi slt, %and3A_1921, %lt3A_1923 : vector<16xi32>
      %add3A_1925 = arith.constant 16 : i32
      %add3A_1926 = vector.broadcast %add3A_1925 : i32 to vector<16xi32>
      %add3A_1927 = arith.addi %and3A_1921, %add3A_1926 : vector<16xi32>
      %select_n3A_1928 = arith.select %lt3A_1924, %add3A_1927, %and3A_1921 : vector<16xi1>, vector<16xi32>
      %broadcast_in_dim3A_1929 = vector.shape_cast %select_n3A_1928 : vector<16xi32> to vector<16x1xi32>
      %gather3A_1930 = vector.shape_cast %broadcast_in_dim3A_1929 : vector<16x1xi32> to vector<16xi32>
      %gather3A_1931 = tpu.dynamic_gather %max3A_1915[%gather3A_1930] in [0] : vector<16xf32>, vector<16xi32> -> vector<16xf32>
      %max3A_1932 = arith.maximumf %max3A_1915, %gather3A_1931 : vector<16xf32>
      %add3A_1933 = arith.constant 2 : i32
      %add3A_1934 = vector.broadcast %add3A_1933 : i32 to vector<16xi32>
      %add3A_1935 = arith.addi %iota3A, %add3A_1934 : vector<16xi32>
      %and3A_1936 = arith.constant 15 : i32
      %and3A_1937 = vector.broadcast %and3A_1936 : i32 to vector<16xi32>
      %and3A_1938 = arith.andi %add3A_1935, %and3A_1937 : vector<16xi32>
      %lt3A_1939 = arith.constant 0 : i32
      %lt3A_1940 = vector.broadcast %lt3A_1939 : i32 to vector<16xi32>
      %lt3A_1941 = arith.cmpi slt, %and3A_1938, %lt3A_1940 : vector<16xi32>
      %add3A_1942 = arith.constant 16 : i32
      %add3A_1943 = vector.broadcast %add3A_1942 : i32 to vector<16xi32>
      %add3A_1944 = arith.addi %and3A_1938, %add3A_1943 : vector<16xi32>
      %select_n3A_1945 = arith.select %lt3A_1941, %add3A_1944, %and3A_1938 : vector<16xi1>, vector<16xi32>
      %broadcast_in_dim3A_1946 = vector.shape_cast %select_n3A_1945 : vector<16xi32> to vector<16x1xi32>
      %gather3A_1947 = vector.shape_cast %broadcast_in_dim3A_1946 : vector<16x1xi32> to vector<16xi32>
      %gather3A_1948 = tpu.dynamic_gather %max3A_1932[%gather3A_1947] in [0] : vector<16xf32>, vector<16xi32> -> vector<16xf32>
      %max3A_1949 = arith.maximumf %max3A_1932, %gather3A_1948 : vector<16xf32>
      %add3A_1950 = arith.constant 1 : i32
      %add3A_1951 = vector.broadcast %add3A_1950 : i32 to vector<16xi32>
      %add3A_1952 = arith.addi %iota3A, %add3A_1951 : vector<16xi32>
      %and3A_1953 = arith.constant 15 : i32
      %and3A_1954 = vector.broadcast %and3A_1953 : i32 to vector<16xi32>
      %and3A_1955 = arith.andi %add3A_1952, %and3A_1954 : vector<16xi32>
      %lt3A_1956 = arith.constant 0 : i32
      %lt3A_1957 = vector.broadcast %lt3A_1956 : i32 to vector<16xi32>
      %lt3A_1958 = arith.cmpi slt, %and3A_1955, %lt3A_1957 : vector<16xi32>
      %add3A_1959 = arith.constant 16 : i32
      %add3A_1960 = vector.broadcast %add3A_1959 : i32 to vector<16xi32>
      %add3A_1961 = arith.addi %and3A_1955, %add3A_1960 : vector<16xi32>
      %select_n3A_1962 = arith.select %lt3A_1958, %add3A_1961, %and3A_1955 : vector<16xi1>, vector<16xi32>
      %broadcast_in_dim3A_1963 = vector.shape_cast %select_n3A_1962 : vector<16xi32> to vector<16x1xi32>
      %gather3A_1964 = vector.shape_cast %broadcast_in_dim3A_1963 : vector<16x1xi32> to vector<16xi32>
      %gather3A_1965 = tpu.dynamic_gather %max3A_1949[%gather3A_1964] in [0] : vector<16xf32>, vector<16xi32> -> vector<16xf32>
      %max3A_1966 = arith.maximumf %max3A_1949, %gather3A_1965 : vector<16xf32>
      %eq3A_1967 = arith.constant 9 : i32
      %eq3A_1968 = vector.broadcast %eq3A_1967 : i32 to vector<16xi32>
      %eq3A_1969 = arith.cmpi eq, %iota3A, %eq3A_1968 : vector<16xi32>
      %select_n3A_1970 = arith.select %eq3A_1969, %max3A_1966, %select_n3A_1896 : vector<16xi1>, vector<16xf32>
      %get3A_1971 = arith.constant 416 : index
      %get3A_1972 = tpu.vector_load %arg9[%get3A_1971] {strides = array<i32>} : memref<1024xf32, #tpu.memory_space<vmem>>, vector<16xf32>,
      %add3A_1973 = arith.constant 8 : i32
      %add3A_1974 = vector.broadcast %add3A_1973 : i32 to vector<16xi32>
      %add3A_1975 = arith.addi %iota3A, %add3A_1974 : vector<16xi32>
      %and3A_1976 = arith.constant 15 : i32
      %and3A_1977 = vector.broadcast %and3A_1976 : i32 to vector<16xi32>
      %and3A_1978 = arith.andi %add3A_1975, %and3A_1977 : vector<16xi32>
      %lt3A_1979 = arith.constant 0 : i32
      %lt3A_1980 = vector.broadcast %lt3A_1979 : i32 to vector<16xi32>
      %lt3A_1981 = arith.cmpi slt, %and3A_1978, %lt3A_1980 : vector<16xi32>
      %add3A_1982 = arith.constant 16 : i32
      %add3A_1983 = vector.broadcast %add3A_1982 : i32 to vector<16xi32>
      %add3A_1984 = arith.addi %and3A_1978, %add3A_1983 : vector<16xi32>
      %select_n3A_1985 = arith.select %lt3A_1981, %add3A_1984, %and3A_1978 : vector<16xi1>, vector<16xi32>
      %broadcast_in_dim3A_1986 = vector.shape_cast %select_n3A_1985 : vector<16xi32> to vector<16x1xi32>
      %gather3A_1987 = vector.shape_cast %broadcast_in_dim3A_1986 : vector<16x1xi32> to vector<16xi32>
      %gather3A_1988 = tpu.dynamic_gather %get3A_1972[%gather3A_1987] in [0] : vector<16xf32>, vector<16xi32> -> vector<16xf32>
      %max3A_1989 = arith.maximumf %get3A_1972, %gather3A_1988 : vector<16xf32>
      %add3A_1990 = arith.constant 4 : i32
      %add3A_1991 = vector.broadcast %add3A_1990 : i32 to vector<16xi32>
      %add3A_1992 = arith.addi %iota3A, %add3A_1991 : vector<16xi32>
      %and3A_1993 = arith.constant 15 : i32
      %and3A_1994 = vector.broadcast %and3A_1993 : i32 to vector<16xi32>
      %and3A_1995 = arith.andi %add3A_1992, %and3A_1994 : vector<16xi32>
      %lt3A_1996 = arith.constant 0 : i32
      %lt3A_1997 = vector.broadcast %lt3A_1996 : i32 to vector<16xi32>
      %lt3A_1998 = arith.cmpi slt, %and3A_1995, %lt3A_1997 : vector<16xi32>
      %add3A_1999 = arith.constant 16 : i32
      %add3A_2000 = vector.broadcast %add3A_1999 : i32 to vector<16xi32>
      %add3A_2001 = arith.addi %and3A_1995, %add3A_2000 : vector<16xi32>
      %select_n3A_2002 = arith.select %lt3A_1998, %add3A_2001, %and3A_1995 : vector<16xi1>, vector<16xi32>
      %broadcast_in_dim3A_2003 = vector.shape_cast %select_n3A_2002 : vector<16xi32> to vector<16x1xi32>
      %gather3A_2004 = vector.shape_cast %broadcast_in_dim3A_2003 : vector<16x1xi32> to vector<16xi32>
      %gather3A_2005 = tpu.dynamic_gather %max3A_1989[%gather3A_2004] in [0] : vector<16xf32>, vector<16xi32> -> vector<16xf32>
      %max3A_2006 = arith.maximumf %max3A_1989, %gather3A_2005 : vector<16xf32>
      %add3A_2007 = arith.constant 2 : i32
      %add3A_2008 = vector.broadcast %add3A_2007 : i32 to vector<16xi32>
      %add3A_2009 = arith.addi %iota3A, %add3A_2008 : vector<16xi32>
      %and3A_2010 = arith.constant 15 : i32
      %and3A_2011 = vector.broadcast %and3A_2010 : i32 to vector<16xi32>
      %and3A_2012 = arith.andi %add3A_2009, %and3A_2011 : vector<16xi32>
      %lt3A_2013 = arith.constant 0 : i32
      %lt3A_2014 = vector.broadcast %lt3A_2013 : i32 to vector<16xi32>
      %lt3A_2015 = arith.cmpi slt, %and3A_2012, %lt3A_2014 : vector<16xi32>
      %add3A_2016 = arith.constant 16 : i32
      %add3A_2017 = vector.broadcast %add3A_2016 : i32 to vector<16xi32>
      %add3A_2018 = arith.addi %and3A_2012, %add3A_2017 : vector<16xi32>
      %select_n3A_2019 = arith.select %lt3A_2015, %add3A_2018, %and3A_2012 : vector<16xi1>, vector<16xi32>
      %broadcast_in_dim3A_2020 = vector.shape_cast %select_n3A_2019 : vector<16xi32> to vector<16x1xi32>
      %gather3A_2021 = vector.shape_cast %broadcast_in_dim3A_2020 : vector<16x1xi32> to vector<16xi32>
      %gather3A_2022 = tpu.dynamic_gather %max3A_2006[%gather3A_2021] in [0] : vector<16xf32>, vector<16xi32> -> vector<16xf32>
      %max3A_2023 = arith.maximumf %max3A_2006, %gather3A_2022 : vector<16xf32>
      %add3A_2024 = arith.constant 1 : i32
      %add3A_2025 = vector.broadcast %add3A_2024 : i32 to vector<16xi32>
      %add3A_2026 = arith.addi %iota3A, %add3A_2025 : vector<16xi32>
      %and3A_2027 = arith.constant 15 : i32
      %and3A_2028 = vector.broadcast %and3A_2027 : i32 to vector<16xi32>
      %and3A_2029 = arith.andi %add3A_2026, %and3A_2028 : vector<16xi32>
      %lt3A_2030 = arith.constant 0 : i32
      %lt3A_2031 = vector.broadcast %lt3A_2030 : i32 to vector<16xi32>
      %lt3A_2032 = arith.cmpi slt, %and3A_2029, %lt3A_2031 : vector<16xi32>
      %add3A_2033 = arith.constant 16 : i32
      %add3A_2034 = vector.broadcast %add3A_2033 : i32 to vector<16xi32>
      %add3A_2035 = arith.addi %and3A_2029, %add3A_2034 : vector<16xi32>
      %select_n3A_2036 = arith.select %lt3A_2032, %add3A_2035, %and3A_2029 : vector<16xi1>, vector<16xi32>
      %broadcast_in_dim3A_2037 = vector.shape_cast %select_n3A_2036 : vector<16xi32> to vector<16x1xi32>
      %gather3A_2038 = vector.shape_cast %broadcast_in_dim3A_2037 : vector<16x1xi32> to vector<16xi32>
      %gather3A_2039 = tpu.dynamic_gather %max3A_2023[%gather3A_2038] in [0] : vector<16xf32>, vector<16xi32> -> vector<16xf32>
      %max3A_2040 = arith.maximumf %max3A_2023, %gather3A_2039 : vector<16xf32>
      %eq3A_2041 = arith.constant 10 : i32
      %eq3A_2042 = vector.broadcast %eq3A_2041 : i32 to vector<16xi32>
      %eq3A_2043 = arith.cmpi eq, %iota3A, %eq3A_2042 : vector<16xi32>
      %select_n3A_2044 = arith.select %eq3A_2043, %max3A_2040, %select_n3A_1970 : vector<16xi1>, vector<16xf32>
      %get3A_2045 = arith.constant 432 : index
      %get3A_2046 = tpu.vector_load %arg9[%get3A_2045] {strides = array<i32>} : memref<1024xf32, #tpu.memory_space<vmem>>, vector<16xf32>,
      %add3A_2047 = arith.constant 8 : i32
      %add3A_2048 = vector.broadcast %add3A_2047 : i32 to vector<16xi32>
      %add3A_2049 = arith.addi %iota3A, %add3A_2048 : vector<16xi32>
      %and3A_2050 = arith.constant 15 : i32
      %and3A_2051 = vector.broadcast %and3A_2050 : i32 to vector<16xi32>
      %and3A_2052 = arith.andi %add3A_2049, %and3A_2051 : vector<16xi32>
      %lt3A_2053 = arith.constant 0 : i32
      %lt3A_2054 = vector.broadcast %lt3A_2053 : i32 to vector<16xi32>
      %lt3A_2055 = arith.cmpi slt, %and3A_2052, %lt3A_2054 : vector<16xi32>
      %add3A_2056 = arith.constant 16 : i32
      %add3A_2057 = vector.broadcast %add3A_2056 : i32 to vector<16xi32>
      %add3A_2058 = arith.addi %and3A_2052, %add3A_2057 : vector<16xi32>
      %select_n3A_2059 = arith.select %lt3A_2055, %add3A_2058, %and3A_2052 : vector<16xi1>, vector<16xi32>
      %broadcast_in_dim3A_2060 = vector.shape_cast %select_n3A_2059 : vector<16xi32> to vector<16x1xi32>
      %gather3A_2061 = vector.shape_cast %broadcast_in_dim3A_2060 : vector<16x1xi32> to vector<16xi32>
      %gather3A_2062 = tpu.dynamic_gather %get3A_2046[%gather3A_2061] in [0] : vector<16xf32>, vector<16xi32> -> vector<16xf32>
      %max3A_2063 = arith.maximumf %get3A_2046, %gather3A_2062 : vector<16xf32>
      %add3A_2064 = arith.constant 4 : i32
      %add3A_2065 = vector.broadcast %add3A_2064 : i32 to vector<16xi32>
      %add3A_2066 = arith.addi %iota3A, %add3A_2065 : vector<16xi32>
      %and3A_2067 = arith.constant 15 : i32
      %and3A_2068 = vector.broadcast %and3A_2067 : i32 to vector<16xi32>
      %and3A_2069 = arith.andi %add3A_2066, %and3A_2068 : vector<16xi32>
      %lt3A_2070 = arith.constant 0 : i32
      %lt3A_2071 = vector.broadcast %lt3A_2070 : i32 to vector<16xi32>
      %lt3A_2072 = arith.cmpi slt, %and3A_2069, %lt3A_2071 : vector<16xi32>
      %add3A_2073 = arith.constant 16 : i32
      %add3A_2074 = vector.broadcast %add3A_2073 : i32 to vector<16xi32>
      %add3A_2075 = arith.addi %and3A_2069, %add3A_2074 : vector<16xi32>
      %select_n3A_2076 = arith.select %lt3A_2072, %add3A_2075, %and3A_2069 : vector<16xi1>, vector<16xi32>
      %broadcast_in_dim3A_2077 = vector.shape_cast %select_n3A_2076 : vector<16xi32> to vector<16x1xi32>
      %gather3A_2078 = vector.shape_cast %broadcast_in_dim3A_2077 : vector<16x1xi32> to vector<16xi32>
      %gather3A_2079 = tpu.dynamic_gather %max3A_2063[%gather3A_2078] in [0] : vector<16xf32>, vector<16xi32> -> vector<16xf32>
      %max3A_2080 = arith.maximumf %max3A_2063, %gather3A_2079 : vector<16xf32>
      %add3A_2081 = arith.constant 2 : i32
      %add3A_2082 = vector.broadcast %add3A_2081 : i32 to vector<16xi32>
      %add3A_2083 = arith.addi %iota3A, %add3A_2082 : vector<16xi32>
      %and3A_2084 = arith.constant 15 : i32
      %and3A_2085 = vector.broadcast %and3A_2084 : i32 to vector<16xi32>
      %and3A_2086 = arith.andi %add3A_2083, %and3A_2085 : vector<16xi32>
      %lt3A_2087 = arith.constant 0 : i32
      %lt3A_2088 = vector.broadcast %lt3A_2087 : i32 to vector<16xi32>
      %lt3A_2089 = arith.cmpi slt, %and3A_2086, %lt3A_2088 : vector<16xi32>
      %add3A_2090 = arith.constant 16 : i32
      %add3A_2091 = vector.broadcast %add3A_2090 : i32 to vector<16xi32>
      %add3A_2092 = arith.addi %and3A_2086, %add3A_2091 : vector<16xi32>
      %select_n3A_2093 = arith.select %lt3A_2089, %add3A_2092, %and3A_2086 : vector<16xi1>, vector<16xi32>
      %broadcast_in_dim3A_2094 = vector.shape_cast %select_n3A_2093 : vector<16xi32> to vector<16x1xi32>
      %gather3A_2095 = vector.shape_cast %broadcast_in_dim3A_2094 : vector<16x1xi32> to vector<16xi32>
      %gather3A_2096 = tpu.dynamic_gather %max3A_2080[%gather3A_2095] in [0] : vector<16xf32>, vector<16xi32> -> vector<16xf32>
      %max3A_2097 = arith.maximumf %max3A_2080, %gather3A_2096 : vector<16xf32>
      %add3A_2098 = arith.constant 1 : i32
      %add3A_2099 = vector.broadcast %add3A_2098 : i32 to vector<16xi32>
      %add3A_2100 = arith.addi %iota3A, %add3A_2099 : vector<16xi32>
      %and3A_2101 = arith.constant 15 : i32
      %and3A_2102 = vector.broadcast %and3A_2101 : i32 to vector<16xi32>
      %and3A_2103 = arith.andi %add3A_2100, %and3A_2102 : vector<16xi32>
      %lt3A_2104 = arith.constant 0 : i32
      %lt3A_2105 = vector.broadcast %lt3A_2104 : i32 to vector<16xi32>
      %lt3A_2106 = arith.cmpi slt, %and3A_2103, %lt3A_2105 : vector<16xi32>
      %add3A_2107 = arith.constant 16 : i32
      %add3A_2108 = vector.broadcast %add3A_2107 : i32 to vector<16xi32>
      %add3A_2109 = arith.addi %and3A_2103, %add3A_2108 : vector<16xi32>
      %select_n3A_2110 = arith.select %lt3A_2106, %add3A_2109, %and3A_2103 : vector<16xi1>, vector<16xi32>
      %broadcast_in_dim3A_2111 = vector.shape_cast %select_n3A_2110 : vector<16xi32> to vector<16x1xi32>
      %gather3A_2112 = vector.shape_cast %broadcast_in_dim3A_2111 : vector<16x1xi32> to vector<16xi32>
      %gather3A_2113 = tpu.dynamic_gather %max3A_2097[%gather3A_2112] in [0] : vector<16xf32>, vector<16xi32> -> vector<16xf32>
      %max3A_2114 = arith.maximumf %max3A_2097, %gather3A_2113 : vector<16xf32>
      %eq3A_2115 = arith.constant 11 : i32
      %eq3A_2116 = vector.broadcast %eq3A_2115 : i32 to vector<16xi32>
      %eq3A_2117 = arith.cmpi eq, %iota3A, %eq3A_2116 : vector<16xi32>
      %select_n3A_2118 = arith.select %eq3A_2117, %max3A_2114, %select_n3A_2044 : vector<16xi1>, vector<16xf32>
      %get3A_2119 = arith.constant 448 : index
      %get3A_2120 = tpu.vector_load %arg9[%get3A_2119] {strides = array<i32>} : memref<1024xf32, #tpu.memory_space<vmem>>, vector<16xf32>,
      %add3A_2121 = arith.constant 8 : i32
      %add3A_2122 = vector.broadcast %add3A_2121 : i32 to vector<16xi32>
      %add3A_2123 = arith.addi %iota3A, %add3A_2122 : vector<16xi32>
      %and3A_2124 = arith.constant 15 : i32
      %and3A_2125 = vector.broadcast %and3A_2124 : i32 to vector<16xi32>
      %and3A_2126 = arith.andi %add3A_2123, %and3A_2125 : vector<16xi32>
      %lt3A_2127 = arith.constant 0 : i32
      %lt3A_2128 = vector.broadcast %lt3A_2127 : i32 to vector<16xi32>
      %lt3A_2129 = arith.cmpi slt, %and3A_2126, %lt3A_2128 : vector<16xi32>
      %add3A_2130 = arith.constant 16 : i32
      %add3A_2131 = vector.broadcast %add3A_2130 : i32 to vector<16xi32>
      %add3A_2132 = arith.addi %and3A_2126, %add3A_2131 : vector<16xi32>
      %select_n3A_2133 = arith.select %lt3A_2129, %add3A_2132, %and3A_2126 : vector<16xi1>, vector<16xi32>
      %broadcast_in_dim3A_2134 = vector.shape_cast %select_n3A_2133 : vector<16xi32> to vector<16x1xi32>
      %gather3A_2135 = vector.shape_cast %broadcast_in_dim3A_2134 : vector<16x1xi32> to vector<16xi32>
      %gather3A_2136 = tpu.dynamic_gather %get3A_2120[%gather3A_2135] in [0] : vector<16xf32>, vector<16xi32> -> vector<16xf32>
      %max3A_2137 = arith.maximumf %get3A_2120, %gather3A_2136 : vector<16xf32>
      %add3A_2138 = arith.constant 4 : i32
      %add3A_2139 = vector.broadcast %add3A_2138 : i32 to vector<16xi32>
      %add3A_2140 = arith.addi %iota3A, %add3A_2139 : vector<16xi32>
      %and3A_2141 = arith.constant 15 : i32
      %and3A_2142 = vector.broadcast %and3A_2141 : i32 to vector<16xi32>
      %and3A_2143 = arith.andi %add3A_2140, %and3A_2142 : vector<16xi32>
      %lt3A_2144 = arith.constant 0 : i32
      %lt3A_2145 = vector.broadcast %lt3A_2144 : i32 to vector<16xi32>
      %lt3A_2146 = arith.cmpi slt, %and3A_2143, %lt3A_2145 : vector<16xi32>
      %add3A_2147 = arith.constant 16 : i32
      %add3A_2148 = vector.broadcast %add3A_2147 : i32 to vector<16xi32>
      %add3A_2149 = arith.addi %and3A_2143, %add3A_2148 : vector<16xi32>
      %select_n3A_2150 = arith.select %lt3A_2146, %add3A_2149, %and3A_2143 : vector<16xi1>, vector<16xi32>
      %broadcast_in_dim3A_2151 = vector.shape_cast %select_n3A_2150 : vector<16xi32> to vector<16x1xi32>
      %gather3A_2152 = vector.shape_cast %broadcast_in_dim3A_2151 : vector<16x1xi32> to vector<16xi32>
      %gather3A_2153 = tpu.dynamic_gather %max3A_2137[%gather3A_2152] in [0] : vector<16xf32>, vector<16xi32> -> vector<16xf32>
      %max3A_2154 = arith.maximumf %max3A_2137, %gather3A_2153 : vector<16xf32>
      %add3A_2155 = arith.constant 2 : i32
      %add3A_2156 = vector.broadcast %add3A_2155 : i32 to vector<16xi32>
      %add3A_2157 = arith.addi %iota3A, %add3A_2156 : vector<16xi32>
      %and3A_2158 = arith.constant 15 : i32
      %and3A_2159 = vector.broadcast %and3A_2158 : i32 to vector<16xi32>
      %and3A_2160 = arith.andi %add3A_2157, %and3A_2159 : vector<16xi32>
      %lt3A_2161 = arith.constant 0 : i32
      %lt3A_2162 = vector.broadcast %lt3A_2161 : i32 to vector<16xi32>
      %lt3A_2163 = arith.cmpi slt, %and3A_2160, %lt3A_2162 : vector<16xi32>
      %add3A_2164 = arith.constant 16 : i32
      %add3A_2165 = vector.broadcast %add3A_2164 : i32 to vector<16xi32>
      %add3A_2166 = arith.addi %and3A_2160, %add3A_2165 : vector<16xi32>
      %select_n3A_2167 = arith.select %lt3A_2163, %add3A_2166, %and3A_2160 : vector<16xi1>, vector<16xi32>
      %broadcast_in_dim3A_2168 = vector.shape_cast %select_n3A_2167 : vector<16xi32> to vector<16x1xi32>
      %gather3A_2169 = vector.shape_cast %broadcast_in_dim3A_2168 : vector<16x1xi32> to vector<16xi32>
      %gather3A_2170 = tpu.dynamic_gather %max3A_2154[%gather3A_2169] in [0] : vector<16xf32>, vector<16xi32> -> vector<16xf32>
      %max3A_2171 = arith.maximumf %max3A_2154, %gather3A_2170 : vector<16xf32>
      %add3A_2172 = arith.constant 1 : i32
      %add3A_2173 = vector.broadcast %add3A_2172 : i32 to vector<16xi32>
      %add3A_2174 = arith.addi %iota3A, %add3A_2173 : vector<16xi32>
      %and3A_2175 = arith.constant 15 : i32
      %and3A_2176 = vector.broadcast %and3A_2175 : i32 to vector<16xi32>
      %and3A_2177 = arith.andi %add3A_2174, %and3A_2176 : vector<16xi32>
      %lt3A_2178 = arith.constant 0 : i32
      %lt3A_2179 = vector.broadcast %lt3A_2178 : i32 to vector<16xi32>
      %lt3A_2180 = arith.cmpi slt, %and3A_2177, %lt3A_2179 : vector<16xi32>
      %add3A_2181 = arith.constant 16 : i32
      %add3A_2182 = vector.broadcast %add3A_2181 : i32 to vector<16xi32>
      %add3A_2183 = arith.addi %and3A_2177, %add3A_2182 : vector<16xi32>
      %select_n3A_2184 = arith.select %lt3A_2180, %add3A_2183, %and3A_2177 : vector<16xi1>, vector<16xi32>
      %broadcast_in_dim3A_2185 = vector.shape_cast %select_n3A_2184 : vector<16xi32> to vector<16x1xi32>
      %gather3A_2186 = vector.shape_cast %broadcast_in_dim3A_2185 : vector<16x1xi32> to vector<16xi32>
      %gather3A_2187 = tpu.dynamic_gather %max3A_2171[%gather3A_2186] in [0] : vector<16xf32>, vector<16xi32> -> vector<16xf32>
      %max3A_2188 = arith.maximumf %max3A_2171, %gather3A_2187 : vector<16xf32>
      %eq3A_2189 = arith.constant 12 : i32
      %eq3A_2190 = vector.broadcast %eq3A_2189 : i32 to vector<16xi32>
      %eq3A_2191 = arith.cmpi eq, %iota3A, %eq3A_2190 : vector<16xi32>
      %select_n3A_2192 = arith.select %eq3A_2191, %max3A_2188, %select_n3A_2118 : vector<16xi1>, vector<16xf32>
      %get3A_2193 = arith.constant 464 : index
      %get3A_2194 = tpu.vector_load %arg9[%get3A_2193] {strides = array<i32>} : memref<1024xf32, #tpu.memory_space<vmem>>, vector<16xf32>,
      %add3A_2195 = arith.constant 8 : i32
      %add3A_2196 = vector.broadcast %add3A_2195 : i32 to vector<16xi32>
      %add3A_2197 = arith.addi %iota3A, %add3A_2196 : vector<16xi32>
      %and3A_2198 = arith.constant 15 : i32
      %and3A_2199 = vector.broadcast %and3A_2198 : i32 to vector<16xi32>
      %and3A_2200 = arith.andi %add3A_2197, %and3A_2199 : vector<16xi32>
      %lt3A_2201 = arith.constant 0 : i32
      %lt3A_2202 = vector.broadcast %lt3A_2201 : i32 to vector<16xi32>
      %lt3A_2203 = arith.cmpi slt, %and3A_2200, %lt3A_2202 : vector<16xi32>
      %add3A_2204 = arith.constant 16 : i32
      %add3A_2205 = vector.broadcast %add3A_2204 : i32 to vector<16xi32>
      %add3A_2206 = arith.addi %and3A_2200, %add3A_2205 : vector<16xi32>
      %select_n3A_2207 = arith.select %lt3A_2203, %add3A_2206, %and3A_2200 : vector<16xi1>, vector<16xi32>
      %broadcast_in_dim3A_2208 = vector.shape_cast %select_n3A_2207 : vector<16xi32> to vector<16x1xi32>
      %gather3A_2209 = vector.shape_cast %broadcast_in_dim3A_2208 : vector<16x1xi32> to vector<16xi32>
      %gather3A_2210 = tpu.dynamic_gather %get3A_2194[%gather3A_2209] in [0] : vector<16xf32>, vector<16xi32> -> vector<16xf32>
      %max3A_2211 = arith.maximumf %get3A_2194, %gather3A_2210 : vector<16xf32>
      %add3A_2212 = arith.constant 4 : i32
      %add3A_2213 = vector.broadcast %add3A_2212 : i32 to vector<16xi32>
      %add3A_2214 = arith.addi %iota3A, %add3A_2213 : vector<16xi32>
      %and3A_2215 = arith.constant 15 : i32
      %and3A_2216 = vector.broadcast %and3A_2215 : i32 to vector<16xi32>
      %and3A_2217 = arith.andi %add3A_2214, %and3A_2216 : vector<16xi32>
      %lt3A_2218 = arith.constant 0 : i32
      %lt3A_2219 = vector.broadcast %lt3A_2218 : i32 to vector<16xi32>
      %lt3A_2220 = arith.cmpi slt, %and3A_2217, %lt3A_2219 : vector<16xi32>
      %add3A_2221 = arith.constant 16 : i32
      %add3A_2222 = vector.broadcast %add3A_2221 : i32 to vector<16xi32>
      %add3A_2223 = arith.addi %and3A_2217, %add3A_2222 : vector<16xi32>
      %select_n3A_2224 = arith.select %lt3A_2220, %add3A_2223, %and3A_2217 : vector<16xi1>, vector<16xi32>
      %broadcast_in_dim3A_2225 = vector.shape_cast %select_n3A_2224 : vector<16xi32> to vector<16x1xi32>
      %gather3A_2226 = vector.shape_cast %broadcast_in_dim3A_2225 : vector<16x1xi32> to vector<16xi32>
      %gather3A_2227 = tpu.dynamic_gather %max3A_2211[%gather3A_2226] in [0] : vector<16xf32>, vector<16xi32> -> vector<16xf32>
      %max3A_2228 = arith.maximumf %max3A_2211, %gather3A_2227 : vector<16xf32>
      %add3A_2229 = arith.constant 2 : i32
      %add3A_2230 = vector.broadcast %add3A_2229 : i32 to vector<16xi32>
      %add3A_2231 = arith.addi %iota3A, %add3A_2230 : vector<16xi32>
      %and3A_2232 = arith.constant 15 : i32
      %and3A_2233 = vector.broadcast %and3A_2232 : i32 to vector<16xi32>
      %and3A_2234 = arith.andi %add3A_2231, %and3A_2233 : vector<16xi32>
      %lt3A_2235 = arith.constant 0 : i32
      %lt3A_2236 = vector.broadcast %lt3A_2235 : i32 to vector<16xi32>
      %lt3A_2237 = arith.cmpi slt, %and3A_2234, %lt3A_2236 : vector<16xi32>
      %add3A_2238 = arith.constant 16 : i32
      %add3A_2239 = vector.broadcast %add3A_2238 : i32 to vector<16xi32>
      %add3A_2240 = arith.addi %and3A_2234, %add3A_2239 : vector<16xi32>
      %select_n3A_2241 = arith.select %lt3A_2237, %add3A_2240, %and3A_2234 : vector<16xi1>, vector<16xi32>
      %broadcast_in_dim3A_2242 = vector.shape_cast %select_n3A_2241 : vector<16xi32> to vector<16x1xi32>
      %gather3A_2243 = vector.shape_cast %broadcast_in_dim3A_2242 : vector<16x1xi32> to vector<16xi32>
      %gather3A_2244 = tpu.dynamic_gather %max3A_2228[%gather3A_2243] in [0] : vector<16xf32>, vector<16xi32> -> vector<16xf32>
      %max3A_2245 = arith.maximumf %max3A_2228, %gather3A_2244 : vector<16xf32>
      %add3A_2246 = arith.constant 1 : i32
      %add3A_2247 = vector.broadcast %add3A_2246 : i32 to vector<16xi32>
      %add3A_2248 = arith.addi %iota3A, %add3A_2247 : vector<16xi32>
      %and3A_2249 = arith.constant 15 : i32
      %and3A_2250 = vector.broadcast %and3A_2249 : i32 to vector<16xi32>
      %and3A_2251 = arith.andi %add3A_2248, %and3A_2250 : vector<16xi32>
      %lt3A_2252 = arith.constant 0 : i32
      %lt3A_2253 = vector.broadcast %lt3A_2252 : i32 to vector<16xi32>
      %lt3A_2254 = arith.cmpi slt, %and3A_2251, %lt3A_2253 : vector<16xi32>
      %add3A_2255 = arith.constant 16 : i32
      %add3A_2256 = vector.broadcast %add3A_2255 : i32 to vector<16xi32>
      %add3A_2257 = arith.addi %and3A_2251, %add3A_2256 : vector<16xi32>
      %select_n3A_2258 = arith.select %lt3A_2254, %add3A_2257, %and3A_2251 : vector<16xi1>, vector<16xi32>
      %broadcast_in_dim3A_2259 = vector.shape_cast %select_n3A_2258 : vector<16xi32> to vector<16x1xi32>
      %gather3A_2260 = vector.shape_cast %broadcast_in_dim3A_2259 : vector<16x1xi32> to vector<16xi32>
      %gather3A_2261 = tpu.dynamic_gather %max3A_2245[%gather3A_2260] in [0] : vector<16xf32>, vector<16xi32> -> vector<16xf32>
      %max3A_2262 = arith.maximumf %max3A_2245, %gather3A_2261 : vector<16xf32>
      %eq3A_2263 = arith.constant 13 : i32
      %eq3A_2264 = vector.broadcast %eq3A_2263 : i32 to vector<16xi32>
      %eq3A_2265 = arith.cmpi eq, %iota3A, %eq3A_2264 : vector<16xi32>
      %select_n3A_2266 = arith.select %eq3A_2265, %max3A_2262, %select_n3A_2192 : vector<16xi1>, vector<16xf32>
      %get3A_2267 = arith.constant 480 : index
      %get3A_2268 = tpu.vector_load %arg9[%get3A_2267] {strides = array<i32>} : memref<1024xf32, #tpu.memory_space<vmem>>, vector<16xf32>,
      %add3A_2269 = arith.constant 8 : i32
      %add3A_2270 = vector.broadcast %add3A_2269 : i32 to vector<16xi32>
      %add3A_2271 = arith.addi %iota3A, %add3A_2270 : vector<16xi32>
      %and3A_2272 = arith.constant 15 : i32
      %and3A_2273 = vector.broadcast %and3A_2272 : i32 to vector<16xi32>
      %and3A_2274 = arith.andi %add3A_2271, %and3A_2273 : vector<16xi32>
      %lt3A_2275 = arith.constant 0 : i32
      %lt3A_2276 = vector.broadcast %lt3A_2275 : i32 to vector<16xi32>
      %lt3A_2277 = arith.cmpi slt, %and3A_2274, %lt3A_2276 : vector<16xi32>
      %add3A_2278 = arith.constant 16 : i32
      %add3A_2279 = vector.broadcast %add3A_2278 : i32 to vector<16xi32>
      %add3A_2280 = arith.addi %and3A_2274, %add3A_2279 : vector<16xi32>
      %select_n3A_2281 = arith.select %lt3A_2277, %add3A_2280, %and3A_2274 : vector<16xi1>, vector<16xi32>
      %broadcast_in_dim3A_2282 = vector.shape_cast %select_n3A_2281 : vector<16xi32> to vector<16x1xi32>
      %gather3A_2283 = vector.shape_cast %broadcast_in_dim3A_2282 : vector<16x1xi32> to vector<16xi32>
      %gather3A_2284 = tpu.dynamic_gather %get3A_2268[%gather3A_2283] in [0] : vector<16xf32>, vector<16xi32> -> vector<16xf32>
      %max3A_2285 = arith.maximumf %get3A_2268, %gather3A_2284 : vector<16xf32>
      %add3A_2286 = arith.constant 4 : i32
      %add3A_2287 = vector.broadcast %add3A_2286 : i32 to vector<16xi32>
      %add3A_2288 = arith.addi %iota3A, %add3A_2287 : vector<16xi32>
      %and3A_2289 = arith.constant 15 : i32
      %and3A_2290 = vector.broadcast %and3A_2289 : i32 to vector<16xi32>
      %and3A_2291 = arith.andi %add3A_2288, %and3A_2290 : vector<16xi32>
      %lt3A_2292 = arith.constant 0 : i32
      %lt3A_2293 = vector.broadcast %lt3A_2292 : i32 to vector<16xi32>
      %lt3A_2294 = arith.cmpi slt, %and3A_2291, %lt3A_2293 : vector<16xi32>
      %add3A_2295 = arith.constant 16 : i32
      %add3A_2296 = vector.broadcast %add3A_2295 : i32 to vector<16xi32>
      %add3A_2297 = arith.addi %and3A_2291, %add3A_2296 : vector<16xi32>
      %select_n3A_2298 = arith.select %lt3A_2294, %add3A_2297, %and3A_2291 : vector<16xi1>, vector<16xi32>
      %broadcast_in_dim3A_2299 = vector.shape_cast %select_n3A_2298 : vector<16xi32> to vector<16x1xi32>
      %gather3A_2300 = vector.shape_cast %broadcast_in_dim3A_2299 : vector<16x1xi32> to vector<16xi32>
      %gather3A_2301 = tpu.dynamic_gather %max3A_2285[%gather3A_2300] in [0] : vector<16xf32>, vector<16xi32> -> vector<16xf32>
      %max3A_2302 = arith.maximumf %max3A_2285, %gather3A_2301 : vector<16xf32>
      %add3A_2303 = arith.constant 2 : i32
      %add3A_2304 = vector.broadcast %add3A_2303 : i32 to vector<16xi32>
      %add3A_2305 = arith.addi %iota3A, %add3A_2304 : vector<16xi32>
      %and3A_2306 = arith.constant 15 : i32
      %and3A_2307 = vector.broadcast %and3A_2306 : i32 to vector<16xi32>
      %and3A_2308 = arith.andi %add3A_2305, %and3A_2307 : vector<16xi32>
      %lt3A_2309 = arith.constant 0 : i32
      %lt3A_2310 = vector.broadcast %lt3A_2309 : i32 to vector<16xi32>
      %lt3A_2311 = arith.cmpi slt, %and3A_2308, %lt3A_2310 : vector<16xi32>
      %add3A_2312 = arith.constant 16 : i32
      %add3A_2313 = vector.broadcast %add3A_2312 : i32 to vector<16xi32>
      %add3A_2314 = arith.addi %and3A_2308, %add3A_2313 : vector<16xi32>
      %select_n3A_2315 = arith.select %lt3A_2311, %add3A_2314, %and3A_2308 : vector<16xi1>, vector<16xi32>
      %broadcast_in_dim3A_2316 = vector.shape_cast %select_n3A_2315 : vector<16xi32> to vector<16x1xi32>
      %gather3A_2317 = vector.shape_cast %broadcast_in_dim3A_2316 : vector<16x1xi32> to vector<16xi32>
      %gather3A_2318 = tpu.dynamic_gather %max3A_2302[%gather3A_2317] in [0] : vector<16xf32>, vector<16xi32> -> vector<16xf32>
      %max3A_2319 = arith.maximumf %max3A_2302, %gather3A_2318 : vector<16xf32>
      %add3A_2320 = arith.constant 1 : i32
      %add3A_2321 = vector.broadcast %add3A_2320 : i32 to vector<16xi32>
      %add3A_2322 = arith.addi %iota3A, %add3A_2321 : vector<16xi32>
      %and3A_2323 = arith.constant 15 : i32
      %and3A_2324 = vector.broadcast %and3A_2323 : i32 to vector<16xi32>
      %and3A_2325 = arith.andi %add3A_2322, %and3A_2324 : vector<16xi32>
      %lt3A_2326 = arith.constant 0 : i32
      %lt3A_2327 = vector.broadcast %lt3A_2326 : i32 to vector<16xi32>
      %lt3A_2328 = arith.cmpi slt, %and3A_2325, %lt3A_2327 : vector<16xi32>
      %add3A_2329 = arith.constant 16 : i32
      %add3A_2330 = vector.broadcast %add3A_2329 : i32 to vector<16xi32>
      %add3A_2331 = arith.addi %and3A_2325, %add3A_2330 : vector<16xi32>
      %select_n3A_2332 = arith.select %lt3A_2328, %add3A_2331, %and3A_2325 : vector<16xi1>, vector<16xi32>
      %broadcast_in_dim3A_2333 = vector.shape_cast %select_n3A_2332 : vector<16xi32> to vector<16x1xi32>
      %gather3A_2334 = vector.shape_cast %broadcast_in_dim3A_2333 : vector<16x1xi32> to vector<16xi32>
      %gather3A_2335 = tpu.dynamic_gather %max3A_2319[%gather3A_2334] in [0] : vector<16xf32>, vector<16xi32> -> vector<16xf32>
      %max3A_2336 = arith.maximumf %max3A_2319, %gather3A_2335 : vector<16xf32>
      %eq3A_2337 = arith.constant 14 : i32
      %eq3A_2338 = vector.broadcast %eq3A_2337 : i32 to vector<16xi32>
      %eq3A_2339 = arith.cmpi eq, %iota3A, %eq3A_2338 : vector<16xi32>
      %select_n3A_2340 = arith.select %eq3A_2339, %max3A_2336, %select_n3A_2266 : vector<16xi1>, vector<16xf32>
      %get3A_2341 = arith.constant 496 : index
      %get3A_2342 = tpu.vector_load %arg9[%get3A_2341] {strides = array<i32>} : memref<1024xf32, #tpu.memory_space<vmem>>, vector<16xf32>,
      %add3A_2343 = arith.constant 8 : i32
      %add3A_2344 = vector.broadcast %add3A_2343 : i32 to vector<16xi32>
      %add3A_2345 = arith.addi %iota3A, %add3A_2344 : vector<16xi32>
      %and3A_2346 = arith.constant 15 : i32
      %and3A_2347 = vector.broadcast %and3A_2346 : i32 to vector<16xi32>
      %and3A_2348 = arith.andi %add3A_2345, %and3A_2347 : vector<16xi32>
      %lt3A_2349 = arith.constant 0 : i32
      %lt3A_2350 = vector.broadcast %lt3A_2349 : i32 to vector<16xi32>
      %lt3A_2351 = arith.cmpi slt, %and3A_2348, %lt3A_2350 : vector<16xi32>
      %add3A_2352 = arith.constant 16 : i32
      %add3A_2353 = vector.broadcast %add3A_2352 : i32 to vector<16xi32>
      %add3A_2354 = arith.addi %and3A_2348, %add3A_2353 : vector<16xi32>
      %select_n3A_2355 = arith.select %lt3A_2351, %add3A_2354, %and3A_2348 : vector<16xi1>, vector<16xi32>
      %broadcast_in_dim3A_2356 = vector.shape_cast %select_n3A_2355 : vector<16xi32> to vector<16x1xi32>
      %gather3A_2357 = vector.shape_cast %broadcast_in_dim3A_2356 : vector<16x1xi32> to vector<16xi32>
      %gather3A_2358 = tpu.dynamic_gather %get3A_2342[%gather3A_2357] in [0] : vector<16xf32>, vector<16xi32> -> vector<16xf32>
      %max3A_2359 = arith.maximumf %get3A_2342, %gather3A_2358 : vector<16xf32>
      %add3A_2360 = arith.constant 4 : i32
      %add3A_2361 = vector.broadcast %add3A_2360 : i32 to vector<16xi32>
      %add3A_2362 = arith.addi %iota3A, %add3A_2361 : vector<16xi32>
      %and3A_2363 = arith.constant 15 : i32
      %and3A_2364 = vector.broadcast %and3A_2363 : i32 to vector<16xi32>
      %and3A_2365 = arith.andi %add3A_2362, %and3A_2364 : vector<16xi32>
      %lt3A_2366 = arith.constant 0 : i32
      %lt3A_2367 = vector.broadcast %lt3A_2366 : i32 to vector<16xi32>
      %lt3A_2368 = arith.cmpi slt, %and3A_2365, %lt3A_2367 : vector<16xi32>
      %add3A_2369 = arith.constant 16 : i32
      %add3A_2370 = vector.broadcast %add3A_2369 : i32 to vector<16xi32>
      %add3A_2371 = arith.addi %and3A_2365, %add3A_2370 : vector<16xi32>
      %select_n3A_2372 = arith.select %lt3A_2368, %add3A_2371, %and3A_2365 : vector<16xi1>, vector<16xi32>
      %broadcast_in_dim3A_2373 = vector.shape_cast %select_n3A_2372 : vector<16xi32> to vector<16x1xi32>
      %gather3A_2374 = vector.shape_cast %broadcast_in_dim3A_2373 : vector<16x1xi32> to vector<16xi32>
      %gather3A_2375 = tpu.dynamic_gather %max3A_2359[%gather3A_2374] in [0] : vector<16xf32>, vector<16xi32> -> vector<16xf32>
      %max3A_2376 = arith.maximumf %max3A_2359, %gather3A_2375 : vector<16xf32>
      %add3A_2377 = arith.constant 2 : i32
      %add3A_2378 = vector.broadcast %add3A_2377 : i32 to vector<16xi32>
      %add3A_2379 = arith.addi %iota3A, %add3A_2378 : vector<16xi32>
      %and3A_2380 = arith.constant 15 : i32
      %and3A_2381 = vector.broadcast %and3A_2380 : i32 to vector<16xi32>
      %and3A_2382 = arith.andi %add3A_2379, %and3A_2381 : vector<16xi32>
      %lt3A_2383 = arith.constant 0 : i32
      %lt3A_2384 = vector.broadcast %lt3A_2383 : i32 to vector<16xi32>
      %lt3A_2385 = arith.cmpi slt, %and3A_2382, %lt3A_2384 : vector<16xi32>
      %add3A_2386 = arith.constant 16 : i32
      %add3A_2387 = vector.broadcast %add3A_2386 : i32 to vector<16xi32>
      %add3A_2388 = arith.addi %and3A_2382, %add3A_2387 : vector<16xi32>
      %select_n3A_2389 = arith.select %lt3A_2385, %add3A_2388, %and3A_2382 : vector<16xi1>, vector<16xi32>
      %broadcast_in_dim3A_2390 = vector.shape_cast %select_n3A_2389 : vector<16xi32> to vector<16x1xi32>
      %gather3A_2391 = vector.shape_cast %broadcast_in_dim3A_2390 : vector<16x1xi32> to vector<16xi32>
      %gather3A_2392 = tpu.dynamic_gather %max3A_2376[%gather3A_2391] in [0] : vector<16xf32>, vector<16xi32> -> vector<16xf32>
      %max3A_2393 = arith.maximumf %max3A_2376, %gather3A_2392 : vector<16xf32>
      %add3A_2394 = arith.constant 1 : i32
      %add3A_2395 = vector.broadcast %add3A_2394 : i32 to vector<16xi32>
      %add3A_2396 = arith.addi %iota3A, %add3A_2395 : vector<16xi32>
      %and3A_2397 = arith.constant 15 : i32
      %and3A_2398 = vector.broadcast %and3A_2397 : i32 to vector<16xi32>
      %and3A_2399 = arith.andi %add3A_2396, %and3A_2398 : vector<16xi32>
      %lt3A_2400 = arith.constant 0 : i32
      %lt3A_2401 = vector.broadcast %lt3A_2400 : i32 to vector<16xi32>
      %lt3A_2402 = arith.cmpi slt, %and3A_2399, %lt3A_2401 : vector<16xi32>
      %add3A_2403 = arith.constant 16 : i32
      %add3A_2404 = vector.broadcast %add3A_2403 : i32 to vector<16xi32>
      %add3A_2405 = arith.addi %and3A_2399, %add3A_2404 : vector<16xi32>
      %select_n3A_2406 = arith.select %lt3A_2402, %add3A_2405, %and3A_2399 : vector<16xi1>, vector<16xi32>
      %broadcast_in_dim3A_2407 = vector.shape_cast %select_n3A_2406 : vector<16xi32> to vector<16x1xi32>
      %gather3A_2408 = vector.shape_cast %broadcast_in_dim3A_2407 : vector<16x1xi32> to vector<16xi32>
      %gather3A_2409 = tpu.dynamic_gather %max3A_2393[%gather3A_2408] in [0] : vector<16xf32>, vector<16xi32> -> vector<16xf32>
      %max3A_2410 = arith.maximumf %max3A_2393, %gather3A_2409 : vector<16xf32>
      %eq3A_2411 = arith.constant 15 : i32
      %eq3A_2412 = vector.broadcast %eq3A_2411 : i32 to vector<16xi32>
      %eq3A_2413 = arith.cmpi eq, %iota3A, %eq3A_2412 : vector<16xi32>
      %select_n3A_2414 = arith.select %eq3A_2413, %max3A_2410, %select_n3A_2340 : vector<16xi1>, vector<16xf32>
      %broadcast_in_dim3A_2415 = arith.constant 0xFF800000 : f32
      %broadcast_in_dim3A_2416 = vector.broadcast %broadcast_in_dim3A_2415 : f32 to vector<16xf32>
      %get3A_2417 = arith.constant 512 : index
      %get3A_2418 = tpu.vector_load %arg9[%get3A_2417] {strides = array<i32>} : memref<1024xf32, #tpu.memory_space<vmem>>, vector<16xf32>,
      %add3A_2419 = arith.constant 8 : i32
      %add3A_2420 = vector.broadcast %add3A_2419 : i32 to vector<16xi32>
      %add3A_2421 = arith.addi %iota3A, %add3A_2420 : vector<16xi32>
      %and3A_2422 = arith.constant 15 : i32
      %and3A_2423 = vector.broadcast %and3A_2422 : i32 to vector<16xi32>
      %and3A_2424 = arith.andi %add3A_2421, %and3A_2423 : vector<16xi32>
      %lt3A_2425 = arith.constant 0 : i32
      %lt3A_2426 = vector.broadcast %lt3A_2425 : i32 to vector<16xi32>
      %lt3A_2427 = arith.cmpi slt, %and3A_2424, %lt3A_2426 : vector<16xi32>
      %add3A_2428 = arith.constant 16 : i32
      %add3A_2429 = vector.broadcast %add3A_2428 : i32 to vector<16xi32>
      %add3A_2430 = arith.addi %and3A_2424, %add3A_2429 : vector<16xi32>
      %select_n3A_2431 = arith.select %lt3A_2427, %add3A_2430, %and3A_2424 : vector<16xi1>, vector<16xi32>
      %broadcast_in_dim3A_2432 = vector.shape_cast %select_n3A_2431 : vector<16xi32> to vector<16x1xi32>
      %gather3A_2433 = vector.shape_cast %broadcast_in_dim3A_2432 : vector<16x1xi32> to vector<16xi32>
      %gather3A_2434 = tpu.dynamic_gather %get3A_2418[%gather3A_2433] in [0] : vector<16xf32>, vector<16xi32> -> vector<16xf32>
      %max3A_2435 = arith.maximumf %get3A_2418, %gather3A_2434 : vector<16xf32>
      %add3A_2436 = arith.constant 4 : i32
      %add3A_2437 = vector.broadcast %add3A_2436 : i32 to vector<16xi32>
      %add3A_2438 = arith.addi %iota3A, %add3A_2437 : vector<16xi32>
      %and3A_2439 = arith.constant 15 : i32
      %and3A_2440 = vector.broadcast %and3A_2439 : i32 to vector<16xi32>
      %and3A_2441 = arith.andi %add3A_2438, %and3A_2440 : vector<16xi32>
      %lt3A_2442 = arith.constant 0 : i32
      %lt3A_2443 = vector.broadcast %lt3A_2442 : i32 to vector<16xi32>
      %lt3A_2444 = arith.cmpi slt, %and3A_2441, %lt3A_2443 : vector<16xi32>
      %add3A_2445 = arith.constant 16 : i32
      %add3A_2446 = vector.broadcast %add3A_2445 : i32 to vector<16xi32>
      %add3A_2447 = arith.addi %and3A_2441, %add3A_2446 : vector<16xi32>
      %select_n3A_2448 = arith.select %lt3A_2444, %add3A_2447, %and3A_2441 : vector<16xi1>, vector<16xi32>
      %broadcast_in_dim3A_2449 = vector.shape_cast %select_n3A_2448 : vector<16xi32> to vector<16x1xi32>
      %gather3A_2450 = vector.shape_cast %broadcast_in_dim3A_2449 : vector<16x1xi32> to vector<16xi32>
      %gather3A_2451 = tpu.dynamic_gather %max3A_2435[%gather3A_2450] in [0] : vector<16xf32>, vector<16xi32> -> vector<16xf32>
      %max3A_2452 = arith.maximumf %max3A_2435, %gather3A_2451 : vector<16xf32>
      %add3A_2453 = arith.constant 2 : i32
      %add3A_2454 = vector.broadcast %add3A_2453 : i32 to vector<16xi32>
      %add3A_2455 = arith.addi %iota3A, %add3A_2454 : vector<16xi32>
      %and3A_2456 = arith.constant 15 : i32
      %and3A_2457 = vector.broadcast %and3A_2456 : i32 to vector<16xi32>
      %and3A_2458 = arith.andi %add3A_2455, %and3A_2457 : vector<16xi32>
      %lt3A_2459 = arith.constant 0 : i32
      %lt3A_2460 = vector.broadcast %lt3A_2459 : i32 to vector<16xi32>
      %lt3A_2461 = arith.cmpi slt, %and3A_2458, %lt3A_2460 : vector<16xi32>
      %add3A_2462 = arith.constant 16 : i32
      %add3A_2463 = vector.broadcast %add3A_2462 : i32 to vector<16xi32>
      %add3A_2464 = arith.addi %and3A_2458, %add3A_2463 : vector<16xi32>
      %select_n3A_2465 = arith.select %lt3A_2461, %add3A_2464, %and3A_2458 : vector<16xi1>, vector<16xi32>
      %broadcast_in_dim3A_2466 = vector.shape_cast %select_n3A_2465 : vector<16xi32> to vector<16x1xi32>
      %gather3A_2467 = vector.shape_cast %broadcast_in_dim3A_2466 : vector<16x1xi32> to vector<16xi32>
      %gather3A_2468 = tpu.dynamic_gather %max3A_2452[%gather3A_2467] in [0] : vector<16xf32>, vector<16xi32> -> vector<16xf32>
      %max3A_2469 = arith.maximumf %max3A_2452, %gather3A_2468 : vector<16xf32>
      %add3A_2470 = arith.constant 1 : i32
      %add3A_2471 = vector.broadcast %add3A_2470 : i32 to vector<16xi32>
      %add3A_2472 = arith.addi %iota3A, %add3A_2471 : vector<16xi32>
      %and3A_2473 = arith.constant 15 : i32
      %and3A_2474 = vector.broadcast %and3A_2473 : i32 to vector<16xi32>
      %and3A_2475 = arith.andi %add3A_2472, %and3A_2474 : vector<16xi32>
      %lt3A_2476 = arith.constant 0 : i32
      %lt3A_2477 = vector.broadcast %lt3A_2476 : i32 to vector<16xi32>
      %lt3A_2478 = arith.cmpi slt, %and3A_2475, %lt3A_2477 : vector<16xi32>
      %add3A_2479 = arith.constant 16 : i32
      %add3A_2480 = vector.broadcast %add3A_2479 : i32 to vector<16xi32>
      %add3A_2481 = arith.addi %and3A_2475, %add3A_2480 : vector<16xi32>
      %select_n3A_2482 = arith.select %lt3A_2478, %add3A_2481, %and3A_2475 : vector<16xi1>, vector<16xi32>
      %broadcast_in_dim3A_2483 = vector.shape_cast %select_n3A_2482 : vector<16xi32> to vector<16x1xi32>
      %gather3A_2484 = vector.shape_cast %broadcast_in_dim3A_2483 : vector<16x1xi32> to vector<16xi32>
      %gather3A_2485 = tpu.dynamic_gather %max3A_2469[%gather3A_2484] in [0] : vector<16xf32>, vector<16xi32> -> vector<16xf32>
      %max3A_2486 = arith.maximumf %max3A_2469, %gather3A_2485 : vector<16xf32>
      %eq3A_2487 = arith.constant 0 : i32
      %eq3A_2488 = vector.broadcast %eq3A_2487 : i32 to vector<16xi32>
      %eq3A_2489 = arith.cmpi eq, %iota3A, %eq3A_2488 : vector<16xi32>
      %select_n3A_2490 = arith.select %eq3A_2489, %max3A_2486, %broadcast_in_dim3A_2416 : vector<16xi1>, vector<16xf32>
      %get3A_2491 = arith.constant 528 : index
      %get3A_2492 = tpu.vector_load %arg9[%get3A_2491] {strides = array<i32>} : memref<1024xf32, #tpu.memory_space<vmem>>, vector<16xf32>,
      %add3A_2493 = arith.constant 8 : i32
      %add3A_2494 = vector.broadcast %add3A_2493 : i32 to vector<16xi32>
      %add3A_2495 = arith.addi %iota3A, %add3A_2494 : vector<16xi32>
      %and3A_2496 = arith.constant 15 : i32
      %and3A_2497 = vector.broadcast %and3A_2496 : i32 to vector<16xi32>
      %and3A_2498 = arith.andi %add3A_2495, %and3A_2497 : vector<16xi32>
      %lt3A_2499 = arith.constant 0 : i32
      %lt3A_2500 = vector.broadcast %lt3A_2499 : i32 to vector<16xi32>
      %lt3A_2501 = arith.cmpi slt, %and3A_2498, %lt3A_2500 : vector<16xi32>
      %add3A_2502 = arith.constant 16 : i32
      %add3A_2503 = vector.broadcast %add3A_2502 : i32 to vector<16xi32>
      %add3A_2504 = arith.addi %and3A_2498, %add3A_2503 : vector<16xi32>
      %select_n3A_2505 = arith.select %lt3A_2501, %add3A_2504, %and3A_2498 : vector<16xi1>, vector<16xi32>
      %broadcast_in_dim3A_2506 = vector.shape_cast %select_n3A_2505 : vector<16xi32> to vector<16x1xi32>
      %gather3A_2507 = vector.shape_cast %broadcast_in_dim3A_2506 : vector<16x1xi32> to vector<16xi32>
      %gather3A_2508 = tpu.dynamic_gather %get3A_2492[%gather3A_2507] in [0] : vector<16xf32>, vector<16xi32> -> vector<16xf32>
      %max3A_2509 = arith.maximumf %get3A_2492, %gather3A_2508 : vector<16xf32>
      %add3A_2510 = arith.constant 4 : i32
      %add3A_2511 = vector.broadcast %add3A_2510 : i32 to vector<16xi32>
      %add3A_2512 = arith.addi %iota3A, %add3A_2511 : vector<16xi32>
      %and3A_2513 = arith.constant 15 : i32
      %and3A_2514 = vector.broadcast %and3A_2513 : i32 to vector<16xi32>
      %and3A_2515 = arith.andi %add3A_2512, %and3A_2514 : vector<16xi32>
      %lt3A_2516 = arith.constant 0 : i32
      %lt3A_2517 = vector.broadcast %lt3A_2516 : i32 to vector<16xi32>
      %lt3A_2518 = arith.cmpi slt, %and3A_2515, %lt3A_2517 : vector<16xi32>
      %add3A_2519 = arith.constant 16 : i32
      %add3A_2520 = vector.broadcast %add3A_2519 : i32 to vector<16xi32>
      %add3A_2521 = arith.addi %and3A_2515, %add3A_2520 : vector<16xi32>
      %select_n3A_2522 = arith.select %lt3A_2518, %add3A_2521, %and3A_2515 : vector<16xi1>, vector<16xi32>
      %broadcast_in_dim3A_2523 = vector.shape_cast %select_n3A_2522 : vector<16xi32> to vector<16x1xi32>
      %gather3A_2524 = vector.shape_cast %broadcast_in_dim3A_2523 : vector<16x1xi32> to vector<16xi32>
      %gather3A_2525 = tpu.dynamic_gather %max3A_2509[%gather3A_2524] in [0] : vector<16xf32>, vector<16xi32> -> vector<16xf32>
      %max3A_2526 = arith.maximumf %max3A_2509, %gather3A_2525 : vector<16xf32>
      %add3A_2527 = arith.constant 2 : i32
      %add3A_2528 = vector.broadcast %add3A_2527 : i32 to vector<16xi32>
      %add3A_2529 = arith.addi %iota3A, %add3A_2528 : vector<16xi32>
      %and3A_2530 = arith.constant 15 : i32
      %and3A_2531 = vector.broadcast %and3A_2530 : i32 to vector<16xi32>
      %and3A_2532 = arith.andi %add3A_2529, %and3A_2531 : vector<16xi32>
      %lt3A_2533 = arith.constant 0 : i32
      %lt3A_2534 = vector.broadcast %lt3A_2533 : i32 to vector<16xi32>
      %lt3A_2535 = arith.cmpi slt, %and3A_2532, %lt3A_2534 : vector<16xi32>
      %add3A_2536 = arith.constant 16 : i32
      %add3A_2537 = vector.broadcast %add3A_2536 : i32 to vector<16xi32>
      %add3A_2538 = arith.addi %and3A_2532, %add3A_2537 : vector<16xi32>
      %select_n3A_2539 = arith.select %lt3A_2535, %add3A_2538, %and3A_2532 : vector<16xi1>, vector<16xi32>
      %broadcast_in_dim3A_2540 = vector.shape_cast %select_n3A_2539 : vector<16xi32> to vector<16x1xi32>
      %gather3A_2541 = vector.shape_cast %broadcast_in_dim3A_2540 : vector<16x1xi32> to vector<16xi32>
      %gather3A_2542 = tpu.dynamic_gather %max3A_2526[%gather3A_2541] in [0] : vector<16xf32>, vector<16xi32> -> vector<16xf32>
      %max3A_2543 = arith.maximumf %max3A_2526, %gather3A_2542 : vector<16xf32>
      %add3A_2544 = arith.constant 1 : i32
      %add3A_2545 = vector.broadcast %add3A_2544 : i32 to vector<16xi32>
      %add3A_2546 = arith.addi %iota3A, %add3A_2545 : vector<16xi32>
      %and3A_2547 = arith.constant 15 : i32
      %and3A_2548 = vector.broadcast %and3A_2547 : i32 to vector<16xi32>
      %and3A_2549 = arith.andi %add3A_2546, %and3A_2548 : vector<16xi32>
      %lt3A_2550 = arith.constant 0 : i32
      %lt3A_2551 = vector.broadcast %lt3A_2550 : i32 to vector<16xi32>
      %lt3A_2552 = arith.cmpi slt, %and3A_2549, %lt3A_2551 : vector<16xi32>
      %add3A_2553 = arith.constant 16 : i32
      %add3A_2554 = vector.broadcast %add3A_2553 : i32 to vector<16xi32>
      %add3A_2555 = arith.addi %and3A_2549, %add3A_2554 : vector<16xi32>
      %select_n3A_2556 = arith.select %lt3A_2552, %add3A_2555, %and3A_2549 : vector<16xi1>, vector<16xi32>
      %broadcast_in_dim3A_2557 = vector.shape_cast %select_n3A_2556 : vector<16xi32> to vector<16x1xi32>
      %gather3A_2558 = vector.shape_cast %broadcast_in_dim3A_2557 : vector<16x1xi32> to vector<16xi32>
      %gather3A_2559 = tpu.dynamic_gather %max3A_2543[%gather3A_2558] in [0] : vector<16xf32>, vector<16xi32> -> vector<16xf32>
      %max3A_2560 = arith.maximumf %max3A_2543, %gather3A_2559 : vector<16xf32>
      %eq3A_2561 = arith.constant 1 : i32
      %eq3A_2562 = vector.broadcast %eq3A_2561 : i32 to vector<16xi32>
      %eq3A_2563 = arith.cmpi eq, %iota3A, %eq3A_2562 : vector<16xi32>
      %select_n3A_2564 = arith.select %eq3A_2563, %max3A_2560, %select_n3A_2490 : vector<16xi1>, vector<16xf32>
      %get3A_2565 = arith.constant 544 : index
      %get3A_2566 = tpu.vector_load %arg9[%get3A_2565] {strides = array<i32>} : memref<1024xf32, #tpu.memory_space<vmem>>, vector<16xf32>,
      %add3A_2567 = arith.constant 8 : i32
      %add3A_2568 = vector.broadcast %add3A_2567 : i32 to vector<16xi32>
      %add3A_2569 = arith.addi %iota3A, %add3A_2568 : vector<16xi32>
      %and3A_2570 = arith.constant 15 : i32
      %and3A_2571 = vector.broadcast %and3A_2570 : i32 to vector<16xi32>
      %and3A_2572 = arith.andi %add3A_2569, %and3A_2571 : vector<16xi32>
      %lt3A_2573 = arith.constant 0 : i32
      %lt3A_2574 = vector.broadcast %lt3A_2573 : i32 to vector<16xi32>
      %lt3A_2575 = arith.cmpi slt, %and3A_2572, %lt3A_2574 : vector<16xi32>
      %add3A_2576 = arith.constant 16 : i32
      %add3A_2577 = vector.broadcast %add3A_2576 : i32 to vector<16xi32>
      %add3A_2578 = arith.addi %and3A_2572, %add3A_2577 : vector<16xi32>
      %select_n3A_2579 = arith.select %lt3A_2575, %add3A_2578, %and3A_2572 : vector<16xi1>, vector<16xi32>
      %broadcast_in_dim3A_2580 = vector.shape_cast %select_n3A_2579 : vector<16xi32> to vector<16x1xi32>
      %gather3A_2581 = vector.shape_cast %broadcast_in_dim3A_2580 : vector<16x1xi32> to vector<16xi32>
      %gather3A_2582 = tpu.dynamic_gather %get3A_2566[%gather3A_2581] in [0] : vector<16xf32>, vector<16xi32> -> vector<16xf32>
      %max3A_2583 = arith.maximumf %get3A_2566, %gather3A_2582 : vector<16xf32>
      %add3A_2584 = arith.constant 4 : i32
      %add3A_2585 = vector.broadcast %add3A_2584 : i32 to vector<16xi32>
      %add3A_2586 = arith.addi %iota3A, %add3A_2585 : vector<16xi32>
      %and3A_2587 = arith.constant 15 : i32
      %and3A_2588 = vector.broadcast %and3A_2587 : i32 to vector<16xi32>
      %and3A_2589 = arith.andi %add3A_2586, %and3A_2588 : vector<16xi32>
      %lt3A_2590 = arith.constant 0 : i32
      %lt3A_2591 = vector.broadcast %lt3A_2590 : i32 to vector<16xi32>
      %lt3A_2592 = arith.cmpi slt, %and3A_2589, %lt3A_2591 : vector<16xi32>
      %add3A_2593 = arith.constant 16 : i32
      %add3A_2594 = vector.broadcast %add3A_2593 : i32 to vector<16xi32>
      %add3A_2595 = arith.addi %and3A_2589, %add3A_2594 : vector<16xi32>
      %select_n3A_2596 = arith.select %lt3A_2592, %add3A_2595, %and3A_2589 : vector<16xi1>, vector<16xi32>
      %broadcast_in_dim3A_2597 = vector.shape_cast %select_n3A_2596 : vector<16xi32> to vector<16x1xi32>
      %gather3A_2598 = vector.shape_cast %broadcast_in_dim3A_2597 : vector<16x1xi32> to vector<16xi32>
      %gather3A_2599 = tpu.dynamic_gather %max3A_2583[%gather3A_2598] in [0] : vector<16xf32>, vector<16xi32> -> vector<16xf32>
      %max3A_2600 = arith.maximumf %max3A_2583, %gather3A_2599 : vector<16xf32>
      %add3A_2601 = arith.constant 2 : i32
      %add3A_2602 = vector.broadcast %add3A_2601 : i32 to vector<16xi32>
      %add3A_2603 = arith.addi %iota3A, %add3A_2602 : vector<16xi32>
      %and3A_2604 = arith.constant 15 : i32
      %and3A_2605 = vector.broadcast %and3A_2604 : i32 to vector<16xi32>
      %and3A_2606 = arith.andi %add3A_2603, %and3A_2605 : vector<16xi32>
      %lt3A_2607 = arith.constant 0 : i32
      %lt3A_2608 = vector.broadcast %lt3A_2607 : i32 to vector<16xi32>
      %lt3A_2609 = arith.cmpi slt, %and3A_2606, %lt3A_2608 : vector<16xi32>
      %add3A_2610 = arith.constant 16 : i32
      %add3A_2611 = vector.broadcast %add3A_2610 : i32 to vector<16xi32>
      %add3A_2612 = arith.addi %and3A_2606, %add3A_2611 : vector<16xi32>
      %select_n3A_2613 = arith.select %lt3A_2609, %add3A_2612, %and3A_2606 : vector<16xi1>, vector<16xi32>
      %broadcast_in_dim3A_2614 = vector.shape_cast %select_n3A_2613 : vector<16xi32> to vector<16x1xi32>
      %gather3A_2615 = vector.shape_cast %broadcast_in_dim3A_2614 : vector<16x1xi32> to vector<16xi32>
      %gather3A_2616 = tpu.dynamic_gather %max3A_2600[%gather3A_2615] in [0] : vector<16xf32>, vector<16xi32> -> vector<16xf32>
      %max3A_2617 = arith.maximumf %max3A_2600, %gather3A_2616 : vector<16xf32>
      %add3A_2618 = arith.constant 1 : i32
      %add3A_2619 = vector.broadcast %add3A_2618 : i32 to vector<16xi32>
      %add3A_2620 = arith.addi %iota3A, %add3A_2619 : vector<16xi32>
      %and3A_2621 = arith.constant 15 : i32
      %and3A_2622 = vector.broadcast %and3A_2621 : i32 to vector<16xi32>
      %and3A_2623 = arith.andi %add3A_2620, %and3A_2622 : vector<16xi32>
      %lt3A_2624 = arith.constant 0 : i32
      %lt3A_2625 = vector.broadcast %lt3A_2624 : i32 to vector<16xi32>
      %lt3A_2626 = arith.cmpi slt, %and3A_2623, %lt3A_2625 : vector<16xi32>
      %add3A_2627 = arith.constant 16 : i32
      %add3A_2628 = vector.broadcast %add3A_2627 : i32 to vector<16xi32>
      %add3A_2629 = arith.addi %and3A_2623, %add3A_2628 : vector<16xi32>
      %select_n3A_2630 = arith.select %lt3A_2626, %add3A_2629, %and3A_2623 : vector<16xi1>, vector<16xi32>
      %broadcast_in_dim3A_2631 = vector.shape_cast %select_n3A_2630 : vector<16xi32> to vector<16x1xi32>
      %gather3A_2632 = vector.shape_cast %broadcast_in_dim3A_2631 : vector<16x1xi32> to vector<16xi32>
      %gather3A_2633 = tpu.dynamic_gather %max3A_2617[%gather3A_2632] in [0] : vector<16xf32>, vector<16xi32> -> vector<16xf32>
      %max3A_2634 = arith.maximumf %max3A_2617, %gather3A_2633 : vector<16xf32>
      %eq3A_2635 = arith.constant 2 : i32
      %eq3A_2636 = vector.broadcast %eq3A_2635 : i32 to vector<16xi32>
      %eq3A_2637 = arith.cmpi eq, %iota3A, %eq3A_2636 : vector<16xi32>
      %select_n3A_2638 = arith.select %eq3A_2637, %max3A_2634, %select_n3A_2564 : vector<16xi1>, vector<16xf32>
      %get3A_2639 = arith.constant 560 : index
      %get3A_2640 = tpu.vector_load %arg9[%get3A_2639] {strides = array<i32>} : memref<1024xf32, #tpu.memory_space<vmem>>, vector<16xf32>,
      %add3A_2641 = arith.constant 8 : i32
      %add3A_2642 = vector.broadcast %add3A_2641 : i32 to vector<16xi32>
      %add3A_2643 = arith.addi %iota3A, %add3A_2642 : vector<16xi32>
      %and3A_2644 = arith.constant 15 : i32
      %and3A_2645 = vector.broadcast %and3A_2644 : i32 to vector<16xi32>
      %and3A_2646 = arith.andi %add3A_2643, %and3A_2645 : vector<16xi32>
      %lt3A_2647 = arith.constant 0 : i32
      %lt3A_2648 = vector.broadcast %lt3A_2647 : i32 to vector<16xi32>
      %lt3A_2649 = arith.cmpi slt, %and3A_2646, %lt3A_2648 : vector<16xi32>
      %add3A_2650 = arith.constant 16 : i32
      %add3A_2651 = vector.broadcast %add3A_2650 : i32 to vector<16xi32>
      %add3A_2652 = arith.addi %and3A_2646, %add3A_2651 : vector<16xi32>
      %select_n3A_2653 = arith.select %lt3A_2649, %add3A_2652, %and3A_2646 : vector<16xi1>, vector<16xi32>
      %broadcast_in_dim3A_2654 = vector.shape_cast %select_n3A_2653 : vector<16xi32> to vector<16x1xi32>
      %gather3A_2655 = vector.shape_cast %broadcast_in_dim3A_2654 : vector<16x1xi32> to vector<16xi32>
      %gather3A_2656 = tpu.dynamic_gather %get3A_2640[%gather3A_2655] in [0] : vector<16xf32>, vector<16xi32> -> vector<16xf32>
      %max3A_2657 = arith.maximumf %get3A_2640, %gather3A_2656 : vector<16xf32>
      %add3A_2658 = arith.constant 4 : i32
      %add3A_2659 = vector.broadcast %add3A_2658 : i32 to vector<16xi32>
      %add3A_2660 = arith.addi %iota3A, %add3A_2659 : vector<16xi32>
      %and3A_2661 = arith.constant 15 : i32
      %and3A_2662 = vector.broadcast %and3A_2661 : i32 to vector<16xi32>
      %and3A_2663 = arith.andi %add3A_2660, %and3A_2662 : vector<16xi32>
      %lt3A_2664 = arith.constant 0 : i32
      %lt3A_2665 = vector.broadcast %lt3A_2664 : i32 to vector<16xi32>
      %lt3A_2666 = arith.cmpi slt, %and3A_2663, %lt3A_2665 : vector<16xi32>
      %add3A_2667 = arith.constant 16 : i32
      %add3A_2668 = vector.broadcast %add3A_2667 : i32 to vector<16xi32>
      %add3A_2669 = arith.addi %and3A_2663, %add3A_2668 : vector<16xi32>
      %select_n3A_2670 = arith.select %lt3A_2666, %add3A_2669, %and3A_2663 : vector<16xi1>, vector<16xi32>
      %broadcast_in_dim3A_2671 = vector.shape_cast %select_n3A_2670 : vector<16xi32> to vector<16x1xi32>
      %gather3A_2672 = vector.shape_cast %broadcast_in_dim3A_2671 : vector<16x1xi32> to vector<16xi32>
      %gather3A_2673 = tpu.dynamic_gather %max3A_2657[%gather3A_2672] in [0] : vector<16xf32>, vector<16xi32> -> vector<16xf32>
      %max3A_2674 = arith.maximumf %max3A_2657, %gather3A_2673 : vector<16xf32>
      %add3A_2675 = arith.constant 2 : i32
      %add3A_2676 = vector.broadcast %add3A_2675 : i32 to vector<16xi32>
      %add3A_2677 = arith.addi %iota3A, %add3A_2676 : vector<16xi32>
      %and3A_2678 = arith.constant 15 : i32
      %and3A_2679 = vector.broadcast %and3A_2678 : i32 to vector<16xi32>
      %and3A_2680 = arith.andi %add3A_2677, %and3A_2679 : vector<16xi32>
      %lt3A_2681 = arith.constant 0 : i32
      %lt3A_2682 = vector.broadcast %lt3A_2681 : i32 to vector<16xi32>
      %lt3A_2683 = arith.cmpi slt, %and3A_2680, %lt3A_2682 : vector<16xi32>
      %add3A_2684 = arith.constant 16 : i32
      %add3A_2685 = vector.broadcast %add3A_2684 : i32 to vector<16xi32>
      %add3A_2686 = arith.addi %and3A_2680, %add3A_2685 : vector<16xi32>
      %select_n3A_2687 = arith.select %lt3A_2683, %add3A_2686, %and3A_2680 : vector<16xi1>, vector<16xi32>
      %broadcast_in_dim3A_2688 = vector.shape_cast %select_n3A_2687 : vector<16xi32> to vector<16x1xi32>
      %gather3A_2689 = vector.shape_cast %broadcast_in_dim3A_2688 : vector<16x1xi32> to vector<16xi32>
      %gather3A_2690 = tpu.dynamic_gather %max3A_2674[%gather3A_2689] in [0] : vector<16xf32>, vector<16xi32> -> vector<16xf32>
      %max3A_2691 = arith.maximumf %max3A_2674, %gather3A_2690 : vector<16xf32>
      %add3A_2692 = arith.constant 1 : i32
      %add3A_2693 = vector.broadcast %add3A_2692 : i32 to vector<16xi32>
      %add3A_2694 = arith.addi %iota3A, %add3A_2693 : vector<16xi32>
      %and3A_2695 = arith.constant 15 : i32
      %and3A_2696 = vector.broadcast %and3A_2695 : i32 to vector<16xi32>
      %and3A_2697 = arith.andi %add3A_2694, %and3A_2696 : vector<16xi32>
      %lt3A_2698 = arith.constant 0 : i32
      %lt3A_2699 = vector.broadcast %lt3A_2698 : i32 to vector<16xi32>
      %lt3A_2700 = arith.cmpi slt, %and3A_2697, %lt3A_2699 : vector<16xi32>
      %add3A_2701 = arith.constant 16 : i32
      %add3A_2702 = vector.broadcast %add3A_2701 : i32 to vector<16xi32>
      %add3A_2703 = arith.addi %and3A_2697, %add3A_2702 : vector<16xi32>
      %select_n3A_2704 = arith.select %lt3A_2700, %add3A_2703, %and3A_2697 : vector<16xi1>, vector<16xi32>
      %broadcast_in_dim3A_2705 = vector.shape_cast %select_n3A_2704 : vector<16xi32> to vector<16x1xi32>
      %gather3A_2706 = vector.shape_cast %broadcast_in_dim3A_2705 : vector<16x1xi32> to vector<16xi32>
      %gather3A_2707 = tpu.dynamic_gather %max3A_2691[%gather3A_2706] in [0] : vector<16xf32>, vector<16xi32> -> vector<16xf32>
      %max3A_2708 = arith.maximumf %max3A_2691, %gather3A_2707 : vector<16xf32>
      %eq3A_2709 = arith.constant 3 : i32
      %eq3A_2710 = vector.broadcast %eq3A_2709 : i32 to vector<16xi32>
      %eq3A_2711 = arith.cmpi eq, %iota3A, %eq3A_2710 : vector<16xi32>
      %select_n3A_2712 = arith.select %eq3A_2711, %max3A_2708, %select_n3A_2638 : vector<16xi1>, vector<16xf32>
      %get3A_2713 = arith.constant 576 : index
      %get3A_2714 = tpu.vector_load %arg9[%get3A_2713] {strides = array<i32>} : memref<1024xf32, #tpu.memory_space<vmem>>, vector<16xf32>,
      %add3A_2715 = arith.constant 8 : i32
      %add3A_2716 = vector.broadcast %add3A_2715 : i32 to vector<16xi32>
      %add3A_2717 = arith.addi %iota3A, %add3A_2716 : vector<16xi32>
      %and3A_2718 = arith.constant 15 : i32
      %and3A_2719 = vector.broadcast %and3A_2718 : i32 to vector<16xi32>
      %and3A_2720 = arith.andi %add3A_2717, %and3A_2719 : vector<16xi32>
      %lt3A_2721 = arith.constant 0 : i32
      %lt3A_2722 = vector.broadcast %lt3A_2721 : i32 to vector<16xi32>
      %lt3A_2723 = arith.cmpi slt, %and3A_2720, %lt3A_2722 : vector<16xi32>
      %add3A_2724 = arith.constant 16 : i32
      %add3A_2725 = vector.broadcast %add3A_2724 : i32 to vector<16xi32>
      %add3A_2726 = arith.addi %and3A_2720, %add3A_2725 : vector<16xi32>
      %select_n3A_2727 = arith.select %lt3A_2723, %add3A_2726, %and3A_2720 : vector<16xi1>, vector<16xi32>
      %broadcast_in_dim3A_2728 = vector.shape_cast %select_n3A_2727 : vector<16xi32> to vector<16x1xi32>
      %gather3A_2729 = vector.shape_cast %broadcast_in_dim3A_2728 : vector<16x1xi32> to vector<16xi32>
      %gather3A_2730 = tpu.dynamic_gather %get3A_2714[%gather3A_2729] in [0] : vector<16xf32>, vector<16xi32> -> vector<16xf32>
      %max3A_2731 = arith.maximumf %get3A_2714, %gather3A_2730 : vector<16xf32>
      %add3A_2732 = arith.constant 4 : i32
      %add3A_2733 = vector.broadcast %add3A_2732 : i32 to vector<16xi32>
      %add3A_2734 = arith.addi %iota3A, %add3A_2733 : vector<16xi32>
      %and3A_2735 = arith.constant 15 : i32
      %and3A_2736 = vector.broadcast %and3A_2735 : i32 to vector<16xi32>
      %and3A_2737 = arith.andi %add3A_2734, %and3A_2736 : vector<16xi32>
      %lt3A_2738 = arith.constant 0 : i32
      %lt3A_2739 = vector.broadcast %lt3A_2738 : i32 to vector<16xi32>
      %lt3A_2740 = arith.cmpi slt, %and3A_2737, %lt3A_2739 : vector<16xi32>
      %add3A_2741 = arith.constant 16 : i32
      %add3A_2742 = vector.broadcast %add3A_2741 : i32 to vector<16xi32>
      %add3A_2743 = arith.addi %and3A_2737, %add3A_2742 : vector<16xi32>
      %select_n3A_2744 = arith.select %lt3A_2740, %add3A_2743, %and3A_2737 : vector<16xi1>, vector<16xi32>
      %broadcast_in_dim3A_2745 = vector.shape_cast %select_n3A_2744 : vector<16xi32> to vector<16x1xi32>
      %gather3A_2746 = vector.shape_cast %broadcast_in_dim3A_2745 : vector<16x1xi32> to vector<16xi32>
      %gather3A_2747 = tpu.dynamic_gather %max3A_2731[%gather3A_2746] in [0] : vector<16xf32>, vector<16xi32> -> vector<16xf32>
      %max3A_2748 = arith.maximumf %max3A_2731, %gather3A_2747 : vector<16xf32>
      %add3A_2749 = arith.constant 2 : i32
      %add3A_2750 = vector.broadcast %add3A_2749 : i32 to vector<16xi32>
      %add3A_2751 = arith.addi %iota3A, %add3A_2750 : vector<16xi32>
      %and3A_2752 = arith.constant 15 : i32
      %and3A_2753 = vector.broadcast %and3A_2752 : i32 to vector<16xi32>
      %and3A_2754 = arith.andi %add3A_2751, %and3A_2753 : vector<16xi32>
      %lt3A_2755 = arith.constant 0 : i32
      %lt3A_2756 = vector.broadcast %lt3A_2755 : i32 to vector<16xi32>
      %lt3A_2757 = arith.cmpi slt, %and3A_2754, %lt3A_2756 : vector<16xi32>
      %add3A_2758 = arith.constant 16 : i32
      %add3A_2759 = vector.broadcast %add3A_2758 : i32 to vector<16xi32>
      %add3A_2760 = arith.addi %and3A_2754, %add3A_2759 : vector<16xi32>
      %select_n3A_2761 = arith.select %lt3A_2757, %add3A_2760, %and3A_2754 : vector<16xi1>, vector<16xi32>
      %broadcast_in_dim3A_2762 = vector.shape_cast %select_n3A_2761 : vector<16xi32> to vector<16x1xi32>
      %gather3A_2763 = vector.shape_cast %broadcast_in_dim3A_2762 : vector<16x1xi32> to vector<16xi32>
      %gather3A_2764 = tpu.dynamic_gather %max3A_2748[%gather3A_2763] in [0] : vector<16xf32>, vector<16xi32> -> vector<16xf32>
      %max3A_2765 = arith.maximumf %max3A_2748, %gather3A_2764 : vector<16xf32>
      %add3A_2766 = arith.constant 1 : i32
      %add3A_2767 = vector.broadcast %add3A_2766 : i32 to vector<16xi32>
      %add3A_2768 = arith.addi %iota3A, %add3A_2767 : vector<16xi32>
      %and3A_2769 = arith.constant 15 : i32
      %and3A_2770 = vector.broadcast %and3A_2769 : i32 to vector<16xi32>
      %and3A_2771 = arith.andi %add3A_2768, %and3A_2770 : vector<16xi32>
      %lt3A_2772 = arith.constant 0 : i32
      %lt3A_2773 = vector.broadcast %lt3A_2772 : i32 to vector<16xi32>
      %lt3A_2774 = arith.cmpi slt, %and3A_2771, %lt3A_2773 : vector<16xi32>
      %add3A_2775 = arith.constant 16 : i32
      %add3A_2776 = vector.broadcast %add3A_2775 : i32 to vector<16xi32>
      %add3A_2777 = arith.addi %and3A_2771, %add3A_2776 : vector<16xi32>
      %select_n3A_2778 = arith.select %lt3A_2774, %add3A_2777, %and3A_2771 : vector<16xi1>, vector<16xi32>
      %broadcast_in_dim3A_2779 = vector.shape_cast %select_n3A_2778 : vector<16xi32> to vector<16x1xi32>
      %gather3A_2780 = vector.shape_cast %broadcast_in_dim3A_2779 : vector<16x1xi32> to vector<16xi32>
      %gather3A_2781 = tpu.dynamic_gather %max3A_2765[%gather3A_2780] in [0] : vector<16xf32>, vector<16xi32> -> vector<16xf32>
      %max3A_2782 = arith.maximumf %max3A_2765, %gather3A_2781 : vector<16xf32>
      %eq3A_2783 = arith.constant 4 : i32
      %eq3A_2784 = vector.broadcast %eq3A_2783 : i32 to vector<16xi32>
      %eq3A_2785 = arith.cmpi eq, %iota3A, %eq3A_2784 : vector<16xi32>
      %select_n3A_2786 = arith.select %eq3A_2785, %max3A_2782, %select_n3A_2712 : vector<16xi1>, vector<16xf32>
      %get3A_2787 = arith.constant 592 : index
      %get3A_2788 = tpu.vector_load %arg9[%get3A_2787] {strides = array<i32>} : memref<1024xf32, #tpu.memory_space<vmem>>, vector<16xf32>,
      %add3A_2789 = arith.constant 8 : i32
      %add3A_2790 = vector.broadcast %add3A_2789 : i32 to vector<16xi32>
      %add3A_2791 = arith.addi %iota3A, %add3A_2790 : vector<16xi32>
      %and3A_2792 = arith.constant 15 : i32
      %and3A_2793 = vector.broadcast %and3A_2792 : i32 to vector<16xi32>
      %and3A_2794 = arith.andi %add3A_2791, %and3A_2793 : vector<16xi32>
      %lt3A_2795 = arith.constant 0 : i32
      %lt3A_2796 = vector.broadcast %lt3A_2795 : i32 to vector<16xi32>
      %lt3A_2797 = arith.cmpi slt, %and3A_2794, %lt3A_2796 : vector<16xi32>
      %add3A_2798 = arith.constant 16 : i32
      %add3A_2799 = vector.broadcast %add3A_2798 : i32 to vector<16xi32>
      %add3A_2800 = arith.addi %and3A_2794, %add3A_2799 : vector<16xi32>
      %select_n3A_2801 = arith.select %lt3A_2797, %add3A_2800, %and3A_2794 : vector<16xi1>, vector<16xi32>
      %broadcast_in_dim3A_2802 = vector.shape_cast %select_n3A_2801 : vector<16xi32> to vector<16x1xi32>
      %gather3A_2803 = vector.shape_cast %broadcast_in_dim3A_2802 : vector<16x1xi32> to vector<16xi32>
      %gather3A_2804 = tpu.dynamic_gather %get3A_2788[%gather3A_2803] in [0] : vector<16xf32>, vector<16xi32> -> vector<16xf32>
      %max3A_2805 = arith.maximumf %get3A_2788, %gather3A_2804 : vector<16xf32>
      %add3A_2806 = arith.constant 4 : i32
      %add3A_2807 = vector.broadcast %add3A_2806 : i32 to vector<16xi32>
      %add3A_2808 = arith.addi %iota3A, %add3A_2807 : vector<16xi32>
      %and3A_2809 = arith.constant 15 : i32
      %and3A_2810 = vector.broadcast %and3A_2809 : i32 to vector<16xi32>
      %and3A_2811 = arith.andi %add3A_2808, %and3A_2810 : vector<16xi32>
      %lt3A_2812 = arith.constant 0 : i32
      %lt3A_2813 = vector.broadcast %lt3A_2812 : i32 to vector<16xi32>
      %lt3A_2814 = arith.cmpi slt, %and3A_2811, %lt3A_2813 : vector<16xi32>
      %add3A_2815 = arith.constant 16 : i32
      %add3A_2816 = vector.broadcast %add3A_2815 : i32 to vector<16xi32>
      %add3A_2817 = arith.addi %and3A_2811, %add3A_2816 : vector<16xi32>
      %select_n3A_2818 = arith.select %lt3A_2814, %add3A_2817, %and3A_2811 : vector<16xi1>, vector<16xi32>
      %broadcast_in_dim3A_2819 = vector.shape_cast %select_n3A_2818 : vector<16xi32> to vector<16x1xi32>
      %gather3A_2820 = vector.shape_cast %broadcast_in_dim3A_2819 : vector<16x1xi32> to vector<16xi32>
      %gather3A_2821 = tpu.dynamic_gather %max3A_2805[%gather3A_2820] in [0] : vector<16xf32>, vector<16xi32> -> vector<16xf32>
      %max3A_2822 = arith.maximumf %max3A_2805, %gather3A_2821 : vector<16xf32>
      %add3A_2823 = arith.constant 2 : i32
      %add3A_2824 = vector.broadcast %add3A_2823 : i32 to vector<16xi32>
      %add3A_2825 = arith.addi %iota3A, %add3A_2824 : vector<16xi32>
      %and3A_2826 = arith.constant 15 : i32
      %and3A_2827 = vector.broadcast %and3A_2826 : i32 to vector<16xi32>
      %and3A_2828 = arith.andi %add3A_2825, %and3A_2827 : vector<16xi32>
      %lt3A_2829 = arith.constant 0 : i32
      %lt3A_2830 = vector.broadcast %lt3A_2829 : i32 to vector<16xi32>
      %lt3A_2831 = arith.cmpi slt, %and3A_2828, %lt3A_2830 : vector<16xi32>
      %add3A_2832 = arith.constant 16 : i32
      %add3A_2833 = vector.broadcast %add3A_2832 : i32 to vector<16xi32>
      %add3A_2834 = arith.addi %and3A_2828, %add3A_2833 : vector<16xi32>
      %select_n3A_2835 = arith.select %lt3A_2831, %add3A_2834, %and3A_2828 : vector<16xi1>, vector<16xi32>
      %broadcast_in_dim3A_2836 = vector.shape_cast %select_n3A_2835 : vector<16xi32> to vector<16x1xi32>
      %gather3A_2837 = vector.shape_cast %broadcast_in_dim3A_2836 : vector<16x1xi32> to vector<16xi32>
      %gather3A_2838 = tpu.dynamic_gather %max3A_2822[%gather3A_2837] in [0] : vector<16xf32>, vector<16xi32> -> vector<16xf32>
      %max3A_2839 = arith.maximumf %max3A_2822, %gather3A_2838 : vector<16xf32>
      %add3A_2840 = arith.constant 1 : i32
      %add3A_2841 = vector.broadcast %add3A_2840 : i32 to vector<16xi32>
      %add3A_2842 = arith.addi %iota3A, %add3A_2841 : vector<16xi32>
      %and3A_2843 = arith.constant 15 : i32
      %and3A_2844 = vector.broadcast %and3A_2843 : i32 to vector<16xi32>
      %and3A_2845 = arith.andi %add3A_2842, %and3A_2844 : vector<16xi32>
      %lt3A_2846 = arith.constant 0 : i32
      %lt3A_2847 = vector.broadcast %lt3A_2846 : i32 to vector<16xi32>
      %lt3A_2848 = arith.cmpi slt, %and3A_2845, %lt3A_2847 : vector<16xi32>
      %add3A_2849 = arith.constant 16 : i32
      %add3A_2850 = vector.broadcast %add3A_2849 : i32 to vector<16xi32>
      %add3A_2851 = arith.addi %and3A_2845, %add3A_2850 : vector<16xi32>
      %select_n3A_2852 = arith.select %lt3A_2848, %add3A_2851, %and3A_2845 : vector<16xi1>, vector<16xi32>
      %broadcast_in_dim3A_2853 = vector.shape_cast %select_n3A_2852 : vector<16xi32> to vector<16x1xi32>
      %gather3A_2854 = vector.shape_cast %broadcast_in_dim3A_2853 : vector<16x1xi32> to vector<16xi32>
      %gather3A_2855 = tpu.dynamic_gather %max3A_2839[%gather3A_2854] in [0] : vector<16xf32>, vector<16xi32> -> vector<16xf32>
      %max3A_2856 = arith.maximumf %max3A_2839, %gather3A_2855 : vector<16xf32>
      %eq3A_2857 = arith.constant 5 : i32
      %eq3A_2858 = vector.broadcast %eq3A_2857 : i32 to vector<16xi32>
      %eq3A_2859 = arith.cmpi eq, %iota3A, %eq3A_2858 : vector<16xi32>
      %select_n3A_2860 = arith.select %eq3A_2859, %max3A_2856, %select_n3A_2786 : vector<16xi1>, vector<16xf32>
      %get3A_2861 = arith.constant 608 : index
      %get3A_2862 = tpu.vector_load %arg9[%get3A_2861] {strides = array<i32>} : memref<1024xf32, #tpu.memory_space<vmem>>, vector<16xf32>,
      %add3A_2863 = arith.constant 8 : i32
      %add3A_2864 = vector.broadcast %add3A_2863 : i32 to vector<16xi32>
      %add3A_2865 = arith.addi %iota3A, %add3A_2864 : vector<16xi32>
      %and3A_2866 = arith.constant 15 : i32
      %and3A_2867 = vector.broadcast %and3A_2866 : i32 to vector<16xi32>
      %and3A_2868 = arith.andi %add3A_2865, %and3A_2867 : vector<16xi32>
      %lt3A_2869 = arith.constant 0 : i32
      %lt3A_2870 = vector.broadcast %lt3A_2869 : i32 to vector<16xi32>
      %lt3A_2871 = arith.cmpi slt, %and3A_2868, %lt3A_2870 : vector<16xi32>
      %add3A_2872 = arith.constant 16 : i32
      %add3A_2873 = vector.broadcast %add3A_2872 : i32 to vector<16xi32>
      %add3A_2874 = arith.addi %and3A_2868, %add3A_2873 : vector<16xi32>
      %select_n3A_2875 = arith.select %lt3A_2871, %add3A_2874, %and3A_2868 : vector<16xi1>, vector<16xi32>
      %broadcast_in_dim3A_2876 = vector.shape_cast %select_n3A_2875 : vector<16xi32> to vector<16x1xi32>
      %gather3A_2877 = vector.shape_cast %broadcast_in_dim3A_2876 : vector<16x1xi32> to vector<16xi32>
      %gather3A_2878 = tpu.dynamic_gather %get3A_2862[%gather3A_2877] in [0] : vector<16xf32>, vector<16xi32> -> vector<16xf32>
      %max3A_2879 = arith.maximumf %get3A_2862, %gather3A_2878 : vector<16xf32>
      %add3A_2880 = arith.constant 4 : i32
      %add3A_2881 = vector.broadcast %add3A_2880 : i32 to vector<16xi32>
      %add3A_2882 = arith.addi %iota3A, %add3A_2881 : vector<16xi32>
      %and3A_2883 = arith.constant 15 : i32
      %and3A_2884 = vector.broadcast %and3A_2883 : i32 to vector<16xi32>
      %and3A_2885 = arith.andi %add3A_2882, %and3A_2884 : vector<16xi32>
      %lt3A_2886 = arith.constant 0 : i32
      %lt3A_2887 = vector.broadcast %lt3A_2886 : i32 to vector<16xi32>
      %lt3A_2888 = arith.cmpi slt, %and3A_2885, %lt3A_2887 : vector<16xi32>
      %add3A_2889 = arith.constant 16 : i32
      %add3A_2890 = vector.broadcast %add3A_2889 : i32 to vector<16xi32>
      %add3A_2891 = arith.addi %and3A_2885, %add3A_2890 : vector<16xi32>
      %select_n3A_2892 = arith.select %lt3A_2888, %add3A_2891, %and3A_2885 : vector<16xi1>, vector<16xi32>
      %broadcast_in_dim3A_2893 = vector.shape_cast %select_n3A_2892 : vector<16xi32> to vector<16x1xi32>
      %gather3A_2894 = vector.shape_cast %broadcast_in_dim3A_2893 : vector<16x1xi32> to vector<16xi32>
      %gather3A_2895 = tpu.dynamic_gather %max3A_2879[%gather3A_2894] in [0] : vector<16xf32>, vector<16xi32> -> vector<16xf32>
      %max3A_2896 = arith.maximumf %max3A_2879, %gather3A_2895 : vector<16xf32>
      %add3A_2897 = arith.constant 2 : i32
      %add3A_2898 = vector.broadcast %add3A_2897 : i32 to vector<16xi32>
      %add3A_2899 = arith.addi %iota3A, %add3A_2898 : vector<16xi32>
      %and3A_2900 = arith.constant 15 : i32
      %and3A_2901 = vector.broadcast %and3A_2900 : i32 to vector<16xi32>
      %and3A_2902 = arith.andi %add3A_2899, %and3A_2901 : vector<16xi32>
      %lt3A_2903 = arith.constant 0 : i32
      %lt3A_2904 = vector.broadcast %lt3A_2903 : i32 to vector<16xi32>
      %lt3A_2905 = arith.cmpi slt, %and3A_2902, %lt3A_2904 : vector<16xi32>
      %add3A_2906 = arith.constant 16 : i32
      %add3A_2907 = vector.broadcast %add3A_2906 : i32 to vector<16xi32>
      %add3A_2908 = arith.addi %and3A_2902, %add3A_2907 : vector<16xi32>
      %select_n3A_2909 = arith.select %lt3A_2905, %add3A_2908, %and3A_2902 : vector<16xi1>, vector<16xi32>
      %broadcast_in_dim3A_2910 = vector.shape_cast %select_n3A_2909 : vector<16xi32> to vector<16x1xi32>
      %gather3A_2911 = vector.shape_cast %broadcast_in_dim3A_2910 : vector<16x1xi32> to vector<16xi32>
      %gather3A_2912 = tpu.dynamic_gather %max3A_2896[%gather3A_2911] in [0] : vector<16xf32>, vector<16xi32> -> vector<16xf32>
      %max3A_2913 = arith.maximumf %max3A_2896, %gather3A_2912 : vector<16xf32>
      %add3A_2914 = arith.constant 1 : i32
      %add3A_2915 = vector.broadcast %add3A_2914 : i32 to vector<16xi32>
      %add3A_2916 = arith.addi %iota3A, %add3A_2915 : vector<16xi32>
      %and3A_2917 = arith.constant 15 : i32
      %and3A_2918 = vector.broadcast %and3A_2917 : i32 to vector<16xi32>
      %and3A_2919 = arith.andi %add3A_2916, %and3A_2918 : vector<16xi32>
      %lt3A_2920 = arith.constant 0 : i32
      %lt3A_2921 = vector.broadcast %lt3A_2920 : i32 to vector<16xi32>
      %lt3A_2922 = arith.cmpi slt, %and3A_2919, %lt3A_2921 : vector<16xi32>
      %add3A_2923 = arith.constant 16 : i32
      %add3A_2924 = vector.broadcast %add3A_2923 : i32 to vector<16xi32>
      %add3A_2925 = arith.addi %and3A_2919, %add3A_2924 : vector<16xi32>
      %select_n3A_2926 = arith.select %lt3A_2922, %add3A_2925, %and3A_2919 : vector<16xi1>, vector<16xi32>
      %broadcast_in_dim3A_2927 = vector.shape_cast %select_n3A_2926 : vector<16xi32> to vector<16x1xi32>
      %gather3A_2928 = vector.shape_cast %broadcast_in_dim3A_2927 : vector<16x1xi32> to vector<16xi32>
      %gather3A_2929 = tpu.dynamic_gather %max3A_2913[%gather3A_2928] in [0] : vector<16xf32>, vector<16xi32> -> vector<16xf32>
      %max3A_2930 = arith.maximumf %max3A_2913, %gather3A_2929 : vector<16xf32>
      %eq3A_2931 = arith.constant 6 : i32
      %eq3A_2932 = vector.broadcast %eq3A_2931 : i32 to vector<16xi32>
      %eq3A_2933 = arith.cmpi eq, %iota3A, %eq3A_2932 : vector<16xi32>
      %select_n3A_2934 = arith.select %eq3A_2933, %max3A_2930, %select_n3A_2860 : vector<16xi1>, vector<16xf32>
      %get3A_2935 = arith.constant 624 : index
      %get3A_2936 = tpu.vector_load %arg9[%get3A_2935] {strides = array<i32>} : memref<1024xf32, #tpu.memory_space<vmem>>, vector<16xf32>,
      %add3A_2937 = arith.constant 8 : i32
      %add3A_2938 = vector.broadcast %add3A_2937 : i32 to vector<16xi32>
      %add3A_2939 = arith.addi %iota3A, %add3A_2938 : vector<16xi32>
      %and3A_2940 = arith.constant 15 : i32
      %and3A_2941 = vector.broadcast %and3A_2940 : i32 to vector<16xi32>
      %and3A_2942 = arith.andi %add3A_2939, %and3A_2941 : vector<16xi32>
      %lt3A_2943 = arith.constant 0 : i32
      %lt3A_2944 = vector.broadcast %lt3A_2943 : i32 to vector<16xi32>
      %lt3A_2945 = arith.cmpi slt, %and3A_2942, %lt3A_2944 : vector<16xi32>
      %add3A_2946 = arith.constant 16 : i32
      %add3A_2947 = vector.broadcast %add3A_2946 : i32 to vector<16xi32>
      %add3A_2948 = arith.addi %and3A_2942, %add3A_2947 : vector<16xi32>
      %select_n3A_2949 = arith.select %lt3A_2945, %add3A_2948, %and3A_2942 : vector<16xi1>, vector<16xi32>
      %broadcast_in_dim3A_2950 = vector.shape_cast %select_n3A_2949 : vector<16xi32> to vector<16x1xi32>
      %gather3A_2951 = vector.shape_cast %broadcast_in_dim3A_2950 : vector<16x1xi32> to vector<16xi32>
      %gather3A_2952 = tpu.dynamic_gather %get3A_2936[%gather3A_2951] in [0] : vector<16xf32>, vector<16xi32> -> vector<16xf32>
      %max3A_2953 = arith.maximumf %get3A_2936, %gather3A_2952 : vector<16xf32>
      %add3A_2954 = arith.constant 4 : i32
      %add3A_2955 = vector.broadcast %add3A_2954 : i32 to vector<16xi32>
      %add3A_2956 = arith.addi %iota3A, %add3A_2955 : vector<16xi32>
      %and3A_2957 = arith.constant 15 : i32
      %and3A_2958 = vector.broadcast %and3A_2957 : i32 to vector<16xi32>
      %and3A_2959 = arith.andi %add3A_2956, %and3A_2958 : vector<16xi32>
      %lt3A_2960 = arith.constant 0 : i32
      %lt3A_2961 = vector.broadcast %lt3A_2960 : i32 to vector<16xi32>
      %lt3A_2962 = arith.cmpi slt, %and3A_2959, %lt3A_2961 : vector<16xi32>
      %add3A_2963 = arith.constant 16 : i32
      %add3A_2964 = vector.broadcast %add3A_2963 : i32 to vector<16xi32>
      %add3A_2965 = arith.addi %and3A_2959, %add3A_2964 : vector<16xi32>
      %select_n3A_2966 = arith.select %lt3A_2962, %add3A_2965, %and3A_2959 : vector<16xi1>, vector<16xi32>
      %broadcast_in_dim3A_2967 = vector.shape_cast %select_n3A_2966 : vector<16xi32> to vector<16x1xi32>
      %gather3A_2968 = vector.shape_cast %broadcast_in_dim3A_2967 : vector<16x1xi32> to vector<16xi32>
      %gather3A_2969 = tpu.dynamic_gather %max3A_2953[%gather3A_2968] in [0] : vector<16xf32>, vector<16xi32> -> vector<16xf32>
      %max3A_2970 = arith.maximumf %max3A_2953, %gather3A_2969 : vector<16xf32>
      %add3A_2971 = arith.constant 2 : i32
      %add3A_2972 = vector.broadcast %add3A_2971 : i32 to vector<16xi32>
      %add3A_2973 = arith.addi %iota3A, %add3A_2972 : vector<16xi32>
      %and3A_2974 = arith.constant 15 : i32
      %and3A_2975 = vector.broadcast %and3A_2974 : i32 to vector<16xi32>
      %and3A_2976 = arith.andi %add3A_2973, %and3A_2975 : vector<16xi32>
      %lt3A_2977 = arith.constant 0 : i32
      %lt3A_2978 = vector.broadcast %lt3A_2977 : i32 to vector<16xi32>
      %lt3A_2979 = arith.cmpi slt, %and3A_2976, %lt3A_2978 : vector<16xi32>
      %add3A_2980 = arith.constant 16 : i32
      %add3A_2981 = vector.broadcast %add3A_2980 : i32 to vector<16xi32>
      %add3A_2982 = arith.addi %and3A_2976, %add3A_2981 : vector<16xi32>
      %select_n3A_2983 = arith.select %lt3A_2979, %add3A_2982, %and3A_2976 : vector<16xi1>, vector<16xi32>
      %broadcast_in_dim3A_2984 = vector.shape_cast %select_n3A_2983 : vector<16xi32> to vector<16x1xi32>
      %gather3A_2985 = vector.shape_cast %broadcast_in_dim3A_2984 : vector<16x1xi32> to vector<16xi32>
      %gather3A_2986 = tpu.dynamic_gather %max3A_2970[%gather3A_2985] in [0] : vector<16xf32>, vector<16xi32> -> vector<16xf32>
      %max3A_2987 = arith.maximumf %max3A_2970, %gather3A_2986 : vector<16xf32>
      %add3A_2988 = arith.constant 1 : i32
      %add3A_2989 = vector.broadcast %add3A_2988 : i32 to vector<16xi32>
      %add3A_2990 = arith.addi %iota3A, %add3A_2989 : vector<16xi32>
      %and3A_2991 = arith.constant 15 : i32
      %and3A_2992 = vector.broadcast %and3A_2991 : i32 to vector<16xi32>
      %and3A_2993 = arith.andi %add3A_2990, %and3A_2992 : vector<16xi32>
      %lt3A_2994 = arith.constant 0 : i32
      %lt3A_2995 = vector.broadcast %lt3A_2994 : i32 to vector<16xi32>
      %lt3A_2996 = arith.cmpi slt, %and3A_2993, %lt3A_2995 : vector<16xi32>
      %add3A_2997 = arith.constant 16 : i32
      %add3A_2998 = vector.broadcast %add3A_2997 : i32 to vector<16xi32>
      %add3A_2999 = arith.addi %and3A_2993, %add3A_2998 : vector<16xi32>
      %select_n3A_3000 = arith.select %lt3A_2996, %add3A_2999, %and3A_2993 : vector<16xi1>, vector<16xi32>
      %broadcast_in_dim3A_3001 = vector.shape_cast %select_n3A_3000 : vector<16xi32> to vector<16x1xi32>
      %gather3A_3002 = vector.shape_cast %broadcast_in_dim3A_3001 : vector<16x1xi32> to vector<16xi32>
      %gather3A_3003 = tpu.dynamic_gather %max3A_2987[%gather3A_3002] in [0] : vector<16xf32>, vector<16xi32> -> vector<16xf32>
      %max3A_3004 = arith.maximumf %max3A_2987, %gather3A_3003 : vector<16xf32>
      %eq3A_3005 = arith.constant 7 : i32
      %eq3A_3006 = vector.broadcast %eq3A_3005 : i32 to vector<16xi32>
      %eq3A_3007 = arith.cmpi eq, %iota3A, %eq3A_3006 : vector<16xi32>
      %select_n3A_3008 = arith.select %eq3A_3007, %max3A_3004, %select_n3A_2934 : vector<16xi1>, vector<16xf32>
      %get3A_3009 = arith.constant 640 : index
      %get3A_3010 = tpu.vector_load %arg9[%get3A_3009] {strides = array<i32>} : memref<1024xf32, #tpu.memory_space<vmem>>, vector<16xf32>,
      %add3A_3011 = arith.constant 8 : i32
      %add3A_3012 = vector.broadcast %add3A_3011 : i32 to vector<16xi32>
      %add3A_3013 = arith.addi %iota3A, %add3A_3012 : vector<16xi32>
      %and3A_3014 = arith.constant 15 : i32
      %and3A_3015 = vector.broadcast %and3A_3014 : i32 to vector<16xi32>
      %and3A_3016 = arith.andi %add3A_3013, %and3A_3015 : vector<16xi32>
      %lt3A_3017 = arith.constant 0 : i32
      %lt3A_3018 = vector.broadcast %lt3A_3017 : i32 to vector<16xi32>
      %lt3A_3019 = arith.cmpi slt, %and3A_3016, %lt3A_3018 : vector<16xi32>
      %add3A_3020 = arith.constant 16 : i32
      %add3A_3021 = vector.broadcast %add3A_3020 : i32 to vector<16xi32>
      %add3A_3022 = arith.addi %and3A_3016, %add3A_3021 : vector<16xi32>
      %select_n3A_3023 = arith.select %lt3A_3019, %add3A_3022, %and3A_3016 : vector<16xi1>, vector<16xi32>
      %broadcast_in_dim3A_3024 = vector.shape_cast %select_n3A_3023 : vector<16xi32> to vector<16x1xi32>
      %gather3A_3025 = vector.shape_cast %broadcast_in_dim3A_3024 : vector<16x1xi32> to vector<16xi32>
      %gather3A_3026 = tpu.dynamic_gather %get3A_3010[%gather3A_3025] in [0] : vector<16xf32>, vector<16xi32> -> vector<16xf32>
      %max3A_3027 = arith.maximumf %get3A_3010, %gather3A_3026 : vector<16xf32>
      %add3A_3028 = arith.constant 4 : i32
      %add3A_3029 = vector.broadcast %add3A_3028 : i32 to vector<16xi32>
      %add3A_3030 = arith.addi %iota3A, %add3A_3029 : vector<16xi32>
      %and3A_3031 = arith.constant 15 : i32
      %and3A_3032 = vector.broadcast %and3A_3031 : i32 to vector<16xi32>
      %and3A_3033 = arith.andi %add3A_3030, %and3A_3032 : vector<16xi32>
      %lt3A_3034 = arith.constant 0 : i32
      %lt3A_3035 = vector.broadcast %lt3A_3034 : i32 to vector<16xi32>
      %lt3A_3036 = arith.cmpi slt, %and3A_3033, %lt3A_3035 : vector<16xi32>
      %add3A_3037 = arith.constant 16 : i32
      %add3A_3038 = vector.broadcast %add3A_3037 : i32 to vector<16xi32>
      %add3A_3039 = arith.addi %and3A_3033, %add3A_3038 : vector<16xi32>
      %select_n3A_3040 = arith.select %lt3A_3036, %add3A_3039, %and3A_3033 : vector<16xi1>, vector<16xi32>
      %broadcast_in_dim3A_3041 = vector.shape_cast %select_n3A_3040 : vector<16xi32> to vector<16x1xi32>
      %gather3A_3042 = vector.shape_cast %broadcast_in_dim3A_3041 : vector<16x1xi32> to vector<16xi32>
      %gather3A_3043 = tpu.dynamic_gather %max3A_3027[%gather3A_3042] in [0] : vector<16xf32>, vector<16xi32> -> vector<16xf32>
      %max3A_3044 = arith.maximumf %max3A_3027, %gather3A_3043 : vector<16xf32>
      %add3A_3045 = arith.constant 2 : i32
      %add3A_3046 = vector.broadcast %add3A_3045 : i32 to vector<16xi32>
      %add3A_3047 = arith.addi %iota3A, %add3A_3046 : vector<16xi32>
      %and3A_3048 = arith.constant 15 : i32
      %and3A_3049 = vector.broadcast %and3A_3048 : i32 to vector<16xi32>
      %and3A_3050 = arith.andi %add3A_3047, %and3A_3049 : vector<16xi32>
      %lt3A_3051 = arith.constant 0 : i32
      %lt3A_3052 = vector.broadcast %lt3A_3051 : i32 to vector<16xi32>
      %lt3A_3053 = arith.cmpi slt, %and3A_3050, %lt3A_3052 : vector<16xi32>
      %add3A_3054 = arith.constant 16 : i32
      %add3A_3055 = vector.broadcast %add3A_3054 : i32 to vector<16xi32>
      %add3A_3056 = arith.addi %and3A_3050, %add3A_3055 : vector<16xi32>
      %select_n3A_3057 = arith.select %lt3A_3053, %add3A_3056, %and3A_3050 : vector<16xi1>, vector<16xi32>
      %broadcast_in_dim3A_3058 = vector.shape_cast %select_n3A_3057 : vector<16xi32> to vector<16x1xi32>
      %gather3A_3059 = vector.shape_cast %broadcast_in_dim3A_3058 : vector<16x1xi32> to vector<16xi32>
      %gather3A_3060 = tpu.dynamic_gather %max3A_3044[%gather3A_3059] in [0] : vector<16xf32>, vector<16xi32> -> vector<16xf32>
      %max3A_3061 = arith.maximumf %max3A_3044, %gather3A_3060 : vector<16xf32>
      %add3A_3062 = arith.constant 1 : i32
      %add3A_3063 = vector.broadcast %add3A_3062 : i32 to vector<16xi32>
      %add3A_3064 = arith.addi %iota3A, %add3A_3063 : vector<16xi32>
      %and3A_3065 = arith.constant 15 : i32
      %and3A_3066 = vector.broadcast %and3A_3065 : i32 to vector<16xi32>
      %and3A_3067 = arith.andi %add3A_3064, %and3A_3066 : vector<16xi32>
      %lt3A_3068 = arith.constant 0 : i32
      %lt3A_3069 = vector.broadcast %lt3A_3068 : i32 to vector<16xi32>
      %lt3A_3070 = arith.cmpi slt, %and3A_3067, %lt3A_3069 : vector<16xi32>
      %add3A_3071 = arith.constant 16 : i32
      %add3A_3072 = vector.broadcast %add3A_3071 : i32 to vector<16xi32>
      %add3A_3073 = arith.addi %and3A_3067, %add3A_3072 : vector<16xi32>
      %select_n3A_3074 = arith.select %lt3A_3070, %add3A_3073, %and3A_3067 : vector<16xi1>, vector<16xi32>
      %broadcast_in_dim3A_3075 = vector.shape_cast %select_n3A_3074 : vector<16xi32> to vector<16x1xi32>
      %gather3A_3076 = vector.shape_cast %broadcast_in_dim3A_3075 : vector<16x1xi32> to vector<16xi32>
      %gather3A_3077 = tpu.dynamic_gather %max3A_3061[%gather3A_3076] in [0] : vector<16xf32>, vector<16xi32> -> vector<16xf32>
      %max3A_3078 = arith.maximumf %max3A_3061, %gather3A_3077 : vector<16xf32>
      %eq3A_3079 = arith.constant 8 : i32
      %eq3A_3080 = vector.broadcast %eq3A_3079 : i32 to vector<16xi32>
      %eq3A_3081 = arith.cmpi eq, %iota3A, %eq3A_3080 : vector<16xi32>
      %select_n3A_3082 = arith.select %eq3A_3081, %max3A_3078, %select_n3A_3008 : vector<16xi1>, vector<16xf32>
      %get3A_3083 = arith.constant 656 : index
      %get3A_3084 = tpu.vector_load %arg9[%get3A_3083] {strides = array<i32>} : memref<1024xf32, #tpu.memory_space<vmem>>, vector<16xf32>,
      %add3A_3085 = arith.constant 8 : i32
      %add3A_3086 = vector.broadcast %add3A_3085 : i32 to vector<16xi32>
      %add3A_3087 = arith.addi %iota3A, %add3A_3086 : vector<16xi32>
      %and3A_3088 = arith.constant 15 : i32
      %and3A_3089 = vector.broadcast %and3A_3088 : i32 to vector<16xi32>
      %and3A_3090 = arith.andi %add3A_3087, %and3A_3089 : vector<16xi32>
      %lt3A_3091 = arith.constant 0 : i32
      %lt3A_3092 = vector.broadcast %lt3A_3091 : i32 to vector<16xi32>
      %lt3A_3093 = arith.cmpi slt, %and3A_3090, %lt3A_3092 : vector<16xi32>
      %add3A_3094 = arith.constant 16 : i32
      %add3A_3095 = vector.broadcast %add3A_3094 : i32 to vector<16xi32>
      %add3A_3096 = arith.addi %and3A_3090, %add3A_3095 : vector<16xi32>
      %select_n3A_3097 = arith.select %lt3A_3093, %add3A_3096, %and3A_3090 : vector<16xi1>, vector<16xi32>
      %broadcast_in_dim3A_3098 = vector.shape_cast %select_n3A_3097 : vector<16xi32> to vector<16x1xi32>
      %gather3A_3099 = vector.shape_cast %broadcast_in_dim3A_3098 : vector<16x1xi32> to vector<16xi32>
      %gather3A_3100 = tpu.dynamic_gather %get3A_3084[%gather3A_3099] in [0] : vector<16xf32>, vector<16xi32> -> vector<16xf32>
      %max3A_3101 = arith.maximumf %get3A_3084, %gather3A_3100 : vector<16xf32>
      %add3A_3102 = arith.constant 4 : i32
      %add3A_3103 = vector.broadcast %add3A_3102 : i32 to vector<16xi32>
      %add3A_3104 = arith.addi %iota3A, %add3A_3103 : vector<16xi32>
      %and3A_3105 = arith.constant 15 : i32
      %and3A_3106 = vector.broadcast %and3A_3105 : i32 to vector<16xi32>
      %and3A_3107 = arith.andi %add3A_3104, %and3A_3106 : vector<16xi32>
      %lt3A_3108 = arith.constant 0 : i32
      %lt3A_3109 = vector.broadcast %lt3A_3108 : i32 to vector<16xi32>
      %lt3A_3110 = arith.cmpi slt, %and3A_3107, %lt3A_3109 : vector<16xi32>
      %add3A_3111 = arith.constant 16 : i32
      %add3A_3112 = vector.broadcast %add3A_3111 : i32 to vector<16xi32>
      %add3A_3113 = arith.addi %and3A_3107, %add3A_3112 : vector<16xi32>
      %select_n3A_3114 = arith.select %lt3A_3110, %add3A_3113, %and3A_3107 : vector<16xi1>, vector<16xi32>
      %broadcast_in_dim3A_3115 = vector.shape_cast %select_n3A_3114 : vector<16xi32> to vector<16x1xi32>
      %gather3A_3116 = vector.shape_cast %broadcast_in_dim3A_3115 : vector<16x1xi32> to vector<16xi32>
      %gather3A_3117 = tpu.dynamic_gather %max3A_3101[%gather3A_3116] in [0] : vector<16xf32>, vector<16xi32> -> vector<16xf32>
      %max3A_3118 = arith.maximumf %max3A_3101, %gather3A_3117 : vector<16xf32>
      %add3A_3119 = arith.constant 2 : i32
      %add3A_3120 = vector.broadcast %add3A_3119 : i32 to vector<16xi32>
      %add3A_3121 = arith.addi %iota3A, %add3A_3120 : vector<16xi32>
      %and3A_3122 = arith.constant 15 : i32
      %and3A_3123 = vector.broadcast %and3A_3122 : i32 to vector<16xi32>
      %and3A_3124 = arith.andi %add3A_3121, %and3A_3123 : vector<16xi32>
      %lt3A_3125 = arith.constant 0 : i32
      %lt3A_3126 = vector.broadcast %lt3A_3125 : i32 to vector<16xi32>
      %lt3A_3127 = arith.cmpi slt, %and3A_3124, %lt3A_3126 : vector<16xi32>
      %add3A_3128 = arith.constant 16 : i32
      %add3A_3129 = vector.broadcast %add3A_3128 : i32 to vector<16xi32>
      %add3A_3130 = arith.addi %and3A_3124, %add3A_3129 : vector<16xi32>
      %select_n3A_3131 = arith.select %lt3A_3127, %add3A_3130, %and3A_3124 : vector<16xi1>, vector<16xi32>
      %broadcast_in_dim3A_3132 = vector.shape_cast %select_n3A_3131 : vector<16xi32> to vector<16x1xi32>
      %gather3A_3133 = vector.shape_cast %broadcast_in_dim3A_3132 : vector<16x1xi32> to vector<16xi32>
      %gather3A_3134 = tpu.dynamic_gather %max3A_3118[%gather3A_3133] in [0] : vector<16xf32>, vector<16xi32> -> vector<16xf32>
      %max3A_3135 = arith.maximumf %max3A_3118, %gather3A_3134 : vector<16xf32>
      %add3A_3136 = arith.constant 1 : i32
      %add3A_3137 = vector.broadcast %add3A_3136 : i32 to vector<16xi32>
      %add3A_3138 = arith.addi %iota3A, %add3A_3137 : vector<16xi32>
      %and3A_3139 = arith.constant 15 : i32
      %and3A_3140 = vector.broadcast %and3A_3139 : i32 to vector<16xi32>
      %and3A_3141 = arith.andi %add3A_3138, %and3A_3140 : vector<16xi32>
      %lt3A_3142 = arith.constant 0 : i32
      %lt3A_3143 = vector.broadcast %lt3A_3142 : i32 to vector<16xi32>
      %lt3A_3144 = arith.cmpi slt, %and3A_3141, %lt3A_3143 : vector<16xi32>
      %add3A_3145 = arith.constant 16 : i32
      %add3A_3146 = vector.broadcast %add3A_3145 : i32 to vector<16xi32>
      %add3A_3147 = arith.addi %and3A_3141, %add3A_3146 : vector<16xi32>
      %select_n3A_3148 = arith.select %lt3A_3144, %add3A_3147, %and3A_3141 : vector<16xi1>, vector<16xi32>
      %broadcast_in_dim3A_3149 = vector.shape_cast %select_n3A_3148 : vector<16xi32> to vector<16x1xi32>
      %gather3A_3150 = vector.shape_cast %broadcast_in_dim3A_3149 : vector<16x1xi32> to vector<16xi32>
      %gather3A_3151 = tpu.dynamic_gather %max3A_3135[%gather3A_3150] in [0] : vector<16xf32>, vector<16xi32> -> vector<16xf32>
      %max3A_3152 = arith.maximumf %max3A_3135, %gather3A_3151 : vector<16xf32>
      %eq3A_3153 = arith.constant 9 : i32
      %eq3A_3154 = vector.broadcast %eq3A_3153 : i32 to vector<16xi32>
      %eq3A_3155 = arith.cmpi eq, %iota3A, %eq3A_3154 : vector<16xi32>
      %select_n3A_3156 = arith.select %eq3A_3155, %max3A_3152, %select_n3A_3082 : vector<16xi1>, vector<16xf32>
      %get3A_3157 = arith.constant 672 : index
      %get3A_3158 = tpu.vector_load %arg9[%get3A_3157] {strides = array<i32>} : memref<1024xf32, #tpu.memory_space<vmem>>, vector<16xf32>,
      %add3A_3159 = arith.constant 8 : i32
      %add3A_3160 = vector.broadcast %add3A_3159 : i32 to vector<16xi32>
      %add3A_3161 = arith.addi %iota3A, %add3A_3160 : vector<16xi32>
      %and3A_3162 = arith.constant 15 : i32
      %and3A_3163 = vector.broadcast %and3A_3162 : i32 to vector<16xi32>
      %and3A_3164 = arith.andi %add3A_3161, %and3A_3163 : vector<16xi32>
      %lt3A_3165 = arith.constant 0 : i32
      %lt3A_3166 = vector.broadcast %lt3A_3165 : i32 to vector<16xi32>
      %lt3A_3167 = arith.cmpi slt, %and3A_3164, %lt3A_3166 : vector<16xi32>
      %add3A_3168 = arith.constant 16 : i32
      %add3A_3169 = vector.broadcast %add3A_3168 : i32 to vector<16xi32>
      %add3A_3170 = arith.addi %and3A_3164, %add3A_3169 : vector<16xi32>
      %select_n3A_3171 = arith.select %lt3A_3167, %add3A_3170, %and3A_3164 : vector<16xi1>, vector<16xi32>
      %broadcast_in_dim3A_3172 = vector.shape_cast %select_n3A_3171 : vector<16xi32> to vector<16x1xi32>
      %gather3A_3173 = vector.shape_cast %broadcast_in_dim3A_3172 : vector<16x1xi32> to vector<16xi32>
      %gather3A_3174 = tpu.dynamic_gather %get3A_3158[%gather3A_3173] in [0] : vector<16xf32>, vector<16xi32> -> vector<16xf32>
      %max3A_3175 = arith.maximumf %get3A_3158, %gather3A_3174 : vector<16xf32>
      %add3A_3176 = arith.constant 4 : i32
      %add3A_3177 = vector.broadcast %add3A_3176 : i32 to vector<16xi32>
      %add3A_3178 = arith.addi %iota3A, %add3A_3177 : vector<16xi32>
      %and3A_3179 = arith.constant 15 : i32
      %and3A_3180 = vector.broadcast %and3A_3179 : i32 to vector<16xi32>
      %and3A_3181 = arith.andi %add3A_3178, %and3A_3180 : vector<16xi32>
      %lt3A_3182 = arith.constant 0 : i32
      %lt3A_3183 = vector.broadcast %lt3A_3182 : i32 to vector<16xi32>
      %lt3A_3184 = arith.cmpi slt, %and3A_3181, %lt3A_3183 : vector<16xi32>
      %add3A_3185 = arith.constant 16 : i32
      %add3A_3186 = vector.broadcast %add3A_3185 : i32 to vector<16xi32>
      %add3A_3187 = arith.addi %and3A_3181, %add3A_3186 : vector<16xi32>
      %select_n3A_3188 = arith.select %lt3A_3184, %add3A_3187, %and3A_3181 : vector<16xi1>, vector<16xi32>
      %broadcast_in_dim3A_3189 = vector.shape_cast %select_n3A_3188 : vector<16xi32> to vector<16x1xi32>
      %gather3A_3190 = vector.shape_cast %broadcast_in_dim3A_3189 : vector<16x1xi32> to vector<16xi32>
      %gather3A_3191 = tpu.dynamic_gather %max3A_3175[%gather3A_3190] in [0] : vector<16xf32>, vector<16xi32> -> vector<16xf32>
      %max3A_3192 = arith.maximumf %max3A_3175, %gather3A_3191 : vector<16xf32>
      %add3A_3193 = arith.constant 2 : i32
      %add3A_3194 = vector.broadcast %add3A_3193 : i32 to vector<16xi32>
      %add3A_3195 = arith.addi %iota3A, %add3A_3194 : vector<16xi32>
      %and3A_3196 = arith.constant 15 : i32
      %and3A_3197 = vector.broadcast %and3A_3196 : i32 to vector<16xi32>
      %and3A_3198 = arith.andi %add3A_3195, %and3A_3197 : vector<16xi32>
      %lt3A_3199 = arith.constant 0 : i32
      %lt3A_3200 = vector.broadcast %lt3A_3199 : i32 to vector<16xi32>
      %lt3A_3201 = arith.cmpi slt, %and3A_3198, %lt3A_3200 : vector<16xi32>
      %add3A_3202 = arith.constant 16 : i32
      %add3A_3203 = vector.broadcast %add3A_3202 : i32 to vector<16xi32>
      %add3A_3204 = arith.addi %and3A_3198, %add3A_3203 : vector<16xi32>
      %select_n3A_3205 = arith.select %lt3A_3201, %add3A_3204, %and3A_3198 : vector<16xi1>, vector<16xi32>
      %broadcast_in_dim3A_3206 = vector.shape_cast %select_n3A_3205 : vector<16xi32> to vector<16x1xi32>
      %gather3A_3207 = vector.shape_cast %broadcast_in_dim3A_3206 : vector<16x1xi32> to vector<16xi32>
      %gather3A_3208 = tpu.dynamic_gather %max3A_3192[%gather3A_3207] in [0] : vector<16xf32>, vector<16xi32> -> vector<16xf32>
      %max3A_3209 = arith.maximumf %max3A_3192, %gather3A_3208 : vector<16xf32>
      %add3A_3210 = arith.constant 1 : i32
      %add3A_3211 = vector.broadcast %add3A_3210 : i32 to vector<16xi32>
      %add3A_3212 = arith.addi %iota3A, %add3A_3211 : vector<16xi32>
      %and3A_3213 = arith.constant 15 : i32
      %and3A_3214 = vector.broadcast %and3A_3213 : i32 to vector<16xi32>
      %and3A_3215 = arith.andi %add3A_3212, %and3A_3214 : vector<16xi32>
      %lt3A_3216 = arith.constant 0 : i32
      %lt3A_3217 = vector.broadcast %lt3A_3216 : i32 to vector<16xi32>
      %lt3A_3218 = arith.cmpi slt, %and3A_3215, %lt3A_3217 : vector<16xi32>
      %add3A_3219 = arith.constant 16 : i32
      %add3A_3220 = vector.broadcast %add3A_3219 : i32 to vector<16xi32>
      %add3A_3221 = arith.addi %and3A_3215, %add3A_3220 : vector<16xi32>
      %select_n3A_3222 = arith.select %lt3A_3218, %add3A_3221, %and3A_3215 : vector<16xi1>, vector<16xi32>
      %broadcast_in_dim3A_3223 = vector.shape_cast %select_n3A_3222 : vector<16xi32> to vector<16x1xi32>
      %gather3A_3224 = vector.shape_cast %broadcast_in_dim3A_3223 : vector<16x1xi32> to vector<16xi32>
      %gather3A_3225 = tpu.dynamic_gather %max3A_3209[%gather3A_3224] in [0] : vector<16xf32>, vector<16xi32> -> vector<16xf32>
      %max3A_3226 = arith.maximumf %max3A_3209, %gather3A_3225 : vector<16xf32>
      %eq3A_3227 = arith.constant 10 : i32
      %eq3A_3228 = vector.broadcast %eq3A_3227 : i32 to vector<16xi32>
      %eq3A_3229 = arith.cmpi eq, %iota3A, %eq3A_3228 : vector<16xi32>
      %select_n3A_3230 = arith.select %eq3A_3229, %max3A_3226, %select_n3A_3156 : vector<16xi1>, vector<16xf32>
      %get3A_3231 = arith.constant 688 : index
      %get3A_3232 = tpu.vector_load %arg9[%get3A_3231] {strides = array<i32>} : memref<1024xf32, #tpu.memory_space<vmem>>, vector<16xf32>,
      %add3A_3233 = arith.constant 8 : i32
      %add3A_3234 = vector.broadcast %add3A_3233 : i32 to vector<16xi32>
      %add3A_3235 = arith.addi %iota3A, %add3A_3234 : vector<16xi32>
      %and3A_3236 = arith.constant 15 : i32
      %and3A_3237 = vector.broadcast %and3A_3236 : i32 to vector<16xi32>
      %and3A_3238 = arith.andi %add3A_3235, %and3A_3237 : vector<16xi32>
      %lt3A_3239 = arith.constant 0 : i32
      %lt3A_3240 = vector.broadcast %lt3A_3239 : i32 to vector<16xi32>
      %lt3A_3241 = arith.cmpi slt, %and3A_3238, %lt3A_3240 : vector<16xi32>
      %add3A_3242 = arith.constant 16 : i32
      %add3A_3243 = vector.broadcast %add3A_3242 : i32 to vector<16xi32>
      %add3A_3244 = arith.addi %and3A_3238, %add3A_3243 : vector<16xi32>
      %select_n3A_3245 = arith.select %lt3A_3241, %add3A_3244, %and3A_3238 : vector<16xi1>, vector<16xi32>
      %broadcast_in_dim3A_3246 = vector.shape_cast %select_n3A_3245 : vector<16xi32> to vector<16x1xi32>
      %gather3A_3247 = vector.shape_cast %broadcast_in_dim3A_3246 : vector<16x1xi32> to vector<16xi32>
      %gather3A_3248 = tpu.dynamic_gather %get3A_3232[%gather3A_3247] in [0] : vector<16xf32>, vector<16xi32> -> vector<16xf32>
      %max3A_3249 = arith.maximumf %get3A_3232, %gather3A_3248 : vector<16xf32>
      %add3A_3250 = arith.constant 4 : i32
      %add3A_3251 = vector.broadcast %add3A_3250 : i32 to vector<16xi32>
      %add3A_3252 = arith.addi %iota3A, %add3A_3251 : vector<16xi32>
      %and3A_3253 = arith.constant 15 : i32
      %and3A_3254 = vector.broadcast %and3A_3253 : i32 to vector<16xi32>
      %and3A_3255 = arith.andi %add3A_3252, %and3A_3254 : vector<16xi32>
      %lt3A_3256 = arith.constant 0 : i32
      %lt3A_3257 = vector.broadcast %lt3A_3256 : i32 to vector<16xi32>
      %lt3A_3258 = arith.cmpi slt, %and3A_3255, %lt3A_3257 : vector<16xi32>
      %add3A_3259 = arith.constant 16 : i32
      %add3A_3260 = vector.broadcast %add3A_3259 : i32 to vector<16xi32>
      %add3A_3261 = arith.addi %and3A_3255, %add3A_3260 : vector<16xi32>
      %select_n3A_3262 = arith.select %lt3A_3258, %add3A_3261, %and3A_3255 : vector<16xi1>, vector<16xi32>
      %broadcast_in_dim3A_3263 = vector.shape_cast %select_n3A_3262 : vector<16xi32> to vector<16x1xi32>
      %gather3A_3264 = vector.shape_cast %broadcast_in_dim3A_3263 : vector<16x1xi32> to vector<16xi32>
      %gather3A_3265 = tpu.dynamic_gather %max3A_3249[%gather3A_3264] in [0] : vector<16xf32>, vector<16xi32> -> vector<16xf32>
      %max3A_3266 = arith.maximumf %max3A_3249, %gather3A_3265 : vector<16xf32>
      %add3A_3267 = arith.constant 2 : i32
      %add3A_3268 = vector.broadcast %add3A_3267 : i32 to vector<16xi32>
      %add3A_3269 = arith.addi %iota3A, %add3A_3268 : vector<16xi32>
      %and3A_3270 = arith.constant 15 : i32
      %and3A_3271 = vector.broadcast %and3A_3270 : i32 to vector<16xi32>
      %and3A_3272 = arith.andi %add3A_3269, %and3A_3271 : vector<16xi32>
      %lt3A_3273 = arith.constant 0 : i32
      %lt3A_3274 = vector.broadcast %lt3A_3273 : i32 to vector<16xi32>
      %lt3A_3275 = arith.cmpi slt, %and3A_3272, %lt3A_3274 : vector<16xi32>
      %add3A_3276 = arith.constant 16 : i32
      %add3A_3277 = vector.broadcast %add3A_3276 : i32 to vector<16xi32>
      %add3A_3278 = arith.addi %and3A_3272, %add3A_3277 : vector<16xi32>
      %select_n3A_3279 = arith.select %lt3A_3275, %add3A_3278, %and3A_3272 : vector<16xi1>, vector<16xi32>
      %broadcast_in_dim3A_3280 = vector.shape_cast %select_n3A_3279 : vector<16xi32> to vector<16x1xi32>
      %gather3A_3281 = vector.shape_cast %broadcast_in_dim3A_3280 : vector<16x1xi32> to vector<16xi32>
      %gather3A_3282 = tpu.dynamic_gather %max3A_3266[%gather3A_3281] in [0] : vector<16xf32>, vector<16xi32> -> vector<16xf32>
      %max3A_3283 = arith.maximumf %max3A_3266, %gather3A_3282 : vector<16xf32>
      %add3A_3284 = arith.constant 1 : i32
      %add3A_3285 = vector.broadcast %add3A_3284 : i32 to vector<16xi32>
      %add3A_3286 = arith.addi %iota3A, %add3A_3285 : vector<16xi32>
      %and3A_3287 = arith.constant 15 : i32
      %and3A_3288 = vector.broadcast %and3A_3287 : i32 to vector<16xi32>
      %and3A_3289 = arith.andi %add3A_3286, %and3A_3288 : vector<16xi32>
      %lt3A_3290 = arith.constant 0 : i32
      %lt3A_3291 = vector.broadcast %lt3A_3290 : i32 to vector<16xi32>
      %lt3A_3292 = arith.cmpi slt, %and3A_3289, %lt3A_3291 : vector<16xi32>
      %add3A_3293 = arith.constant 16 : i32
      %add3A_3294 = vector.broadcast %add3A_3293 : i32 to vector<16xi32>
      %add3A_3295 = arith.addi %and3A_3289, %add3A_3294 : vector<16xi32>
      %select_n3A_3296 = arith.select %lt3A_3292, %add3A_3295, %and3A_3289 : vector<16xi1>, vector<16xi32>
      %broadcast_in_dim3A_3297 = vector.shape_cast %select_n3A_3296 : vector<16xi32> to vector<16x1xi32>
      %gather3A_3298 = vector.shape_cast %broadcast_in_dim3A_3297 : vector<16x1xi32> to vector<16xi32>
      %gather3A_3299 = tpu.dynamic_gather %max3A_3283[%gather3A_3298] in [0] : vector<16xf32>, vector<16xi32> -> vector<16xf32>
      %max3A_3300 = arith.maximumf %max3A_3283, %gather3A_3299 : vector<16xf32>
      %eq3A_3301 = arith.constant 11 : i32
      %eq3A_3302 = vector.broadcast %eq3A_3301 : i32 to vector<16xi32>
      %eq3A_3303 = arith.cmpi eq, %iota3A, %eq3A_3302 : vector<16xi32>
      %select_n3A_3304 = arith.select %eq3A_3303, %max3A_3300, %select_n3A_3230 : vector<16xi1>, vector<16xf32>
      %get3A_3305 = arith.constant 704 : index
      %get3A_3306 = tpu.vector_load %arg9[%get3A_3305] {strides = array<i32>} : memref<1024xf32, #tpu.memory_space<vmem>>, vector<16xf32>,
      %add3A_3307 = arith.constant 8 : i32
      %add3A_3308 = vector.broadcast %add3A_3307 : i32 to vector<16xi32>
      %add3A_3309 = arith.addi %iota3A, %add3A_3308 : vector<16xi32>
      %and3A_3310 = arith.constant 15 : i32
      %and3A_3311 = vector.broadcast %and3A_3310 : i32 to vector<16xi32>
      %and3A_3312 = arith.andi %add3A_3309, %and3A_3311 : vector<16xi32>
      %lt3A_3313 = arith.constant 0 : i32
      %lt3A_3314 = vector.broadcast %lt3A_3313 : i32 to vector<16xi32>
      %lt3A_3315 = arith.cmpi slt, %and3A_3312, %lt3A_3314 : vector<16xi32>
      %add3A_3316 = arith.constant 16 : i32
      %add3A_3317 = vector.broadcast %add3A_3316 : i32 to vector<16xi32>
      %add3A_3318 = arith.addi %and3A_3312, %add3A_3317 : vector<16xi32>
      %select_n3A_3319 = arith.select %lt3A_3315, %add3A_3318, %and3A_3312 : vector<16xi1>, vector<16xi32>
      %broadcast_in_dim3A_3320 = vector.shape_cast %select_n3A_3319 : vector<16xi32> to vector<16x1xi32>
      %gather3A_3321 = vector.shape_cast %broadcast_in_dim3A_3320 : vector<16x1xi32> to vector<16xi32>
      %gather3A_3322 = tpu.dynamic_gather %get3A_3306[%gather3A_3321] in [0] : vector<16xf32>, vector<16xi32> -> vector<16xf32>
      %max3A_3323 = arith.maximumf %get3A_3306, %gather3A_3322 : vector<16xf32>
      %add3A_3324 = arith.constant 4 : i32
      %add3A_3325 = vector.broadcast %add3A_3324 : i32 to vector<16xi32>
      %add3A_3326 = arith.addi %iota3A, %add3A_3325 : vector<16xi32>
      %and3A_3327 = arith.constant 15 : i32
      %and3A_3328 = vector.broadcast %and3A_3327 : i32 to vector<16xi32>
      %and3A_3329 = arith.andi %add3A_3326, %and3A_3328 : vector<16xi32>
      %lt3A_3330 = arith.constant 0 : i32
      %lt3A_3331 = vector.broadcast %lt3A_3330 : i32 to vector<16xi32>
      %lt3A_3332 = arith.cmpi slt, %and3A_3329, %lt3A_3331 : vector<16xi32>
      %add3A_3333 = arith.constant 16 : i32
      %add3A_3334 = vector.broadcast %add3A_3333 : i32 to vector<16xi32>
      %add3A_3335 = arith.addi %and3A_3329, %add3A_3334 : vector<16xi32>
      %select_n3A_3336 = arith.select %lt3A_3332, %add3A_3335, %and3A_3329 : vector<16xi1>, vector<16xi32>
      %broadcast_in_dim3A_3337 = vector.shape_cast %select_n3A_3336 : vector<16xi32> to vector<16x1xi32>
      %gather3A_3338 = vector.shape_cast %broadcast_in_dim3A_3337 : vector<16x1xi32> to vector<16xi32>
      %gather3A_3339 = tpu.dynamic_gather %max3A_3323[%gather3A_3338] in [0] : vector<16xf32>, vector<16xi32> -> vector<16xf32>
      %max3A_3340 = arith.maximumf %max3A_3323, %gather3A_3339 : vector<16xf32>
      %add3A_3341 = arith.constant 2 : i32
      %add3A_3342 = vector.broadcast %add3A_3341 : i32 to vector<16xi32>
      %add3A_3343 = arith.addi %iota3A, %add3A_3342 : vector<16xi32>
      %and3A_3344 = arith.constant 15 : i32
      %and3A_3345 = vector.broadcast %and3A_3344 : i32 to vector<16xi32>
      %and3A_3346 = arith.andi %add3A_3343, %and3A_3345 : vector<16xi32>
      %lt3A_3347 = arith.constant 0 : i32
      %lt3A_3348 = vector.broadcast %lt3A_3347 : i32 to vector<16xi32>
      %lt3A_3349 = arith.cmpi slt, %and3A_3346, %lt3A_3348 : vector<16xi32>
      %add3A_3350 = arith.constant 16 : i32
      %add3A_3351 = vector.broadcast %add3A_3350 : i32 to vector<16xi32>
      %add3A_3352 = arith.addi %and3A_3346, %add3A_3351 : vector<16xi32>
      %select_n3A_3353 = arith.select %lt3A_3349, %add3A_3352, %and3A_3346 : vector<16xi1>, vector<16xi32>
      %broadcast_in_dim3A_3354 = vector.shape_cast %select_n3A_3353 : vector<16xi32> to vector<16x1xi32>
      %gather3A_3355 = vector.shape_cast %broadcast_in_dim3A_3354 : vector<16x1xi32> to vector<16xi32>
      %gather3A_3356 = tpu.dynamic_gather %max3A_3340[%gather3A_3355] in [0] : vector<16xf32>, vector<16xi32> -> vector<16xf32>
      %max3A_3357 = arith.maximumf %max3A_3340, %gather3A_3356 : vector<16xf32>
      %add3A_3358 = arith.constant 1 : i32
      %add3A_3359 = vector.broadcast %add3A_3358 : i32 to vector<16xi32>
      %add3A_3360 = arith.addi %iota3A, %add3A_3359 : vector<16xi32>
      %and3A_3361 = arith.constant 15 : i32
      %and3A_3362 = vector.broadcast %and3A_3361 : i32 to vector<16xi32>
      %and3A_3363 = arith.andi %add3A_3360, %and3A_3362 : vector<16xi32>
      %lt3A_3364 = arith.constant 0 : i32
      %lt3A_3365 = vector.broadcast %lt3A_3364 : i32 to vector<16xi32>
      %lt3A_3366 = arith.cmpi slt, %and3A_3363, %lt3A_3365 : vector<16xi32>
      %add3A_3367 = arith.constant 16 : i32
      %add3A_3368 = vector.broadcast %add3A_3367 : i32 to vector<16xi32>
      %add3A_3369 = arith.addi %and3A_3363, %add3A_3368 : vector<16xi32>
      %select_n3A_3370 = arith.select %lt3A_3366, %add3A_3369, %and3A_3363 : vector<16xi1>, vector<16xi32>
      %broadcast_in_dim3A_3371 = vector.shape_cast %select_n3A_3370 : vector<16xi32> to vector<16x1xi32>
      %gather3A_3372 = vector.shape_cast %broadcast_in_dim3A_3371 : vector<16x1xi32> to vector<16xi32>
      %gather3A_3373 = tpu.dynamic_gather %max3A_3357[%gather3A_3372] in [0] : vector<16xf32>, vector<16xi32> -> vector<16xf32>
      %max3A_3374 = arith.maximumf %max3A_3357, %gather3A_3373 : vector<16xf32>
      %eq3A_3375 = arith.constant 12 : i32
      %eq3A_3376 = vector.broadcast %eq3A_3375 : i32 to vector<16xi32>
      %eq3A_3377 = arith.cmpi eq, %iota3A, %eq3A_3376 : vector<16xi32>
      %select_n3A_3378 = arith.select %eq3A_3377, %max3A_3374, %select_n3A_3304 : vector<16xi1>, vector<16xf32>
      %get3A_3379 = arith.constant 720 : index
      %get3A_3380 = tpu.vector_load %arg9[%get3A_3379] {strides = array<i32>} : memref<1024xf32, #tpu.memory_space<vmem>>, vector<16xf32>,
      %add3A_3381 = arith.constant 8 : i32
      %add3A_3382 = vector.broadcast %add3A_3381 : i32 to vector<16xi32>
      %add3A_3383 = arith.addi %iota3A, %add3A_3382 : vector<16xi32>
      %and3A_3384 = arith.constant 15 : i32
      %and3A_3385 = vector.broadcast %and3A_3384 : i32 to vector<16xi32>
      %and3A_3386 = arith.andi %add3A_3383, %and3A_3385 : vector<16xi32>
      %lt3A_3387 = arith.constant 0 : i32
      %lt3A_3388 = vector.broadcast %lt3A_3387 : i32 to vector<16xi32>
      %lt3A_3389 = arith.cmpi slt, %and3A_3386, %lt3A_3388 : vector<16xi32>
      %add3A_3390 = arith.constant 16 : i32
      %add3A_3391 = vector.broadcast %add3A_3390 : i32 to vector<16xi32>
      %add3A_3392 = arith.addi %and3A_3386, %add3A_3391 : vector<16xi32>
      %select_n3A_3393 = arith.select %lt3A_3389, %add3A_3392, %and3A_3386 : vector<16xi1>, vector<16xi32>
      %broadcast_in_dim3A_3394 = vector.shape_cast %select_n3A_3393 : vector<16xi32> to vector<16x1xi32>
      %gather3A_3395 = vector.shape_cast %broadcast_in_dim3A_3394 : vector<16x1xi32> to vector<16xi32>
      %gather3A_3396 = tpu.dynamic_gather %get3A_3380[%gather3A_3395] in [0] : vector<16xf32>, vector<16xi32> -> vector<16xf32>
      %max3A_3397 = arith.maximumf %get3A_3380, %gather3A_3396 : vector<16xf32>
      %add3A_3398 = arith.constant 4 : i32
      %add3A_3399 = vector.broadcast %add3A_3398 : i32 to vector<16xi32>
      %add3A_3400 = arith.addi %iota3A, %add3A_3399 : vector<16xi32>
      %and3A_3401 = arith.constant 15 : i32
      %and3A_3402 = vector.broadcast %and3A_3401 : i32 to vector<16xi32>
      %and3A_3403 = arith.andi %add3A_3400, %and3A_3402 : vector<16xi32>
      %lt3A_3404 = arith.constant 0 : i32
      %lt3A_3405 = vector.broadcast %lt3A_3404 : i32 to vector<16xi32>
      %lt3A_3406 = arith.cmpi slt, %and3A_3403, %lt3A_3405 : vector<16xi32>
      %add3A_3407 = arith.constant 16 : i32
      %add3A_3408 = vector.broadcast %add3A_3407 : i32 to vector<16xi32>
      %add3A_3409 = arith.addi %and3A_3403, %add3A_3408 : vector<16xi32>
      %select_n3A_3410 = arith.select %lt3A_3406, %add3A_3409, %and3A_3403 : vector<16xi1>, vector<16xi32>
      %broadcast_in_dim3A_3411 = vector.shape_cast %select_n3A_3410 : vector<16xi32> to vector<16x1xi32>
      %gather3A_3412 = vector.shape_cast %broadcast_in_dim3A_3411 : vector<16x1xi32> to vector<16xi32>
      %gather3A_3413 = tpu.dynamic_gather %max3A_3397[%gather3A_3412] in [0] : vector<16xf32>, vector<16xi32> -> vector<16xf32>
      %max3A_3414 = arith.maximumf %max3A_3397, %gather3A_3413 : vector<16xf32>
      %add3A_3415 = arith.constant 2 : i32
      %add3A_3416 = vector.broadcast %add3A_3415 : i32 to vector<16xi32>
      %add3A_3417 = arith.addi %iota3A, %add3A_3416 : vector<16xi32>
      %and3A_3418 = arith.constant 15 : i32
      %and3A_3419 = vector.broadcast %and3A_3418 : i32 to vector<16xi32>
      %and3A_3420 = arith.andi %add3A_3417, %and3A_3419 : vector<16xi32>
      %lt3A_3421 = arith.constant 0 : i32
      %lt3A_3422 = vector.broadcast %lt3A_3421 : i32 to vector<16xi32>
      %lt3A_3423 = arith.cmpi slt, %and3A_3420, %lt3A_3422 : vector<16xi32>
      %add3A_3424 = arith.constant 16 : i32
      %add3A_3425 = vector.broadcast %add3A_3424 : i32 to vector<16xi32>
      %add3A_3426 = arith.addi %and3A_3420, %add3A_3425 : vector<16xi32>
      %select_n3A_3427 = arith.select %lt3A_3423, %add3A_3426, %and3A_3420 : vector<16xi1>, vector<16xi32>
      %broadcast_in_dim3A_3428 = vector.shape_cast %select_n3A_3427 : vector<16xi32> to vector<16x1xi32>
      %gather3A_3429 = vector.shape_cast %broadcast_in_dim3A_3428 : vector<16x1xi32> to vector<16xi32>
      %gather3A_3430 = tpu.dynamic_gather %max3A_3414[%gather3A_3429] in [0] : vector<16xf32>, vector<16xi32> -> vector<16xf32>
      %max3A_3431 = arith.maximumf %max3A_3414, %gather3A_3430 : vector<16xf32>
      %add3A_3432 = arith.constant 1 : i32
      %add3A_3433 = vector.broadcast %add3A_3432 : i32 to vector<16xi32>
      %add3A_3434 = arith.addi %iota3A, %add3A_3433 : vector<16xi32>
      %and3A_3435 = arith.constant 15 : i32
      %and3A_3436 = vector.broadcast %and3A_3435 : i32 to vector<16xi32>
      %and3A_3437 = arith.andi %add3A_3434, %and3A_3436 : vector<16xi32>
      %lt3A_3438 = arith.constant 0 : i32
      %lt3A_3439 = vector.broadcast %lt3A_3438 : i32 to vector<16xi32>
      %lt3A_3440 = arith.cmpi slt, %and3A_3437, %lt3A_3439 : vector<16xi32>
      %add3A_3441 = arith.constant 16 : i32
      %add3A_3442 = vector.broadcast %add3A_3441 : i32 to vector<16xi32>
      %add3A_3443 = arith.addi %and3A_3437, %add3A_3442 : vector<16xi32>
      %select_n3A_3444 = arith.select %lt3A_3440, %add3A_3443, %and3A_3437 : vector<16xi1>, vector<16xi32>
      %broadcast_in_dim3A_3445 = vector.shape_cast %select_n3A_3444 : vector<16xi32> to vector<16x1xi32>
      %gather3A_3446 = vector.shape_cast %broadcast_in_dim3A_3445 : vector<16x1xi32> to vector<16xi32>
      %gather3A_3447 = tpu.dynamic_gather %max3A_3431[%gather3A_3446] in [0] : vector<16xf32>, vector<16xi32> -> vector<16xf32>
      %max3A_3448 = arith.maximumf %max3A_3431, %gather3A_3447 : vector<16xf32>
      %eq3A_3449 = arith.constant 13 : i32
      %eq3A_3450 = vector.broadcast %eq3A_3449 : i32 to vector<16xi32>
      %eq3A_3451 = arith.cmpi eq, %iota3A, %eq3A_3450 : vector<16xi32>
      %select_n3A_3452 = arith.select %eq3A_3451, %max3A_3448, %select_n3A_3378 : vector<16xi1>, vector<16xf32>
      %get3A_3453 = arith.constant 736 : index
      %get3A_3454 = tpu.vector_load %arg9[%get3A_3453] {strides = array<i32>} : memref<1024xf32, #tpu.memory_space<vmem>>, vector<16xf32>,
      %add3A_3455 = arith.constant 8 : i32
      %add3A_3456 = vector.broadcast %add3A_3455 : i32 to vector<16xi32>
      %add3A_3457 = arith.addi %iota3A, %add3A_3456 : vector<16xi32>
      %and3A_3458 = arith.constant 15 : i32
      %and3A_3459 = vector.broadcast %and3A_3458 : i32 to vector<16xi32>
      %and3A_3460 = arith.andi %add3A_3457, %and3A_3459 : vector<16xi32>
      %lt3A_3461 = arith.constant 0 : i32
      %lt3A_3462 = vector.broadcast %lt3A_3461 : i32 to vector<16xi32>
      %lt3A_3463 = arith.cmpi slt, %and3A_3460, %lt3A_3462 : vector<16xi32>
      %add3A_3464 = arith.constant 16 : i32
      %add3A_3465 = vector.broadcast %add3A_3464 : i32 to vector<16xi32>
      %add3A_3466 = arith.addi %and3A_3460, %add3A_3465 : vector<16xi32>
      %select_n3A_3467 = arith.select %lt3A_3463, %add3A_3466, %and3A_3460 : vector<16xi1>, vector<16xi32>
      %broadcast_in_dim3A_3468 = vector.shape_cast %select_n3A_3467 : vector<16xi32> to vector<16x1xi32>
      %gather3A_3469 = vector.shape_cast %broadcast_in_dim3A_3468 : vector<16x1xi32> to vector<16xi32>
      %gather3A_3470 = tpu.dynamic_gather %get3A_3454[%gather3A_3469] in [0] : vector<16xf32>, vector<16xi32> -> vector<16xf32>
      %max3A_3471 = arith.maximumf %get3A_3454, %gather3A_3470 : vector<16xf32>
      %add3A_3472 = arith.constant 4 : i32
      %add3A_3473 = vector.broadcast %add3A_3472 : i32 to vector<16xi32>
      %add3A_3474 = arith.addi %iota3A, %add3A_3473 : vector<16xi32>
      %and3A_3475 = arith.constant 15 : i32
      %and3A_3476 = vector.broadcast %and3A_3475 : i32 to vector<16xi32>
      %and3A_3477 = arith.andi %add3A_3474, %and3A_3476 : vector<16xi32>
      %lt3A_3478 = arith.constant 0 : i32
      %lt3A_3479 = vector.broadcast %lt3A_3478 : i32 to vector<16xi32>
      %lt3A_3480 = arith.cmpi slt, %and3A_3477, %lt3A_3479 : vector<16xi32>
      %add3A_3481 = arith.constant 16 : i32
      %add3A_3482 = vector.broadcast %add3A_3481 : i32 to vector<16xi32>
      %add3A_3483 = arith.addi %and3A_3477, %add3A_3482 : vector<16xi32>
      %select_n3A_3484 = arith.select %lt3A_3480, %add3A_3483, %and3A_3477 : vector<16xi1>, vector<16xi32>
      %broadcast_in_dim3A_3485 = vector.shape_cast %select_n3A_3484 : vector<16xi32> to vector<16x1xi32>
      %gather3A_3486 = vector.shape_cast %broadcast_in_dim3A_3485 : vector<16x1xi32> to vector<16xi32>
      %gather3A_3487 = tpu.dynamic_gather %max3A_3471[%gather3A_3486] in [0] : vector<16xf32>, vector<16xi32> -> vector<16xf32>
      %max3A_3488 = arith.maximumf %max3A_3471, %gather3A_3487 : vector<16xf32>
      %add3A_3489 = arith.constant 2 : i32
      %add3A_3490 = vector.broadcast %add3A_3489 : i32 to vector<16xi32>
      %add3A_3491 = arith.addi %iota3A, %add3A_3490 : vector<16xi32>
      %and3A_3492 = arith.constant 15 : i32
      %and3A_3493 = vector.broadcast %and3A_3492 : i32 to vector<16xi32>
      %and3A_3494 = arith.andi %add3A_3491, %and3A_3493 : vector<16xi32>
      %lt3A_3495 = arith.constant 0 : i32
      %lt3A_3496 = vector.broadcast %lt3A_3495 : i32 to vector<16xi32>
      %lt3A_3497 = arith.cmpi slt, %and3A_3494, %lt3A_3496 : vector<16xi32>
      %add3A_3498 = arith.constant 16 : i32
      %add3A_3499 = vector.broadcast %add3A_3498 : i32 to vector<16xi32>
      %add3A_3500 = arith.addi %and3A_3494, %add3A_3499 : vector<16xi32>
      %select_n3A_3501 = arith.select %lt3A_3497, %add3A_3500, %and3A_3494 : vector<16xi1>, vector<16xi32>
      %broadcast_in_dim3A_3502 = vector.shape_cast %select_n3A_3501 : vector<16xi32> to vector<16x1xi32>
      %gather3A_3503 = vector.shape_cast %broadcast_in_dim3A_3502 : vector<16x1xi32> to vector<16xi32>
      %gather3A_3504 = tpu.dynamic_gather %max3A_3488[%gather3A_3503] in [0] : vector<16xf32>, vector<16xi32> -> vector<16xf32>
      %max3A_3505 = arith.maximumf %max3A_3488, %gather3A_3504 : vector<16xf32>
      %add3A_3506 = arith.constant 1 : i32
      %add3A_3507 = vector.broadcast %add3A_3506 : i32 to vector<16xi32>
      %add3A_3508 = arith.addi %iota3A, %add3A_3507 : vector<16xi32>
      %and3A_3509 = arith.constant 15 : i32
      %and3A_3510 = vector.broadcast %and3A_3509 : i32 to vector<16xi32>
      %and3A_3511 = arith.andi %add3A_3508, %and3A_3510 : vector<16xi32>
      %lt3A_3512 = arith.constant 0 : i32
      %lt3A_3513 = vector.broadcast %lt3A_3512 : i32 to vector<16xi32>
      %lt3A_3514 = arith.cmpi slt, %and3A_3511, %lt3A_3513 : vector<16xi32>
      %add3A_3515 = arith.constant 16 : i32
      %add3A_3516 = vector.broadcast %add3A_3515 : i32 to vector<16xi32>
      %add3A_3517 = arith.addi %and3A_3511, %add3A_3516 : vector<16xi32>
      %select_n3A_3518 = arith.select %lt3A_3514, %add3A_3517, %and3A_3511 : vector<16xi1>, vector<16xi32>
      %broadcast_in_dim3A_3519 = vector.shape_cast %select_n3A_3518 : vector<16xi32> to vector<16x1xi32>
      %gather3A_3520 = vector.shape_cast %broadcast_in_dim3A_3519 : vector<16x1xi32> to vector<16xi32>
      %gather3A_3521 = tpu.dynamic_gather %max3A_3505[%gather3A_3520] in [0] : vector<16xf32>, vector<16xi32> -> vector<16xf32>
      %max3A_3522 = arith.maximumf %max3A_3505, %gather3A_3521 : vector<16xf32>
      %eq3A_3523 = arith.constant 14 : i32
      %eq3A_3524 = vector.broadcast %eq3A_3523 : i32 to vector<16xi32>
      %eq3A_3525 = arith.cmpi eq, %iota3A, %eq3A_3524 : vector<16xi32>
      %select_n3A_3526 = arith.select %eq3A_3525, %max3A_3522, %select_n3A_3452 : vector<16xi1>, vector<16xf32>
      %get3A_3527 = arith.constant 752 : index
      %get3A_3528 = tpu.vector_load %arg9[%get3A_3527] {strides = array<i32>} : memref<1024xf32, #tpu.memory_space<vmem>>, vector<16xf32>,
      %add3A_3529 = arith.constant 8 : i32
      %add3A_3530 = vector.broadcast %add3A_3529 : i32 to vector<16xi32>
      %add3A_3531 = arith.addi %iota3A, %add3A_3530 : vector<16xi32>
      %and3A_3532 = arith.constant 15 : i32
      %and3A_3533 = vector.broadcast %and3A_3532 : i32 to vector<16xi32>
      %and3A_3534 = arith.andi %add3A_3531, %and3A_3533 : vector<16xi32>
      %lt3A_3535 = arith.constant 0 : i32
      %lt3A_3536 = vector.broadcast %lt3A_3535 : i32 to vector<16xi32>
      %lt3A_3537 = arith.cmpi slt, %and3A_3534, %lt3A_3536 : vector<16xi32>
      %add3A_3538 = arith.constant 16 : i32
      %add3A_3539 = vector.broadcast %add3A_3538 : i32 to vector<16xi32>
      %add3A_3540 = arith.addi %and3A_3534, %add3A_3539 : vector<16xi32>
      %select_n3A_3541 = arith.select %lt3A_3537, %add3A_3540, %and3A_3534 : vector<16xi1>, vector<16xi32>
      %broadcast_in_dim3A_3542 = vector.shape_cast %select_n3A_3541 : vector<16xi32> to vector<16x1xi32>
      %gather3A_3543 = vector.shape_cast %broadcast_in_dim3A_3542 : vector<16x1xi32> to vector<16xi32>
      %gather3A_3544 = tpu.dynamic_gather %get3A_3528[%gather3A_3543] in [0] : vector<16xf32>, vector<16xi32> -> vector<16xf32>
      %max3A_3545 = arith.maximumf %get3A_3528, %gather3A_3544 : vector<16xf32>
      %add3A_3546 = arith.constant 4 : i32
      %add3A_3547 = vector.broadcast %add3A_3546 : i32 to vector<16xi32>
      %add3A_3548 = arith.addi %iota3A, %add3A_3547 : vector<16xi32>
      %and3A_3549 = arith.constant 15 : i32
      %and3A_3550 = vector.broadcast %and3A_3549 : i32 to vector<16xi32>
      %and3A_3551 = arith.andi %add3A_3548, %and3A_3550 : vector<16xi32>
      %lt3A_3552 = arith.constant 0 : i32
      %lt3A_3553 = vector.broadcast %lt3A_3552 : i32 to vector<16xi32>
      %lt3A_3554 = arith.cmpi slt, %and3A_3551, %lt3A_3553 : vector<16xi32>
      %add3A_3555 = arith.constant 16 : i32
      %add3A_3556 = vector.broadcast %add3A_3555 : i32 to vector<16xi32>
      %add3A_3557 = arith.addi %and3A_3551, %add3A_3556 : vector<16xi32>
      %select_n3A_3558 = arith.select %lt3A_3554, %add3A_3557, %and3A_3551 : vector<16xi1>, vector<16xi32>
      %broadcast_in_dim3A_3559 = vector.shape_cast %select_n3A_3558 : vector<16xi32> to vector<16x1xi32>
      %gather3A_3560 = vector.shape_cast %broadcast_in_dim3A_3559 : vector<16x1xi32> to vector<16xi32>
      %gather3A_3561 = tpu.dynamic_gather %max3A_3545[%gather3A_3560] in [0] : vector<16xf32>, vector<16xi32> -> vector<16xf32>
      %max3A_3562 = arith.maximumf %max3A_3545, %gather3A_3561 : vector<16xf32>
      %add3A_3563 = arith.constant 2 : i32
      %add3A_3564 = vector.broadcast %add3A_3563 : i32 to vector<16xi32>
      %add3A_3565 = arith.addi %iota3A, %add3A_3564 : vector<16xi32>
      %and3A_3566 = arith.constant 15 : i32
      %and3A_3567 = vector.broadcast %and3A_3566 : i32 to vector<16xi32>
      %and3A_3568 = arith.andi %add3A_3565, %and3A_3567 : vector<16xi32>
      %lt3A_3569 = arith.constant 0 : i32
      %lt3A_3570 = vector.broadcast %lt3A_3569 : i32 to vector<16xi32>
      %lt3A_3571 = arith.cmpi slt, %and3A_3568, %lt3A_3570 : vector<16xi32>
      %add3A_3572 = arith.constant 16 : i32
      %add3A_3573 = vector.broadcast %add3A_3572 : i32 to vector<16xi32>
      %add3A_3574 = arith.addi %and3A_3568, %add3A_3573 : vector<16xi32>
      %select_n3A_3575 = arith.select %lt3A_3571, %add3A_3574, %and3A_3568 : vector<16xi1>, vector<16xi32>
      %broadcast_in_dim3A_3576 = vector.shape_cast %select_n3A_3575 : vector<16xi32> to vector<16x1xi32>
      %gather3A_3577 = vector.shape_cast %broadcast_in_dim3A_3576 : vector<16x1xi32> to vector<16xi32>
      %gather3A_3578 = tpu.dynamic_gather %max3A_3562[%gather3A_3577] in [0] : vector<16xf32>, vector<16xi32> -> vector<16xf32>
      %max3A_3579 = arith.maximumf %max3A_3562, %gather3A_3578 : vector<16xf32>
      %add3A_3580 = arith.constant 1 : i32
      %add3A_3581 = vector.broadcast %add3A_3580 : i32 to vector<16xi32>
      %add3A_3582 = arith.addi %iota3A, %add3A_3581 : vector<16xi32>
      %and3A_3583 = arith.constant 15 : i32
      %and3A_3584 = vector.broadcast %and3A_3583 : i32 to vector<16xi32>
      %and3A_3585 = arith.andi %add3A_3582, %and3A_3584 : vector<16xi32>
      %lt3A_3586 = arith.constant 0 : i32
      %lt3A_3587 = vector.broadcast %lt3A_3586 : i32 to vector<16xi32>
      %lt3A_3588 = arith.cmpi slt, %and3A_3585, %lt3A_3587 : vector<16xi32>
      %add3A_3589 = arith.constant 16 : i32
      %add3A_3590 = vector.broadcast %add3A_3589 : i32 to vector<16xi32>
      %add3A_3591 = arith.addi %and3A_3585, %add3A_3590 : vector<16xi32>
      %select_n3A_3592 = arith.select %lt3A_3588, %add3A_3591, %and3A_3585 : vector<16xi1>, vector<16xi32>
      %broadcast_in_dim3A_3593 = vector.shape_cast %select_n3A_3592 : vector<16xi32> to vector<16x1xi32>
      %gather3A_3594 = vector.shape_cast %broadcast_in_dim3A_3593 : vector<16x1xi32> to vector<16xi32>
      %gather3A_3595 = tpu.dynamic_gather %max3A_3579[%gather3A_3594] in [0] : vector<16xf32>, vector<16xi32> -> vector<16xf32>
      %max3A_3596 = arith.maximumf %max3A_3579, %gather3A_3595 : vector<16xf32>
      %eq3A_3597 = arith.constant 15 : i32
      %eq3A_3598 = vector.broadcast %eq3A_3597 : i32 to vector<16xi32>
      %eq3A_3599 = arith.cmpi eq, %iota3A, %eq3A_3598 : vector<16xi32>
      %select_n3A_3600 = arith.select %eq3A_3599, %max3A_3596, %select_n3A_3526 : vector<16xi1>, vector<16xf32>
      %broadcast_in_dim3A_3601 = arith.constant 0xFF800000 : f32
      %broadcast_in_dim3A_3602 = vector.broadcast %broadcast_in_dim3A_3601 : f32 to vector<16xf32>
      %get3A_3603 = arith.constant 768 : index
      %get3A_3604 = tpu.vector_load %arg9[%get3A_3603] {strides = array<i32>} : memref<1024xf32, #tpu.memory_space<vmem>>, vector<16xf32>,
      %add3A_3605 = arith.constant 8 : i32
      %add3A_3606 = vector.broadcast %add3A_3605 : i32 to vector<16xi32>
      %add3A_3607 = arith.addi %iota3A, %add3A_3606 : vector<16xi32>
      %and3A_3608 = arith.constant 15 : i32
      %and3A_3609 = vector.broadcast %and3A_3608 : i32 to vector<16xi32>
      %and3A_3610 = arith.andi %add3A_3607, %and3A_3609 : vector<16xi32>
      %lt3A_3611 = arith.constant 0 : i32
      %lt3A_3612 = vector.broadcast %lt3A_3611 : i32 to vector<16xi32>
      %lt3A_3613 = arith.cmpi slt, %and3A_3610, %lt3A_3612 : vector<16xi32>
      %add3A_3614 = arith.constant 16 : i32
      %add3A_3615 = vector.broadcast %add3A_3614 : i32 to vector<16xi32>
      %add3A_3616 = arith.addi %and3A_3610, %add3A_3615 : vector<16xi32>
      %select_n3A_3617 = arith.select %lt3A_3613, %add3A_3616, %and3A_3610 : vector<16xi1>, vector<16xi32>
      %broadcast_in_dim3A_3618 = vector.shape_cast %select_n3A_3617 : vector<16xi32> to vector<16x1xi32>
      %gather3A_3619 = vector.shape_cast %broadcast_in_dim3A_3618 : vector<16x1xi32> to vector<16xi32>
      %gather3A_3620 = tpu.dynamic_gather %get3A_3604[%gather3A_3619] in [0] : vector<16xf32>, vector<16xi32> -> vector<16xf32>
      %max3A_3621 = arith.maximumf %get3A_3604, %gather3A_3620 : vector<16xf32>
      %add3A_3622 = arith.constant 4 : i32
      %add3A_3623 = vector.broadcast %add3A_3622 : i32 to vector<16xi32>
      %add3A_3624 = arith.addi %iota3A, %add3A_3623 : vector<16xi32>
      %and3A_3625 = arith.constant 15 : i32
      %and3A_3626 = vector.broadcast %and3A_3625 : i32 to vector<16xi32>
      %and3A_3627 = arith.andi %add3A_3624, %and3A_3626 : vector<16xi32>
      %lt3A_3628 = arith.constant 0 : i32
      %lt3A_3629 = vector.broadcast %lt3A_3628 : i32 to vector<16xi32>
      %lt3A_3630 = arith.cmpi slt, %and3A_3627, %lt3A_3629 : vector<16xi32>
      %add3A_3631 = arith.constant 16 : i32
      %add3A_3632 = vector.broadcast %add3A_3631 : i32 to vector<16xi32>
      %add3A_3633 = arith.addi %and3A_3627, %add3A_3632 : vector<16xi32>
      %select_n3A_3634 = arith.select %lt3A_3630, %add3A_3633, %and3A_3627 : vector<16xi1>, vector<16xi32>
      %broadcast_in_dim3A_3635 = vector.shape_cast %select_n3A_3634 : vector<16xi32> to vector<16x1xi32>
      %gather3A_3636 = vector.shape_cast %broadcast_in_dim3A_3635 : vector<16x1xi32> to vector<16xi32>
      %gather3A_3637 = tpu.dynamic_gather %max3A_3621[%gather3A_3636] in [0] : vector<16xf32>, vector<16xi32> -> vector<16xf32>
      %max3A_3638 = arith.maximumf %max3A_3621, %gather3A_3637 : vector<16xf32>
      %add3A_3639 = arith.constant 2 : i32
      %add3A_3640 = vector.broadcast %add3A_3639 : i32 to vector<16xi32>
      %add3A_3641 = arith.addi %iota3A, %add3A_3640 : vector<16xi32>
      %and3A_3642 = arith.constant 15 : i32
      %and3A_3643 = vector.broadcast %and3A_3642 : i32 to vector<16xi32>
      %and3A_3644 = arith.andi %add3A_3641, %and3A_3643 : vector<16xi32>
      %lt3A_3645 = arith.constant 0 : i32
      %lt3A_3646 = vector.broadcast %lt3A_3645 : i32 to vector<16xi32>
      %lt3A_3647 = arith.cmpi slt, %and3A_3644, %lt3A_3646 : vector<16xi32>
      %add3A_3648 = arith.constant 16 : i32
      %add3A_3649 = vector.broadcast %add3A_3648 : i32 to vector<16xi32>
      %add3A_3650 = arith.addi %and3A_3644, %add3A_3649 : vector<16xi32>
      %select_n3A_3651 = arith.select %lt3A_3647, %add3A_3650, %and3A_3644 : vector<16xi1>, vector<16xi32>
      %broadcast_in_dim3A_3652 = vector.shape_cast %select_n3A_3651 : vector<16xi32> to vector<16x1xi32>
      %gather3A_3653 = vector.shape_cast %broadcast_in_dim3A_3652 : vector<16x1xi32> to vector<16xi32>
      %gather3A_3654 = tpu.dynamic_gather %max3A_3638[%gather3A_3653] in [0] : vector<16xf32>, vector<16xi32> -> vector<16xf32>
      %max3A_3655 = arith.maximumf %max3A_3638, %gather3A_3654 : vector<16xf32>
      %add3A_3656 = arith.constant 1 : i32
      %add3A_3657 = vector.broadcast %add3A_3656 : i32 to vector<16xi32>
      %add3A_3658 = arith.addi %iota3A, %add3A_3657 : vector<16xi32>
      %and3A_3659 = arith.constant 15 : i32
      %and3A_3660 = vector.broadcast %and3A_3659 : i32 to vector<16xi32>
      %and3A_3661 = arith.andi %add3A_3658, %and3A_3660 : vector<16xi32>
      %lt3A_3662 = arith.constant 0 : i32
      %lt3A_3663 = vector.broadcast %lt3A_3662 : i32 to vector<16xi32>
      %lt3A_3664 = arith.cmpi slt, %and3A_3661, %lt3A_3663 : vector<16xi32>
      %add3A_3665 = arith.constant 16 : i32
      %add3A_3666 = vector.broadcast %add3A_3665 : i32 to vector<16xi32>
      %add3A_3667 = arith.addi %and3A_3661, %add3A_3666 : vector<16xi32>
      %select_n3A_3668 = arith.select %lt3A_3664, %add3A_3667, %and3A_3661 : vector<16xi1>, vector<16xi32>
      %broadcast_in_dim3A_3669 = vector.shape_cast %select_n3A_3668 : vector<16xi32> to vector<16x1xi32>
      %gather3A_3670 = vector.shape_cast %broadcast_in_dim3A_3669 : vector<16x1xi32> to vector<16xi32>
      %gather3A_3671 = tpu.dynamic_gather %max3A_3655[%gather3A_3670] in [0] : vector<16xf32>, vector<16xi32> -> vector<16xf32>
      %max3A_3672 = arith.maximumf %max3A_3655, %gather3A_3671 : vector<16xf32>
      %eq3A_3673 = arith.constant 0 : i32
      %eq3A_3674 = vector.broadcast %eq3A_3673 : i32 to vector<16xi32>
      %eq3A_3675 = arith.cmpi eq, %iota3A, %eq3A_3674 : vector<16xi32>
      %select_n3A_3676 = arith.select %eq3A_3675, %max3A_3672, %broadcast_in_dim3A_3602 : vector<16xi1>, vector<16xf32>
      %get3A_3677 = arith.constant 784 : index
      %get3A_3678 = tpu.vector_load %arg9[%get3A_3677] {strides = array<i32>} : memref<1024xf32, #tpu.memory_space<vmem>>, vector<16xf32>,
      %add3A_3679 = arith.constant 8 : i32
      %add3A_3680 = vector.broadcast %add3A_3679 : i32 to vector<16xi32>
      %add3A_3681 = arith.addi %iota3A, %add3A_3680 : vector<16xi32>
      %and3A_3682 = arith.constant 15 : i32
      %and3A_3683 = vector.broadcast %and3A_3682 : i32 to vector<16xi32>
      %and3A_3684 = arith.andi %add3A_3681, %and3A_3683 : vector<16xi32>
      %lt3A_3685 = arith.constant 0 : i32
      %lt3A_3686 = vector.broadcast %lt3A_3685 : i32 to vector<16xi32>
      %lt3A_3687 = arith.cmpi slt, %and3A_3684, %lt3A_3686 : vector<16xi32>
      %add3A_3688 = arith.constant 16 : i32
      %add3A_3689 = vector.broadcast %add3A_3688 : i32 to vector<16xi32>
      %add3A_3690 = arith.addi %and3A_3684, %add3A_3689 : vector<16xi32>
      %select_n3A_3691 = arith.select %lt3A_3687, %add3A_3690, %and3A_3684 : vector<16xi1>, vector<16xi32>
      %broadcast_in_dim3A_3692 = vector.shape_cast %select_n3A_3691 : vector<16xi32> to vector<16x1xi32>
      %gather3A_3693 = vector.shape_cast %broadcast_in_dim3A_3692 : vector<16x1xi32> to vector<16xi32>
      %gather3A_3694 = tpu.dynamic_gather %get3A_3678[%gather3A_3693] in [0] : vector<16xf32>, vector<16xi32> -> vector<16xf32>
      %max3A_3695 = arith.maximumf %get3A_3678, %gather3A_3694 : vector<16xf32>
      %add3A_3696 = arith.constant 4 : i32
      %add3A_3697 = vector.broadcast %add3A_3696 : i32 to vector<16xi32>
      %add3A_3698 = arith.addi %iota3A, %add3A_3697 : vector<16xi32>
      %and3A_3699 = arith.constant 15 : i32
      %and3A_3700 = vector.broadcast %and3A_3699 : i32 to vector<16xi32>
      %and3A_3701 = arith.andi %add3A_3698, %and3A_3700 : vector<16xi32>
      %lt3A_3702 = arith.constant 0 : i32
      %lt3A_3703 = vector.broadcast %lt3A_3702 : i32 to vector<16xi32>
      %lt3A_3704 = arith.cmpi slt, %and3A_3701, %lt3A_3703 : vector<16xi32>
      %add3A_3705 = arith.constant 16 : i32
      %add3A_3706 = vector.broadcast %add3A_3705 : i32 to vector<16xi32>
      %add3A_3707 = arith.addi %and3A_3701, %add3A_3706 : vector<16xi32>
      %select_n3A_3708 = arith.select %lt3A_3704, %add3A_3707, %and3A_3701 : vector<16xi1>, vector<16xi32>
      %broadcast_in_dim3A_3709 = vector.shape_cast %select_n3A_3708 : vector<16xi32> to vector<16x1xi32>
      %gather3A_3710 = vector.shape_cast %broadcast_in_dim3A_3709 : vector<16x1xi32> to vector<16xi32>
      %gather3A_3711 = tpu.dynamic_gather %max3A_3695[%gather3A_3710] in [0] : vector<16xf32>, vector<16xi32> -> vector<16xf32>
      %max3A_3712 = arith.maximumf %max3A_3695, %gather3A_3711 : vector<16xf32>
      %add3A_3713 = arith.constant 2 : i32
      %add3A_3714 = vector.broadcast %add3A_3713 : i32 to vector<16xi32>
      %add3A_3715 = arith.addi %iota3A, %add3A_3714 : vector<16xi32>
      %and3A_3716 = arith.constant 15 : i32
      %and3A_3717 = vector.broadcast %and3A_3716 : i32 to vector<16xi32>
      %and3A_3718 = arith.andi %add3A_3715, %and3A_3717 : vector<16xi32>
      %lt3A_3719 = arith.constant 0 : i32
      %lt3A_3720 = vector.broadcast %lt3A_3719 : i32 to vector<16xi32>
      %lt3A_3721 = arith.cmpi slt, %and3A_3718, %lt3A_3720 : vector<16xi32>
      %add3A_3722 = arith.constant 16 : i32
      %add3A_3723 = vector.broadcast %add3A_3722 : i32 to vector<16xi32>
      %add3A_3724 = arith.addi %and3A_3718, %add3A_3723 : vector<16xi32>
      %select_n3A_3725 = arith.select %lt3A_3721, %add3A_3724, %and3A_3718 : vector<16xi1>, vector<16xi32>
      %broadcast_in_dim3A_3726 = vector.shape_cast %select_n3A_3725 : vector<16xi32> to vector<16x1xi32>
      %gather3A_3727 = vector.shape_cast %broadcast_in_dim3A_3726 : vector<16x1xi32> to vector<16xi32>
      %gather3A_3728 = tpu.dynamic_gather %max3A_3712[%gather3A_3727] in [0] : vector<16xf32>, vector<16xi32> -> vector<16xf32>
      %max3A_3729 = arith.maximumf %max3A_3712, %gather3A_3728 : vector<16xf32>
      %add3A_3730 = arith.constant 1 : i32
      %add3A_3731 = vector.broadcast %add3A_3730 : i32 to vector<16xi32>
      %add3A_3732 = arith.addi %iota3A, %add3A_3731 : vector<16xi32>
      %and3A_3733 = arith.constant 15 : i32
      %and3A_3734 = vector.broadcast %and3A_3733 : i32 to vector<16xi32>
      %and3A_3735 = arith.andi %add3A_3732, %and3A_3734 : vector<16xi32>
      %lt3A_3736 = arith.constant 0 : i32
      %lt3A_3737 = vector.broadcast %lt3A_3736 : i32 to vector<16xi32>
      %lt3A_3738 = arith.cmpi slt, %and3A_3735, %lt3A_3737 : vector<16xi32>
      %add3A_3739 = arith.constant 16 : i32
      %add3A_3740 = vector.broadcast %add3A_3739 : i32 to vector<16xi32>
      %add3A_3741 = arith.addi %and3A_3735, %add3A_3740 : vector<16xi32>
      %select_n3A_3742 = arith.select %lt3A_3738, %add3A_3741, %and3A_3735 : vector<16xi1>, vector<16xi32>
      %broadcast_in_dim3A_3743 = vector.shape_cast %select_n3A_3742 : vector<16xi32> to vector<16x1xi32>
      %gather3A_3744 = vector.shape_cast %broadcast_in_dim3A_3743 : vector<16x1xi32> to vector<16xi32>
      %gather3A_3745 = tpu.dynamic_gather %max3A_3729[%gather3A_3744] in [0] : vector<16xf32>, vector<16xi32> -> vector<16xf32>
      %max3A_3746 = arith.maximumf %max3A_3729, %gather3A_3745 : vector<16xf32>
      %eq3A_3747 = arith.constant 1 : i32
      %eq3A_3748 = vector.broadcast %eq3A_3747 : i32 to vector<16xi32>
      %eq3A_3749 = arith.cmpi eq, %iota3A, %eq3A_3748 : vector<16xi32>
      %select_n3A_3750 = arith.select %eq3A_3749, %max3A_3746, %select_n3A_3676 : vector<16xi1>, vector<16xf32>
      %get3A_3751 = arith.constant 800 : index
      %get3A_3752 = tpu.vector_load %arg9[%get3A_3751] {strides = array<i32>} : memref<1024xf32, #tpu.memory_space<vmem>>, vector<16xf32>,
      %add3A_3753 = arith.constant 8 : i32
      %add3A_3754 = vector.broadcast %add3A_3753 : i32 to vector<16xi32>
      %add3A_3755 = arith.addi %iota3A, %add3A_3754 : vector<16xi32>
      %and3A_3756 = arith.constant 15 : i32
      %and3A_3757 = vector.broadcast %and3A_3756 : i32 to vector<16xi32>
      %and3A_3758 = arith.andi %add3A_3755, %and3A_3757 : vector<16xi32>
      %lt3A_3759 = arith.constant 0 : i32
      %lt3A_3760 = vector.broadcast %lt3A_3759 : i32 to vector<16xi32>
      %lt3A_3761 = arith.cmpi slt, %and3A_3758, %lt3A_3760 : vector<16xi32>
      %add3A_3762 = arith.constant 16 : i32
      %add3A_3763 = vector.broadcast %add3A_3762 : i32 to vector<16xi32>
      %add3A_3764 = arith.addi %and3A_3758, %add3A_3763 : vector<16xi32>
      %select_n3A_3765 = arith.select %lt3A_3761, %add3A_3764, %and3A_3758 : vector<16xi1>, vector<16xi32>
      %broadcast_in_dim3A_3766 = vector.shape_cast %select_n3A_3765 : vector<16xi32> to vector<16x1xi32>
      %gather3A_3767 = vector.shape_cast %broadcast_in_dim3A_3766 : vector<16x1xi32> to vector<16xi32>
      %gather3A_3768 = tpu.dynamic_gather %get3A_3752[%gather3A_3767] in [0] : vector<16xf32>, vector<16xi32> -> vector<16xf32>
      %max3A_3769 = arith.maximumf %get3A_3752, %gather3A_3768 : vector<16xf32>
      %add3A_3770 = arith.constant 4 : i32
      %add3A_3771 = vector.broadcast %add3A_3770 : i32 to vector<16xi32>
      %add3A_3772 = arith.addi %iota3A, %add3A_3771 : vector<16xi32>
      %and3A_3773 = arith.constant 15 : i32
      %and3A_3774 = vector.broadcast %and3A_3773 : i32 to vector<16xi32>
      %and3A_3775 = arith.andi %add3A_3772, %and3A_3774 : vector<16xi32>
      %lt3A_3776 = arith.constant 0 : i32
      %lt3A_3777 = vector.broadcast %lt3A_3776 : i32 to vector<16xi32>
      %lt3A_3778 = arith.cmpi slt, %and3A_3775, %lt3A_3777 : vector<16xi32>
      %add3A_3779 = arith.constant 16 : i32
      %add3A_3780 = vector.broadcast %add3A_3779 : i32 to vector<16xi32>
      %add3A_3781 = arith.addi %and3A_3775, %add3A_3780 : vector<16xi32>
      %select_n3A_3782 = arith.select %lt3A_3778, %add3A_3781, %and3A_3775 : vector<16xi1>, vector<16xi32>
      %broadcast_in_dim3A_3783 = vector.shape_cast %select_n3A_3782 : vector<16xi32> to vector<16x1xi32>
      %gather3A_3784 = vector.shape_cast %broadcast_in_dim3A_3783 : vector<16x1xi32> to vector<16xi32>
      %gather3A_3785 = tpu.dynamic_gather %max3A_3769[%gather3A_3784] in [0] : vector<16xf32>, vector<16xi32> -> vector<16xf32>
      %max3A_3786 = arith.maximumf %max3A_3769, %gather3A_3785 : vector<16xf32>
      %add3A_3787 = arith.constant 2 : i32
      %add3A_3788 = vector.broadcast %add3A_3787 : i32 to vector<16xi32>
      %add3A_3789 = arith.addi %iota3A, %add3A_3788 : vector<16xi32>
      %and3A_3790 = arith.constant 15 : i32
      %and3A_3791 = vector.broadcast %and3A_3790 : i32 to vector<16xi32>
      %and3A_3792 = arith.andi %add3A_3789, %and3A_3791 : vector<16xi32>
      %lt3A_3793 = arith.constant 0 : i32
      %lt3A_3794 = vector.broadcast %lt3A_3793 : i32 to vector<16xi32>
      %lt3A_3795 = arith.cmpi slt, %and3A_3792, %lt3A_3794 : vector<16xi32>
      %add3A_3796 = arith.constant 16 : i32
      %add3A_3797 = vector.broadcast %add3A_3796 : i32 to vector<16xi32>
      %add3A_3798 = arith.addi %and3A_3792, %add3A_3797 : vector<16xi32>
      %select_n3A_3799 = arith.select %lt3A_3795, %add3A_3798, %and3A_3792 : vector<16xi1>, vector<16xi32>
      %broadcast_in_dim3A_3800 = vector.shape_cast %select_n3A_3799 : vector<16xi32> to vector<16x1xi32>
      %gather3A_3801 = vector.shape_cast %broadcast_in_dim3A_3800 : vector<16x1xi32> to vector<16xi32>
      %gather3A_3802 = tpu.dynamic_gather %max3A_3786[%gather3A_3801] in [0] : vector<16xf32>, vector<16xi32> -> vector<16xf32>
      %max3A_3803 = arith.maximumf %max3A_3786, %gather3A_3802 : vector<16xf32>
      %add3A_3804 = arith.constant 1 : i32
      %add3A_3805 = vector.broadcast %add3A_3804 : i32 to vector<16xi32>
      %add3A_3806 = arith.addi %iota3A, %add3A_3805 : vector<16xi32>
      %and3A_3807 = arith.constant 15 : i32
      %and3A_3808 = vector.broadcast %and3A_3807 : i32 to vector<16xi32>
      %and3A_3809 = arith.andi %add3A_3806, %and3A_3808 : vector<16xi32>
      %lt3A_3810 = arith.constant 0 : i32
      %lt3A_3811 = vector.broadcast %lt3A_3810 : i32 to vector<16xi32>
      %lt3A_3812 = arith.cmpi slt, %and3A_3809, %lt3A_3811 : vector<16xi32>
      %add3A_3813 = arith.constant 16 : i32
      %add3A_3814 = vector.broadcast %add3A_3813 : i32 to vector<16xi32>
      %add3A_3815 = arith.addi %and3A_3809, %add3A_3814 : vector<16xi32>
      %select_n3A_3816 = arith.select %lt3A_3812, %add3A_3815, %and3A_3809 : vector<16xi1>, vector<16xi32>
      %broadcast_in_dim3A_3817 = vector.shape_cast %select_n3A_3816 : vector<16xi32> to vector<16x1xi32>
      %gather3A_3818 = vector.shape_cast %broadcast_in_dim3A_3817 : vector<16x1xi32> to vector<16xi32>
      %gather3A_3819 = tpu.dynamic_gather %max3A_3803[%gather3A_3818] in [0] : vector<16xf32>, vector<16xi32> -> vector<16xf32>
      %max3A_3820 = arith.maximumf %max3A_3803, %gather3A_3819 : vector<16xf32>
      %eq3A_3821 = arith.constant 2 : i32
      %eq3A_3822 = vector.broadcast %eq3A_3821 : i32 to vector<16xi32>
      %eq3A_3823 = arith.cmpi eq, %iota3A, %eq3A_3822 : vector<16xi32>
      %select_n3A_3824 = arith.select %eq3A_3823, %max3A_3820, %select_n3A_3750 : vector<16xi1>, vector<16xf32>
      %get3A_3825 = arith.constant 816 : index
      %get3A_3826 = tpu.vector_load %arg9[%get3A_3825] {strides = array<i32>} : memref<1024xf32, #tpu.memory_space<vmem>>, vector<16xf32>,
      %add3A_3827 = arith.constant 8 : i32
      %add3A_3828 = vector.broadcast %add3A_3827 : i32 to vector<16xi32>
      %add3A_3829 = arith.addi %iota3A, %add3A_3828 : vector<16xi32>
      %and3A_3830 = arith.constant 15 : i32
      %and3A_3831 = vector.broadcast %and3A_3830 : i32 to vector<16xi32>
      %and3A_3832 = arith.andi %add3A_3829, %and3A_3831 : vector<16xi32>
      %lt3A_3833 = arith.constant 0 : i32
      %lt3A_3834 = vector.broadcast %lt3A_3833 : i32 to vector<16xi32>
      %lt3A_3835 = arith.cmpi slt, %and3A_3832, %lt3A_3834 : vector<16xi32>
      %add3A_3836 = arith.constant 16 : i32
      %add3A_3837 = vector.broadcast %add3A_3836 : i32 to vector<16xi32>
      %add3A_3838 = arith.addi %and3A_3832, %add3A_3837 : vector<16xi32>
      %select_n3A_3839 = arith.select %lt3A_3835, %add3A_3838, %and3A_3832 : vector<16xi1>, vector<16xi32>
      %broadcast_in_dim3A_3840 = vector.shape_cast %select_n3A_3839 : vector<16xi32> to vector<16x1xi32>
      %gather3A_3841 = vector.shape_cast %broadcast_in_dim3A_3840 : vector<16x1xi32> to vector<16xi32>
      %gather3A_3842 = tpu.dynamic_gather %get3A_3826[%gather3A_3841] in [0] : vector<16xf32>, vector<16xi32> -> vector<16xf32>
      %max3A_3843 = arith.maximumf %get3A_3826, %gather3A_3842 : vector<16xf32>
      %add3A_3844 = arith.constant 4 : i32
      %add3A_3845 = vector.broadcast %add3A_3844 : i32 to vector<16xi32>
      %add3A_3846 = arith.addi %iota3A, %add3A_3845 : vector<16xi32>
      %and3A_3847 = arith.constant 15 : i32
      %and3A_3848 = vector.broadcast %and3A_3847 : i32 to vector<16xi32>
      %and3A_3849 = arith.andi %add3A_3846, %and3A_3848 : vector<16xi32>
      %lt3A_3850 = arith.constant 0 : i32
      %lt3A_3851 = vector.broadcast %lt3A_3850 : i32 to vector<16xi32>
      %lt3A_3852 = arith.cmpi slt, %and3A_3849, %lt3A_3851 : vector<16xi32>
      %add3A_3853 = arith.constant 16 : i32
      %add3A_3854 = vector.broadcast %add3A_3853 : i32 to vector<16xi32>
      %add3A_3855 = arith.addi %and3A_3849, %add3A_3854 : vector<16xi32>
      %select_n3A_3856 = arith.select %lt3A_3852, %add3A_3855, %and3A_3849 : vector<16xi1>, vector<16xi32>
      %broadcast_in_dim3A_3857 = vector.shape_cast %select_n3A_3856 : vector<16xi32> to vector<16x1xi32>
      %gather3A_3858 = vector.shape_cast %broadcast_in_dim3A_3857 : vector<16x1xi32> to vector<16xi32>
      %gather3A_3859 = tpu.dynamic_gather %max3A_3843[%gather3A_3858] in [0] : vector<16xf32>, vector<16xi32> -> vector<16xf32>
      %max3A_3860 = arith.maximumf %max3A_3843, %gather3A_3859 : vector<16xf32>
      %add3A_3861 = arith.constant 2 : i32
      %add3A_3862 = vector.broadcast %add3A_3861 : i32 to vector<16xi32>
      %add3A_3863 = arith.addi %iota3A, %add3A_3862 : vector<16xi32>
      %and3A_3864 = arith.constant 15 : i32
      %and3A_3865 = vector.broadcast %and3A_3864 : i32 to vector<16xi32>
      %and3A_3866 = arith.andi %add3A_3863, %and3A_3865 : vector<16xi32>
      %lt3A_3867 = arith.constant 0 : i32
      %lt3A_3868 = vector.broadcast %lt3A_3867 : i32 to vector<16xi32>
      %lt3A_3869 = arith.cmpi slt, %and3A_3866, %lt3A_3868 : vector<16xi32>
      %add3A_3870 = arith.constant 16 : i32
      %add3A_3871 = vector.broadcast %add3A_3870 : i32 to vector<16xi32>
      %add3A_3872 = arith.addi %and3A_3866, %add3A_3871 : vector<16xi32>
      %select_n3A_3873 = arith.select %lt3A_3869, %add3A_3872, %and3A_3866 : vector<16xi1>, vector<16xi32>
      %broadcast_in_dim3A_3874 = vector.shape_cast %select_n3A_3873 : vector<16xi32> to vector<16x1xi32>
      %gather3A_3875 = vector.shape_cast %broadcast_in_dim3A_3874 : vector<16x1xi32> to vector<16xi32>
      %gather3A_3876 = tpu.dynamic_gather %max3A_3860[%gather3A_3875] in [0] : vector<16xf32>, vector<16xi32> -> vector<16xf32>
      %max3A_3877 = arith.maximumf %max3A_3860, %gather3A_3876 : vector<16xf32>
      %add3A_3878 = arith.constant 1 : i32
      %add3A_3879 = vector.broadcast %add3A_3878 : i32 to vector<16xi32>
      %add3A_3880 = arith.addi %iota3A, %add3A_3879 : vector<16xi32>
      %and3A_3881 = arith.constant 15 : i32
      %and3A_3882 = vector.broadcast %and3A_3881 : i32 to vector<16xi32>
      %and3A_3883 = arith.andi %add3A_3880, %and3A_3882 : vector<16xi32>
      %lt3A_3884 = arith.constant 0 : i32
      %lt3A_3885 = vector.broadcast %lt3A_3884 : i32 to vector<16xi32>
      %lt3A_3886 = arith.cmpi slt, %and3A_3883, %lt3A_3885 : vector<16xi32>
      %add3A_3887 = arith.constant 16 : i32
      %add3A_3888 = vector.broadcast %add3A_3887 : i32 to vector<16xi32>
      %add3A_3889 = arith.addi %and3A_3883, %add3A_3888 : vector<16xi32>
      %select_n3A_3890 = arith.select %lt3A_3886, %add3A_3889, %and3A_3883 : vector<16xi1>, vector<16xi32>
      %broadcast_in_dim3A_3891 = vector.shape_cast %select_n3A_3890 : vector<16xi32> to vector<16x1xi32>
      %gather3A_3892 = vector.shape_cast %broadcast_in_dim3A_3891 : vector<16x1xi32> to vector<16xi32>
      %gather3A_3893 = tpu.dynamic_gather %max3A_3877[%gather3A_3892] in [0] : vector<16xf32>, vector<16xi32> -> vector<16xf32>
      %max3A_3894 = arith.maximumf %max3A_3877, %gather3A_3893 : vector<16xf32>
      %eq3A_3895 = arith.constant 3 : i32
      %eq3A_3896 = vector.broadcast %eq3A_3895 : i32 to vector<16xi32>
      %eq3A_3897 = arith.cmpi eq, %iota3A, %eq3A_3896 : vector<16xi32>
      %select_n3A_3898 = arith.select %eq3A_3897, %max3A_3894, %select_n3A_3824 : vector<16xi1>, vector<16xf32>
      %get3A_3899 = arith.constant 832 : index
      %get3A_3900 = tpu.vector_load %arg9[%get3A_3899] {strides = array<i32>} : memref<1024xf32, #tpu.memory_space<vmem>>, vector<16xf32>,
      %add3A_3901 = arith.constant 8 : i32
      %add3A_3902 = vector.broadcast %add3A_3901 : i32 to vector<16xi32>
      %add3A_3903 = arith.addi %iota3A, %add3A_3902 : vector<16xi32>
      %and3A_3904 = arith.constant 15 : i32
      %and3A_3905 = vector.broadcast %and3A_3904 : i32 to vector<16xi32>
      %and3A_3906 = arith.andi %add3A_3903, %and3A_3905 : vector<16xi32>
      %lt3A_3907 = arith.constant 0 : i32
      %lt3A_3908 = vector.broadcast %lt3A_3907 : i32 to vector<16xi32>
      %lt3A_3909 = arith.cmpi slt, %and3A_3906, %lt3A_3908 : vector<16xi32>
      %add3A_3910 = arith.constant 16 : i32
      %add3A_3911 = vector.broadcast %add3A_3910 : i32 to vector<16xi32>
      %add3A_3912 = arith.addi %and3A_3906, %add3A_3911 : vector<16xi32>
      %select_n3A_3913 = arith.select %lt3A_3909, %add3A_3912, %and3A_3906 : vector<16xi1>, vector<16xi32>
      %broadcast_in_dim3A_3914 = vector.shape_cast %select_n3A_3913 : vector<16xi32> to vector<16x1xi32>
      %gather3A_3915 = vector.shape_cast %broadcast_in_dim3A_3914 : vector<16x1xi32> to vector<16xi32>
      %gather3A_3916 = tpu.dynamic_gather %get3A_3900[%gather3A_3915] in [0] : vector<16xf32>, vector<16xi32> -> vector<16xf32>
      %max3A_3917 = arith.maximumf %get3A_3900, %gather3A_3916 : vector<16xf32>
      %add3A_3918 = arith.constant 4 : i32
      %add3A_3919 = vector.broadcast %add3A_3918 : i32 to vector<16xi32>
      %add3A_3920 = arith.addi %iota3A, %add3A_3919 : vector<16xi32>
      %and3A_3921 = arith.constant 15 : i32
      %and3A_3922 = vector.broadcast %and3A_3921 : i32 to vector<16xi32>
      %and3A_3923 = arith.andi %add3A_3920, %and3A_3922 : vector<16xi32>
      %lt3A_3924 = arith.constant 0 : i32
      %lt3A_3925 = vector.broadcast %lt3A_3924 : i32 to vector<16xi32>
      %lt3A_3926 = arith.cmpi slt, %and3A_3923, %lt3A_3925 : vector<16xi32>
      %add3A_3927 = arith.constant 16 : i32
      %add3A_3928 = vector.broadcast %add3A_3927 : i32 to vector<16xi32>
      %add3A_3929 = arith.addi %and3A_3923, %add3A_3928 : vector<16xi32>
      %select_n3A_3930 = arith.select %lt3A_3926, %add3A_3929, %and3A_3923 : vector<16xi1>, vector<16xi32>
      %broadcast_in_dim3A_3931 = vector.shape_cast %select_n3A_3930 : vector<16xi32> to vector<16x1xi32>
      %gather3A_3932 = vector.shape_cast %broadcast_in_dim3A_3931 : vector<16x1xi32> to vector<16xi32>
      %gather3A_3933 = tpu.dynamic_gather %max3A_3917[%gather3A_3932] in [0] : vector<16xf32>, vector<16xi32> -> vector<16xf32>
      %max3A_3934 = arith.maximumf %max3A_3917, %gather3A_3933 : vector<16xf32>
      %add3A_3935 = arith.constant 2 : i32
      %add3A_3936 = vector.broadcast %add3A_3935 : i32 to vector<16xi32>
      %add3A_3937 = arith.addi %iota3A, %add3A_3936 : vector<16xi32>
      %and3A_3938 = arith.constant 15 : i32
      %and3A_3939 = vector.broadcast %and3A_3938 : i32 to vector<16xi32>
      %and3A_3940 = arith.andi %add3A_3937, %and3A_3939 : vector<16xi32>
      %lt3A_3941 = arith.constant 0 : i32
      %lt3A_3942 = vector.broadcast %lt3A_3941 : i32 to vector<16xi32>
      %lt3A_3943 = arith.cmpi slt, %and3A_3940, %lt3A_3942 : vector<16xi32>
      %add3A_3944 = arith.constant 16 : i32
      %add3A_3945 = vector.broadcast %add3A_3944 : i32 to vector<16xi32>
      %add3A_3946 = arith.addi %and3A_3940, %add3A_3945 : vector<16xi32>
      %select_n3A_3947 = arith.select %lt3A_3943, %add3A_3946, %and3A_3940 : vector<16xi1>, vector<16xi32>
      %broadcast_in_dim3A_3948 = vector.shape_cast %select_n3A_3947 : vector<16xi32> to vector<16x1xi32>
      %gather3A_3949 = vector.shape_cast %broadcast_in_dim3A_3948 : vector<16x1xi32> to vector<16xi32>
      %gather3A_3950 = tpu.dynamic_gather %max3A_3934[%gather3A_3949] in [0] : vector<16xf32>, vector<16xi32> -> vector<16xf32>
      %max3A_3951 = arith.maximumf %max3A_3934, %gather3A_3950 : vector<16xf32>
      %add3A_3952 = arith.constant 1 : i32
      %add3A_3953 = vector.broadcast %add3A_3952 : i32 to vector<16xi32>
      %add3A_3954 = arith.addi %iota3A, %add3A_3953 : vector<16xi32>
      %and3A_3955 = arith.constant 15 : i32
      %and3A_3956 = vector.broadcast %and3A_3955 : i32 to vector<16xi32>
      %and3A_3957 = arith.andi %add3A_3954, %and3A_3956 : vector<16xi32>
      %lt3A_3958 = arith.constant 0 : i32
      %lt3A_3959 = vector.broadcast %lt3A_3958 : i32 to vector<16xi32>
      %lt3A_3960 = arith.cmpi slt, %and3A_3957, %lt3A_3959 : vector<16xi32>
      %add3A_3961 = arith.constant 16 : i32
      %add3A_3962 = vector.broadcast %add3A_3961 : i32 to vector<16xi32>
      %add3A_3963 = arith.addi %and3A_3957, %add3A_3962 : vector<16xi32>
      %select_n3A_3964 = arith.select %lt3A_3960, %add3A_3963, %and3A_3957 : vector<16xi1>, vector<16xi32>
      %broadcast_in_dim3A_3965 = vector.shape_cast %select_n3A_3964 : vector<16xi32> to vector<16x1xi32>
      %gather3A_3966 = vector.shape_cast %broadcast_in_dim3A_3965 : vector<16x1xi32> to vector<16xi32>
      %gather3A_3967 = tpu.dynamic_gather %max3A_3951[%gather3A_3966] in [0] : vector<16xf32>, vector<16xi32> -> vector<16xf32>
      %max3A_3968 = arith.maximumf %max3A_3951, %gather3A_3967 : vector<16xf32>
      %eq3A_3969 = arith.constant 4 : i32
      %eq3A_3970 = vector.broadcast %eq3A_3969 : i32 to vector<16xi32>
      %eq3A_3971 = arith.cmpi eq, %iota3A, %eq3A_3970 : vector<16xi32>
      %select_n3A_3972 = arith.select %eq3A_3971, %max3A_3968, %select_n3A_3898 : vector<16xi1>, vector<16xf32>
      %get3A_3973 = arith.constant 848 : index
      %get3A_3974 = tpu.vector_load %arg9[%get3A_3973] {strides = array<i32>} : memref<1024xf32, #tpu.memory_space<vmem>>, vector<16xf32>,
      %add3A_3975 = arith.constant 8 : i32
      %add3A_3976 = vector.broadcast %add3A_3975 : i32 to vector<16xi32>
      %add3A_3977 = arith.addi %iota3A, %add3A_3976 : vector<16xi32>
      %and3A_3978 = arith.constant 15 : i32
      %and3A_3979 = vector.broadcast %and3A_3978 : i32 to vector<16xi32>
      %and3A_3980 = arith.andi %add3A_3977, %and3A_3979 : vector<16xi32>
      %lt3A_3981 = arith.constant 0 : i32
      %lt3A_3982 = vector.broadcast %lt3A_3981 : i32 to vector<16xi32>
      %lt3A_3983 = arith.cmpi slt, %and3A_3980, %lt3A_3982 : vector<16xi32>
      %add3A_3984 = arith.constant 16 : i32
      %add3A_3985 = vector.broadcast %add3A_3984 : i32 to vector<16xi32>
      %add3A_3986 = arith.addi %and3A_3980, %add3A_3985 : vector<16xi32>
      %select_n3A_3987 = arith.select %lt3A_3983, %add3A_3986, %and3A_3980 : vector<16xi1>, vector<16xi32>
      %broadcast_in_dim3A_3988 = vector.shape_cast %select_n3A_3987 : vector<16xi32> to vector<16x1xi32>
      %gather3A_3989 = vector.shape_cast %broadcast_in_dim3A_3988 : vector<16x1xi32> to vector<16xi32>
      %gather3A_3990 = tpu.dynamic_gather %get3A_3974[%gather3A_3989] in [0] : vector<16xf32>, vector<16xi32> -> vector<16xf32>
      %max3A_3991 = arith.maximumf %get3A_3974, %gather3A_3990 : vector<16xf32>
      %add3A_3992 = arith.constant 4 : i32
      %add3A_3993 = vector.broadcast %add3A_3992 : i32 to vector<16xi32>
      %add3A_3994 = arith.addi %iota3A, %add3A_3993 : vector<16xi32>
      %and3A_3995 = arith.constant 15 : i32
      %and3A_3996 = vector.broadcast %and3A_3995 : i32 to vector<16xi32>
      %and3A_3997 = arith.andi %add3A_3994, %and3A_3996 : vector<16xi32>
      %lt3A_3998 = arith.constant 0 : i32
      %lt3A_3999 = vector.broadcast %lt3A_3998 : i32 to vector<16xi32>
      %lt3A_4000 = arith.cmpi slt, %and3A_3997, %lt3A_3999 : vector<16xi32>
      %add3A_4001 = arith.constant 16 : i32
      %add3A_4002 = vector.broadcast %add3A_4001 : i32 to vector<16xi32>
      %add3A_4003 = arith.addi %and3A_3997, %add3A_4002 : vector<16xi32>
      %select_n3A_4004 = arith.select %lt3A_4000, %add3A_4003, %and3A_3997 : vector<16xi1>, vector<16xi32>
      %broadcast_in_dim3A_4005 = vector.shape_cast %select_n3A_4004 : vector<16xi32> to vector<16x1xi32>
      %gather3A_4006 = vector.shape_cast %broadcast_in_dim3A_4005 : vector<16x1xi32> to vector<16xi32>
      %gather3A_4007 = tpu.dynamic_gather %max3A_3991[%gather3A_4006] in [0] : vector<16xf32>, vector<16xi32> -> vector<16xf32>
      %max3A_4008 = arith.maximumf %max3A_3991, %gather3A_4007 : vector<16xf32>
      %add3A_4009 = arith.constant 2 : i32
      %add3A_4010 = vector.broadcast %add3A_4009 : i32 to vector<16xi32>
      %add3A_4011 = arith.addi %iota3A, %add3A_4010 : vector<16xi32>
      %and3A_4012 = arith.constant 15 : i32
      %and3A_4013 = vector.broadcast %and3A_4012 : i32 to vector<16xi32>
      %and3A_4014 = arith.andi %add3A_4011, %and3A_4013 : vector<16xi32>
      %lt3A_4015 = arith.constant 0 : i32
      %lt3A_4016 = vector.broadcast %lt3A_4015 : i32 to vector<16xi32>
      %lt3A_4017 = arith.cmpi slt, %and3A_4014, %lt3A_4016 : vector<16xi32>
      %add3A_4018 = arith.constant 16 : i32
      %add3A_4019 = vector.broadcast %add3A_4018 : i32 to vector<16xi32>
      %add3A_4020 = arith.addi %and3A_4014, %add3A_4019 : vector<16xi32>
      %select_n3A_4021 = arith.select %lt3A_4017, %add3A_4020, %and3A_4014 : vector<16xi1>, vector<16xi32>
      %broadcast_in_dim3A_4022 = vector.shape_cast %select_n3A_4021 : vector<16xi32> to vector<16x1xi32>
      %gather3A_4023 = vector.shape_cast %broadcast_in_dim3A_4022 : vector<16x1xi32> to vector<16xi32>
      %gather3A_4024 = tpu.dynamic_gather %max3A_4008[%gather3A_4023] in [0] : vector<16xf32>, vector<16xi32> -> vector<16xf32>
      %max3A_4025 = arith.maximumf %max3A_4008, %gather3A_4024 : vector<16xf32>
      %add3A_4026 = arith.constant 1 : i32
      %add3A_4027 = vector.broadcast %add3A_4026 : i32 to vector<16xi32>
      %add3A_4028 = arith.addi %iota3A, %add3A_4027 : vector<16xi32>
      %and3A_4029 = arith.constant 15 : i32
      %and3A_4030 = vector.broadcast %and3A_4029 : i32 to vector<16xi32>
      %and3A_4031 = arith.andi %add3A_4028, %and3A_4030 : vector<16xi32>
      %lt3A_4032 = arith.constant 0 : i32
      %lt3A_4033 = vector.broadcast %lt3A_4032 : i32 to vector<16xi32>
      %lt3A_4034 = arith.cmpi slt, %and3A_4031, %lt3A_4033 : vector<16xi32>
      %add3A_4035 = arith.constant 16 : i32
      %add3A_4036 = vector.broadcast %add3A_4035 : i32 to vector<16xi32>
      %add3A_4037 = arith.addi %and3A_4031, %add3A_4036 : vector<16xi32>
      %select_n3A_4038 = arith.select %lt3A_4034, %add3A_4037, %and3A_4031 : vector<16xi1>, vector<16xi32>
      %broadcast_in_dim3A_4039 = vector.shape_cast %select_n3A_4038 : vector<16xi32> to vector<16x1xi32>
      %gather3A_4040 = vector.shape_cast %broadcast_in_dim3A_4039 : vector<16x1xi32> to vector<16xi32>
      %gather3A_4041 = tpu.dynamic_gather %max3A_4025[%gather3A_4040] in [0] : vector<16xf32>, vector<16xi32> -> vector<16xf32>
      %max3A_4042 = arith.maximumf %max3A_4025, %gather3A_4041 : vector<16xf32>
      %eq3A_4043 = arith.constant 5 : i32
      %eq3A_4044 = vector.broadcast %eq3A_4043 : i32 to vector<16xi32>
      %eq3A_4045 = arith.cmpi eq, %iota3A, %eq3A_4044 : vector<16xi32>
      %select_n3A_4046 = arith.select %eq3A_4045, %max3A_4042, %select_n3A_3972 : vector<16xi1>, vector<16xf32>
      %get3A_4047 = arith.constant 864 : index
      %get3A_4048 = tpu.vector_load %arg9[%get3A_4047] {strides = array<i32>} : memref<1024xf32, #tpu.memory_space<vmem>>, vector<16xf32>,
      %add3A_4049 = arith.constant 8 : i32
      %add3A_4050 = vector.broadcast %add3A_4049 : i32 to vector<16xi32>
      %add3A_4051 = arith.addi %iota3A, %add3A_4050 : vector<16xi32>
      %and3A_4052 = arith.constant 15 : i32
      %and3A_4053 = vector.broadcast %and3A_4052 : i32 to vector<16xi32>
      %and3A_4054 = arith.andi %add3A_4051, %and3A_4053 : vector<16xi32>
      %lt3A_4055 = arith.constant 0 : i32
      %lt3A_4056 = vector.broadcast %lt3A_4055 : i32 to vector<16xi32>
      %lt3A_4057 = arith.cmpi slt, %and3A_4054, %lt3A_4056 : vector<16xi32>
      %add3A_4058 = arith.constant 16 : i32
      %add3A_4059 = vector.broadcast %add3A_4058 : i32 to vector<16xi32>
      %add3A_4060 = arith.addi %and3A_4054, %add3A_4059 : vector<16xi32>
      %select_n3A_4061 = arith.select %lt3A_4057, %add3A_4060, %and3A_4054 : vector<16xi1>, vector<16xi32>
      %broadcast_in_dim3A_4062 = vector.shape_cast %select_n3A_4061 : vector<16xi32> to vector<16x1xi32>
      %gather3A_4063 = vector.shape_cast %broadcast_in_dim3A_4062 : vector<16x1xi32> to vector<16xi32>
      %gather3A_4064 = tpu.dynamic_gather %get3A_4048[%gather3A_4063] in [0] : vector<16xf32>, vector<16xi32> -> vector<16xf32>
      %max3A_4065 = arith.maximumf %get3A_4048, %gather3A_4064 : vector<16xf32>
      %add3A_4066 = arith.constant 4 : i32
      %add3A_4067 = vector.broadcast %add3A_4066 : i32 to vector<16xi32>
      %add3A_4068 = arith.addi %iota3A, %add3A_4067 : vector<16xi32>
      %and3A_4069 = arith.constant 15 : i32
      %and3A_4070 = vector.broadcast %and3A_4069 : i32 to vector<16xi32>
      %and3A_4071 = arith.andi %add3A_4068, %and3A_4070 : vector<16xi32>
      %lt3A_4072 = arith.constant 0 : i32
      %lt3A_4073 = vector.broadcast %lt3A_4072 : i32 to vector<16xi32>
      %lt3A_4074 = arith.cmpi slt, %and3A_4071, %lt3A_4073 : vector<16xi32>
      %add3A_4075 = arith.constant 16 : i32
      %add3A_4076 = vector.broadcast %add3A_4075 : i32 to vector<16xi32>
      %add3A_4077 = arith.addi %and3A_4071, %add3A_4076 : vector<16xi32>
      %select_n3A_4078 = arith.select %lt3A_4074, %add3A_4077, %and3A_4071 : vector<16xi1>, vector<16xi32>
      %broadcast_in_dim3A_4079 = vector.shape_cast %select_n3A_4078 : vector<16xi32> to vector<16x1xi32>
      %gather3A_4080 = vector.shape_cast %broadcast_in_dim3A_4079 : vector<16x1xi32> to vector<16xi32>
      %gather3A_4081 = tpu.dynamic_gather %max3A_4065[%gather3A_4080] in [0] : vector<16xf32>, vector<16xi32> -> vector<16xf32>
      %max3A_4082 = arith.maximumf %max3A_4065, %gather3A_4081 : vector<16xf32>
      %add3A_4083 = arith.constant 2 : i32
      %add3A_4084 = vector.broadcast %add3A_4083 : i32 to vector<16xi32>
      %add3A_4085 = arith.addi %iota3A, %add3A_4084 : vector<16xi32>
      %and3A_4086 = arith.constant 15 : i32
      %and3A_4087 = vector.broadcast %and3A_4086 : i32 to vector<16xi32>
      %and3A_4088 = arith.andi %add3A_4085, %and3A_4087 : vector<16xi32>
      %lt3A_4089 = arith.constant 0 : i32
      %lt3A_4090 = vector.broadcast %lt3A_4089 : i32 to vector<16xi32>
      %lt3A_4091 = arith.cmpi slt, %and3A_4088, %lt3A_4090 : vector<16xi32>
      %add3A_4092 = arith.constant 16 : i32
      %add3A_4093 = vector.broadcast %add3A_4092 : i32 to vector<16xi32>
      %add3A_4094 = arith.addi %and3A_4088, %add3A_4093 : vector<16xi32>
      %select_n3A_4095 = arith.select %lt3A_4091, %add3A_4094, %and3A_4088 : vector<16xi1>, vector<16xi32>
      %broadcast_in_dim3A_4096 = vector.shape_cast %select_n3A_4095 : vector<16xi32> to vector<16x1xi32>
      %gather3A_4097 = vector.shape_cast %broadcast_in_dim3A_4096 : vector<16x1xi32> to vector<16xi32>
      %gather3A_4098 = tpu.dynamic_gather %max3A_4082[%gather3A_4097] in [0] : vector<16xf32>, vector<16xi32> -> vector<16xf32>
      %max3A_4099 = arith.maximumf %max3A_4082, %gather3A_4098 : vector<16xf32>
      %add3A_4100 = arith.constant 1 : i32
      %add3A_4101 = vector.broadcast %add3A_4100 : i32 to vector<16xi32>
      %add3A_4102 = arith.addi %iota3A, %add3A_4101 : vector<16xi32>
      %and3A_4103 = arith.constant 15 : i32
      %and3A_4104 = vector.broadcast %and3A_4103 : i32 to vector<16xi32>
      %and3A_4105 = arith.andi %add3A_4102, %and3A_4104 : vector<16xi32>
      %lt3A_4106 = arith.constant 0 : i32
      %lt3A_4107 = vector.broadcast %lt3A_4106 : i32 to vector<16xi32>
      %lt3A_4108 = arith.cmpi slt, %and3A_4105, %lt3A_4107 : vector<16xi32>
      %add3A_4109 = arith.constant 16 : i32
      %add3A_4110 = vector.broadcast %add3A_4109 : i32 to vector<16xi32>
      %add3A_4111 = arith.addi %and3A_4105, %add3A_4110 : vector<16xi32>
      %select_n3A_4112 = arith.select %lt3A_4108, %add3A_4111, %and3A_4105 : vector<16xi1>, vector<16xi32>
      %broadcast_in_dim3A_4113 = vector.shape_cast %select_n3A_4112 : vector<16xi32> to vector<16x1xi32>
      %gather3A_4114 = vector.shape_cast %broadcast_in_dim3A_4113 : vector<16x1xi32> to vector<16xi32>
      %gather3A_4115 = tpu.dynamic_gather %max3A_4099[%gather3A_4114] in [0] : vector<16xf32>, vector<16xi32> -> vector<16xf32>
      %max3A_4116 = arith.maximumf %max3A_4099, %gather3A_4115 : vector<16xf32>
      %eq3A_4117 = arith.constant 6 : i32
      %eq3A_4118 = vector.broadcast %eq3A_4117 : i32 to vector<16xi32>
      %eq3A_4119 = arith.cmpi eq, %iota3A, %eq3A_4118 : vector<16xi32>
      %select_n3A_4120 = arith.select %eq3A_4119, %max3A_4116, %select_n3A_4046 : vector<16xi1>, vector<16xf32>
      %get3A_4121 = arith.constant 880 : index
      %get3A_4122 = tpu.vector_load %arg9[%get3A_4121] {strides = array<i32>} : memref<1024xf32, #tpu.memory_space<vmem>>, vector<16xf32>,
      %add3A_4123 = arith.constant 8 : i32
      %add3A_4124 = vector.broadcast %add3A_4123 : i32 to vector<16xi32>
      %add3A_4125 = arith.addi %iota3A, %add3A_4124 : vector<16xi32>
      %and3A_4126 = arith.constant 15 : i32
      %and3A_4127 = vector.broadcast %and3A_4126 : i32 to vector<16xi32>
      %and3A_4128 = arith.andi %add3A_4125, %and3A_4127 : vector<16xi32>
      %lt3A_4129 = arith.constant 0 : i32
      %lt3A_4130 = vector.broadcast %lt3A_4129 : i32 to vector<16xi32>
      %lt3A_4131 = arith.cmpi slt, %and3A_4128, %lt3A_4130 : vector<16xi32>
      %add3A_4132 = arith.constant 16 : i32
      %add3A_4133 = vector.broadcast %add3A_4132 : i32 to vector<16xi32>
      %add3A_4134 = arith.addi %and3A_4128, %add3A_4133 : vector<16xi32>
      %select_n3A_4135 = arith.select %lt3A_4131, %add3A_4134, %and3A_4128 : vector<16xi1>, vector<16xi32>
      %broadcast_in_dim3A_4136 = vector.shape_cast %select_n3A_4135 : vector<16xi32> to vector<16x1xi32>
      %gather3A_4137 = vector.shape_cast %broadcast_in_dim3A_4136 : vector<16x1xi32> to vector<16xi32>
      %gather3A_4138 = tpu.dynamic_gather %get3A_4122[%gather3A_4137] in [0] : vector<16xf32>, vector<16xi32> -> vector<16xf32>
      %max3A_4139 = arith.maximumf %get3A_4122, %gather3A_4138 : vector<16xf32>
      %add3A_4140 = arith.constant 4 : i32
      %add3A_4141 = vector.broadcast %add3A_4140 : i32 to vector<16xi32>
      %add3A_4142 = arith.addi %iota3A, %add3A_4141 : vector<16xi32>
      %and3A_4143 = arith.constant 15 : i32
      %and3A_4144 = vector.broadcast %and3A_4143 : i32 to vector<16xi32>
      %and3A_4145 = arith.andi %add3A_4142, %and3A_4144 : vector<16xi32>
      %lt3A_4146 = arith.constant 0 : i32
      %lt3A_4147 = vector.broadcast %lt3A_4146 : i32 to vector<16xi32>
      %lt3A_4148 = arith.cmpi slt, %and3A_4145, %lt3A_4147 : vector<16xi32>
      %add3A_4149 = arith.constant 16 : i32
      %add3A_4150 = vector.broadcast %add3A_4149 : i32 to vector<16xi32>
      %add3A_4151 = arith.addi %and3A_4145, %add3A_4150 : vector<16xi32>
      %select_n3A_4152 = arith.select %lt3A_4148, %add3A_4151, %and3A_4145 : vector<16xi1>, vector<16xi32>
      %broadcast_in_dim3A_4153 = vector.shape_cast %select_n3A_4152 : vector<16xi32> to vector<16x1xi32>
      %gather3A_4154 = vector.shape_cast %broadcast_in_dim3A_4153 : vector<16x1xi32> to vector<16xi32>
      %gather3A_4155 = tpu.dynamic_gather %max3A_4139[%gather3A_4154] in [0] : vector<16xf32>, vector<16xi32> -> vector<16xf32>
      %max3A_4156 = arith.maximumf %max3A_4139, %gather3A_4155 : vector<16xf32>
      %add3A_4157 = arith.constant 2 : i32
      %add3A_4158 = vector.broadcast %add3A_4157 : i32 to vector<16xi32>
      %add3A_4159 = arith.addi %iota3A, %add3A_4158 : vector<16xi32>
      %and3A_4160 = arith.constant 15 : i32
      %and3A_4161 = vector.broadcast %and3A_4160 : i32 to vector<16xi32>
      %and3A_4162 = arith.andi %add3A_4159, %and3A_4161 : vector<16xi32>
      %lt3A_4163 = arith.constant 0 : i32
      %lt3A_4164 = vector.broadcast %lt3A_4163 : i32 to vector<16xi32>
      %lt3A_4165 = arith.cmpi slt, %and3A_4162, %lt3A_4164 : vector<16xi32>
      %add3A_4166 = arith.constant 16 : i32
      %add3A_4167 = vector.broadcast %add3A_4166 : i32 to vector<16xi32>
      %add3A_4168 = arith.addi %and3A_4162, %add3A_4167 : vector<16xi32>
      %select_n3A_4169 = arith.select %lt3A_4165, %add3A_4168, %and3A_4162 : vector<16xi1>, vector<16xi32>
      %broadcast_in_dim3A_4170 = vector.shape_cast %select_n3A_4169 : vector<16xi32> to vector<16x1xi32>
      %gather3A_4171 = vector.shape_cast %broadcast_in_dim3A_4170 : vector<16x1xi32> to vector<16xi32>
      %gather3A_4172 = tpu.dynamic_gather %max3A_4156[%gather3A_4171] in [0] : vector<16xf32>, vector<16xi32> -> vector<16xf32>
      %max3A_4173 = arith.maximumf %max3A_4156, %gather3A_4172 : vector<16xf32>
      %add3A_4174 = arith.constant 1 : i32
      %add3A_4175 = vector.broadcast %add3A_4174 : i32 to vector<16xi32>
      %add3A_4176 = arith.addi %iota3A, %add3A_4175 : vector<16xi32>
      %and3A_4177 = arith.constant 15 : i32
      %and3A_4178 = vector.broadcast %and3A_4177 : i32 to vector<16xi32>
      %and3A_4179 = arith.andi %add3A_4176, %and3A_4178 : vector<16xi32>
      %lt3A_4180 = arith.constant 0 : i32
      %lt3A_4181 = vector.broadcast %lt3A_4180 : i32 to vector<16xi32>
      %lt3A_4182 = arith.cmpi slt, %and3A_4179, %lt3A_4181 : vector<16xi32>
      %add3A_4183 = arith.constant 16 : i32
      %add3A_4184 = vector.broadcast %add3A_4183 : i32 to vector<16xi32>
      %add3A_4185 = arith.addi %and3A_4179, %add3A_4184 : vector<16xi32>
      %select_n3A_4186 = arith.select %lt3A_4182, %add3A_4185, %and3A_4179 : vector<16xi1>, vector<16xi32>
      %broadcast_in_dim3A_4187 = vector.shape_cast %select_n3A_4186 : vector<16xi32> to vector<16x1xi32>
      %gather3A_4188 = vector.shape_cast %broadcast_in_dim3A_4187 : vector<16x1xi32> to vector<16xi32>
      %gather3A_4189 = tpu.dynamic_gather %max3A_4173[%gather3A_4188] in [0] : vector<16xf32>, vector<16xi32> -> vector<16xf32>
      %max3A_4190 = arith.maximumf %max3A_4173, %gather3A_4189 : vector<16xf32>
      %eq3A_4191 = arith.constant 7 : i32
      %eq3A_4192 = vector.broadcast %eq3A_4191 : i32 to vector<16xi32>
      %eq3A_4193 = arith.cmpi eq, %iota3A, %eq3A_4192 : vector<16xi32>
      %select_n3A_4194 = arith.select %eq3A_4193, %max3A_4190, %select_n3A_4120 : vector<16xi1>, vector<16xf32>
      %get3A_4195 = arith.constant 896 : index
      %get3A_4196 = tpu.vector_load %arg9[%get3A_4195] {strides = array<i32>} : memref<1024xf32, #tpu.memory_space<vmem>>, vector<16xf32>,
      %add3A_4197 = arith.constant 8 : i32
      %add3A_4198 = vector.broadcast %add3A_4197 : i32 to vector<16xi32>
      %add3A_4199 = arith.addi %iota3A, %add3A_4198 : vector<16xi32>
      %and3A_4200 = arith.constant 15 : i32
      %and3A_4201 = vector.broadcast %and3A_4200 : i32 to vector<16xi32>
      %and3A_4202 = arith.andi %add3A_4199, %and3A_4201 : vector<16xi32>
      %lt3A_4203 = arith.constant 0 : i32
      %lt3A_4204 = vector.broadcast %lt3A_4203 : i32 to vector<16xi32>
      %lt3A_4205 = arith.cmpi slt, %and3A_4202, %lt3A_4204 : vector<16xi32>
      %add3A_4206 = arith.constant 16 : i32
      %add3A_4207 = vector.broadcast %add3A_4206 : i32 to vector<16xi32>
      %add3A_4208 = arith.addi %and3A_4202, %add3A_4207 : vector<16xi32>
      %select_n3A_4209 = arith.select %lt3A_4205, %add3A_4208, %and3A_4202 : vector<16xi1>, vector<16xi32>
      %broadcast_in_dim3A_4210 = vector.shape_cast %select_n3A_4209 : vector<16xi32> to vector<16x1xi32>
      %gather3A_4211 = vector.shape_cast %broadcast_in_dim3A_4210 : vector<16x1xi32> to vector<16xi32>
      %gather3A_4212 = tpu.dynamic_gather %get3A_4196[%gather3A_4211] in [0] : vector<16xf32>, vector<16xi32> -> vector<16xf32>
      %max3A_4213 = arith.maximumf %get3A_4196, %gather3A_4212 : vector<16xf32>
      %add3A_4214 = arith.constant 4 : i32
      %add3A_4215 = vector.broadcast %add3A_4214 : i32 to vector<16xi32>
      %add3A_4216 = arith.addi %iota3A, %add3A_4215 : vector<16xi32>
      %and3A_4217 = arith.constant 15 : i32
      %and3A_4218 = vector.broadcast %and3A_4217 : i32 to vector<16xi32>
      %and3A_4219 = arith.andi %add3A_4216, %and3A_4218 : vector<16xi32>
      %lt3A_4220 = arith.constant 0 : i32
      %lt3A_4221 = vector.broadcast %lt3A_4220 : i32 to vector<16xi32>
      %lt3A_4222 = arith.cmpi slt, %and3A_4219, %lt3A_4221 : vector<16xi32>
      %add3A_4223 = arith.constant 16 : i32
      %add3A_4224 = vector.broadcast %add3A_4223 : i32 to vector<16xi32>
      %add3A_4225 = arith.addi %and3A_4219, %add3A_4224 : vector<16xi32>
      %select_n3A_4226 = arith.select %lt3A_4222, %add3A_4225, %and3A_4219 : vector<16xi1>, vector<16xi32>
      %broadcast_in_dim3A_4227 = vector.shape_cast %select_n3A_4226 : vector<16xi32> to vector<16x1xi32>
      %gather3A_4228 = vector.shape_cast %broadcast_in_dim3A_4227 : vector<16x1xi32> to vector<16xi32>
      %gather3A_4229 = tpu.dynamic_gather %max3A_4213[%gather3A_4228] in [0] : vector<16xf32>, vector<16xi32> -> vector<16xf32>
      %max3A_4230 = arith.maximumf %max3A_4213, %gather3A_4229 : vector<16xf32>
      %add3A_4231 = arith.constant 2 : i32
      %add3A_4232 = vector.broadcast %add3A_4231 : i32 to vector<16xi32>
      %add3A_4233 = arith.addi %iota3A, %add3A_4232 : vector<16xi32>
      %and3A_4234 = arith.constant 15 : i32
      %and3A_4235 = vector.broadcast %and3A_4234 : i32 to vector<16xi32>
      %and3A_4236 = arith.andi %add3A_4233, %and3A_4235 : vector<16xi32>
      %lt3A_4237 = arith.constant 0 : i32
      %lt3A_4238 = vector.broadcast %lt3A_4237 : i32 to vector<16xi32>
      %lt3A_4239 = arith.cmpi slt, %and3A_4236, %lt3A_4238 : vector<16xi32>
      %add3A_4240 = arith.constant 16 : i32
      %add3A_4241 = vector.broadcast %add3A_4240 : i32 to vector<16xi32>
      %add3A_4242 = arith.addi %and3A_4236, %add3A_4241 : vector<16xi32>
      %select_n3A_4243 = arith.select %lt3A_4239, %add3A_4242, %and3A_4236 : vector<16xi1>, vector<16xi32>
      %broadcast_in_dim3A_4244 = vector.shape_cast %select_n3A_4243 : vector<16xi32> to vector<16x1xi32>
      %gather3A_4245 = vector.shape_cast %broadcast_in_dim3A_4244 : vector<16x1xi32> to vector<16xi32>
      %gather3A_4246 = tpu.dynamic_gather %max3A_4230[%gather3A_4245] in [0] : vector<16xf32>, vector<16xi32> -> vector<16xf32>
      %max3A_4247 = arith.maximumf %max3A_4230, %gather3A_4246 : vector<16xf32>
      %add3A_4248 = arith.constant 1 : i32
      %add3A_4249 = vector.broadcast %add3A_4248 : i32 to vector<16xi32>
      %add3A_4250 = arith.addi %iota3A, %add3A_4249 : vector<16xi32>
      %and3A_4251 = arith.constant 15 : i32
      %and3A_4252 = vector.broadcast %and3A_4251 : i32 to vector<16xi32>
      %and3A_4253 = arith.andi %add3A_4250, %and3A_4252 : vector<16xi32>
      %lt3A_4254 = arith.constant 0 : i32
      %lt3A_4255 = vector.broadcast %lt3A_4254 : i32 to vector<16xi32>
      %lt3A_4256 = arith.cmpi slt, %and3A_4253, %lt3A_4255 : vector<16xi32>
      %add3A_4257 = arith.constant 16 : i32
      %add3A_4258 = vector.broadcast %add3A_4257 : i32 to vector<16xi32>
      %add3A_4259 = arith.addi %and3A_4253, %add3A_4258 : vector<16xi32>
      %select_n3A_4260 = arith.select %lt3A_4256, %add3A_4259, %and3A_4253 : vector<16xi1>, vector<16xi32>
      %broadcast_in_dim3A_4261 = vector.shape_cast %select_n3A_4260 : vector<16xi32> to vector<16x1xi32>
      %gather3A_4262 = vector.shape_cast %broadcast_in_dim3A_4261 : vector<16x1xi32> to vector<16xi32>
      %gather3A_4263 = tpu.dynamic_gather %max3A_4247[%gather3A_4262] in [0] : vector<16xf32>, vector<16xi32> -> vector<16xf32>
      %max3A_4264 = arith.maximumf %max3A_4247, %gather3A_4263 : vector<16xf32>
      %eq3A_4265 = arith.constant 8 : i32
      %eq3A_4266 = vector.broadcast %eq3A_4265 : i32 to vector<16xi32>
      %eq3A_4267 = arith.cmpi eq, %iota3A, %eq3A_4266 : vector<16xi32>
      %select_n3A_4268 = arith.select %eq3A_4267, %max3A_4264, %select_n3A_4194 : vector<16xi1>, vector<16xf32>
      %get3A_4269 = arith.constant 912 : index
      %get3A_4270 = tpu.vector_load %arg9[%get3A_4269] {strides = array<i32>} : memref<1024xf32, #tpu.memory_space<vmem>>, vector<16xf32>,
      %add3A_4271 = arith.constant 8 : i32
      %add3A_4272 = vector.broadcast %add3A_4271 : i32 to vector<16xi32>
      %add3A_4273 = arith.addi %iota3A, %add3A_4272 : vector<16xi32>
      %and3A_4274 = arith.constant 15 : i32
      %and3A_4275 = vector.broadcast %and3A_4274 : i32 to vector<16xi32>
      %and3A_4276 = arith.andi %add3A_4273, %and3A_4275 : vector<16xi32>
      %lt3A_4277 = arith.constant 0 : i32
      %lt3A_4278 = vector.broadcast %lt3A_4277 : i32 to vector<16xi32>
      %lt3A_4279 = arith.cmpi slt, %and3A_4276, %lt3A_4278 : vector<16xi32>
      %add3A_4280 = arith.constant 16 : i32
      %add3A_4281 = vector.broadcast %add3A_4280 : i32 to vector<16xi32>
      %add3A_4282 = arith.addi %and3A_4276, %add3A_4281 : vector<16xi32>
      %select_n3A_4283 = arith.select %lt3A_4279, %add3A_4282, %and3A_4276 : vector<16xi1>, vector<16xi32>
      %broadcast_in_dim3A_4284 = vector.shape_cast %select_n3A_4283 : vector<16xi32> to vector<16x1xi32>
      %gather3A_4285 = vector.shape_cast %broadcast_in_dim3A_4284 : vector<16x1xi32> to vector<16xi32>
      %gather3A_4286 = tpu.dynamic_gather %get3A_4270[%gather3A_4285] in [0] : vector<16xf32>, vector<16xi32> -> vector<16xf32>
      %max3A_4287 = arith.maximumf %get3A_4270, %gather3A_4286 : vector<16xf32>
      %add3A_4288 = arith.constant 4 : i32
      %add3A_4289 = vector.broadcast %add3A_4288 : i32 to vector<16xi32>
      %add3A_4290 = arith.addi %iota3A, %add3A_4289 : vector<16xi32>
      %and3A_4291 = arith.constant 15 : i32
      %and3A_4292 = vector.broadcast %and3A_4291 : i32 to vector<16xi32>
      %and3A_4293 = arith.andi %add3A_4290, %and3A_4292 : vector<16xi32>
      %lt3A_4294 = arith.constant 0 : i32
      %lt3A_4295 = vector.broadcast %lt3A_4294 : i32 to vector<16xi32>
      %lt3A_4296 = arith.cmpi slt, %and3A_4293, %lt3A_4295 : vector<16xi32>
      %add3A_4297 = arith.constant 16 : i32
      %add3A_4298 = vector.broadcast %add3A_4297 : i32 to vector<16xi32>
      %add3A_4299 = arith.addi %and3A_4293, %add3A_4298 : vector<16xi32>
      %select_n3A_4300 = arith.select %lt3A_4296, %add3A_4299, %and3A_4293 : vector<16xi1>, vector<16xi32>
      %broadcast_in_dim3A_4301 = vector.shape_cast %select_n3A_4300 : vector<16xi32> to vector<16x1xi32>
      %gather3A_4302 = vector.shape_cast %broadcast_in_dim3A_4301 : vector<16x1xi32> to vector<16xi32>
      %gather3A_4303 = tpu.dynamic_gather %max3A_4287[%gather3A_4302] in [0] : vector<16xf32>, vector<16xi32> -> vector<16xf32>
      %max3A_4304 = arith.maximumf %max3A_4287, %gather3A_4303 : vector<16xf32>
      %add3A_4305 = arith.constant 2 : i32
      %add3A_4306 = vector.broadcast %add3A_4305 : i32 to vector<16xi32>
      %add3A_4307 = arith.addi %iota3A, %add3A_4306 : vector<16xi32>
      %and3A_4308 = arith.constant 15 : i32
      %and3A_4309 = vector.broadcast %and3A_4308 : i32 to vector<16xi32>
      %and3A_4310 = arith.andi %add3A_4307, %and3A_4309 : vector<16xi32>
      %lt3A_4311 = arith.constant 0 : i32
      %lt3A_4312 = vector.broadcast %lt3A_4311 : i32 to vector<16xi32>
      %lt3A_4313 = arith.cmpi slt, %and3A_4310, %lt3A_4312 : vector<16xi32>
      %add3A_4314 = arith.constant 16 : i32
      %add3A_4315 = vector.broadcast %add3A_4314 : i32 to vector<16xi32>
      %add3A_4316 = arith.addi %and3A_4310, %add3A_4315 : vector<16xi32>
      %select_n3A_4317 = arith.select %lt3A_4313, %add3A_4316, %and3A_4310 : vector<16xi1>, vector<16xi32>
      %broadcast_in_dim3A_4318 = vector.shape_cast %select_n3A_4317 : vector<16xi32> to vector<16x1xi32>
      %gather3A_4319 = vector.shape_cast %broadcast_in_dim3A_4318 : vector<16x1xi32> to vector<16xi32>
      %gather3A_4320 = tpu.dynamic_gather %max3A_4304[%gather3A_4319] in [0] : vector<16xf32>, vector<16xi32> -> vector<16xf32>
      %max3A_4321 = arith.maximumf %max3A_4304, %gather3A_4320 : vector<16xf32>
      %add3A_4322 = arith.constant 1 : i32
      %add3A_4323 = vector.broadcast %add3A_4322 : i32 to vector<16xi32>
      %add3A_4324 = arith.addi %iota3A, %add3A_4323 : vector<16xi32>
      %and3A_4325 = arith.constant 15 : i32
      %and3A_4326 = vector.broadcast %and3A_4325 : i32 to vector<16xi32>
      %and3A_4327 = arith.andi %add3A_4324, %and3A_4326 : vector<16xi32>
      %lt3A_4328 = arith.constant 0 : i32
      %lt3A_4329 = vector.broadcast %lt3A_4328 : i32 to vector<16xi32>
      %lt3A_4330 = arith.cmpi slt, %and3A_4327, %lt3A_4329 : vector<16xi32>
      %add3A_4331 = arith.constant 16 : i32
      %add3A_4332 = vector.broadcast %add3A_4331 : i32 to vector<16xi32>
      %add3A_4333 = arith.addi %and3A_4327, %add3A_4332 : vector<16xi32>
      %select_n3A_4334 = arith.select %lt3A_4330, %add3A_4333, %and3A_4327 : vector<16xi1>, vector<16xi32>
      %broadcast_in_dim3A_4335 = vector.shape_cast %select_n3A_4334 : vector<16xi32> to vector<16x1xi32>
      %gather3A_4336 = vector.shape_cast %broadcast_in_dim3A_4335 : vector<16x1xi32> to vector<16xi32>
      %gather3A_4337 = tpu.dynamic_gather %max3A_4321[%gather3A_4336] in [0] : vector<16xf32>, vector<16xi32> -> vector<16xf32>
      %max3A_4338 = arith.maximumf %max3A_4321, %gather3A_4337 : vector<16xf32>
      %eq3A_4339 = arith.constant 9 : i32
      %eq3A_4340 = vector.broadcast %eq3A_4339 : i32 to vector<16xi32>
      %eq3A_4341 = arith.cmpi eq, %iota3A, %eq3A_4340 : vector<16xi32>
      %select_n3A_4342 = arith.select %eq3A_4341, %max3A_4338, %select_n3A_4268 : vector<16xi1>, vector<16xf32>
      %get3A_4343 = arith.constant 928 : index
      %get3A_4344 = tpu.vector_load %arg9[%get3A_4343] {strides = array<i32>} : memref<1024xf32, #tpu.memory_space<vmem>>, vector<16xf32>,
      %add3A_4345 = arith.constant 8 : i32
      %add3A_4346 = vector.broadcast %add3A_4345 : i32 to vector<16xi32>
      %add3A_4347 = arith.addi %iota3A, %add3A_4346 : vector<16xi32>
      %and3A_4348 = arith.constant 15 : i32
      %and3A_4349 = vector.broadcast %and3A_4348 : i32 to vector<16xi32>
      %and3A_4350 = arith.andi %add3A_4347, %and3A_4349 : vector<16xi32>
      %lt3A_4351 = arith.constant 0 : i32
      %lt3A_4352 = vector.broadcast %lt3A_4351 : i32 to vector<16xi32>
      %lt3A_4353 = arith.cmpi slt, %and3A_4350, %lt3A_4352 : vector<16xi32>
      %add3A_4354 = arith.constant 16 : i32
      %add3A_4355 = vector.broadcast %add3A_4354 : i32 to vector<16xi32>
      %add3A_4356 = arith.addi %and3A_4350, %add3A_4355 : vector<16xi32>
      %select_n3A_4357 = arith.select %lt3A_4353, %add3A_4356, %and3A_4350 : vector<16xi1>, vector<16xi32>
      %broadcast_in_dim3A_4358 = vector.shape_cast %select_n3A_4357 : vector<16xi32> to vector<16x1xi32>
      %gather3A_4359 = vector.shape_cast %broadcast_in_dim3A_4358 : vector<16x1xi32> to vector<16xi32>
      %gather3A_4360 = tpu.dynamic_gather %get3A_4344[%gather3A_4359] in [0] : vector<16xf32>, vector<16xi32> -> vector<16xf32>
      %max3A_4361 = arith.maximumf %get3A_4344, %gather3A_4360 : vector<16xf32>
      %add3A_4362 = arith.constant 4 : i32
      %add3A_4363 = vector.broadcast %add3A_4362 : i32 to vector<16xi32>
      %add3A_4364 = arith.addi %iota3A, %add3A_4363 : vector<16xi32>
      %and3A_4365 = arith.constant 15 : i32
      %and3A_4366 = vector.broadcast %and3A_4365 : i32 to vector<16xi32>
      %and3A_4367 = arith.andi %add3A_4364, %and3A_4366 : vector<16xi32>
      %lt3A_4368 = arith.constant 0 : i32
      %lt3A_4369 = vector.broadcast %lt3A_4368 : i32 to vector<16xi32>
      %lt3A_4370 = arith.cmpi slt, %and3A_4367, %lt3A_4369 : vector<16xi32>
      %add3A_4371 = arith.constant 16 : i32
      %add3A_4372 = vector.broadcast %add3A_4371 : i32 to vector<16xi32>
      %add3A_4373 = arith.addi %and3A_4367, %add3A_4372 : vector<16xi32>
      %select_n3A_4374 = arith.select %lt3A_4370, %add3A_4373, %and3A_4367 : vector<16xi1>, vector<16xi32>
      %broadcast_in_dim3A_4375 = vector.shape_cast %select_n3A_4374 : vector<16xi32> to vector<16x1xi32>
      %gather3A_4376 = vector.shape_cast %broadcast_in_dim3A_4375 : vector<16x1xi32> to vector<16xi32>
      %gather3A_4377 = tpu.dynamic_gather %max3A_4361[%gather3A_4376] in [0] : vector<16xf32>, vector<16xi32> -> vector<16xf32>
      %max3A_4378 = arith.maximumf %max3A_4361, %gather3A_4377 : vector<16xf32>
      %add3A_4379 = arith.constant 2 : i32
      %add3A_4380 = vector.broadcast %add3A_4379 : i32 to vector<16xi32>
      %add3A_4381 = arith.addi %iota3A, %add3A_4380 : vector<16xi32>
      %and3A_4382 = arith.constant 15 : i32
      %and3A_4383 = vector.broadcast %and3A_4382 : i32 to vector<16xi32>
      %and3A_4384 = arith.andi %add3A_4381, %and3A_4383 : vector<16xi32>
      %lt3A_4385 = arith.constant 0 : i32
      %lt3A_4386 = vector.broadcast %lt3A_4385 : i32 to vector<16xi32>
      %lt3A_4387 = arith.cmpi slt, %and3A_4384, %lt3A_4386 : vector<16xi32>
      %add3A_4388 = arith.constant 16 : i32
      %add3A_4389 = vector.broadcast %add3A_4388 : i32 to vector<16xi32>
      %add3A_4390 = arith.addi %and3A_4384, %add3A_4389 : vector<16xi32>
      %select_n3A_4391 = arith.select %lt3A_4387, %add3A_4390, %and3A_4384 : vector<16xi1>, vector<16xi32>
      %broadcast_in_dim3A_4392 = vector.shape_cast %select_n3A_4391 : vector<16xi32> to vector<16x1xi32>
      %gather3A_4393 = vector.shape_cast %broadcast_in_dim3A_4392 : vector<16x1xi32> to vector<16xi32>
      %gather3A_4394 = tpu.dynamic_gather %max3A_4378[%gather3A_4393] in [0] : vector<16xf32>, vector<16xi32> -> vector<16xf32>
      %max3A_4395 = arith.maximumf %max3A_4378, %gather3A_4394 : vector<16xf32>
      %add3A_4396 = arith.constant 1 : i32
      %add3A_4397 = vector.broadcast %add3A_4396 : i32 to vector<16xi32>
      %add3A_4398 = arith.addi %iota3A, %add3A_4397 : vector<16xi32>
      %and3A_4399 = arith.constant 15 : i32
      %and3A_4400 = vector.broadcast %and3A_4399 : i32 to vector<16xi32>
      %and3A_4401 = arith.andi %add3A_4398, %and3A_4400 : vector<16xi32>
      %lt3A_4402 = arith.constant 0 : i32
      %lt3A_4403 = vector.broadcast %lt3A_4402 : i32 to vector<16xi32>
      %lt3A_4404 = arith.cmpi slt, %and3A_4401, %lt3A_4403 : vector<16xi32>
      %add3A_4405 = arith.constant 16 : i32
      %add3A_4406 = vector.broadcast %add3A_4405 : i32 to vector<16xi32>
      %add3A_4407 = arith.addi %and3A_4401, %add3A_4406 : vector<16xi32>
      %select_n3A_4408 = arith.select %lt3A_4404, %add3A_4407, %and3A_4401 : vector<16xi1>, vector<16xi32>
      %broadcast_in_dim3A_4409 = vector.shape_cast %select_n3A_4408 : vector<16xi32> to vector<16x1xi32>
      %gather3A_4410 = vector.shape_cast %broadcast_in_dim3A_4409 : vector<16x1xi32> to vector<16xi32>
      %gather3A_4411 = tpu.dynamic_gather %max3A_4395[%gather3A_4410] in [0] : vector<16xf32>, vector<16xi32> -> vector<16xf32>
      %max3A_4412 = arith.maximumf %max3A_4395, %gather3A_4411 : vector<16xf32>
      %eq3A_4413 = arith.constant 10 : i32
      %eq3A_4414 = vector.broadcast %eq3A_4413 : i32 to vector<16xi32>
      %eq3A_4415 = arith.cmpi eq, %iota3A, %eq3A_4414 : vector<16xi32>
      %select_n3A_4416 = arith.select %eq3A_4415, %max3A_4412, %select_n3A_4342 : vector<16xi1>, vector<16xf32>
      %get3A_4417 = arith.constant 944 : index
      %get3A_4418 = tpu.vector_load %arg9[%get3A_4417] {strides = array<i32>} : memref<1024xf32, #tpu.memory_space<vmem>>, vector<16xf32>,
      %add3A_4419 = arith.constant 8 : i32
      %add3A_4420 = vector.broadcast %add3A_4419 : i32 to vector<16xi32>
      %add3A_4421 = arith.addi %iota3A, %add3A_4420 : vector<16xi32>
      %and3A_4422 = arith.constant 15 : i32
      %and3A_4423 = vector.broadcast %and3A_4422 : i32 to vector<16xi32>
      %and3A_4424 = arith.andi %add3A_4421, %and3A_4423 : vector<16xi32>
      %lt3A_4425 = arith.constant 0 : i32
      %lt3A_4426 = vector.broadcast %lt3A_4425 : i32 to vector<16xi32>
      %lt3A_4427 = arith.cmpi slt, %and3A_4424, %lt3A_4426 : vector<16xi32>
      %add3A_4428 = arith.constant 16 : i32
      %add3A_4429 = vector.broadcast %add3A_4428 : i32 to vector<16xi32>
      %add3A_4430 = arith.addi %and3A_4424, %add3A_4429 : vector<16xi32>
      %select_n3A_4431 = arith.select %lt3A_4427, %add3A_4430, %and3A_4424 : vector<16xi1>, vector<16xi32>
      %broadcast_in_dim3A_4432 = vector.shape_cast %select_n3A_4431 : vector<16xi32> to vector<16x1xi32>
      %gather3A_4433 = vector.shape_cast %broadcast_in_dim3A_4432 : vector<16x1xi32> to vector<16xi32>
      %gather3A_4434 = tpu.dynamic_gather %get3A_4418[%gather3A_4433] in [0] : vector<16xf32>, vector<16xi32> -> vector<16xf32>
      %max3A_4435 = arith.maximumf %get3A_4418, %gather3A_4434 : vector<16xf32>
      %add3A_4436 = arith.constant 4 : i32
      %add3A_4437 = vector.broadcast %add3A_4436 : i32 to vector<16xi32>
      %add3A_4438 = arith.addi %iota3A, %add3A_4437 : vector<16xi32>
      %and3A_4439 = arith.constant 15 : i32
      %and3A_4440 = vector.broadcast %and3A_4439 : i32 to vector<16xi32>
      %and3A_4441 = arith.andi %add3A_4438, %and3A_4440 : vector<16xi32>
      %lt3A_4442 = arith.constant 0 : i32
      %lt3A_4443 = vector.broadcast %lt3A_4442 : i32 to vector<16xi32>
      %lt3A_4444 = arith.cmpi slt, %and3A_4441, %lt3A_4443 : vector<16xi32>
      %add3A_4445 = arith.constant 16 : i32
      %add3A_4446 = vector.broadcast %add3A_4445 : i32 to vector<16xi32>
      %add3A_4447 = arith.addi %and3A_4441, %add3A_4446 : vector<16xi32>
      %select_n3A_4448 = arith.select %lt3A_4444, %add3A_4447, %and3A_4441 : vector<16xi1>, vector<16xi32>
      %broadcast_in_dim3A_4449 = vector.shape_cast %select_n3A_4448 : vector<16xi32> to vector<16x1xi32>
      %gather3A_4450 = vector.shape_cast %broadcast_in_dim3A_4449 : vector<16x1xi32> to vector<16xi32>
      %gather3A_4451 = tpu.dynamic_gather %max3A_4435[%gather3A_4450] in [0] : vector<16xf32>, vector<16xi32> -> vector<16xf32>
      %max3A_4452 = arith.maximumf %max3A_4435, %gather3A_4451 : vector<16xf32>
      %add3A_4453 = arith.constant 2 : i32
      %add3A_4454 = vector.broadcast %add3A_4453 : i32 to vector<16xi32>
      %add3A_4455 = arith.addi %iota3A, %add3A_4454 : vector<16xi32>
      %and3A_4456 = arith.constant 15 : i32
      %and3A_4457 = vector.broadcast %and3A_4456 : i32 to vector<16xi32>
      %and3A_4458 = arith.andi %add3A_4455, %and3A_4457 : vector<16xi32>
      %lt3A_4459 = arith.constant 0 : i32
      %lt3A_4460 = vector.broadcast %lt3A_4459 : i32 to vector<16xi32>
      %lt3A_4461 = arith.cmpi slt, %and3A_4458, %lt3A_4460 : vector<16xi32>
      %add3A_4462 = arith.constant 16 : i32
      %add3A_4463 = vector.broadcast %add3A_4462 : i32 to vector<16xi32>
      %add3A_4464 = arith.addi %and3A_4458, %add3A_4463 : vector<16xi32>
      %select_n3A_4465 = arith.select %lt3A_4461, %add3A_4464, %and3A_4458 : vector<16xi1>, vector<16xi32>
      %broadcast_in_dim3A_4466 = vector.shape_cast %select_n3A_4465 : vector<16xi32> to vector<16x1xi32>
      %gather3A_4467 = vector.shape_cast %broadcast_in_dim3A_4466 : vector<16x1xi32> to vector<16xi32>
      %gather3A_4468 = tpu.dynamic_gather %max3A_4452[%gather3A_4467] in [0] : vector<16xf32>, vector<16xi32> -> vector<16xf32>
      %max3A_4469 = arith.maximumf %max3A_4452, %gather3A_4468 : vector<16xf32>
      %add3A_4470 = arith.constant 1 : i32
      %add3A_4471 = vector.broadcast %add3A_4470 : i32 to vector<16xi32>
      %add3A_4472 = arith.addi %iota3A, %add3A_4471 : vector<16xi32>
      %and3A_4473 = arith.constant 15 : i32
      %and3A_4474 = vector.broadcast %and3A_4473 : i32 to vector<16xi32>
      %and3A_4475 = arith.andi %add3A_4472, %and3A_4474 : vector<16xi32>
      %lt3A_4476 = arith.constant 0 : i32
      %lt3A_4477 = vector.broadcast %lt3A_4476 : i32 to vector<16xi32>
      %lt3A_4478 = arith.cmpi slt, %and3A_4475, %lt3A_4477 : vector<16xi32>
      %add3A_4479 = arith.constant 16 : i32
      %add3A_4480 = vector.broadcast %add3A_4479 : i32 to vector<16xi32>
      %add3A_4481 = arith.addi %and3A_4475, %add3A_4480 : vector<16xi32>
      %select_n3A_4482 = arith.select %lt3A_4478, %add3A_4481, %and3A_4475 : vector<16xi1>, vector<16xi32>
      %broadcast_in_dim3A_4483 = vector.shape_cast %select_n3A_4482 : vector<16xi32> to vector<16x1xi32>
      %gather3A_4484 = vector.shape_cast %broadcast_in_dim3A_4483 : vector<16x1xi32> to vector<16xi32>
      %gather3A_4485 = tpu.dynamic_gather %max3A_4469[%gather3A_4484] in [0] : vector<16xf32>, vector<16xi32> -> vector<16xf32>
      %max3A_4486 = arith.maximumf %max3A_4469, %gather3A_4485 : vector<16xf32>
      %eq3A_4487 = arith.constant 11 : i32
      %eq3A_4488 = vector.broadcast %eq3A_4487 : i32 to vector<16xi32>
      %eq3A_4489 = arith.cmpi eq, %iota3A, %eq3A_4488 : vector<16xi32>
      %select_n3A_4490 = arith.select %eq3A_4489, %max3A_4486, %select_n3A_4416 : vector<16xi1>, vector<16xf32>
      %get3A_4491 = arith.constant 960 : index
      %get3A_4492 = tpu.vector_load %arg9[%get3A_4491] {strides = array<i32>} : memref<1024xf32, #tpu.memory_space<vmem>>, vector<16xf32>,
      %add3A_4493 = arith.constant 8 : i32
      %add3A_4494 = vector.broadcast %add3A_4493 : i32 to vector<16xi32>
      %add3A_4495 = arith.addi %iota3A, %add3A_4494 : vector<16xi32>
      %and3A_4496 = arith.constant 15 : i32
      %and3A_4497 = vector.broadcast %and3A_4496 : i32 to vector<16xi32>
      %and3A_4498 = arith.andi %add3A_4495, %and3A_4497 : vector<16xi32>
      %lt3A_4499 = arith.constant 0 : i32
      %lt3A_4500 = vector.broadcast %lt3A_4499 : i32 to vector<16xi32>
      %lt3A_4501 = arith.cmpi slt, %and3A_4498, %lt3A_4500 : vector<16xi32>
      %add3A_4502 = arith.constant 16 : i32
      %add3A_4503 = vector.broadcast %add3A_4502 : i32 to vector<16xi32>
      %add3A_4504 = arith.addi %and3A_4498, %add3A_4503 : vector<16xi32>
      %select_n3A_4505 = arith.select %lt3A_4501, %add3A_4504, %and3A_4498 : vector<16xi1>, vector<16xi32>
      %broadcast_in_dim3A_4506 = vector.shape_cast %select_n3A_4505 : vector<16xi32> to vector<16x1xi32>
      %gather3A_4507 = vector.shape_cast %broadcast_in_dim3A_4506 : vector<16x1xi32> to vector<16xi32>
      %gather3A_4508 = tpu.dynamic_gather %get3A_4492[%gather3A_4507] in [0] : vector<16xf32>, vector<16xi32> -> vector<16xf32>
      %max3A_4509 = arith.maximumf %get3A_4492, %gather3A_4508 : vector<16xf32>
      %add3A_4510 = arith.constant 4 : i32
      %add3A_4511 = vector.broadcast %add3A_4510 : i32 to vector<16xi32>
      %add3A_4512 = arith.addi %iota3A, %add3A_4511 : vector<16xi32>
      %and3A_4513 = arith.constant 15 : i32
      %and3A_4514 = vector.broadcast %and3A_4513 : i32 to vector<16xi32>
      %and3A_4515 = arith.andi %add3A_4512, %and3A_4514 : vector<16xi32>
      %lt3A_4516 = arith.constant 0 : i32
      %lt3A_4517 = vector.broadcast %lt3A_4516 : i32 to vector<16xi32>
      %lt3A_4518 = arith.cmpi slt, %and3A_4515, %lt3A_4517 : vector<16xi32>
      %add3A_4519 = arith.constant 16 : i32
      %add3A_4520 = vector.broadcast %add3A_4519 : i32 to vector<16xi32>
      %add3A_4521 = arith.addi %and3A_4515, %add3A_4520 : vector<16xi32>
      %select_n3A_4522 = arith.select %lt3A_4518, %add3A_4521, %and3A_4515 : vector<16xi1>, vector<16xi32>
      %broadcast_in_dim3A_4523 = vector.shape_cast %select_n3A_4522 : vector<16xi32> to vector<16x1xi32>
      %gather3A_4524 = vector.shape_cast %broadcast_in_dim3A_4523 : vector<16x1xi32> to vector<16xi32>
      %gather3A_4525 = tpu.dynamic_gather %max3A_4509[%gather3A_4524] in [0] : vector<16xf32>, vector<16xi32> -> vector<16xf32>
      %max3A_4526 = arith.maximumf %max3A_4509, %gather3A_4525 : vector<16xf32>
      %add3A_4527 = arith.constant 2 : i32
      %add3A_4528 = vector.broadcast %add3A_4527 : i32 to vector<16xi32>
      %add3A_4529 = arith.addi %iota3A, %add3A_4528 : vector<16xi32>
      %and3A_4530 = arith.constant 15 : i32
      %and3A_4531 = vector.broadcast %and3A_4530 : i32 to vector<16xi32>
      %and3A_4532 = arith.andi %add3A_4529, %and3A_4531 : vector<16xi32>
      %lt3A_4533 = arith.constant 0 : i32
      %lt3A_4534 = vector.broadcast %lt3A_4533 : i32 to vector<16xi32>
      %lt3A_4535 = arith.cmpi slt, %and3A_4532, %lt3A_4534 : vector<16xi32>
      %add3A_4536 = arith.constant 16 : i32
      %add3A_4537 = vector.broadcast %add3A_4536 : i32 to vector<16xi32>
      %add3A_4538 = arith.addi %and3A_4532, %add3A_4537 : vector<16xi32>
      %select_n3A_4539 = arith.select %lt3A_4535, %add3A_4538, %and3A_4532 : vector<16xi1>, vector<16xi32>
      %broadcast_in_dim3A_4540 = vector.shape_cast %select_n3A_4539 : vector<16xi32> to vector<16x1xi32>
      %gather3A_4541 = vector.shape_cast %broadcast_in_dim3A_4540 : vector<16x1xi32> to vector<16xi32>
      %gather3A_4542 = tpu.dynamic_gather %max3A_4526[%gather3A_4541] in [0] : vector<16xf32>, vector<16xi32> -> vector<16xf32>
      %max3A_4543 = arith.maximumf %max3A_4526, %gather3A_4542 : vector<16xf32>
      %add3A_4544 = arith.constant 1 : i32
      %add3A_4545 = vector.broadcast %add3A_4544 : i32 to vector<16xi32>
      %add3A_4546 = arith.addi %iota3A, %add3A_4545 : vector<16xi32>
      %and3A_4547 = arith.constant 15 : i32
      %and3A_4548 = vector.broadcast %and3A_4547 : i32 to vector<16xi32>
      %and3A_4549 = arith.andi %add3A_4546, %and3A_4548 : vector<16xi32>
      %lt3A_4550 = arith.constant 0 : i32
      %lt3A_4551 = vector.broadcast %lt3A_4550 : i32 to vector<16xi32>
      %lt3A_4552 = arith.cmpi slt, %and3A_4549, %lt3A_4551 : vector<16xi32>
      %add3A_4553 = arith.constant 16 : i32
      %add3A_4554 = vector.broadcast %add3A_4553 : i32 to vector<16xi32>
      %add3A_4555 = arith.addi %and3A_4549, %add3A_4554 : vector<16xi32>
      %select_n3A_4556 = arith.select %lt3A_4552, %add3A_4555, %and3A_4549 : vector<16xi1>, vector<16xi32>
      %broadcast_in_dim3A_4557 = vector.shape_cast %select_n3A_4556 : vector<16xi32> to vector<16x1xi32>
      %gather3A_4558 = vector.shape_cast %broadcast_in_dim3A_4557 : vector<16x1xi32> to vector<16xi32>
      %gather3A_4559 = tpu.dynamic_gather %max3A_4543[%gather3A_4558] in [0] : vector<16xf32>, vector<16xi32> -> vector<16xf32>
      %max3A_4560 = arith.maximumf %max3A_4543, %gather3A_4559 : vector<16xf32>
      %eq3A_4561 = arith.constant 12 : i32
      %eq3A_4562 = vector.broadcast %eq3A_4561 : i32 to vector<16xi32>
      %eq3A_4563 = arith.cmpi eq, %iota3A, %eq3A_4562 : vector<16xi32>
      %select_n3A_4564 = arith.select %eq3A_4563, %max3A_4560, %select_n3A_4490 : vector<16xi1>, vector<16xf32>
      %get3A_4565 = arith.constant 976 : index
      %get3A_4566 = tpu.vector_load %arg9[%get3A_4565] {strides = array<i32>} : memref<1024xf32, #tpu.memory_space<vmem>>, vector<16xf32>,
      %add3A_4567 = arith.constant 8 : i32
      %add3A_4568 = vector.broadcast %add3A_4567 : i32 to vector<16xi32>
      %add3A_4569 = arith.addi %iota3A, %add3A_4568 : vector<16xi32>
      %and3A_4570 = arith.constant 15 : i32
      %and3A_4571 = vector.broadcast %and3A_4570 : i32 to vector<16xi32>
      %and3A_4572 = arith.andi %add3A_4569, %and3A_4571 : vector<16xi32>
      %lt3A_4573 = arith.constant 0 : i32
      %lt3A_4574 = vector.broadcast %lt3A_4573 : i32 to vector<16xi32>
      %lt3A_4575 = arith.cmpi slt, %and3A_4572, %lt3A_4574 : vector<16xi32>
      %add3A_4576 = arith.constant 16 : i32
      %add3A_4577 = vector.broadcast %add3A_4576 : i32 to vector<16xi32>
      %add3A_4578 = arith.addi %and3A_4572, %add3A_4577 : vector<16xi32>
      %select_n3A_4579 = arith.select %lt3A_4575, %add3A_4578, %and3A_4572 : vector<16xi1>, vector<16xi32>
      %broadcast_in_dim3A_4580 = vector.shape_cast %select_n3A_4579 : vector<16xi32> to vector<16x1xi32>
      %gather3A_4581 = vector.shape_cast %broadcast_in_dim3A_4580 : vector<16x1xi32> to vector<16xi32>
      %gather3A_4582 = tpu.dynamic_gather %get3A_4566[%gather3A_4581] in [0] : vector<16xf32>, vector<16xi32> -> vector<16xf32>
      %max3A_4583 = arith.maximumf %get3A_4566, %gather3A_4582 : vector<16xf32>
      %add3A_4584 = arith.constant 4 : i32
      %add3A_4585 = vector.broadcast %add3A_4584 : i32 to vector<16xi32>
      %add3A_4586 = arith.addi %iota3A, %add3A_4585 : vector<16xi32>
      %and3A_4587 = arith.constant 15 : i32
      %and3A_4588 = vector.broadcast %and3A_4587 : i32 to vector<16xi32>
      %and3A_4589 = arith.andi %add3A_4586, %and3A_4588 : vector<16xi32>
      %lt3A_4590 = arith.constant 0 : i32
      %lt3A_4591 = vector.broadcast %lt3A_4590 : i32 to vector<16xi32>
      %lt3A_4592 = arith.cmpi slt, %and3A_4589, %lt3A_4591 : vector<16xi32>
      %add3A_4593 = arith.constant 16 : i32
      %add3A_4594 = vector.broadcast %add3A_4593 : i32 to vector<16xi32>
      %add3A_4595 = arith.addi %and3A_4589, %add3A_4594 : vector<16xi32>
      %select_n3A_4596 = arith.select %lt3A_4592, %add3A_4595, %and3A_4589 : vector<16xi1>, vector<16xi32>
      %broadcast_in_dim3A_4597 = vector.shape_cast %select_n3A_4596 : vector<16xi32> to vector<16x1xi32>
      %gather3A_4598 = vector.shape_cast %broadcast_in_dim3A_4597 : vector<16x1xi32> to vector<16xi32>
      %gather3A_4599 = tpu.dynamic_gather %max3A_4583[%gather3A_4598] in [0] : vector<16xf32>, vector<16xi32> -> vector<16xf32>
      %max3A_4600 = arith.maximumf %max3A_4583, %gather3A_4599 : vector<16xf32>
      %add3A_4601 = arith.constant 2 : i32
      %add3A_4602 = vector.broadcast %add3A_4601 : i32 to vector<16xi32>
      %add3A_4603 = arith.addi %iota3A, %add3A_4602 : vector<16xi32>
      %and3A_4604 = arith.constant 15 : i32
      %and3A_4605 = vector.broadcast %and3A_4604 : i32 to vector<16xi32>
      %and3A_4606 = arith.andi %add3A_4603, %and3A_4605 : vector<16xi32>
      %lt3A_4607 = arith.constant 0 : i32
      %lt3A_4608 = vector.broadcast %lt3A_4607 : i32 to vector<16xi32>
      %lt3A_4609 = arith.cmpi slt, %and3A_4606, %lt3A_4608 : vector<16xi32>
      %add3A_4610 = arith.constant 16 : i32
      %add3A_4611 = vector.broadcast %add3A_4610 : i32 to vector<16xi32>
      %add3A_4612 = arith.addi %and3A_4606, %add3A_4611 : vector<16xi32>
      %select_n3A_4613 = arith.select %lt3A_4609, %add3A_4612, %and3A_4606 : vector<16xi1>, vector<16xi32>
      %broadcast_in_dim3A_4614 = vector.shape_cast %select_n3A_4613 : vector<16xi32> to vector<16x1xi32>
      %gather3A_4615 = vector.shape_cast %broadcast_in_dim3A_4614 : vector<16x1xi32> to vector<16xi32>
      %gather3A_4616 = tpu.dynamic_gather %max3A_4600[%gather3A_4615] in [0] : vector<16xf32>, vector<16xi32> -> vector<16xf32>
      %max3A_4617 = arith.maximumf %max3A_4600, %gather3A_4616 : vector<16xf32>
      %add3A_4618 = arith.constant 1 : i32
      %add3A_4619 = vector.broadcast %add3A_4618 : i32 to vector<16xi32>
      %add3A_4620 = arith.addi %iota3A, %add3A_4619 : vector<16xi32>
      %and3A_4621 = arith.constant 15 : i32
      %and3A_4622 = vector.broadcast %and3A_4621 : i32 to vector<16xi32>
      %and3A_4623 = arith.andi %add3A_4620, %and3A_4622 : vector<16xi32>
      %lt3A_4624 = arith.constant 0 : i32
      %lt3A_4625 = vector.broadcast %lt3A_4624 : i32 to vector<16xi32>
      %lt3A_4626 = arith.cmpi slt, %and3A_4623, %lt3A_4625 : vector<16xi32>
      %add3A_4627 = arith.constant 16 : i32
      %add3A_4628 = vector.broadcast %add3A_4627 : i32 to vector<16xi32>
      %add3A_4629 = arith.addi %and3A_4623, %add3A_4628 : vector<16xi32>
      %select_n3A_4630 = arith.select %lt3A_4626, %add3A_4629, %and3A_4623 : vector<16xi1>, vector<16xi32>
      %broadcast_in_dim3A_4631 = vector.shape_cast %select_n3A_4630 : vector<16xi32> to vector<16x1xi32>
      %gather3A_4632 = vector.shape_cast %broadcast_in_dim3A_4631 : vector<16x1xi32> to vector<16xi32>
      %gather3A_4633 = tpu.dynamic_gather %max3A_4617[%gather3A_4632] in [0] : vector<16xf32>, vector<16xi32> -> vector<16xf32>
      %max3A_4634 = arith.maximumf %max3A_4617, %gather3A_4633 : vector<16xf32>
      %eq3A_4635 = arith.constant 13 : i32
      %eq3A_4636 = vector.broadcast %eq3A_4635 : i32 to vector<16xi32>
      %eq3A_4637 = arith.cmpi eq, %iota3A, %eq3A_4636 : vector<16xi32>
      %select_n3A_4638 = arith.select %eq3A_4637, %max3A_4634, %select_n3A_4564 : vector<16xi1>, vector<16xf32>
      %get3A_4639 = arith.constant 992 : index
      %get3A_4640 = tpu.vector_load %arg9[%get3A_4639] {strides = array<i32>} : memref<1024xf32, #tpu.memory_space<vmem>>, vector<16xf32>,
      %add3A_4641 = arith.constant 8 : i32
      %add3A_4642 = vector.broadcast %add3A_4641 : i32 to vector<16xi32>
      %add3A_4643 = arith.addi %iota3A, %add3A_4642 : vector<16xi32>
      %and3A_4644 = arith.constant 15 : i32
      %and3A_4645 = vector.broadcast %and3A_4644 : i32 to vector<16xi32>
      %and3A_4646 = arith.andi %add3A_4643, %and3A_4645 : vector<16xi32>
      %lt3A_4647 = arith.constant 0 : i32
      %lt3A_4648 = vector.broadcast %lt3A_4647 : i32 to vector<16xi32>
      %lt3A_4649 = arith.cmpi slt, %and3A_4646, %lt3A_4648 : vector<16xi32>
      %add3A_4650 = arith.constant 16 : i32
      %add3A_4651 = vector.broadcast %add3A_4650 : i32 to vector<16xi32>
      %add3A_4652 = arith.addi %and3A_4646, %add3A_4651 : vector<16xi32>
      %select_n3A_4653 = arith.select %lt3A_4649, %add3A_4652, %and3A_4646 : vector<16xi1>, vector<16xi32>
      %broadcast_in_dim3A_4654 = vector.shape_cast %select_n3A_4653 : vector<16xi32> to vector<16x1xi32>
      %gather3A_4655 = vector.shape_cast %broadcast_in_dim3A_4654 : vector<16x1xi32> to vector<16xi32>
      %gather3A_4656 = tpu.dynamic_gather %get3A_4640[%gather3A_4655] in [0] : vector<16xf32>, vector<16xi32> -> vector<16xf32>
      %max3A_4657 = arith.maximumf %get3A_4640, %gather3A_4656 : vector<16xf32>
      %add3A_4658 = arith.constant 4 : i32
      %add3A_4659 = vector.broadcast %add3A_4658 : i32 to vector<16xi32>
      %add3A_4660 = arith.addi %iota3A, %add3A_4659 : vector<16xi32>
      %and3A_4661 = arith.constant 15 : i32
      %and3A_4662 = vector.broadcast %and3A_4661 : i32 to vector<16xi32>
      %and3A_4663 = arith.andi %add3A_4660, %and3A_4662 : vector<16xi32>
      %lt3A_4664 = arith.constant 0 : i32
      %lt3A_4665 = vector.broadcast %lt3A_4664 : i32 to vector<16xi32>
      %lt3A_4666 = arith.cmpi slt, %and3A_4663, %lt3A_4665 : vector<16xi32>
      %add3A_4667 = arith.constant 16 : i32
      %add3A_4668 = vector.broadcast %add3A_4667 : i32 to vector<16xi32>
      %add3A_4669 = arith.addi %and3A_4663, %add3A_4668 : vector<16xi32>
      %select_n3A_4670 = arith.select %lt3A_4666, %add3A_4669, %and3A_4663 : vector<16xi1>, vector<16xi32>
      %broadcast_in_dim3A_4671 = vector.shape_cast %select_n3A_4670 : vector<16xi32> to vector<16x1xi32>
      %gather3A_4672 = vector.shape_cast %broadcast_in_dim3A_4671 : vector<16x1xi32> to vector<16xi32>
      %gather3A_4673 = tpu.dynamic_gather %max3A_4657[%gather3A_4672] in [0] : vector<16xf32>, vector<16xi32> -> vector<16xf32>
      %max3A_4674 = arith.maximumf %max3A_4657, %gather3A_4673 : vector<16xf32>
      %add3A_4675 = arith.constant 2 : i32
      %add3A_4676 = vector.broadcast %add3A_4675 : i32 to vector<16xi32>
      %add3A_4677 = arith.addi %iota3A, %add3A_4676 : vector<16xi32>
      %and3A_4678 = arith.constant 15 : i32
      %and3A_4679 = vector.broadcast %and3A_4678 : i32 to vector<16xi32>
      %and3A_4680 = arith.andi %add3A_4677, %and3A_4679 : vector<16xi32>
      %lt3A_4681 = arith.constant 0 : i32
      %lt3A_4682 = vector.broadcast %lt3A_4681 : i32 to vector<16xi32>
      %lt3A_4683 = arith.cmpi slt, %and3A_4680, %lt3A_4682 : vector<16xi32>
      %add3A_4684 = arith.constant 16 : i32
      %add3A_4685 = vector.broadcast %add3A_4684 : i32 to vector<16xi32>
      %add3A_4686 = arith.addi %and3A_4680, %add3A_4685 : vector<16xi32>
      %select_n3A_4687 = arith.select %lt3A_4683, %add3A_4686, %and3A_4680 : vector<16xi1>, vector<16xi32>
      %broadcast_in_dim3A_4688 = vector.shape_cast %select_n3A_4687 : vector<16xi32> to vector<16x1xi32>
      %gather3A_4689 = vector.shape_cast %broadcast_in_dim3A_4688 : vector<16x1xi32> to vector<16xi32>
      %gather3A_4690 = tpu.dynamic_gather %max3A_4674[%gather3A_4689] in [0] : vector<16xf32>, vector<16xi32> -> vector<16xf32>
      %max3A_4691 = arith.maximumf %max3A_4674, %gather3A_4690 : vector<16xf32>
      %add3A_4692 = arith.constant 1 : i32
      %add3A_4693 = vector.broadcast %add3A_4692 : i32 to vector<16xi32>
      %add3A_4694 = arith.addi %iota3A, %add3A_4693 : vector<16xi32>
      %and3A_4695 = arith.constant 15 : i32
      %and3A_4696 = vector.broadcast %and3A_4695 : i32 to vector<16xi32>
      %and3A_4697 = arith.andi %add3A_4694, %and3A_4696 : vector<16xi32>
      %lt3A_4698 = arith.constant 0 : i32
      %lt3A_4699 = vector.broadcast %lt3A_4698 : i32 to vector<16xi32>
      %lt3A_4700 = arith.cmpi slt, %and3A_4697, %lt3A_4699 : vector<16xi32>
      %add3A_4701 = arith.constant 16 : i32
      %add3A_4702 = vector.broadcast %add3A_4701 : i32 to vector<16xi32>
      %add3A_4703 = arith.addi %and3A_4697, %add3A_4702 : vector<16xi32>
      %select_n3A_4704 = arith.select %lt3A_4700, %add3A_4703, %and3A_4697 : vector<16xi1>, vector<16xi32>
      %broadcast_in_dim3A_4705 = vector.shape_cast %select_n3A_4704 : vector<16xi32> to vector<16x1xi32>
      %gather3A_4706 = vector.shape_cast %broadcast_in_dim3A_4705 : vector<16x1xi32> to vector<16xi32>
      %gather3A_4707 = tpu.dynamic_gather %max3A_4691[%gather3A_4706] in [0] : vector<16xf32>, vector<16xi32> -> vector<16xf32>
      %max3A_4708 = arith.maximumf %max3A_4691, %gather3A_4707 : vector<16xf32>
      %eq3A_4709 = arith.constant 14 : i32
      %eq3A_4710 = vector.broadcast %eq3A_4709 : i32 to vector<16xi32>
      %eq3A_4711 = arith.cmpi eq, %iota3A, %eq3A_4710 : vector<16xi32>
      %select_n3A_4712 = arith.select %eq3A_4711, %max3A_4708, %select_n3A_4638 : vector<16xi1>, vector<16xf32>
      %get3A_4713 = arith.constant 1008 : index
      %get3A_4714 = tpu.vector_load %arg9[%get3A_4713] {strides = array<i32>} : memref<1024xf32, #tpu.memory_space<vmem>>, vector<16xf32>,
      %add3A_4715 = arith.constant 8 : i32
      %add3A_4716 = vector.broadcast %add3A_4715 : i32 to vector<16xi32>
      %add3A_4717 = arith.addi %iota3A, %add3A_4716 : vector<16xi32>
      %and3A_4718 = arith.constant 15 : i32
      %and3A_4719 = vector.broadcast %and3A_4718 : i32 to vector<16xi32>
      %and3A_4720 = arith.andi %add3A_4717, %and3A_4719 : vector<16xi32>
      %lt3A_4721 = arith.constant 0 : i32
      %lt3A_4722 = vector.broadcast %lt3A_4721 : i32 to vector<16xi32>
      %lt3A_4723 = arith.cmpi slt, %and3A_4720, %lt3A_4722 : vector<16xi32>
      %add3A_4724 = arith.constant 16 : i32
      %add3A_4725 = vector.broadcast %add3A_4724 : i32 to vector<16xi32>
      %add3A_4726 = arith.addi %and3A_4720, %add3A_4725 : vector<16xi32>
      %select_n3A_4727 = arith.select %lt3A_4723, %add3A_4726, %and3A_4720 : vector<16xi1>, vector<16xi32>
      %broadcast_in_dim3A_4728 = vector.shape_cast %select_n3A_4727 : vector<16xi32> to vector<16x1xi32>
      %gather3A_4729 = vector.shape_cast %broadcast_in_dim3A_4728 : vector<16x1xi32> to vector<16xi32>
      %gather3A_4730 = tpu.dynamic_gather %get3A_4714[%gather3A_4729] in [0] : vector<16xf32>, vector<16xi32> -> vector<16xf32>
      %max3A_4731 = arith.maximumf %get3A_4714, %gather3A_4730 : vector<16xf32>
      %add3A_4732 = arith.constant 4 : i32
      %add3A_4733 = vector.broadcast %add3A_4732 : i32 to vector<16xi32>
      %add3A_4734 = arith.addi %iota3A, %add3A_4733 : vector<16xi32>
      %and3A_4735 = arith.constant 15 : i32
      %and3A_4736 = vector.broadcast %and3A_4735 : i32 to vector<16xi32>
      %and3A_4737 = arith.andi %add3A_4734, %and3A_4736 : vector<16xi32>
      %lt3A_4738 = arith.constant 0 : i32
      %lt3A_4739 = vector.broadcast %lt3A_4738 : i32 to vector<16xi32>
      %lt3A_4740 = arith.cmpi slt, %and3A_4737, %lt3A_4739 : vector<16xi32>
      %add3A_4741 = arith.constant 16 : i32
      %add3A_4742 = vector.broadcast %add3A_4741 : i32 to vector<16xi32>
      %add3A_4743 = arith.addi %and3A_4737, %add3A_4742 : vector<16xi32>
      %select_n3A_4744 = arith.select %lt3A_4740, %add3A_4743, %and3A_4737 : vector<16xi1>, vector<16xi32>
      %broadcast_in_dim3A_4745 = vector.shape_cast %select_n3A_4744 : vector<16xi32> to vector<16x1xi32>
      %gather3A_4746 = vector.shape_cast %broadcast_in_dim3A_4745 : vector<16x1xi32> to vector<16xi32>
      %gather3A_4747 = tpu.dynamic_gather %max3A_4731[%gather3A_4746] in [0] : vector<16xf32>, vector<16xi32> -> vector<16xf32>
      %max3A_4748 = arith.maximumf %max3A_4731, %gather3A_4747 : vector<16xf32>
      %add3A_4749 = arith.constant 2 : i32
      %add3A_4750 = vector.broadcast %add3A_4749 : i32 to vector<16xi32>
      %add3A_4751 = arith.addi %iota3A, %add3A_4750 : vector<16xi32>
      %and3A_4752 = arith.constant 15 : i32
      %and3A_4753 = vector.broadcast %and3A_4752 : i32 to vector<16xi32>
      %and3A_4754 = arith.andi %add3A_4751, %and3A_4753 : vector<16xi32>
      %lt3A_4755 = arith.constant 0 : i32
      %lt3A_4756 = vector.broadcast %lt3A_4755 : i32 to vector<16xi32>
      %lt3A_4757 = arith.cmpi slt, %and3A_4754, %lt3A_4756 : vector<16xi32>
      %add3A_4758 = arith.constant 16 : i32
      %add3A_4759 = vector.broadcast %add3A_4758 : i32 to vector<16xi32>
      %add3A_4760 = arith.addi %and3A_4754, %add3A_4759 : vector<16xi32>
      %select_n3A_4761 = arith.select %lt3A_4757, %add3A_4760, %and3A_4754 : vector<16xi1>, vector<16xi32>
      %broadcast_in_dim3A_4762 = vector.shape_cast %select_n3A_4761 : vector<16xi32> to vector<16x1xi32>
      %gather3A_4763 = vector.shape_cast %broadcast_in_dim3A_4762 : vector<16x1xi32> to vector<16xi32>
      %gather3A_4764 = tpu.dynamic_gather %max3A_4748[%gather3A_4763] in [0] : vector<16xf32>, vector<16xi32> -> vector<16xf32>
      %max3A_4765 = arith.maximumf %max3A_4748, %gather3A_4764 : vector<16xf32>
      %add3A_4766 = arith.constant 1 : i32
      %add3A_4767 = vector.broadcast %add3A_4766 : i32 to vector<16xi32>
      %add3A_4768 = arith.addi %iota3A, %add3A_4767 : vector<16xi32>
      %and3A_4769 = arith.constant 15 : i32
      %and3A_4770 = vector.broadcast %and3A_4769 : i32 to vector<16xi32>
      %and3A_4771 = arith.andi %add3A_4768, %and3A_4770 : vector<16xi32>
      %lt3A_4772 = arith.constant 0 : i32
      %lt3A_4773 = vector.broadcast %lt3A_4772 : i32 to vector<16xi32>
      %lt3A_4774 = arith.cmpi slt, %and3A_4771, %lt3A_4773 : vector<16xi32>
      %add3A_4775 = arith.constant 16 : i32
      %add3A_4776 = vector.broadcast %add3A_4775 : i32 to vector<16xi32>
      %add3A_4777 = arith.addi %and3A_4771, %add3A_4776 : vector<16xi32>
      %select_n3A_4778 = arith.select %lt3A_4774, %add3A_4777, %and3A_4771 : vector<16xi1>, vector<16xi32>
      %broadcast_in_dim3A_4779 = vector.shape_cast %select_n3A_4778 : vector<16xi32> to vector<16x1xi32>
      %gather3A_4780 = vector.shape_cast %broadcast_in_dim3A_4779 : vector<16x1xi32> to vector<16xi32>
      %gather3A_4781 = tpu.dynamic_gather %max3A_4765[%gather3A_4780] in [0] : vector<16xf32>, vector<16xi32> -> vector<16xf32>
      %max3A_4782 = arith.maximumf %max3A_4765, %gather3A_4781 : vector<16xf32>
      %eq3A_4783 = arith.constant 15 : i32
      %eq3A_4784 = vector.broadcast %eq3A_4783 : i32 to vector<16xi32>
      %eq3A_4785 = arith.cmpi eq, %iota3A, %eq3A_4784 : vector<16xi32>
      %select_n3A_4786 = arith.select %eq3A_4785, %max3A_4782, %select_n3A_4712 : vector<16xi1>, vector<16xf32>
      %scan3A = arith.constant 0xFF800000 : f32
      %scan3A_4787 = arith.constant 0 : i32
      %scan3A_4788 = arith.constant 24 : i32
      %scan3A_4789 = arith.addi %scan3A_4787, %scan3A_4788 : i32
      %scan3A_4790 = arith.constant 1 : i32
      %scan3A_4791:4 = scf.for %scan3A_4809 = %scan3A_4787 to %scan3A_4789 step %scan3A_4790 iter_args(%scan3A_4810 = %select_n3A_1228, %scan3A_4811 = %select_n3A_2414, %scan3A_4812 = %select_n3A_3600, %scan3A_4813 = %select_n3A_4786) -> (vector<16xf32>, vector<16xf32>, vector<16xf32>, vector<16xf32>)  : i32 {
        %max3A_4814 = arith.maximumf %scan3A_4810, %scan3A_4811 : vector<16xf32>
        %max3A_4815 = arith.maximumf %max3A_4814, %scan3A_4812 : vector<16xf32>
        %max3A_4816 = arith.maximumf %max3A_4815, %scan3A_4813 : vector<16xf32>
        %add3A_4817 = arith.constant 8 : i32
        %add3A_4818 = vector.broadcast %add3A_4817 : i32 to vector<16xi32>
        %add3A_4819 = arith.addi %iota3A, %add3A_4818 : vector<16xi32>
        %and3A_4820 = arith.constant 15 : i32
        %and3A_4821 = vector.broadcast %and3A_4820 : i32 to vector<16xi32>
        %and3A_4822 = arith.andi %add3A_4819, %and3A_4821 : vector<16xi32>
        %lt3A_4823 = arith.constant 0 : i32
        %lt3A_4824 = vector.broadcast %lt3A_4823 : i32 to vector<16xi32>
        %lt3A_4825 = arith.cmpi slt, %and3A_4822, %lt3A_4824 : vector<16xi32>
        %add3A_4826 = arith.constant 16 : i32
        %add3A_4827 = vector.broadcast %add3A_4826 : i32 to vector<16xi32>
        %add3A_4828 = arith.addi %and3A_4822, %add3A_4827 : vector<16xi32>
        %select_n3A_4829 = arith.select %lt3A_4825, %add3A_4828, %and3A_4822 : vector<16xi1>, vector<16xi32>
        %broadcast_in_dim3A_4830 = vector.shape_cast %select_n3A_4829 : vector<16xi32> to vector<16x1xi32>
        %gather3A_4831 = vector.shape_cast %broadcast_in_dim3A_4830 : vector<16x1xi32> to vector<16xi32>
        %gather3A_4832 = tpu.dynamic_gather %max3A_4816[%gather3A_4831] in [0] : vector<16xf32>, vector<16xi32> -> vector<16xf32>
        %max3A_4833 = arith.maximumf %max3A_4816, %gather3A_4832 : vector<16xf32>
        %add3A_4834 = arith.constant 4 : i32
        %add3A_4835 = vector.broadcast %add3A_4834 : i32 to vector<16xi32>
        %add3A_4836 = arith.addi %iota3A, %add3A_4835 : vector<16xi32>
        %and3A_4837 = arith.constant 15 : i32
        %and3A_4838 = vector.broadcast %and3A_4837 : i32 to vector<16xi32>
        %and3A_4839 = arith.andi %add3A_4836, %and3A_4838 : vector<16xi32>
        %lt3A_4840 = arith.constant 0 : i32
        %lt3A_4841 = vector.broadcast %lt3A_4840 : i32 to vector<16xi32>
        %lt3A_4842 = arith.cmpi slt, %and3A_4839, %lt3A_4841 : vector<16xi32>
        %add3A_4843 = arith.constant 16 : i32
        %add3A_4844 = vector.broadcast %add3A_4843 : i32 to vector<16xi32>
        %add3A_4845 = arith.addi %and3A_4839, %add3A_4844 : vector<16xi32>
        %select_n3A_4846 = arith.select %lt3A_4842, %add3A_4845, %and3A_4839 : vector<16xi1>, vector<16xi32>
        %broadcast_in_dim3A_4847 = vector.shape_cast %select_n3A_4846 : vector<16xi32> to vector<16x1xi32>
        %gather3A_4848 = vector.shape_cast %broadcast_in_dim3A_4847 : vector<16x1xi32> to vector<16xi32>
        %gather3A_4849 = tpu.dynamic_gather %max3A_4833[%gather3A_4848] in [0] : vector<16xf32>, vector<16xi32> -> vector<16xf32>
        %max3A_4850 = arith.maximumf %max3A_4833, %gather3A_4849 : vector<16xf32>
        %add3A_4851 = arith.constant 2 : i32
        %add3A_4852 = vector.broadcast %add3A_4851 : i32 to vector<16xi32>
        %add3A_4853 = arith.addi %iota3A, %add3A_4852 : vector<16xi32>
        %and3A_4854 = arith.constant 15 : i32
        %and3A_4855 = vector.broadcast %and3A_4854 : i32 to vector<16xi32>
        %and3A_4856 = arith.andi %add3A_4853, %and3A_4855 : vector<16xi32>
        %lt3A_4857 = arith.constant 0 : i32
        %lt3A_4858 = vector.broadcast %lt3A_4857 : i32 to vector<16xi32>
        %lt3A_4859 = arith.cmpi slt, %and3A_4856, %lt3A_4858 : vector<16xi32>
        %add3A_4860 = arith.constant 16 : i32
        %add3A_4861 = vector.broadcast %add3A_4860 : i32 to vector<16xi32>
        %add3A_4862 = arith.addi %and3A_4856, %add3A_4861 : vector<16xi32>
        %select_n3A_4863 = arith.select %lt3A_4859, %add3A_4862, %and3A_4856 : vector<16xi1>, vector<16xi32>
        %broadcast_in_dim3A_4864 = vector.shape_cast %select_n3A_4863 : vector<16xi32> to vector<16x1xi32>
        %gather3A_4865 = vector.shape_cast %broadcast_in_dim3A_4864 : vector<16x1xi32> to vector<16xi32>
        %gather3A_4866 = tpu.dynamic_gather %max3A_4850[%gather3A_4865] in [0] : vector<16xf32>, vector<16xi32> -> vector<16xf32>
        %max3A_4867 = arith.maximumf %max3A_4850, %gather3A_4866 : vector<16xf32>
        %add3A_4868 = arith.constant 1 : i32
        %add3A_4869 = vector.broadcast %add3A_4868 : i32 to vector<16xi32>
        %add3A_4870 = arith.addi %iota3A, %add3A_4869 : vector<16xi32>
        %and3A_4871 = arith.constant 15 : i32
        %and3A_4872 = vector.broadcast %and3A_4871 : i32 to vector<16xi32>
        %and3A_4873 = arith.andi %add3A_4870, %and3A_4872 : vector<16xi32>
        %lt3A_4874 = arith.constant 0 : i32
        %lt3A_4875 = vector.broadcast %lt3A_4874 : i32 to vector<16xi32>
        %lt3A_4876 = arith.cmpi slt, %and3A_4873, %lt3A_4875 : vector<16xi32>
        %add3A_4877 = arith.constant 16 : i32
        %add3A_4878 = vector.broadcast %add3A_4877 : i32 to vector<16xi32>
        %add3A_4879 = arith.addi %and3A_4873, %add3A_4878 : vector<16xi32>
        %select_n3A_4880 = arith.select %lt3A_4876, %add3A_4879, %and3A_4873 : vector<16xi1>, vector<16xi32>
        %broadcast_in_dim3A_4881 = vector.shape_cast %select_n3A_4880 : vector<16xi32> to vector<16x1xi32>
        %gather3A_4882 = vector.shape_cast %broadcast_in_dim3A_4881 : vector<16x1xi32> to vector<16xi32>
        %gather3A_4883 = tpu.dynamic_gather %max3A_4867[%gather3A_4882] in [0] : vector<16xf32>, vector<16xi32> -> vector<16xf32>
        %max3A_4884 = arith.maximumf %max3A_4867, %gather3A_4883 : vector<16xf32>
        %broadcast_in_dim3A_4885 = arith.constant 1024 : i32
        %broadcast_in_dim3A_4886 = vector.broadcast %broadcast_in_dim3A_4885 : i32 to vector<16xi32>
        %eq3A_4887 = arith.cmpf oeq, %scan3A_4810, %max3A_4884 : vector<16xf32>
        %all_reduce_ffs3A = tpu.all_reduce %eq3A_4887 {dim = 0 : i64, kind = #tpu.reduction_kind<find_first_set>} : vector<16xi1> -> vector<16xi32>
        %lt3A_4888 = arith.constant 16 : i32
        %lt3A_4889 = vector.broadcast %lt3A_4888 : i32 to vector<16xi32>
        %lt3A_4890 = arith.cmpi slt, %all_reduce_ffs3A, %lt3A_4889 : vector<16xi32>
        %add3A_4891 = arith.constant 0 : i32
        %add3A_4892 = vector.broadcast %add3A_4891 : i32 to vector<16xi32>
        %add3A_4893 = arith.addi %all_reduce_ffs3A, %add3A_4892 : vector<16xi32>
        %jit3A = arith.constant 1024 : i32
        %broadcast_in_dim3A_4894 = vector.broadcast %jit3A : i32 to vector<16xi32>
        %select_n3A_4895 = arith.select %lt3A_4890, %add3A_4893, %broadcast_in_dim3A_4894 : vector<16xi1>, vector<16xi32>
        %min3A = arith.minsi %broadcast_in_dim3A_4886, %select_n3A_4895 : vector<16xi32>
        %eq3A_4896 = arith.cmpf oeq, %scan3A_4811, %max3A_4884 : vector<16xf32>
        %all_reduce_ffs3A_4897 = tpu.all_reduce %eq3A_4896 {dim = 0 : i64, kind = #tpu.reduction_kind<find_first_set>} : vector<16xi1> -> vector<16xi32>
        %lt3A_4898 = arith.constant 16 : i32
        %lt3A_4899 = vector.broadcast %lt3A_4898 : i32 to vector<16xi32>
        %lt3A_4900 = arith.cmpi slt, %all_reduce_ffs3A_4897, %lt3A_4899 : vector<16xi32>
        %add3A_4901 = arith.constant 16 : i32
        %add3A_4902 = vector.broadcast %add3A_4901 : i32 to vector<16xi32>
        %add3A_4903 = arith.addi %all_reduce_ffs3A_4897, %add3A_4902 : vector<16xi32>
        %jit3A_4904 = arith.constant 1024 : i32
        %broadcast_in_dim3A_4905 = vector.broadcast %jit3A_4904 : i32 to vector<16xi32>
        %select_n3A_4906 = arith.select %lt3A_4900, %add3A_4903, %broadcast_in_dim3A_4905 : vector<16xi1>, vector<16xi32>
        %min3A_4907 = arith.minsi %min3A, %select_n3A_4906 : vector<16xi32>
        %eq3A_4908 = arith.cmpf oeq, %scan3A_4812, %max3A_4884 : vector<16xf32>
        %all_reduce_ffs3A_4909 = tpu.all_reduce %eq3A_4908 {dim = 0 : i64, kind = #tpu.reduction_kind<find_first_set>} : vector<16xi1> -> vector<16xi32>
        %lt3A_4910 = arith.constant 16 : i32
        %lt3A_4911 = vector.broadcast %lt3A_4910 : i32 to vector<16xi32>
        %lt3A_4912 = arith.cmpi slt, %all_reduce_ffs3A_4909, %lt3A_4911 : vector<16xi32>
        %add3A_4913 = arith.constant 32 : i32
        %add3A_4914 = vector.broadcast %add3A_4913 : i32 to vector<16xi32>
        %add3A_4915 = arith.addi %all_reduce_ffs3A_4909, %add3A_4914 : vector<16xi32>
        %jit3A_4916 = arith.constant 1024 : i32
        %broadcast_in_dim3A_4917 = vector.broadcast %jit3A_4916 : i32 to vector<16xi32>
        %select_n3A_4918 = arith.select %lt3A_4912, %add3A_4915, %broadcast_in_dim3A_4917 : vector<16xi1>, vector<16xi32>
        %min3A_4919 = arith.minsi %min3A_4907, %select_n3A_4918 : vector<16xi32>
        %eq3A_4920 = arith.cmpf oeq, %scan3A_4813, %max3A_4884 : vector<16xf32>
        %all_reduce_ffs3A_4921 = tpu.all_reduce %eq3A_4920 {dim = 0 : i64, kind = #tpu.reduction_kind<find_first_set>} : vector<16xi1> -> vector<16xi32>
        %lt3A_4922 = arith.constant 16 : i32
        %lt3A_4923 = vector.broadcast %lt3A_4922 : i32 to vector<16xi32>
        %lt3A_4924 = arith.cmpi slt, %all_reduce_ffs3A_4921, %lt3A_4923 : vector<16xi32>
        %add3A_4925 = arith.constant 48 : i32
        %add3A_4926 = vector.broadcast %add3A_4925 : i32 to vector<16xi32>
        %add3A_4927 = arith.addi %all_reduce_ffs3A_4921, %add3A_4926 : vector<16xi32>
        %jit3A_4928 = arith.constant 1024 : i32
        %broadcast_in_dim3A_4929 = vector.broadcast %jit3A_4928 : i32 to vector<16xi32>
        %select_n3A_4930 = arith.select %lt3A_4924, %add3A_4927, %broadcast_in_dim3A_4929 : vector<16xi1>, vector<16xi32>
        %min3A_4931 = arith.minsi %min3A_4919, %select_n3A_4930 : vector<16xi32>
        %mul3A_4932 = arith.constant 16 : i32
        %mul3A_4933 = vector.broadcast %mul3A_4932 : i32 to vector<16xi32>
        %mul3A_4934 = arith.muli %min3A_4931, %mul3A_4933 : vector<16xi32>
        %add3A_4935 = arith.addi %mul3A_4934, %iota3A : vector<16xi32>
        %gather3A_4936 = tpu.vector_load_idx %arg9[%add3A_4935] : memref<1024xf32, #tpu.memory_space<vmem>>[vector<16xi32>], vector<16xf32>,
        %eq3A_4937 = arith.cmpf oeq, %gather3A_4936, %max3A_4884 : vector<16xf32>
        %all_reduce_ffs3A_4938 = tpu.all_reduce %eq3A_4937 {dim = 0 : i64, kind = #tpu.reduction_kind<find_first_set>} : vector<16xi1> -> vector<16xi32>
        %mul3A_4939 = arith.constant 16 : i32
        %mul3A_4940 = vector.broadcast %mul3A_4939 : i32 to vector<16xi32>
        %mul3A_4941 = arith.muli %min3A_4931, %mul3A_4940 : vector<16xi32>
        %add3A_4942 = arith.addi %mul3A_4941, %all_reduce_ffs3A_4938 : vector<16xi32>
        %gather3A_4943 = tpu.vector_load_idx %arg10[%add3A_4942] : memref<1024xi32, #tpu.memory_space<vmem>>[vector<16xi32>], vector<16xi32>,
        %broadcast_in_dim3A_4944 = vector.broadcast %scan3A_4809 : i32 to vector<16xi32>
        %eq3A_4945 = arith.constant 0 : i32
        %eq3A_4946 = vector.broadcast %eq3A_4945 : i32 to vector<16xi32>
        %eq3A_4947 = arith.cmpi eq, %iota3A, %eq3A_4946 : vector<16xi32>
        tpu.vector_store_idx %arg11[%broadcast_in_dim3A_4944], %gather3A_4943 masked %eq3A_4947 : memref<24xi32, #tpu.memory_space<vmem>>[vector<16xi32>], vector<16xi32>, vector<16xi1>
        %eq3A_4948 = arith.cmpi eq, %iota3A, %all_reduce_ffs3A_4938 : vector<16xi32>
        %broadcast_in_dim3A_4949 = vector.broadcast %scan3A : f32 to vector<16xf32>
        %select_n3A_4950 = arith.select %eq3A_4948, %broadcast_in_dim3A_4949, %gather3A_4936 : vector<16xi1>, vector<16xf32>
        tpu.vector_store_idx %arg9[%add3A_4935], %select_n3A_4950 : memref<1024xf32, #tpu.memory_space<vmem>>[vector<16xi32>], vector<16xf32>,
        %add3A_4951 = arith.constant 8 : i32
        %add3A_4952 = vector.broadcast %add3A_4951 : i32 to vector<16xi32>
        %add3A_4953 = arith.addi %iota3A, %add3A_4952 : vector<16xi32>
        %and3A_4954 = arith.constant 15 : i32
        %and3A_4955 = vector.broadcast %and3A_4954 : i32 to vector<16xi32>
        %and3A_4956 = arith.andi %add3A_4953, %and3A_4955 : vector<16xi32>
        %lt3A_4957 = arith.constant 0 : i32
        %lt3A_4958 = vector.broadcast %lt3A_4957 : i32 to vector<16xi32>
        %lt3A_4959 = arith.cmpi slt, %and3A_4956, %lt3A_4958 : vector<16xi32>
        %add3A_4960 = arith.constant 16 : i32
        %add3A_4961 = vector.broadcast %add3A_4960 : i32 to vector<16xi32>
        %add3A_4962 = arith.addi %and3A_4956, %add3A_4961 : vector<16xi32>
        %select_n3A_4963 = arith.select %lt3A_4959, %add3A_4962, %and3A_4956 : vector<16xi1>, vector<16xi32>
        %broadcast_in_dim3A_4964 = vector.shape_cast %select_n3A_4963 : vector<16xi32> to vector<16x1xi32>
        %gather3A_4965 = vector.shape_cast %broadcast_in_dim3A_4964 : vector<16x1xi32> to vector<16xi32>
        %gather3A_4966 = tpu.dynamic_gather %select_n3A_4950[%gather3A_4965] in [0] : vector<16xf32>, vector<16xi32> -> vector<16xf32>
        %max3A_4967 = arith.maximumf %select_n3A_4950, %gather3A_4966 : vector<16xf32>
        %add3A_4968 = arith.constant 4 : i32
        %add3A_4969 = vector.broadcast %add3A_4968 : i32 to vector<16xi32>
        %add3A_4970 = arith.addi %iota3A, %add3A_4969 : vector<16xi32>
        %and3A_4971 = arith.constant 15 : i32
        %and3A_4972 = vector.broadcast %and3A_4971 : i32 to vector<16xi32>
        %and3A_4973 = arith.andi %add3A_4970, %and3A_4972 : vector<16xi32>
        %lt3A_4974 = arith.constant 0 : i32
        %lt3A_4975 = vector.broadcast %lt3A_4974 : i32 to vector<16xi32>
        %lt3A_4976 = arith.cmpi slt, %and3A_4973, %lt3A_4975 : vector<16xi32>
        %add3A_4977 = arith.constant 16 : i32
        %add3A_4978 = vector.broadcast %add3A_4977 : i32 to vector<16xi32>
        %add3A_4979 = arith.addi %and3A_4973, %add3A_4978 : vector<16xi32>
        %select_n3A_4980 = arith.select %lt3A_4976, %add3A_4979, %and3A_4973 : vector<16xi1>, vector<16xi32>
        %broadcast_in_dim3A_4981 = vector.shape_cast %select_n3A_4980 : vector<16xi32> to vector<16x1xi32>
        %gather3A_4982 = vector.shape_cast %broadcast_in_dim3A_4981 : vector<16x1xi32> to vector<16xi32>
        %gather3A_4983 = tpu.dynamic_gather %max3A_4967[%gather3A_4982] in [0] : vector<16xf32>, vector<16xi32> -> vector<16xf32>
        %max3A_4984 = arith.maximumf %max3A_4967, %gather3A_4983 : vector<16xf32>
        %add3A_4985 = arith.constant 2 : i32
        %add3A_4986 = vector.broadcast %add3A_4985 : i32 to vector<16xi32>
        %add3A_4987 = arith.addi %iota3A, %add3A_4986 : vector<16xi32>
        %and3A_4988 = arith.constant 15 : i32
        %and3A_4989 = vector.broadcast %and3A_4988 : i32 to vector<16xi32>
        %and3A_4990 = arith.andi %add3A_4987, %and3A_4989 : vector<16xi32>
        %lt3A_4991 = arith.constant 0 : i32
        %lt3A_4992 = vector.broadcast %lt3A_4991 : i32 to vector<16xi32>
        %lt3A_4993 = arith.cmpi slt, %and3A_4990, %lt3A_4992 : vector<16xi32>
        %add3A_4994 = arith.constant 16 : i32
        %add3A_4995 = vector.broadcast %add3A_4994 : i32 to vector<16xi32>
        %add3A_4996 = arith.addi %and3A_4990, %add3A_4995 : vector<16xi32>
        %select_n3A_4997 = arith.select %lt3A_4993, %add3A_4996, %and3A_4990 : vector<16xi1>, vector<16xi32>
        %broadcast_in_dim3A_4998 = vector.shape_cast %select_n3A_4997 : vector<16xi32> to vector<16x1xi32>
        %gather3A_4999 = vector.shape_cast %broadcast_in_dim3A_4998 : vector<16x1xi32> to vector<16xi32>
        %gather3A_5000 = tpu.dynamic_gather %max3A_4984[%gather3A_4999] in [0] : vector<16xf32>, vector<16xi32> -> vector<16xf32>
        %max3A_5001 = arith.maximumf %max3A_4984, %gather3A_5000 : vector<16xf32>
        %add3A_5002 = arith.constant 1 : i32
        %add3A_5003 = vector.broadcast %add3A_5002 : i32 to vector<16xi32>
        %add3A_5004 = arith.addi %iota3A, %add3A_5003 : vector<16xi32>
        %and3A_5005 = arith.constant 15 : i32
        %and3A_5006 = vector.broadcast %and3A_5005 : i32 to vector<16xi32>
        %and3A_5007 = arith.andi %add3A_5004, %and3A_5006 : vector<16xi32>
        %lt3A_5008 = arith.constant 0 : i32
        %lt3A_5009 = vector.broadcast %lt3A_5008 : i32 to vector<16xi32>
        %lt3A_5010 = arith.cmpi slt, %and3A_5007, %lt3A_5009 : vector<16xi32>
        %add3A_5011 = arith.constant 16 : i32
        %add3A_5012 = vector.broadcast %add3A_5011 : i32 to vector<16xi32>
        %add3A_5013 = arith.addi %and3A_5007, %add3A_5012 : vector<16xi32>
        %select_n3A_5014 = arith.select %lt3A_5010, %add3A_5013, %and3A_5007 : vector<16xi1>, vector<16xi32>
        %broadcast_in_dim3A_5015 = vector.shape_cast %select_n3A_5014 : vector<16xi32> to vector<16x1xi32>
        %gather3A_5016 = vector.shape_cast %broadcast_in_dim3A_5015 : vector<16x1xi32> to vector<16xi32>
        %gather3A_5017 = tpu.dynamic_gather %max3A_5001[%gather3A_5016] in [0] : vector<16xf32>, vector<16xi32> -> vector<16xf32>
        %max3A_5018 = arith.maximumf %max3A_5001, %gather3A_5017 : vector<16xf32>
        %ge3A = arith.constant 0 : i32
        %ge3A_5019 = vector.broadcast %ge3A : i32 to vector<16xi32>
        %ge3A_5020 = arith.cmpi sge, %min3A_4931, %ge3A_5019 : vector<16xi32>
        %lt3A_5021 = arith.constant 16 : i32
        %lt3A_5022 = vector.broadcast %lt3A_5021 : i32 to vector<16xi32>
        %lt3A_5023 = arith.cmpi slt, %min3A_4931, %lt3A_5022 : vector<16xi32>
        %and3A_5024 = arith.andi %ge3A_5020, %lt3A_5023 : vector<16xi1>
        %sub3A = arith.constant 0 : i32
        %sub3A_5025 = vector.broadcast %sub3A : i32 to vector<16xi32>
        %sub3A_5026 = arith.subi %min3A_4931, %sub3A_5025 : vector<16xi32>
        %eq3A_5027 = arith.cmpi eq, %iota3A, %sub3A_5026 : vector<16xi32>
        %and3A_5028 = arith.andi %and3A_5024, %eq3A_5027 : vector<16xi1>
        %select_n3A_5029 = arith.select %and3A_5028, %max3A_5018, %scan3A_4810 : vector<16xi1>, vector<16xf32>
        %ge3A_5030 = arith.constant 16 : i32
        %ge3A_5031 = vector.broadcast %ge3A_5030 : i32 to vector<16xi32>
        %ge3A_5032 = arith.cmpi sge, %min3A_4931, %ge3A_5031 : vector<16xi32>
        %lt3A_5033 = arith.constant 32 : i32
        %lt3A_5034 = vector.broadcast %lt3A_5033 : i32 to vector<16xi32>
        %lt3A_5035 = arith.cmpi slt, %min3A_4931, %lt3A_5034 : vector<16xi32>
        %and3A_5036 = arith.andi %ge3A_5032, %lt3A_5035 : vector<16xi1>
        %sub3A_5037 = arith.constant 16 : i32
        %sub3A_5038 = vector.broadcast %sub3A_5037 : i32 to vector<16xi32>
        %sub3A_5039 = arith.subi %min3A_4931, %sub3A_5038 : vector<16xi32>
        %eq3A_5040 = arith.cmpi eq, %iota3A, %sub3A_5039 : vector<16xi32>
        %and3A_5041 = arith.andi %and3A_5036, %eq3A_5040 : vector<16xi1>
        %select_n3A_5042 = arith.select %and3A_5041, %max3A_5018, %scan3A_4811 : vector<16xi1>, vector<16xf32>
        %ge3A_5043 = arith.constant 32 : i32
        %ge3A_5044 = vector.broadcast %ge3A_5043 : i32 to vector<16xi32>
        %ge3A_5045 = arith.cmpi sge, %min3A_4931, %ge3A_5044 : vector<16xi32>
        %lt3A_5046 = arith.constant 48 : i32
        %lt3A_5047 = vector.broadcast %lt3A_5046 : i32 to vector<16xi32>
        %lt3A_5048 = arith.cmpi slt, %min3A_4931, %lt3A_5047 : vector<16xi32>
        %and3A_5049 = arith.andi %ge3A_5045, %lt3A_5048 : vector<16xi1>
        %sub3A_5050 = arith.constant 32 : i32
        %sub3A_5051 = vector.broadcast %sub3A_5050 : i32 to vector<16xi32>
        %sub3A_5052 = arith.subi %min3A_4931, %sub3A_5051 : vector<16xi32>
        %eq3A_5053 = arith.cmpi eq, %iota3A, %sub3A_5052 : vector<16xi32>
        %and3A_5054 = arith.andi %and3A_5049, %eq3A_5053 : vector<16xi1>
        %select_n3A_5055 = arith.select %and3A_5054, %max3A_5018, %scan3A_4812 : vector<16xi1>, vector<16xf32>
        %ge3A_5056 = arith.constant 48 : i32
        %ge3A_5057 = vector.broadcast %ge3A_5056 : i32 to vector<16xi32>
        %ge3A_5058 = arith.cmpi sge, %min3A_4931, %ge3A_5057 : vector<16xi32>
        %lt3A_5059 = arith.constant 64 : i32
        %lt3A_5060 = vector.broadcast %lt3A_5059 : i32 to vector<16xi32>
        %lt3A_5061 = arith.cmpi slt, %min3A_4931, %lt3A_5060 : vector<16xi32>
        %and3A_5062 = arith.andi %ge3A_5058, %lt3A_5061 : vector<16xi1>
        %sub3A_5063 = arith.constant 48 : i32
        %sub3A_5064 = vector.broadcast %sub3A_5063 : i32 to vector<16xi32>
        %sub3A_5065 = arith.subi %min3A_4931, %sub3A_5064 : vector<16xi32>
        %eq3A_5066 = arith.cmpi eq, %iota3A, %sub3A_5065 : vector<16xi32>
        %and3A_5067 = arith.andi %and3A_5062, %eq3A_5066 : vector<16xi1>
        %select_n3A_5068 = arith.select %and3A_5067, %max3A_5018, %scan3A_4813 : vector<16xi1>, vector<16xf32>
        scf.yield %select_n3A_5029, %select_n3A_5042, %select_n3A_5055, %select_n3A_5068 : vector<16xf32>, vector<16xf32>, vector<16xf32>, vector<16xf32>
      }
      %scan3A_4792 = arith.constant 24 : i32
      %dma_start3A = arith.constant 0 : i32
      %dma_start3A_4793 = arith.constant 0 : i32
      %dma_start3A_4794 = tpu.memref_slice %arg4[%dma_start3A, %dma_start3A_4793] : memref<100000x512xf32, #tpu.memory_space<hbm>> -> memref<100000x512xf32, #tpu.memory_space<hbm>>
      tpu.enqueue_indirect_dma source(%dma_start3A_4794 : memref<100000x512xf32, #tpu.memory_space<hbm>>) target(%arg12 : memref<24x512xf32, #tpu.memory_space<vmem>>) offsets(%arg11 : memref<24xi32, #tpu.memory_space<vmem>>) semaphore(%arg14 : memref<!tpu.dma_semaphore, #tpu.memory_space<semaphore_mem>>)
      %dma_wait3A = arith.constant 0 : i32
      %dma_wait3A_4795 = arith.constant 0 : i32
      %dma_wait3A_4796 = tpu.memref_slice %arg4[%dma_wait3A, %dma_wait3A_4795] : memref<100000x512xf32, #tpu.memory_space<hbm>> -> memref<100000x512xf32, #tpu.memory_space<hbm>>
      tpu.wait_indirect_dma semaphore(%arg14 : memref<!tpu.dma_semaphore, #tpu.memory_space<semaphore_mem>>) src(%dma_wait3A_4796 : memref<100000x512xf32, #tpu.memory_space<hbm>>) dst(%arg12 : memref<24x512xf32, #tpu.memory_space<vmem>>)
      %dma_start3A_4797 = arith.constant 0 : i32
      %dma_start3A_4798 = arith.constant 0 : i32
      %dma_start3A_4799 = tpu.memref_slice %arg5[%dma_start3A_4797, %dma_start3A_4798] : memref<100000x768xf32, #tpu.memory_space<hbm>> -> memref<100000x768xf32, #tpu.memory_space<hbm>>
      tpu.enqueue_indirect_dma source(%dma_start3A_4799 : memref<100000x768xf32, #tpu.memory_space<hbm>>) target(%arg13 : memref<24x768xf32, #tpu.memory_space<vmem>>) offsets(%arg11 : memref<24xi32, #tpu.memory_space<vmem>>) semaphore(%arg14 : memref<!tpu.dma_semaphore, #tpu.memory_space<semaphore_mem>>)
      %dma_wait3A_4800 = arith.constant 0 : i32
      %dma_wait3A_4801 = arith.constant 0 : i32
      %dma_wait3A_4802 = tpu.memref_slice %arg5[%dma_wait3A_4800, %dma_wait3A_4801] : memref<100000x768xf32, #tpu.memory_space<hbm>> -> memref<100000x768xf32, #tpu.memory_space<hbm>>
      tpu.wait_indirect_dma semaphore(%arg14 : memref<!tpu.dma_semaphore, #tpu.memory_space<semaphore_mem>>) src(%dma_wait3A_4802 : memref<100000x768xf32, #tpu.memory_space<hbm>>) dst(%arg13 : memref<24x768xf32, #tpu.memory_space<vmem>>)
      %mul3A_4803 = arith.constant 24 : i32
      %mul3A_4804 = arith.muli %add3A, %mul3A_4803 : i32
      "tpu.region"() ({
        %run_scoped3A_4809 = tpu.sem_alloc : memref<!tpu.dma_semaphore, #tpu.memory_space<semaphore_mem>>
        %dma_start3A_4810 = tpu.memref_slice %arg6[%mul3A_4804] : memref<384xi32, #tpu.memory_space<hbm>> -> memref<24xi32, #tpu.memory_space<hbm>>
        %dma_start3A_4811 = tpu.memref_slice %arg6[%mul3A_4804] : memref<384xi32, #tpu.memory_space<hbm>> -> memref<24xi32, #tpu.memory_space<hbm>>
        tpu.enqueue_dma source(%arg11 : memref<24xi32, #tpu.memory_space<vmem>>) target(%dma_start3A_4811 : memref<24xi32, #tpu.memory_space<hbm>>) target_semaphore(%run_scoped3A_4809 : memref<!tpu.dma_semaphore, #tpu.memory_space<semaphore_mem>>)
        %dma_wait3A_4812 = tpu.memref_slice %arg6[%mul3A_4804] : memref<384xi32, #tpu.memory_space<hbm>> -> memref<24xi32, #tpu.memory_space<hbm>>
        %dma_wait3A_4813 = tpu.memref_slice %arg6[%mul3A_4804] : memref<384xi32, #tpu.memory_space<hbm>> -> memref<24xi32, #tpu.memory_space<hbm>>
        tpu.wait_dma2 semaphore(%run_scoped3A_4809 : memref<!tpu.dma_semaphore, #tpu.memory_space<semaphore_mem>>) src(%arg11 : memref<24xi32, #tpu.memory_space<vmem>>) dst(%dma_wait3A_4813 : memref<24xi32, #tpu.memory_space<hbm>>)
        tpu.yield
      }) : () -> ()
      %mul3A_4805 = arith.constant 24 : i32
      %mul3A_4806 = arith.muli %add3A, %mul3A_4805 : i32
      "tpu.region"() ({
        %run_scoped3A_4809 = tpu.sem_alloc : memref<!tpu.dma_semaphore, #tpu.memory_space<semaphore_mem>>
        %dma_start3A_4810 = arith.constant 0 : i32
        %dma_start3A_4811 = tpu.memref_slice %arg7[%mul3A_4806, %dma_start3A_4810] : memref<384x512xf32, #tpu.memory_space<hbm>> -> memref<24x512xf32, #tpu.memory_space<hbm>>
        %dma_start3A_4812 = arith.constant 0 : i32
        %dma_start3A_4813 = tpu.memref_slice %arg7[%mul3A_4806, %dma_start3A_4812] : memref<384x512xf32, #tpu.memory_space<hbm>> -> memref<24x512xf32, #tpu.memory_space<hbm>>
        tpu.enqueue_dma source(%arg12 : memref<24x512xf32, #tpu.memory_space<vmem>>) target(%dma_start3A_4813 : memref<24x512xf32, #tpu.memory_space<hbm>>) target_semaphore(%run_scoped3A_4809 : memref<!tpu.dma_semaphore, #tpu.memory_space<semaphore_mem>>)
        %dma_wait3A_4814 = arith.constant 0 : i32
        %dma_wait3A_4815 = tpu.memref_slice %arg7[%mul3A_4806, %dma_wait3A_4814] : memref<384x512xf32, #tpu.memory_space<hbm>> -> memref<24x512xf32, #tpu.memory_space<hbm>>
        %dma_wait3A_4816 = arith.constant 0 : i32
        %dma_wait3A_4817 = tpu.memref_slice %arg7[%mul3A_4806, %dma_wait3A_4816] : memref<384x512xf32, #tpu.memory_space<hbm>> -> memref<24x512xf32, #tpu.memory_space<hbm>>
        tpu.wait_dma2 semaphore(%run_scoped3A_4809 : memref<!tpu.dma_semaphore, #tpu.memory_space<semaphore_mem>>) src(%arg12 : memref<24x512xf32, #tpu.memory_space<vmem>>) dst(%dma_wait3A_4817 : memref<24x512xf32, #tpu.memory_space<hbm>>)
        tpu.yield
      }) : () -> ()
      %mul3A_4807 = arith.constant 24 : i32
      %mul3A_4808 = arith.muli %add3A, %mul3A_4807 : i32
      "tpu.region"() ({
        %run_scoped3A_4809 = tpu.sem_alloc : memref<!tpu.dma_semaphore, #tpu.memory_space<semaphore_mem>>
        %dma_start3A_4810 = arith.constant 0 : i32
        %dma_start3A_4811 = tpu.memref_slice %arg8[%mul3A_4808, %dma_start3A_4810] : memref<384x768xf32, #tpu.memory_space<hbm>> -> memref<24x768xf32, #tpu.memory_space<hbm>>
        %dma_start3A_4812 = arith.constant 0 : i32
        %dma_start3A_4813 = tpu.memref_slice %arg8[%mul3A_4808, %dma_start3A_4812] : memref<384x768xf32, #tpu.memory_space<hbm>> -> memref<24x768xf32, #tpu.memory_space<hbm>>
        tpu.enqueue_dma source(%arg13 : memref<24x768xf32, #tpu.memory_space<vmem>>) target(%dma_start3A_4813 : memref<24x768xf32, #tpu.memory_space<hbm>>) target_semaphore(%run_scoped3A_4809 : memref<!tpu.dma_semaphore, #tpu.memory_space<semaphore_mem>>)
        %dma_wait3A_4814 = arith.constant 0 : i32
        %dma_wait3A_4815 = tpu.memref_slice %arg8[%mul3A_4808, %dma_wait3A_4814] : memref<384x768xf32, #tpu.memory_space<hbm>> -> memref<24x768xf32, #tpu.memory_space<hbm>>
        %dma_wait3A_4816 = arith.constant 0 : i32
        %dma_wait3A_4817 = tpu.memref_slice %arg8[%mul3A_4808, %dma_wait3A_4816] : memref<384x768xf32, #tpu.memory_space<hbm>> -> memref<24x768xf32, #tpu.memory_space<hbm>>
        tpu.wait_dma2 semaphore(%run_scoped3A_4809 : memref<!tpu.dma_semaphore, #tpu.memory_space<semaphore_mem>>) src(%arg13 : memref<24x768xf32, #tpu.memory_space<vmem>>) dst(%dma_wait3A_4817 : memref<24x768xf32, #tpu.memory_space<hbm>>)
        tpu.yield
      }) : () -> ()
    } else {
    }
    return
  }
}

module attributes {stable_mosaic.version = 14 : i64} {
  func.func @_scan_body(%arg0: i32, %arg1: memref<1x512xf32, #tpu.memory_space<vmem>>, %arg2: memref<4096x512xf32, #tpu.memory_space<vmem>>, %arg3: memref<8x2048xf32, #tpu.memory_space<vmem>>, %arg4: memref<8x2048xi32, #tpu.memory_space<vmem>>, %arg5: memref<8x2048xf32, #tpu.memory_space<vmem>>, %arg6: memref<8x2048xi32, #tpu.memory_space<vmem>>) attributes {dimension_semantics = [#tpu.dimension_semantics<arbitrary>], iteration_bounds = array<i64: 25>, scalar_prefetch = 0 : i64, scratch_operands = 2 : i64, tpu.core_type = #tpu.core_type<tc>, window_params = [{pipeline_mode = #tpu.pipeline_mode<synchronous>, transform_indices = @transform_0, window_bounds = array<i64: 1, 512>}, {transform_indices = @transform_1, window_bounds = array<i64: 4096, 512>}, {pipeline_mode = #tpu.pipeline_mode<synchronous>, transform_indices = @transform_2, window_bounds = array<i64: 8, 2048>}, {pipeline_mode = #tpu.pipeline_mode<synchronous>, transform_indices = @transform_3, window_bounds = array<i64: 8, 2048>}]} {
    %eq3A = arith.constant 0 : i32
    %eq3A_0 = arith.cmpi eq, %arg0, %eq3A : i32
    %convert_element_type3A = arith.extui %eq3A_0 : i1 to i32
    %cond3A = arith.constant 0 : i32
    %cond3A_1 = arith.cmpi ne, %convert_element_type3A, %cond3A : i32
    scf.if %cond3A_1 {
      %broadcast_in_dim3A_304 = arith.constant 0xFF800000 : f32
      %broadcast_in_dim3A_305 = vector.broadcast %broadcast_in_dim3A_304 : f32 to vector<8x2048xf32>
      %swap3A_306 = arith.constant 0 : index
      %swap3A_307 = arith.constant 0 : index
      %swap3A_308 = vector.load %arg5[%swap3A_306, %swap3A_307] : memref<8x2048xf32, #tpu.memory_space<vmem>>, vector<8x2048xf32>
      tpu.vector_store %arg5[%swap3A_306, %swap3A_307], %broadcast_in_dim3A_305 {strides = array<i32>} : memref<8x2048xf32, #tpu.memory_space<vmem>>, vector<8x2048xf32>,
      %broadcast_in_dim3A_309 = arith.constant 0 : i32
      %broadcast_in_dim3A_310 = vector.broadcast %broadcast_in_dim3A_309 : i32 to vector<8x2048xi32>
      %swap3A_311 = arith.constant 0 : index
      %swap3A_312 = arith.constant 0 : index
      %swap3A_313 = vector.load %arg6[%swap3A_311, %swap3A_312] : memref<8x2048xi32, #tpu.memory_space<vmem>>, vector<8x2048xi32>
      tpu.vector_store %arg6[%swap3A_311, %swap3A_312], %broadcast_in_dim3A_310 {strides = array<i32>} : memref<8x2048xi32, #tpu.memory_space<vmem>>, vector<8x2048xi32>,
    } else {
    }
    %get3A = arith.constant 0 : index
    %get3A_2 = arith.constant 0 : index
    %get3A_3 = vector.load %arg2[%get3A, %get3A_2] : memref<4096x512xf32, #tpu.memory_space<vmem>>, vector<4096x512xf32>
    %convert_element_type3A_4 = arith.truncf %get3A_3 : vector<4096x512xf32> to vector<4096x512xbf16>
    %get3A_5 = arith.constant 0 : index
    %get3A_6 = arith.constant 0 : index
    %get3A_7 = vector.load %arg1[%get3A_5, %get3A_6] : memref<1x512xf32, #tpu.memory_space<vmem>>, vector<1x512xf32>
    %convert_element_type3A_8 = arith.truncf %get3A_7 : vector<1x512xf32> to vector<1x512xbf16>
    %dot_general3A = arith.constant dense<0.000000e+00> : vector<1x4096xf32>
    %dot_general3A_9 = tpu.matmul %convert_element_type3A_8, %convert_element_type3A_4, %dot_general3A {dimension_numbers = #tpu.dot_dimension_numbers<[1], [1], [0], [0], [0, 0, 1, 0], [], []>, transpose_lhs_hint = false} : vector<1x512xbf16>, vector<4096x512xbf16>, vector<1x4096xf32> -> vector<1x4096xf32>
    %broadcast_in_dim3A = arith.constant 1.000000e+00 : bf16
    %broadcast_in_dim3A_10 = vector.broadcast %broadcast_in_dim3A : bf16 to vector<1x512xbf16>
    %mul3A = arith.mulf %convert_element_type3A_4, %convert_element_type3A_4 : vector<4096x512xbf16>
    %dot_general3A_11 = arith.constant dense<0.000000e+00> : vector<1x4096xf32>
    %dot_general3A_12 = tpu.matmul %broadcast_in_dim3A_10, %mul3A, %dot_general3A_11 {dimension_numbers = #tpu.dot_dimension_numbers<[1], [1], [0], [0], [0, 0, 1, 0], [], []>, transpose_lhs_hint = false} : vector<1x512xbf16>, vector<4096x512xbf16>, vector<1x4096xf32> -> vector<1x4096xf32>
    %sqrt3A = math.sqrt %dot_general3A_12 : vector<1x4096xf32>
    %add3A = arith.constant 9.99999993E-9 : f32
    %add3A_13 = vector.broadcast %add3A : f32 to vector<1x4096xf32>
    %add3A_14 = arith.addf %sqrt3A, %add3A_13 : vector<1x4096xf32>
    %div3A = arith.divf %dot_general3A_9, %add3A_14 : vector<1x4096xf32>
    %iota3A = tpu.iota {dimensions = array<i32: 1>} : vector<1x4096xi32>
    %mul3A_15 = arith.constant 4096 : i32
    %mul3A_16 = arith.muli %arg0, %mul3A_15 : i32
    %add3A_17 = vector.broadcast %mul3A_16 : i32 to vector<1x4096xi32>
    %add3A_18 = arith.addi %add3A_17, %iota3A : vector<1x4096xi32>
    %lt3A = arith.constant 100000 : i32
    %lt3A_19 = vector.broadcast %lt3A : i32 to vector<1x4096xi32>
    %lt3A_20 = arith.cmpi slt, %add3A_18, %lt3A_19 : vector<1x4096xi32>
    %jit3A = arith.constant 0xFF800000 : f32
    %broadcast_in_dim3A_21 = vector.broadcast %jit3A : f32 to vector<1x4096xf32>
    %select_n3A = arith.select %lt3A_20, %div3A, %broadcast_in_dim3A_21 : vector<1x4096xi1>, vector<1x4096xf32>
    %slice3A = vector.extract_strided_slice %select_n3A {offsets = [0, 0], sizes = [1, 2048], strides = [1, 1]} : vector<1x4096xf32> to vector<1x2048xf32>
    %mul3A_22 = arith.constant 2 : i32
    %mul3A_23 = arith.muli %mul3A_22, %arg0 : i32
    %add3A_24 = arith.constant 0 : i32
    %add3A_25 = arith.addi %mul3A_23, %add3A_24 : i32
    %broadcast_in_dim3A_26 = vector.broadcast %add3A_25 : i32 to vector<1x2048xi32>
    %get3A_27 = arith.constant 0 : index
    %get3A_28 = arith.constant 0 : index
    %get3A_29 = vector.load %arg5[%get3A_27, %get3A_28] : memref<8x2048xf32, #tpu.memory_space<vmem>>, vector<1x2048xf32>
    %get3A_30 = arith.constant 0 : index
    %get3A_31 = arith.constant 0 : index
    %get3A_32 = vector.load %arg6[%get3A_30, %get3A_31] : memref<8x2048xi32, #tpu.memory_space<vmem>>, vector<1x2048xi32>
    %gt3A = arith.cmpf ogt, %slice3A, %get3A_29 : vector<1x2048xf32>
    %select_n3A_33 = arith.select %gt3A, %slice3A, %get3A_29 : vector<1x2048xi1>, vector<1x2048xf32>
    %swap3A = arith.constant 0 : index
    %swap3A_34 = arith.constant 0 : index
    %swap3A_35 = vector.load %arg5[%swap3A, %swap3A_34] : memref<8x2048xf32, #tpu.memory_space<vmem>>, vector<1x2048xf32>
    tpu.vector_store %arg5[%swap3A, %swap3A_34], %select_n3A_33 {strides = array<i32>} : memref<8x2048xf32, #tpu.memory_space<vmem>>, vector<1x2048xf32>,
    %select_n3A_36 = arith.select %gt3A, %broadcast_in_dim3A_26, %get3A_32 : vector<1x2048xi1>, vector<1x2048xi32>
    %swap3A_37 = arith.constant 0 : index
    %swap3A_38 = arith.constant 0 : index
    %swap3A_39 = vector.load %arg6[%swap3A_37, %swap3A_38] : memref<8x2048xi32, #tpu.memory_space<vmem>>, vector<1x2048xi32>
    tpu.vector_store %arg6[%swap3A_37, %swap3A_38], %select_n3A_36 {strides = array<i32>} : memref<8x2048xi32, #tpu.memory_space<vmem>>, vector<1x2048xi32>,
    %select_n3A_40 = arith.select %gt3A, %get3A_29, %slice3A : vector<1x2048xi1>, vector<1x2048xf32>
    %select_n3A_41 = arith.select %gt3A, %get3A_32, %broadcast_in_dim3A_26 : vector<1x2048xi1>, vector<1x2048xi32>
    %get3A_42 = arith.constant 1 : index
    %get3A_43 = arith.constant 0 : index
    %get3A_44 = vector.load %arg5[%get3A_42, %get3A_43] : memref<8x2048xf32, #tpu.memory_space<vmem>>, vector<1x2048xf32>
    %get3A_45 = arith.constant 1 : index
    %get3A_46 = arith.constant 0 : index
    %get3A_47 = vector.load %arg6[%get3A_45, %get3A_46] : memref<8x2048xi32, #tpu.memory_space<vmem>>, vector<1x2048xi32>
    %gt3A_48 = arith.cmpf ogt, %select_n3A_40, %get3A_44 : vector<1x2048xf32>
    %select_n3A_49 = arith.select %gt3A_48, %select_n3A_40, %get3A_44 : vector<1x2048xi1>, vector<1x2048xf32>
    %swap3A_50 = arith.constant 1 : index
    %swap3A_51 = arith.constant 0 : index
    %swap3A_52 = vector.load %arg5[%swap3A_50, %swap3A_51] : memref<8x2048xf32, #tpu.memory_space<vmem>>, vector<1x2048xf32>
    tpu.vector_store %arg5[%swap3A_50, %swap3A_51], %select_n3A_49 {strides = array<i32>} : memref<8x2048xf32, #tpu.memory_space<vmem>>, vector<1x2048xf32>,
    %select_n3A_53 = arith.select %gt3A_48, %select_n3A_41, %get3A_47 : vector<1x2048xi1>, vector<1x2048xi32>
    %swap3A_54 = arith.constant 1 : index
    %swap3A_55 = arith.constant 0 : index
    %swap3A_56 = vector.load %arg6[%swap3A_54, %swap3A_55] : memref<8x2048xi32, #tpu.memory_space<vmem>>, vector<1x2048xi32>
    tpu.vector_store %arg6[%swap3A_54, %swap3A_55], %select_n3A_53 {strides = array<i32>} : memref<8x2048xi32, #tpu.memory_space<vmem>>, vector<1x2048xi32>,
    %select_n3A_57 = arith.select %gt3A_48, %get3A_44, %select_n3A_40 : vector<1x2048xi1>, vector<1x2048xf32>
    %select_n3A_58 = arith.select %gt3A_48, %get3A_47, %select_n3A_41 : vector<1x2048xi1>, vector<1x2048xi32>
    %get3A_59 = arith.constant 2 : index
    %get3A_60 = arith.constant 0 : index
    %get3A_61 = vector.load %arg5[%get3A_59, %get3A_60] : memref<8x2048xf32, #tpu.memory_space<vmem>>, vector<1x2048xf32>
    %get3A_62 = arith.constant 2 : index
    %get3A_63 = arith.constant 0 : index
    %get3A_64 = vector.load %arg6[%get3A_62, %get3A_63] : memref<8x2048xi32, #tpu.memory_space<vmem>>, vector<1x2048xi32>
    %gt3A_65 = arith.cmpf ogt, %select_n3A_57, %get3A_61 : vector<1x2048xf32>
    %select_n3A_66 = arith.select %gt3A_65, %select_n3A_57, %get3A_61 : vector<1x2048xi1>, vector<1x2048xf32>
    %swap3A_67 = arith.constant 2 : index
    %swap3A_68 = arith.constant 0 : index
    %swap3A_69 = vector.load %arg5[%swap3A_67, %swap3A_68] : memref<8x2048xf32, #tpu.memory_space<vmem>>, vector<1x2048xf32>
    tpu.vector_store %arg5[%swap3A_67, %swap3A_68], %select_n3A_66 {strides = array<i32>} : memref<8x2048xf32, #tpu.memory_space<vmem>>, vector<1x2048xf32>,
    %select_n3A_70 = arith.select %gt3A_65, %select_n3A_58, %get3A_64 : vector<1x2048xi1>, vector<1x2048xi32>
    %swap3A_71 = arith.constant 2 : index
    %swap3A_72 = arith.constant 0 : index
    %swap3A_73 = vector.load %arg6[%swap3A_71, %swap3A_72] : memref<8x2048xi32, #tpu.memory_space<vmem>>, vector<1x2048xi32>
    tpu.vector_store %arg6[%swap3A_71, %swap3A_72], %select_n3A_70 {strides = array<i32>} : memref<8x2048xi32, #tpu.memory_space<vmem>>, vector<1x2048xi32>,
    %select_n3A_74 = arith.select %gt3A_65, %get3A_61, %select_n3A_57 : vector<1x2048xi1>, vector<1x2048xf32>
    %select_n3A_75 = arith.select %gt3A_65, %get3A_64, %select_n3A_58 : vector<1x2048xi1>, vector<1x2048xi32>
    %get3A_76 = arith.constant 3 : index
    %get3A_77 = arith.constant 0 : index
    %get3A_78 = vector.load %arg5[%get3A_76, %get3A_77] : memref<8x2048xf32, #tpu.memory_space<vmem>>, vector<1x2048xf32>
    %get3A_79 = arith.constant 3 : index
    %get3A_80 = arith.constant 0 : index
    %get3A_81 = vector.load %arg6[%get3A_79, %get3A_80] : memref<8x2048xi32, #tpu.memory_space<vmem>>, vector<1x2048xi32>
    %gt3A_82 = arith.cmpf ogt, %select_n3A_74, %get3A_78 : vector<1x2048xf32>
    %select_n3A_83 = arith.select %gt3A_82, %select_n3A_74, %get3A_78 : vector<1x2048xi1>, vector<1x2048xf32>
    %swap3A_84 = arith.constant 3 : index
    %swap3A_85 = arith.constant 0 : index
    %swap3A_86 = vector.load %arg5[%swap3A_84, %swap3A_85] : memref<8x2048xf32, #tpu.memory_space<vmem>>, vector<1x2048xf32>
    tpu.vector_store %arg5[%swap3A_84, %swap3A_85], %select_n3A_83 {strides = array<i32>} : memref<8x2048xf32, #tpu.memory_space<vmem>>, vector<1x2048xf32>,
    %select_n3A_87 = arith.select %gt3A_82, %select_n3A_75, %get3A_81 : vector<1x2048xi1>, vector<1x2048xi32>
    %swap3A_88 = arith.constant 3 : index
    %swap3A_89 = arith.constant 0 : index
    %swap3A_90 = vector.load %arg6[%swap3A_88, %swap3A_89] : memref<8x2048xi32, #tpu.memory_space<vmem>>, vector<1x2048xi32>
    tpu.vector_store %arg6[%swap3A_88, %swap3A_89], %select_n3A_87 {strides = array<i32>} : memref<8x2048xi32, #tpu.memory_space<vmem>>, vector<1x2048xi32>,
    %select_n3A_91 = arith.select %gt3A_82, %get3A_78, %select_n3A_74 : vector<1x2048xi1>, vector<1x2048xf32>
    %select_n3A_92 = arith.select %gt3A_82, %get3A_81, %select_n3A_75 : vector<1x2048xi1>, vector<1x2048xi32>
    %get3A_93 = arith.constant 4 : index
    %get3A_94 = arith.constant 0 : index
    %get3A_95 = vector.load %arg5[%get3A_93, %get3A_94] : memref<8x2048xf32, #tpu.memory_space<vmem>>, vector<1x2048xf32>
    %get3A_96 = arith.constant 4 : index
    %get3A_97 = arith.constant 0 : index
    %get3A_98 = vector.load %arg6[%get3A_96, %get3A_97] : memref<8x2048xi32, #tpu.memory_space<vmem>>, vector<1x2048xi32>
    %gt3A_99 = arith.cmpf ogt, %select_n3A_91, %get3A_95 : vector<1x2048xf32>
    %select_n3A_100 = arith.select %gt3A_99, %select_n3A_91, %get3A_95 : vector<1x2048xi1>, vector<1x2048xf32>
    %swap3A_101 = arith.constant 4 : index
    %swap3A_102 = arith.constant 0 : index
    %swap3A_103 = vector.load %arg5[%swap3A_101, %swap3A_102] : memref<8x2048xf32, #tpu.memory_space<vmem>>, vector<1x2048xf32>
    tpu.vector_store %arg5[%swap3A_101, %swap3A_102], %select_n3A_100 {strides = array<i32>} : memref<8x2048xf32, #tpu.memory_space<vmem>>, vector<1x2048xf32>,
    %select_n3A_104 = arith.select %gt3A_99, %select_n3A_92, %get3A_98 : vector<1x2048xi1>, vector<1x2048xi32>
    %swap3A_105 = arith.constant 4 : index
    %swap3A_106 = arith.constant 0 : index
    %swap3A_107 = vector.load %arg6[%swap3A_105, %swap3A_106] : memref<8x2048xi32, #tpu.memory_space<vmem>>, vector<1x2048xi32>
    tpu.vector_store %arg6[%swap3A_105, %swap3A_106], %select_n3A_104 {strides = array<i32>} : memref<8x2048xi32, #tpu.memory_space<vmem>>, vector<1x2048xi32>,
    %select_n3A_108 = arith.select %gt3A_99, %get3A_95, %select_n3A_91 : vector<1x2048xi1>, vector<1x2048xf32>
    %select_n3A_109 = arith.select %gt3A_99, %get3A_98, %select_n3A_92 : vector<1x2048xi1>, vector<1x2048xi32>
    %get3A_110 = arith.constant 5 : index
    %get3A_111 = arith.constant 0 : index
    %get3A_112 = vector.load %arg5[%get3A_110, %get3A_111] : memref<8x2048xf32, #tpu.memory_space<vmem>>, vector<1x2048xf32>
    %get3A_113 = arith.constant 5 : index
    %get3A_114 = arith.constant 0 : index
    %get3A_115 = vector.load %arg6[%get3A_113, %get3A_114] : memref<8x2048xi32, #tpu.memory_space<vmem>>, vector<1x2048xi32>
    %gt3A_116 = arith.cmpf ogt, %select_n3A_108, %get3A_112 : vector<1x2048xf32>
    %select_n3A_117 = arith.select %gt3A_116, %select_n3A_108, %get3A_112 : vector<1x2048xi1>, vector<1x2048xf32>
    %swap3A_118 = arith.constant 5 : index
    %swap3A_119 = arith.constant 0 : index
    %swap3A_120 = vector.load %arg5[%swap3A_118, %swap3A_119] : memref<8x2048xf32, #tpu.memory_space<vmem>>, vector<1x2048xf32>
    tpu.vector_store %arg5[%swap3A_118, %swap3A_119], %select_n3A_117 {strides = array<i32>} : memref<8x2048xf32, #tpu.memory_space<vmem>>, vector<1x2048xf32>,
    %select_n3A_121 = arith.select %gt3A_116, %select_n3A_109, %get3A_115 : vector<1x2048xi1>, vector<1x2048xi32>
    %swap3A_122 = arith.constant 5 : index
    %swap3A_123 = arith.constant 0 : index
    %swap3A_124 = vector.load %arg6[%swap3A_122, %swap3A_123] : memref<8x2048xi32, #tpu.memory_space<vmem>>, vector<1x2048xi32>
    tpu.vector_store %arg6[%swap3A_122, %swap3A_123], %select_n3A_121 {strides = array<i32>} : memref<8x2048xi32, #tpu.memory_space<vmem>>, vector<1x2048xi32>,
    %select_n3A_125 = arith.select %gt3A_116, %get3A_112, %select_n3A_108 : vector<1x2048xi1>, vector<1x2048xf32>
    %select_n3A_126 = arith.select %gt3A_116, %get3A_115, %select_n3A_109 : vector<1x2048xi1>, vector<1x2048xi32>
    %get3A_127 = arith.constant 6 : index
    %get3A_128 = arith.constant 0 : index
    %get3A_129 = vector.load %arg5[%get3A_127, %get3A_128] : memref<8x2048xf32, #tpu.memory_space<vmem>>, vector<1x2048xf32>
    %get3A_130 = arith.constant 6 : index
    %get3A_131 = arith.constant 0 : index
    %get3A_132 = vector.load %arg6[%get3A_130, %get3A_131] : memref<8x2048xi32, #tpu.memory_space<vmem>>, vector<1x2048xi32>
    %gt3A_133 = arith.cmpf ogt, %select_n3A_125, %get3A_129 : vector<1x2048xf32>
    %select_n3A_134 = arith.select %gt3A_133, %select_n3A_125, %get3A_129 : vector<1x2048xi1>, vector<1x2048xf32>
    %swap3A_135 = arith.constant 6 : index
    %swap3A_136 = arith.constant 0 : index
    %swap3A_137 = vector.load %arg5[%swap3A_135, %swap3A_136] : memref<8x2048xf32, #tpu.memory_space<vmem>>, vector<1x2048xf32>
    tpu.vector_store %arg5[%swap3A_135, %swap3A_136], %select_n3A_134 {strides = array<i32>} : memref<8x2048xf32, #tpu.memory_space<vmem>>, vector<1x2048xf32>,
    %select_n3A_138 = arith.select %gt3A_133, %select_n3A_126, %get3A_132 : vector<1x2048xi1>, vector<1x2048xi32>
    %swap3A_139 = arith.constant 6 : index
    %swap3A_140 = arith.constant 0 : index
    %swap3A_141 = vector.load %arg6[%swap3A_139, %swap3A_140] : memref<8x2048xi32, #tpu.memory_space<vmem>>, vector<1x2048xi32>
    tpu.vector_store %arg6[%swap3A_139, %swap3A_140], %select_n3A_138 {strides = array<i32>} : memref<8x2048xi32, #tpu.memory_space<vmem>>, vector<1x2048xi32>,
    %select_n3A_142 = arith.select %gt3A_133, %get3A_129, %select_n3A_125 : vector<1x2048xi1>, vector<1x2048xf32>
    %select_n3A_143 = arith.select %gt3A_133, %get3A_132, %select_n3A_126 : vector<1x2048xi1>, vector<1x2048xi32>
    %get3A_144 = arith.constant 7 : index
    %get3A_145 = arith.constant 0 : index
    %get3A_146 = vector.load %arg5[%get3A_144, %get3A_145] : memref<8x2048xf32, #tpu.memory_space<vmem>>, vector<1x2048xf32>
    %get3A_147 = arith.constant 7 : index
    %get3A_148 = arith.constant 0 : index
    %get3A_149 = vector.load %arg6[%get3A_147, %get3A_148] : memref<8x2048xi32, #tpu.memory_space<vmem>>, vector<1x2048xi32>
    %gt3A_150 = arith.cmpf ogt, %select_n3A_142, %get3A_146 : vector<1x2048xf32>
    %select_n3A_151 = arith.select %gt3A_150, %select_n3A_142, %get3A_146 : vector<1x2048xi1>, vector<1x2048xf32>
    %swap3A_152 = arith.constant 7 : index
    %swap3A_153 = arith.constant 0 : index
    %swap3A_154 = vector.load %arg5[%swap3A_152, %swap3A_153] : memref<8x2048xf32, #tpu.memory_space<vmem>>, vector<1x2048xf32>
    tpu.vector_store %arg5[%swap3A_152, %swap3A_153], %select_n3A_151 {strides = array<i32>} : memref<8x2048xf32, #tpu.memory_space<vmem>>, vector<1x2048xf32>,
    %select_n3A_155 = arith.select %gt3A_150, %select_n3A_143, %get3A_149 : vector<1x2048xi1>, vector<1x2048xi32>
    %swap3A_156 = arith.constant 7 : index
    %swap3A_157 = arith.constant 0 : index
    %swap3A_158 = vector.load %arg6[%swap3A_156, %swap3A_157] : memref<8x2048xi32, #tpu.memory_space<vmem>>, vector<1x2048xi32>
    tpu.vector_store %arg6[%swap3A_156, %swap3A_157], %select_n3A_155 {strides = array<i32>} : memref<8x2048xi32, #tpu.memory_space<vmem>>, vector<1x2048xi32>,
    %slice3A_159 = vector.extract_strided_slice %select_n3A {offsets = [0, 2048], sizes = [1, 2048], strides = [1, 1]} : vector<1x4096xf32> to vector<1x2048xf32>
    %mul3A_160 = arith.constant 2 : i32
    %mul3A_161 = arith.muli %mul3A_160, %arg0 : i32
    %add3A_162 = arith.constant 1 : i32
    %add3A_163 = arith.addi %mul3A_161, %add3A_162 : i32
    %broadcast_in_dim3A_164 = vector.broadcast %add3A_163 : i32 to vector<1x2048xi32>
    %get3A_165 = arith.constant 0 : index
    %get3A_166 = arith.constant 0 : index
    %get3A_167 = vector.load %arg5[%get3A_165, %get3A_166] : memref<8x2048xf32, #tpu.memory_space<vmem>>, vector<1x2048xf32>
    %get3A_168 = arith.constant 0 : index
    %get3A_169 = arith.constant 0 : index
    %get3A_170 = vector.load %arg6[%get3A_168, %get3A_169] : memref<8x2048xi32, #tpu.memory_space<vmem>>, vector<1x2048xi32>
    %gt3A_171 = arith.cmpf ogt, %slice3A_159, %get3A_167 : vector<1x2048xf32>
    %select_n3A_172 = arith.select %gt3A_171, %slice3A_159, %get3A_167 : vector<1x2048xi1>, vector<1x2048xf32>
    %swap3A_173 = arith.constant 0 : index
    %swap3A_174 = arith.constant 0 : index
    %swap3A_175 = vector.load %arg5[%swap3A_173, %swap3A_174] : memref<8x2048xf32, #tpu.memory_space<vmem>>, vector<1x2048xf32>
    tpu.vector_store %arg5[%swap3A_173, %swap3A_174], %select_n3A_172 {strides = array<i32>} : memref<8x2048xf32, #tpu.memory_space<vmem>>, vector<1x2048xf32>,
    %select_n3A_176 = arith.select %gt3A_171, %broadcast_in_dim3A_164, %get3A_170 : vector<1x2048xi1>, vector<1x2048xi32>
    %swap3A_177 = arith.constant 0 : index
    %swap3A_178 = arith.constant 0 : index
    %swap3A_179 = vector.load %arg6[%swap3A_177, %swap3A_178] : memref<8x2048xi32, #tpu.memory_space<vmem>>, vector<1x2048xi32>
    tpu.vector_store %arg6[%swap3A_177, %swap3A_178], %select_n3A_176 {strides = array<i32>} : memref<8x2048xi32, #tpu.memory_space<vmem>>, vector<1x2048xi32>,
    %select_n3A_180 = arith.select %gt3A_171, %get3A_167, %slice3A_159 : vector<1x2048xi1>, vector<1x2048xf32>
    %select_n3A_181 = arith.select %gt3A_171, %get3A_170, %broadcast_in_dim3A_164 : vector<1x2048xi1>, vector<1x2048xi32>
    %get3A_182 = arith.constant 1 : index
    %get3A_183 = arith.constant 0 : index
    %get3A_184 = vector.load %arg5[%get3A_182, %get3A_183] : memref<8x2048xf32, #tpu.memory_space<vmem>>, vector<1x2048xf32>
    %get3A_185 = arith.constant 1 : index
    %get3A_186 = arith.constant 0 : index
    %get3A_187 = vector.load %arg6[%get3A_185, %get3A_186] : memref<8x2048xi32, #tpu.memory_space<vmem>>, vector<1x2048xi32>
    %gt3A_188 = arith.cmpf ogt, %select_n3A_180, %get3A_184 : vector<1x2048xf32>
    %select_n3A_189 = arith.select %gt3A_188, %select_n3A_180, %get3A_184 : vector<1x2048xi1>, vector<1x2048xf32>
    %swap3A_190 = arith.constant 1 : index
    %swap3A_191 = arith.constant 0 : index
    %swap3A_192 = vector.load %arg5[%swap3A_190, %swap3A_191] : memref<8x2048xf32, #tpu.memory_space<vmem>>, vector<1x2048xf32>
    tpu.vector_store %arg5[%swap3A_190, %swap3A_191], %select_n3A_189 {strides = array<i32>} : memref<8x2048xf32, #tpu.memory_space<vmem>>, vector<1x2048xf32>,
    %select_n3A_193 = arith.select %gt3A_188, %select_n3A_181, %get3A_187 : vector<1x2048xi1>, vector<1x2048xi32>
    %swap3A_194 = arith.constant 1 : index
    %swap3A_195 = arith.constant 0 : index
    %swap3A_196 = vector.load %arg6[%swap3A_194, %swap3A_195] : memref<8x2048xi32, #tpu.memory_space<vmem>>, vector<1x2048xi32>
    tpu.vector_store %arg6[%swap3A_194, %swap3A_195], %select_n3A_193 {strides = array<i32>} : memref<8x2048xi32, #tpu.memory_space<vmem>>, vector<1x2048xi32>,
    %select_n3A_197 = arith.select %gt3A_188, %get3A_184, %select_n3A_180 : vector<1x2048xi1>, vector<1x2048xf32>
    %select_n3A_198 = arith.select %gt3A_188, %get3A_187, %select_n3A_181 : vector<1x2048xi1>, vector<1x2048xi32>
    %get3A_199 = arith.constant 2 : index
    %get3A_200 = arith.constant 0 : index
    %get3A_201 = vector.load %arg5[%get3A_199, %get3A_200] : memref<8x2048xf32, #tpu.memory_space<vmem>>, vector<1x2048xf32>
    %get3A_202 = arith.constant 2 : index
    %get3A_203 = arith.constant 0 : index
    %get3A_204 = vector.load %arg6[%get3A_202, %get3A_203] : memref<8x2048xi32, #tpu.memory_space<vmem>>, vector<1x2048xi32>
    %gt3A_205 = arith.cmpf ogt, %select_n3A_197, %get3A_201 : vector<1x2048xf32>
    %select_n3A_206 = arith.select %gt3A_205, %select_n3A_197, %get3A_201 : vector<1x2048xi1>, vector<1x2048xf32>
    %swap3A_207 = arith.constant 2 : index
    %swap3A_208 = arith.constant 0 : index
    %swap3A_209 = vector.load %arg5[%swap3A_207, %swap3A_208] : memref<8x2048xf32, #tpu.memory_space<vmem>>, vector<1x2048xf32>
    tpu.vector_store %arg5[%swap3A_207, %swap3A_208], %select_n3A_206 {strides = array<i32>} : memref<8x2048xf32, #tpu.memory_space<vmem>>, vector<1x2048xf32>,
    %select_n3A_210 = arith.select %gt3A_205, %select_n3A_198, %get3A_204 : vector<1x2048xi1>, vector<1x2048xi32>
    %swap3A_211 = arith.constant 2 : index
    %swap3A_212 = arith.constant 0 : index
    %swap3A_213 = vector.load %arg6[%swap3A_211, %swap3A_212] : memref<8x2048xi32, #tpu.memory_space<vmem>>, vector<1x2048xi32>
    tpu.vector_store %arg6[%swap3A_211, %swap3A_212], %select_n3A_210 {strides = array<i32>} : memref<8x2048xi32, #tpu.memory_space<vmem>>, vector<1x2048xi32>,
    %select_n3A_214 = arith.select %gt3A_205, %get3A_201, %select_n3A_197 : vector<1x2048xi1>, vector<1x2048xf32>
    %select_n3A_215 = arith.select %gt3A_205, %get3A_204, %select_n3A_198 : vector<1x2048xi1>, vector<1x2048xi32>
    %get3A_216 = arith.constant 3 : index
    %get3A_217 = arith.constant 0 : index
    %get3A_218 = vector.load %arg5[%get3A_216, %get3A_217] : memref<8x2048xf32, #tpu.memory_space<vmem>>, vector<1x2048xf32>
    %get3A_219 = arith.constant 3 : index
    %get3A_220 = arith.constant 0 : index
    %get3A_221 = vector.load %arg6[%get3A_219, %get3A_220] : memref<8x2048xi32, #tpu.memory_space<vmem>>, vector<1x2048xi32>
    %gt3A_222 = arith.cmpf ogt, %select_n3A_214, %get3A_218 : vector<1x2048xf32>
    %select_n3A_223 = arith.select %gt3A_222, %select_n3A_214, %get3A_218 : vector<1x2048xi1>, vector<1x2048xf32>
    %swap3A_224 = arith.constant 3 : index
    %swap3A_225 = arith.constant 0 : index
    %swap3A_226 = vector.load %arg5[%swap3A_224, %swap3A_225] : memref<8x2048xf32, #tpu.memory_space<vmem>>, vector<1x2048xf32>
    tpu.vector_store %arg5[%swap3A_224, %swap3A_225], %select_n3A_223 {strides = array<i32>} : memref<8x2048xf32, #tpu.memory_space<vmem>>, vector<1x2048xf32>,
    %select_n3A_227 = arith.select %gt3A_222, %select_n3A_215, %get3A_221 : vector<1x2048xi1>, vector<1x2048xi32>
    %swap3A_228 = arith.constant 3 : index
    %swap3A_229 = arith.constant 0 : index
    %swap3A_230 = vector.load %arg6[%swap3A_228, %swap3A_229] : memref<8x2048xi32, #tpu.memory_space<vmem>>, vector<1x2048xi32>
    tpu.vector_store %arg6[%swap3A_228, %swap3A_229], %select_n3A_227 {strides = array<i32>} : memref<8x2048xi32, #tpu.memory_space<vmem>>, vector<1x2048xi32>,
    %select_n3A_231 = arith.select %gt3A_222, %get3A_218, %select_n3A_214 : vector<1x2048xi1>, vector<1x2048xf32>
    %select_n3A_232 = arith.select %gt3A_222, %get3A_221, %select_n3A_215 : vector<1x2048xi1>, vector<1x2048xi32>
    %get3A_233 = arith.constant 4 : index
    %get3A_234 = arith.constant 0 : index
    %get3A_235 = vector.load %arg5[%get3A_233, %get3A_234] : memref<8x2048xf32, #tpu.memory_space<vmem>>, vector<1x2048xf32>
    %get3A_236 = arith.constant 4 : index
    %get3A_237 = arith.constant 0 : index
    %get3A_238 = vector.load %arg6[%get3A_236, %get3A_237] : memref<8x2048xi32, #tpu.memory_space<vmem>>, vector<1x2048xi32>
    %gt3A_239 = arith.cmpf ogt, %select_n3A_231, %get3A_235 : vector<1x2048xf32>
    %select_n3A_240 = arith.select %gt3A_239, %select_n3A_231, %get3A_235 : vector<1x2048xi1>, vector<1x2048xf32>
    %swap3A_241 = arith.constant 4 : index
    %swap3A_242 = arith.constant 0 : index
    %swap3A_243 = vector.load %arg5[%swap3A_241, %swap3A_242] : memref<8x2048xf32, #tpu.memory_space<vmem>>, vector<1x2048xf32>
    tpu.vector_store %arg5[%swap3A_241, %swap3A_242], %select_n3A_240 {strides = array<i32>} : memref<8x2048xf32, #tpu.memory_space<vmem>>, vector<1x2048xf32>,
    %select_n3A_244 = arith.select %gt3A_239, %select_n3A_232, %get3A_238 : vector<1x2048xi1>, vector<1x2048xi32>
    %swap3A_245 = arith.constant 4 : index
    %swap3A_246 = arith.constant 0 : index
    %swap3A_247 = vector.load %arg6[%swap3A_245, %swap3A_246] : memref<8x2048xi32, #tpu.memory_space<vmem>>, vector<1x2048xi32>
    tpu.vector_store %arg6[%swap3A_245, %swap3A_246], %select_n3A_244 {strides = array<i32>} : memref<8x2048xi32, #tpu.memory_space<vmem>>, vector<1x2048xi32>,
    %select_n3A_248 = arith.select %gt3A_239, %get3A_235, %select_n3A_231 : vector<1x2048xi1>, vector<1x2048xf32>
    %select_n3A_249 = arith.select %gt3A_239, %get3A_238, %select_n3A_232 : vector<1x2048xi1>, vector<1x2048xi32>
    %get3A_250 = arith.constant 5 : index
    %get3A_251 = arith.constant 0 : index
    %get3A_252 = vector.load %arg5[%get3A_250, %get3A_251] : memref<8x2048xf32, #tpu.memory_space<vmem>>, vector<1x2048xf32>
    %get3A_253 = arith.constant 5 : index
    %get3A_254 = arith.constant 0 : index
    %get3A_255 = vector.load %arg6[%get3A_253, %get3A_254] : memref<8x2048xi32, #tpu.memory_space<vmem>>, vector<1x2048xi32>
    %gt3A_256 = arith.cmpf ogt, %select_n3A_248, %get3A_252 : vector<1x2048xf32>
    %select_n3A_257 = arith.select %gt3A_256, %select_n3A_248, %get3A_252 : vector<1x2048xi1>, vector<1x2048xf32>
    %swap3A_258 = arith.constant 5 : index
    %swap3A_259 = arith.constant 0 : index
    %swap3A_260 = vector.load %arg5[%swap3A_258, %swap3A_259] : memref<8x2048xf32, #tpu.memory_space<vmem>>, vector<1x2048xf32>
    tpu.vector_store %arg5[%swap3A_258, %swap3A_259], %select_n3A_257 {strides = array<i32>} : memref<8x2048xf32, #tpu.memory_space<vmem>>, vector<1x2048xf32>,
    %select_n3A_261 = arith.select %gt3A_256, %select_n3A_249, %get3A_255 : vector<1x2048xi1>, vector<1x2048xi32>
    %swap3A_262 = arith.constant 5 : index
    %swap3A_263 = arith.constant 0 : index
    %swap3A_264 = vector.load %arg6[%swap3A_262, %swap3A_263] : memref<8x2048xi32, #tpu.memory_space<vmem>>, vector<1x2048xi32>
    tpu.vector_store %arg6[%swap3A_262, %swap3A_263], %select_n3A_261 {strides = array<i32>} : memref<8x2048xi32, #tpu.memory_space<vmem>>, vector<1x2048xi32>,
    %select_n3A_265 = arith.select %gt3A_256, %get3A_252, %select_n3A_248 : vector<1x2048xi1>, vector<1x2048xf32>
    %select_n3A_266 = arith.select %gt3A_256, %get3A_255, %select_n3A_249 : vector<1x2048xi1>, vector<1x2048xi32>
    %get3A_267 = arith.constant 6 : index
    %get3A_268 = arith.constant 0 : index
    %get3A_269 = vector.load %arg5[%get3A_267, %get3A_268] : memref<8x2048xf32, #tpu.memory_space<vmem>>, vector<1x2048xf32>
    %get3A_270 = arith.constant 6 : index
    %get3A_271 = arith.constant 0 : index
    %get3A_272 = vector.load %arg6[%get3A_270, %get3A_271] : memref<8x2048xi32, #tpu.memory_space<vmem>>, vector<1x2048xi32>
    %gt3A_273 = arith.cmpf ogt, %select_n3A_265, %get3A_269 : vector<1x2048xf32>
    %select_n3A_274 = arith.select %gt3A_273, %select_n3A_265, %get3A_269 : vector<1x2048xi1>, vector<1x2048xf32>
    %swap3A_275 = arith.constant 6 : index
    %swap3A_276 = arith.constant 0 : index
    %swap3A_277 = vector.load %arg5[%swap3A_275, %swap3A_276] : memref<8x2048xf32, #tpu.memory_space<vmem>>, vector<1x2048xf32>
    tpu.vector_store %arg5[%swap3A_275, %swap3A_276], %select_n3A_274 {strides = array<i32>} : memref<8x2048xf32, #tpu.memory_space<vmem>>, vector<1x2048xf32>,
    %select_n3A_278 = arith.select %gt3A_273, %select_n3A_266, %get3A_272 : vector<1x2048xi1>, vector<1x2048xi32>
    %swap3A_279 = arith.constant 6 : index
    %swap3A_280 = arith.constant 0 : index
    %swap3A_281 = vector.load %arg6[%swap3A_279, %swap3A_280] : memref<8x2048xi32, #tpu.memory_space<vmem>>, vector<1x2048xi32>
    tpu.vector_store %arg6[%swap3A_279, %swap3A_280], %select_n3A_278 {strides = array<i32>} : memref<8x2048xi32, #tpu.memory_space<vmem>>, vector<1x2048xi32>,
    %select_n3A_282 = arith.select %gt3A_273, %get3A_269, %select_n3A_265 : vector<1x2048xi1>, vector<1x2048xf32>
    %select_n3A_283 = arith.select %gt3A_273, %get3A_272, %select_n3A_266 : vector<1x2048xi1>, vector<1x2048xi32>
    %get3A_284 = arith.constant 7 : index
    %get3A_285 = arith.constant 0 : index
    %get3A_286 = vector.load %arg5[%get3A_284, %get3A_285] : memref<8x2048xf32, #tpu.memory_space<vmem>>, vector<1x2048xf32>
    %get3A_287 = arith.constant 7 : index
    %get3A_288 = arith.constant 0 : index
    %get3A_289 = vector.load %arg6[%get3A_287, %get3A_288] : memref<8x2048xi32, #tpu.memory_space<vmem>>, vector<1x2048xi32>
    %gt3A_290 = arith.cmpf ogt, %select_n3A_282, %get3A_286 : vector<1x2048xf32>
    %select_n3A_291 = arith.select %gt3A_290, %select_n3A_282, %get3A_286 : vector<1x2048xi1>, vector<1x2048xf32>
    %swap3A_292 = arith.constant 7 : index
    %swap3A_293 = arith.constant 0 : index
    %swap3A_294 = vector.load %arg5[%swap3A_292, %swap3A_293] : memref<8x2048xf32, #tpu.memory_space<vmem>>, vector<1x2048xf32>
    tpu.vector_store %arg5[%swap3A_292, %swap3A_293], %select_n3A_291 {strides = array<i32>} : memref<8x2048xf32, #tpu.memory_space<vmem>>, vector<1x2048xf32>,
    %select_n3A_295 = arith.select %gt3A_290, %select_n3A_283, %get3A_289 : vector<1x2048xi1>, vector<1x2048xi32>
    %swap3A_296 = arith.constant 7 : index
    %swap3A_297 = arith.constant 0 : index
    %swap3A_298 = vector.load %arg6[%swap3A_296, %swap3A_297] : memref<8x2048xi32, #tpu.memory_space<vmem>>, vector<1x2048xi32>
    tpu.vector_store %arg6[%swap3A_296, %swap3A_297], %select_n3A_295 {strides = array<i32>} : memref<8x2048xi32, #tpu.memory_space<vmem>>, vector<1x2048xi32>,
    %eq3A_299 = arith.constant 24 : i32
    %eq3A_300 = arith.cmpi eq, %arg0, %eq3A_299 : i32
    %convert_element_type3A_301 = arith.extui %eq3A_300 : i1 to i32
    %cond3A_302 = arith.constant 0 : i32
    %cond3A_303 = arith.cmpi ne, %convert_element_type3A_301, %cond3A_302 : i32
    scf.if %cond3A_303 {
      %iota3A_304 = tpu.iota {dimensions = array<i32: 1>} : vector<8x2048xi32>
      %get3A_305 = arith.constant 0 : index
      %get3A_306 = arith.constant 0 : index
      %get3A_307 = vector.load %arg5[%get3A_305, %get3A_306] : memref<8x2048xf32, #tpu.memory_space<vmem>>, vector<8x2048xf32>
      %swap3A_308 = arith.constant 0 : index
      %swap3A_309 = arith.constant 0 : index
      %swap3A_310 = vector.load %arg3[%swap3A_308, %swap3A_309] : memref<8x2048xf32, #tpu.memory_space<vmem>>, vector<8x2048xf32>
      tpu.vector_store %arg3[%swap3A_308, %swap3A_309], %get3A_307 {strides = array<i32>} : memref<8x2048xf32, #tpu.memory_space<vmem>>, vector<8x2048xf32>,
      %get3A_311 = arith.constant 0 : index
      %get3A_312 = arith.constant 0 : index
      %get3A_313 = vector.load %arg6[%get3A_311, %get3A_312] : memref<8x2048xi32, #tpu.memory_space<vmem>>, vector<8x2048xi32>
      %mul3A_314 = arith.constant 2048 : i32
      %mul3A_315 = vector.broadcast %mul3A_314 : i32 to vector<8x2048xi32>
      %mul3A_316 = arith.muli %get3A_313, %mul3A_315 : vector<8x2048xi32>
      %add3A_317 = arith.addi %mul3A_316, %iota3A_304 : vector<8x2048xi32>
      %swap3A_318 = arith.constant 0 : index
      %swap3A_319 = arith.constant 0 : index
      %swap3A_320 = vector.load %arg4[%swap3A_318, %swap3A_319] : memref<8x2048xi32, #tpu.memory_space<vmem>>, vector<8x2048xi32>
      tpu.vector_store %arg4[%swap3A_318, %swap3A_319], %add3A_317 {strides = array<i32>} : memref<8x2048xi32, #tpu.memory_space<vmem>>, vector<8x2048xi32>,
    } else {
    }
    return
  }
  func.func @transform_0(%arg0: i32) -> (i32, i32) {
    %c0_i32 = arith.constant 0 : i32
    %c0_i32_0 = arith.constant 0 : i32
    %c0_i32_1 = arith.constant 0 : i32
    return %c0_i32, %c0_i32_0 : i32, i32
  }
  func.func @transform_1(%arg0: i32) -> (i32, i32) {
    %c0_i32 = arith.constant 0 : i32
    %c0_i32_0 = arith.constant 0 : i32
    return %arg0, %c0_i32 : i32, i32
  }
  func.func @transform_2(%arg0: i32) -> (i32, i32) {
    %c0_i32 = arith.constant 0 : i32
    %c0_i32_0 = arith.constant 0 : i32
    %c0_i32_1 = arith.constant 0 : i32
    return %c0_i32, %c0_i32_0 : i32, i32
  }
  func.func @transform_3(%arg0: i32) -> (i32, i32) {
    %c0_i32 = arith.constant 0 : i32
    %c0_i32_0 = arith.constant 0 : i32
    %c0_i32_1 = arith.constant 0 : i32
    return %c0_i32, %c0_i32_0 : i32, i32
  }
}

module attributes {stable_mosaic.version = 14 : i64} {
  func.func @_verify_body(%arg0: memref<1x512xf32, #tpu.memory_space<vmem>>, %arg1: memref<1x768xf32, #tpu.memory_space<vmem>>, %arg2: memref<1x384xi32, #tpu.memory_space<vmem>>, %arg3: memref<384x512xf32, #tpu.memory_space<vmem>>, %arg4: memref<384x768xf32, #tpu.memory_space<vmem>>, %arg5: memref<2560x256xf32, #tpu.memory_space<vmem>>, %arg6: memref<1x256xf32, #tpu.memory_space<vmem>>, %arg7: memref<1x256xf32, #tpu.memory_space<vmem>>, %arg8: memref<1x1xf32, #tpu.memory_space<smem>>, %arg9: memref<1x1xf32, #tpu.memory_space<smem>>, %arg10: memref<1x1xi32, #tpu.memory_space<smem>>, %arg11: memref<384x2560xf32, #tpu.memory_space<vmem>>) attributes {dimension_semantics = [], scalar_prefetch = 0 : i64, scratch_operands = 1 : i64, tpu.core_type = #tpu.core_type<tc>} {
    %get3A = arith.constant 0 : index
    %get3A_0 = arith.constant 0 : index
    %get3A_1 = vector.load %arg3[%get3A, %get3A_0] : memref<384x512xf32, #tpu.memory_space<vmem>>, vector<384x512xf32>
    %get3A_2 = arith.constant 0 : index
    %get3A_3 = arith.constant 0 : index
    %get3A_4 = vector.load %arg0[%get3A_2, %get3A_3] : memref<1x512xf32, #tpu.memory_space<vmem>>, vector<1x512xf32>
    %get3A_5 = arith.constant 0 : index
    %get3A_6 = arith.constant 0 : index
    %get3A_7 = vector.load %arg2[%get3A_5, %get3A_6] : memref<1x384xi32, #tpu.memory_space<vmem>>, vector<1x384xi32>
    %mul3A = arith.mulf %get3A_1, %get3A_1 : vector<384x512xf32>
    %reduce_sum3A = arith.constant dense<0.000000e+00> : vector<384xf32>
    %reduce_sum3A_8 = vector.multi_reduction <add>, %mul3A, %reduce_sum3A [1] : vector<384x512xf32> to vector<384xf32>
    %broadcast_in_dim3A = vector.shape_cast %reduce_sum3A_8 : vector<384xf32> to vector<384x1xf32>
    %sqrt3A = math.sqrt %broadcast_in_dim3A : vector<384x1xf32>
    %add3A = arith.constant 9.99999993E-9 : f32
    %add3A_9 = vector.broadcast %add3A : f32 to vector<384x1xf32>
    %add3A_10 = arith.addf %sqrt3A, %add3A_9 : vector<384x1xf32>
    %div3A = vector.broadcast %add3A_10 : vector<384x1xf32> to vector<384x512xf32>
    %div3A_11 = arith.divf %get3A_1, %div3A : vector<384x512xf32>
    %mul3A_12 = arith.mulf %get3A_4, %get3A_4 : vector<1x512xf32>
    %reduce_sum3A_13 = vector.shape_cast %mul3A_12 : vector<1x512xf32> to vector<1x1x512xf32>
    %reduce_sum3A_14 = arith.constant dense<0.000000e+00> : vector<1xf32>
    %reduce_sum3A_15 = vector.multi_reduction <add>, %reduce_sum3A_13, %reduce_sum3A_14 [1, 2] : vector<1x1x512xf32> to vector<1xf32>
    %reduce_sum3A_16 = vector.shape_cast %reduce_sum3A_15 : vector<1xf32> to vector<1x1x1xf32>
    %reduce_sum3A_17 = vector.extract %reduce_sum3A_16[0, 0, 0] : f32 from vector<1x1x1xf32>
    %sqrt3A_18 = math.sqrt %reduce_sum3A_17 : f32
    %add3A_19 = arith.constant 9.99999993E-9 : f32
    %add3A_20 = arith.addf %sqrt3A_18, %add3A_19 : f32
    %div3A_21 = vector.broadcast %add3A_20 : f32 to vector<1x512xf32>
    %div3A_22 = arith.divf %get3A_4, %div3A_21 : vector<1x512xf32>
    %dot_general3A = arith.constant dense<0.000000e+00> : vector<1x384xf32>
    %dot_general3A_23 = tpu.matmul %div3A_22, %div3A_11, %dot_general3A {dimension_numbers = #tpu.dot_dimension_numbers<[1], [1], [0], [0], [0, 0, 1, 0], [], []>, transpose_lhs_hint = false} : vector<1x512xf32>, vector<384x512xf32>, vector<1x384xf32> -> vector<1x384xf32>
    %broadcast_in_dim3A_24 = arith.constant 1073741824 : i32
    %broadcast_in_dim3A_25 = vector.broadcast %broadcast_in_dim3A_24 : i32 to vector<1x384xi32>
    %broadcast_in_dim3A_26 = arith.constant 0 : i32
    %broadcast_in_dim3A_27 = vector.broadcast %broadcast_in_dim3A_26 : i32 to vector<1x384xi32>
    %scan3A = arith.constant 0 : i32
    %scan3A_28 = arith.constant 64 : i32
    %scan3A_29 = arith.addi %scan3A, %scan3A_28 : i32
    %scan3A_30 = arith.constant 1 : i32
    %scan3A_31:3 = scf.for %scan3A_111 = %scan3A to %scan3A_29 step %scan3A_30 iter_args(%scan3A_112 = %dot_general3A_23, %scan3A_113 = %broadcast_in_dim3A_25, %scan3A_114 = %broadcast_in_dim3A_27) -> (vector<1x384xf32>, vector<1x384xi32>, vector<1x384xi32>)  : i32 {
      %reduce_max3A_115 = vector.shape_cast %scan3A_112 : vector<1x384xf32> to vector<1x1x384xf32>
      %reduce_max3A_116 = arith.constant dense<0xFF800000> : vector<1xf32>
      %reduce_max3A_117 = vector.multi_reduction <maximumf>, %reduce_max3A_115, %reduce_max3A_116 [1, 2] : vector<1x1x384xf32> to vector<1xf32>
      %reduce_max3A_118 = vector.shape_cast %reduce_max3A_117 : vector<1xf32> to vector<1x1x1xf32>
      %reduce_max3A_119 = vector.extract %reduce_max3A_118[0, 0, 0] : f32 from vector<1x1x1xf32>
      %eq3A_120 = vector.broadcast %reduce_max3A_119 : f32 to vector<1x384xf32>
      %eq3A_121 = arith.cmpf oeq, %scan3A_112, %eq3A_120 : vector<1x384xf32>
      %jit3A_122 = arith.constant 1073741824 : i32
      %broadcast_in_dim3A_123 = vector.broadcast %jit3A_122 : i32 to vector<1x384xi32>
      %select_n3A_124 = arith.select %eq3A_121, %get3A_7, %broadcast_in_dim3A_123 : vector<1x384xi1>, vector<1x384xi32>
      %reduce_min3A_125 = vector.shape_cast %select_n3A_124 : vector<1x384xi32> to vector<1x1x384xi32>
      %reduce_min3A_126 = arith.constant dense<2147483647> : vector<1xi32>
      %reduce_min3A_127 = vector.multi_reduction <minsi>, %reduce_min3A_125, %reduce_min3A_126 [1, 2] : vector<1x1x384xi32> to vector<1xi32>
      %reduce_min3A_128 = vector.shape_cast %reduce_min3A_127 : vector<1xi32> to vector<1x1x1xi32>
      %reduce_min3A_129 = vector.extract %reduce_min3A_128[0, 0, 0] : i32 from vector<1x1x1xi32>
      %eq3A_130 = vector.broadcast %reduce_min3A_129 : i32 to vector<1x384xi32>
      %eq3A_131 = arith.cmpi eq, %get3A_7, %eq3A_130 : vector<1x384xi32>
      %broadcast_in_dim3A_132 = vector.broadcast %scan3A_111 : i32 to vector<1x384xi32>
      %select_n3A_133 = arith.select %eq3A_131, %broadcast_in_dim3A_132, %scan3A_113 : vector<1x384xi1>, vector<1x384xi32>
      %jit3A_134 = arith.constant 1 : i32
      %broadcast_in_dim3A_135 = vector.broadcast %jit3A_134 : i32 to vector<1x384xi32>
      %select_n3A_136 = arith.select %eq3A_131, %broadcast_in_dim3A_135, %scan3A_114 : vector<1x384xi1>, vector<1x384xi32>
      %jit3A_137 = arith.constant 0xFF800000 : f32
      %broadcast_in_dim3A_138 = vector.broadcast %jit3A_137 : f32 to vector<1x384xf32>
      %select_n3A_139 = arith.select %eq3A_131, %broadcast_in_dim3A_138, %scan3A_112 : vector<1x384xi1>, vector<1x384xf32>
      scf.yield %select_n3A_139, %select_n3A_133, %select_n3A_136 : vector<1x384xf32>, vector<1x384xi32>, vector<1x384xi32>
    }
    %scan3A_32 = arith.constant 64 : i32
    %get3A_33 = arith.constant 0 : index
    %get3A_34 = arith.constant 0 : index
    %get3A_35 = vector.load %arg4[%get3A_33, %get3A_34] : memref<384x768xf32, #tpu.memory_space<vmem>>, vector<384x768xf32>
    %swap3A = arith.constant 0 : index
    %swap3A_36 = arith.constant 0 : index
    %swap3A_37 = vector.load %arg11[%swap3A, %swap3A_36] : memref<384x2560xf32, #tpu.memory_space<vmem>>, vector<384x768xf32>
    tpu.vector_store %arg11[%swap3A, %swap3A_36], %get3A_35 {strides = array<i32>} : memref<384x2560xf32, #tpu.memory_space<vmem>>, vector<384x768xf32>,
    %get3A_38 = arith.constant 0 : index
    %get3A_39 = arith.constant 0 : index
    %get3A_40 = vector.load %arg1[%get3A_38, %get3A_39] : memref<1x768xf32, #tpu.memory_space<vmem>>, vector<1x768xf32>
    %broadcast_in_dim3A_41 = vector.shape_cast %get3A_40 : vector<1x768xf32> to vector<1x768xf32>
    %broadcast_in_dim3A_42 = vector.broadcast %broadcast_in_dim3A_41 : vector<1x768xf32> to vector<384x768xf32>
    %swap3A_43 = arith.constant 0 : index
    %swap3A_44 = arith.constant 768 : index
    %swap3A_45 = vector.load %arg11[%swap3A_43, %swap3A_44] : memref<384x2560xf32, #tpu.memory_space<vmem>>, vector<384x768xf32>
    tpu.vector_store %arg11[%swap3A_43, %swap3A_44], %broadcast_in_dim3A_42 {strides = array<i32>} : memref<384x2560xf32, #tpu.memory_space<vmem>>, vector<384x768xf32>,
    %swap3A_46 = arith.constant 0 : index
    %swap3A_47 = arith.constant 1536 : index
    %swap3A_48 = vector.load %arg11[%swap3A_46, %swap3A_47] : memref<384x2560xf32, #tpu.memory_space<vmem>>, vector<384x512xf32>
    tpu.vector_store %arg11[%swap3A_46, %swap3A_47], %get3A_1 {strides = array<i32>} : memref<384x2560xf32, #tpu.memory_space<vmem>>, vector<384x512xf32>,
    %broadcast_in_dim3A_49 = vector.shape_cast %get3A_4 : vector<1x512xf32> to vector<1x512xf32>
    %broadcast_in_dim3A_50 = vector.broadcast %broadcast_in_dim3A_49 : vector<1x512xf32> to vector<384x512xf32>
    %swap3A_51 = arith.constant 0 : index
    %swap3A_52 = arith.constant 2048 : index
    %swap3A_53 = vector.load %arg11[%swap3A_51, %swap3A_52] : memref<384x2560xf32, #tpu.memory_space<vmem>>, vector<384x512xf32>
    tpu.vector_store %arg11[%swap3A_51, %swap3A_52], %broadcast_in_dim3A_50 {strides = array<i32>} : memref<384x2560xf32, #tpu.memory_space<vmem>>, vector<384x512xf32>,
    %get3A_54 = arith.constant 0 : index
    %get3A_55 = arith.constant 0 : index
    %get3A_56 = vector.load %arg11[%get3A_54, %get3A_55] : memref<384x2560xf32, #tpu.memory_space<vmem>>, vector<384x2560xf32>
    %get3A_57 = arith.constant 0 : index
    %get3A_58 = arith.constant 0 : index
    %get3A_59 = vector.load %arg5[%get3A_57, %get3A_58] : memref<2560x256xf32, #tpu.memory_space<vmem>>, vector<2560x256xf32>
    %dot_general3A_60 = arith.constant dense<0.000000e+00> : vector<384x256xf32>
    %dot_general3A_61 = tpu.matmul %get3A_56, %get3A_59, %dot_general3A_60 {dimension_numbers = #tpu.dot_dimension_numbers<[1], [0], [0], [1], [0, 0, 1, 1], [], []>, transpose_lhs_hint = false} : vector<384x2560xf32>, vector<2560x256xf32>, vector<384x256xf32> -> vector<384x256xf32>
    %get3A_62 = arith.constant 0 : index
    %get3A_63 = arith.constant 0 : index
    %get3A_64 = vector.load %arg6[%get3A_62, %get3A_63] : memref<1x256xf32, #tpu.memory_space<vmem>>, vector<1x256xf32>
    %add3A_65 = vector.broadcast %get3A_64 : vector<1x256xf32> to vector<384x256xf32>
    %add3A_66 = arith.addf %dot_general3A_61, %add3A_65 : vector<384x256xf32>
    %max3A = arith.constant 0.000000e+00 : f32
    %max3A_67 = vector.broadcast %max3A : f32 to vector<384x256xf32>
    %max3A_68 = arith.maximumf %add3A_66, %max3A_67 : vector<384x256xf32>
    %get3A_69 = arith.constant 0 : index
    %get3A_70 = arith.constant 0 : index
    %get3A_71 = vector.load %arg7[%get3A_69, %get3A_70] : memref<1x256xf32, #tpu.memory_space<vmem>>, vector<1x256xf32>
    %dot_general3A_72 = arith.constant dense<0.000000e+00> : vector<1x384xf32>
    %dot_general3A_73 = tpu.matmul %get3A_71, %max3A_68, %dot_general3A_72 {dimension_numbers = #tpu.dot_dimension_numbers<[1], [1], [0], [0], [0, 0, 1, 0], [], []>, transpose_lhs_hint = false} : vector<1x256xf32>, vector<384x256xf32>, vector<1x384xf32> -> vector<1x384xf32>
    %get3A_74 = arith.constant 0 : index
    %get3A_75 = arith.constant 0 : index
    %get3A_76 = memref.load %arg8[%get3A_74, %get3A_75] : memref<1x1xf32, #tpu.memory_space<smem>>
    %add3A_77 = vector.broadcast %get3A_76 : f32 to vector<1x384xf32>
    %add3A_78 = arith.addf %dot_general3A_73, %add3A_77 : vector<1x384xf32>
    %eq3A = arith.constant 1 : i32
    %eq3A_79 = vector.broadcast %eq3A : i32 to vector<1x384xi32>
    %eq3A_80 = arith.cmpi eq, %scan3A_31#2, %eq3A_79 : vector<1x384xi32>
    %jit3A = arith.constant 0xFF800000 : f32
    %broadcast_in_dim3A_81 = vector.broadcast %jit3A : f32 to vector<1x384xf32>
    %select_n3A = arith.select %eq3A_80, %add3A_78, %broadcast_in_dim3A_81 : vector<1x384xi1>, vector<1x384xf32>
    %reduce_max3A = vector.shape_cast %select_n3A : vector<1x384xf32> to vector<1x1x384xf32>
    %reduce_max3A_82 = arith.constant dense<0xFF800000> : vector<1xf32>
    %reduce_max3A_83 = vector.multi_reduction <maximumf>, %reduce_max3A, %reduce_max3A_82 [1, 2] : vector<1x1x384xf32> to vector<1xf32>
    %reduce_max3A_84 = vector.shape_cast %reduce_max3A_83 : vector<1xf32> to vector<1x1x1xf32>
    %reduce_max3A_85 = vector.extract %reduce_max3A_84[0, 0, 0] : f32 from vector<1x1x1xf32>
    %eq3A_86 = vector.broadcast %reduce_max3A_85 : f32 to vector<1x384xf32>
    %eq3A_87 = arith.cmpf oeq, %select_n3A, %eq3A_86 : vector<1x384xf32>
    %jit3A_88 = arith.constant 1073741824 : i32
    %broadcast_in_dim3A_89 = vector.broadcast %jit3A_88 : i32 to vector<1x384xi32>
    %select_n3A_90 = arith.select %eq3A_87, %scan3A_31#1, %broadcast_in_dim3A_89 : vector<1x384xi1>, vector<1x384xi32>
    %reduce_min3A = vector.shape_cast %select_n3A_90 : vector<1x384xi32> to vector<1x1x384xi32>
    %reduce_min3A_91 = arith.constant dense<2147483647> : vector<1xi32>
    %reduce_min3A_92 = vector.multi_reduction <minsi>, %reduce_min3A, %reduce_min3A_91 [1, 2] : vector<1x1x384xi32> to vector<1xi32>
    %reduce_min3A_93 = vector.shape_cast %reduce_min3A_92 : vector<1xi32> to vector<1x1x1xi32>
    %reduce_min3A_94 = vector.extract %reduce_min3A_93[0, 0, 0] : i32 from vector<1x1x1xi32>
    %eq3A_95 = vector.broadcast %reduce_min3A_94 : i32 to vector<1x384xi32>
    %eq3A_96 = arith.cmpi eq, %scan3A_31#1, %eq3A_95 : vector<1x384xi32>
    %jit3A_97 = arith.constant 1073741824 : i32
    %broadcast_in_dim3A_98 = vector.broadcast %jit3A_97 : i32 to vector<1x384xi32>
    %select_n3A_99 = arith.select %eq3A_96, %get3A_7, %broadcast_in_dim3A_98 : vector<1x384xi1>, vector<1x384xi32>
    %reduce_min3A_100 = vector.shape_cast %select_n3A_99 : vector<1x384xi32> to vector<1x1x384xi32>
    %reduce_min3A_101 = arith.constant dense<2147483647> : vector<1xi32>
    %reduce_min3A_102 = vector.multi_reduction <minsi>, %reduce_min3A_100, %reduce_min3A_101 [1, 2] : vector<1x1x384xi32> to vector<1xi32>
    %reduce_min3A_103 = vector.shape_cast %reduce_min3A_102 : vector<1xi32> to vector<1x1x1xi32>
    %reduce_min3A_104 = vector.extract %reduce_min3A_103[0, 0, 0] : i32 from vector<1x1x1xi32>
    %swap3A_105 = arith.constant 0 : index
    %swap3A_106 = arith.constant 0 : index
    %swap3A_107 = memref.load %arg9[%swap3A_105, %swap3A_106] : memref<1x1xf32, #tpu.memory_space<smem>>
    memref.store %reduce_max3A_85, %arg9[%swap3A_105, %swap3A_106] : memref<1x1xf32, #tpu.memory_space<smem>>
    %swap3A_108 = arith.constant 0 : index
    %swap3A_109 = arith.constant 0 : index
    %swap3A_110 = memref.load %arg10[%swap3A_108, %swap3A_109] : memref<1x1xi32, #tpu.memory_space<smem>>
    memref.store %reduce_min3A_104, %arg10[%swap3A_108, %swap3A_109] : memref<1x1xi32, #tpu.memory_space<smem>>
    return
  }
}

</mosaic_0001>

<sc_bundles>
// kernel: kernel.5.cloned.1.call-start
scs
__scs_entry_jumppad:
0x0: {  	(pc) =	sbr.rel $0x88, $3  }
0x1: {  	(tag) =	ssettag $0x0;
	lr =	simm.s32 $0x1  }
0x2: {  	[smem:$0x3F99] =	sst lr;
	_ =	strace $0xD0000000  }
0x3: {  	_ = 	snop  }
0x4: {  	_ = 	snop  }
0x5: {  	_ = 	snop  }
0x6: {  	_ = 	snop  }
0x7: {  	_ = 	snop  }
__scs_overlays_trampoline_lowered:
0x8: {  	[smem:$0x3FA8] =	sst s0  }
0x9: {  	[smem:$0x3FA9] =	sst s1  }
0xa: {  	[smem:$0x3FAA] =	sst s2  }
0xb: {  	[smem:$0x3FAB] =	sst s3  }
0xc: {  	[smem:$0x3FAC] =	sst s4  }
0xd: {  	[smem:$0x3FAD] =	sst s5  }
0xe: {  	[smem:$0x3FAE] =	sst s6  }
0xf: {  	[smem:$0x3FAF] =	sst s7  }
0x10: {  	[smem:$0x3FB0] =	sst s8  }
0x11: {  	[smem:$0x3FB1] =	sst s9;
	s0 =	simm.s32 @!p0 $0x0  }
0x12: {  	s1 =	sld [smem:$0x3F97];
	s0 =	simm.s32 @p0 $0x1  }
0x13: {  	[smem:$0x3FB2] =	sst s0;
	s0 =	simm.s32 @!p1 $0x0  }
0x14: {  	s2 =	sld [smem:$0x3F96];
	s0 =	simm.s32 @p1 $0x1  }
0x15: {  	[smem:$0x3FB3] =	sst s0;
	s0 =	simm.s32 @!p2 $0x0  }
0x16: {  	s3 =	sld [smem:$0x3FDB];
	s0 =	simm.s32 @p2 $0x1  }
0x17: {  	s4 =	simm.s32 $0x1BF5;
	[smem:$0x3FB5] =	sst s0  }
0x18: {  	s0 =	sld [smem:$0x3F98];
	_ =	swait.ge [sflag:s4], $0x0  }
0x19: {  	s7 =	sld [smem:$0x3F99]  }
0x1a: {  	s8 =	sadd.s32 $0xFFFFE003, lr  }
0x1b: {  	s9 =	sadd.s32 $0xFFFFFEF7, lr;
	s5 =	simm.s32 $0xFFFFFFFF;
	p2 =	slt.u32 s8, $0xFFFFF086  }
0x1c: {  	p1 =	slt.u32 s9, $0xF7A;
	s5 =	simm.s32 @!p2 $0x0  }
0x1d: {  	s5 =	simm.s32 @p1 $0x1;
	p0 =	seq.s32 s7, s2  }
0x1e: {  	s7 =	smul.u32 @!p0 $0xF7A, s2;
	p2 =	seq.s32 @!p0 s5, $0x0  }
0x1f: {  	s9 =	smul.u32 $0xF7A, s1;
	s8 =	simm.s32 @!p0 $0x1BF5;
	p2 =	por !p2, p0  }
0x20: {  	[sflag:s8] =	ssyncset.s32 @!p0 $0xFFFFF086;
	s6 =	sadd.s32 @!p0 s3, s7;
	s7 =	simm.s32 @!p0 $0x108  }
0x21: {  	s3 =	sadd.s32 s3, s9;
	s6 =	sadd.s32 @!p0 $0x88, s6;
	s7 =	simm.s32 @p2 $0x1082  }
0x22: {  	[simem:s7], [sflag:s8] =	dma.local @!p0 [hbm:s6], $0xF7A  }
0x23: {  	s9 =	sor.u32 $0xD0000000, s2;
	s6 =	simm.s32 $0x108;
	_ =	swait.ge @!p0 [sflag:s8], $0x0  }
0x24: {  	s3 =	sadd.s32 $0x88, s3;
	s6 =	simm.s32 @!p1 $0x1082;
	[sflag:s4] =	ssyncset.s32 $0xFFFFF086  }
0x25: {  	[simem:s6], [sflag:s4] =	dma.local [hbm:s3], $0xF7A  }
0x26: {  	[smem:$0x3F99] =	sst s1;
	(tag) =	ssettag s2;
	_ =	strace s9  }
0x27: {  	s1 =	sld [smem:$0x3FA9]  }
0x28: {  	s2 =	sld [smem:$0x3FAA]  }
0x29: {  	s4 =	sld [smem:$0x3FAC]  }
0x2a: {  	p0 =	seq.s32 s5, $0x0;
	s5 =	sld [smem:$0x3FAD]  }
0x2b: {  	s6 =	sld [smem:$0x3FAE]  }
0x2c: {  	s7 =	sld [smem:$0x3FAF]  }
0x2d: {  	s3 =	simm.s32 $0x108;
	s8 =	sld [smem:$0x3FB0]  }
0x2e: {  	s3 =	simm.s32 @!p0 $0x1082;
	s9 =	sld [smem:$0x3FB1]  }
0x2f: {  	lr =	sadd.s32 s0, s3;
	s0 =	sld [smem:$0x3FA8]  }
0x30: {  	s3 =	sld [smem:$0x3FAB]  }
0x31: {  	[smem:$0x3FB4] =	sst s10  }
0x32: {  	s10 =	sld [smem:$0x3FB2];
	_ =	sdelay $0x3  }
0x33: {  	p0 =	seq.s32 s10, $0x1;
	s10 =	sld [smem:$0x3FB4];
	_ =	sdelay $0x3  }
0x34: {  	[smem:$0x3FB4] =	sst s10  }
0x35: {  	s10 =	sld [smem:$0x3FB3];
	_ =	sdelay $0x3  }
0x36: {  	p1 =	seq.s32 s10, $0x1;
	s10 =	sld [smem:$0x3FB4];
	_ =	sdelay $0x3  }
0x37: {  	[smem:$0x3FB4] =	sst s10  }
0x38: {  	s10 =	sld [smem:$0x3FB5]  }
0x39: {  	_ = 	snop;
	(pc) =	sbr.ind lr, $3  }
0x3a: {  	_ = 	snop  }
0x3b: {  	_ = 	snop  }
0x3c: {  	p2 =	seq.s32 s10, $0x1;
	s10 =	sld [smem:$0x3FB4]  }
0x3d: {  	_ =	shalt  }
0x3e: {  	_ =	shalt  }
0x3f: {  	_ =	shalt  }
0x40: {  	_ =	shalt  }
0x41: {  	_ =	shalt  }
0x42: {  	_ =	shalt  }
0x43: {  	_ =	shalt  }
0x44: {  	_ =	shalt  }
0x45: {  	_ =	shalt  }
0x46: {  	_ =	shalt  }
0x47: {  	_ =	shalt  }
0x48: {  	_ =	shalt  }
0x49: {  	_ =	shalt  }
0x4a: {  	_ =	shalt  }
0x4b: {  	_ =	shalt  }
0x4c: {  	_ =	shalt  }
0x4d: {  	_ =	shalt  }
0x4e: {  	_ =	shalt  }
0x4f: {  	_ =	shalt  }
0x50: {  	_ =	shalt  }
0x51: {  	_ =	shalt  }
0x52: {  	_ =	shalt  }
0x53: {  	_ =	shalt  }
0x54: {  	_ =	shalt  }
0x55: {  	_ =	shalt  }
0x56: {  	_ =	shalt  }
0x57: {  	_ =	shalt  }
0x58: {  	_ =	shalt  }
0x59: {  	_ =	shalt  }
0x5a: {  	_ =	shalt  }
0x5b: {  	_ =	shalt  }
0x5c: {  	_ =	shalt  }
0x5d: {  	_ =	shalt  }
0x5e: {  	_ =	shalt  }
0x5f: {  	_ =	shalt  }
0x60: {  	_ =	shalt  }
0x61: {  	_ =	shalt  }
0x62: {  	_ =	shalt  }
0x63: {  	_ =	shalt  }
0x64: {  	_ =	shalt  }
0x65: {  	_ =	shalt  }
0x66: {  	_ =	shalt  }
0x67: {  	_ =	shalt  }
0x68: {  	_ =	shalt  }
0x69: {  	_ =	shalt  }
0x6a: {  	_ =	shalt  }
0x6b: {  	_ =	shalt  }
0x6c: {  	_ =	shalt  }
0x6d: {  	_ =	shalt  }
0x6e: {  	_ =	shalt  }
0x6f: {  	_ =	shalt  }
0x70: {  	_ =	shalt  }
0x71: {  	_ =	shalt  }
0x72: {  	_ =	shalt  }
0x73: {  	_ =	shalt  }
0x74: {  	_ =	shalt  }
0x75: {  	_ =	shalt  }
0x76: {  	_ =	shalt  }
0x77: {  	_ =	shalt  }
0x78: {  	_ =	shalt  }
0x79: {  	_ =	shalt  }
0x7a: {  	_ =	shalt  }
0x7b: {  	_ =	shalt  }
0x7c: {  	_ =	shalt  }
0x7d: {  	_ =	shalt  }
0x7e: {  	_ =	shalt  }
0x7f: {  	_ =	shalt  }
0x80: {  	_ =	shalt  }
0x81: {  	_ =	shalt  }
0x82: {  	_ =	shalt  }
0x83: {  	_ =	shalt  }
0x84: {  	_ =	shalt  }
0x85: {  	_ =	shalt  }
0x86: {  	_ =	shalt  }
0x87: {  	_ =	shalt  }
.Lfunc_end0:
.L_simem_size_0:
called_computation_lowered:
.L_overlay_start_0:
0x88: {  	s2 =	sld [smem:$0x3FD9]  }
0x89: {  	s3 =	sld [smem:$0x3FFE];
	_ =	sdelay $0x1  }
0x8a: {  	s1 =	srdreg.scid  }
0x8b: {  	s0 =	sand.u32 $0x1, s1  }
0x8c: {  	s17 =	sshll.u32 s0, $0xA;
	s2 =	sadd.s32 s3, s2  }
0x8d: {  	s2 =	sadd.s32 s2, s17  }
0x8e: {  	[smem:$0x3FC0] =	sst s2  }
0x8f: {  	_ = 	snop  }
0x90: {  	s2 =	sld [smem:$0x3FC7]  }
0x91: {  	s18 =	sld [smem:$0x3FC6];
	(tm) =	ssettm $0x1  }
0x92: {  	s4 =	sld [smem:$0x3FFB];
	_ =	sdelay $0x3  }
0x93: {  	_ =	strace s4  }
0x94: {  	s4 =	sld [smem:$0x3FFC];
	_ =	sdelay $0x3  }
0x95: {  	_ =	strace s4  }
0x96: {  	s4 =	sld [smem:$0x3FFD];
	_ =	sdelay $0x3  }
0x97: {  	_ =	strace s4  }
0x98: {  	_ =	strace $0x8FFFFFFF  }
0x99: {  	s19 =	sld [smem:$0x3FDB];
	_ =	sdelay $0x1  }
0x9a: {  	s5 =	simm.s32 $_scs_section_size  }
0x9b: {  	s6 =	simm.s32 $_size__tile_overlayer_lowered;
	s7 =	simm.s32 $_tile_overlayer_lowered  }
0x9c: {  	s22 =	simm.s32 $0x1BFF;
	s21 =	sshll.u32 s7, $0x1;
	s4 =	sadd.s32 s5, s19  }
0x9d: {  	s8 =	simm.s32 $0x0;
	s20 =	sshll.u32 s6, $0x1;
	s6 =	sadd.s32 s21, s4  }
0x9e: {  	[timem:s8], [sflag:s22] =	dma.local [hbm:s6], s20  }
0x9f: {  	_ =	swait.ge [sflag:s22], s20  }
0xa0: {  	s5 =	ssub.s32 $0x0, s20;
	[sflag:s22] =	ssyncset.done $0x0  }
0xa1: {  	[sflag:s22] =	ssyncadd.s32 s5;
	_ =	sdelay $0x1  }
0xa2: {  	s23 =	simm.s32 $0x1B8B  }
0xa3: {  	_ =	swait.ge [sflag:s23], $0x1  }
0xa4: {  	[sflag:s23] =	ssyncset.done $0x0  }
0xa5: {  	s25 =	simm.s32 $0x1B8E;
	s24 =	sld [smem:$0x3FFE];
	[sflag:s23] =	ssyncadd.s32 $0xFFFFFFFF  }
0xa6: {  	s26 =	simm.s32 $execute0_lowered;
	[smem:$0x3FD2] =	sst s25  }
0xa7: {  	s6 =	sshll.u32 s26, $0x1;
	_ =	strace $0x80000046;
	[dreg:$0x1] =	wrdreg $0xFFFFFFFF  }
0xa8: {  	s28 =	simm.s32 $_size_execute0_lowered;
	s4 =	sadd.s32 s4, s6;
	[dreg:$0x0] =	wrdreg $0x0  }
0xa9: {  	s6 =	sshll.u32 s28, $0x1;
	[dreg:$0x2] =	wrdreg s4  }
0xaa: {  	[dreg:$0x3] =	wrdreg s6  }
0xab: {  	[dreg:$0x4] =	wrdreg $0xC0  }
0xac: {  	_ =	task [dreg:s8], $0x5FFFF  }
0xad: {  	[dreg:$0x1] =	wrdreg $0xFFFFFFFF  }
0xae: {  	[dreg:$0x0] =	wrdreg $0x60  }
0xaf: {  	[dreg:$0x2] =	wrdreg s24  }
0xb0: {  	[dreg:$0x3] =	wrdreg s18  }
0xb1: {  	[dreg:$0x4] =	wrdreg s2  }
0xb2: {  	[dreg:$0x5] =	wrdreg $0x9  }
0xb3: {  	_ =	task.clear_ibuf [dreg:s8], $0x6FFFF;
	_ =	strace $0x90000046  }
0xb4: {  	s29 =	simm.s32 $0x9;
	_ =	strace $0x80000048  }
0xb5: {  	_ =	swait.ge [sflag:s29], $0x1  }
0xb6: {  	[sflag:s29] =	ssyncadd.s32 $0xFFFFFFFF  }
0xb7: {  	_ =	strace $0x90000048  }
0xb8: {  	_ =	sfence  }
0xb9: {  	s30 =	sld [smem:$0x0];
	_ =	sdelay $0x2  }
0xba: {  	s31 =	sshll.u32 s1, $0xD;
	s1 =	sshrl.u32 s1, $0x2  }
0xbb: {  	s3 =	sand.u32 $0x4000, s31;
	s1 =	sadd.s32 s1, s30  }
0xbc: {  	s0 =	sor.u32 s3, s0;
	s1 =	sshll.u32 s1, $0x11  }
0xbd: {  	s0 =	sor.u32 s1, s0  }
0xbe: {  	s0 =	sadd.s32 $0x8F2B, s0  }
0xbf: {  	[sflag:s0] =	ssyncadd.remote.s32 $0x1  }
0xc0: {  	_ =	sfence.sel $0xFFFF  }
0xc1: {  	[dreg:$0x0] =	wrdreg $0xFFFFFFFF;
	(pc) =	sbr.abs _section_cstart, $3  }
0xc2: {  	[dreg:$0x1] =	wrdreg $0xFFFFFFFF  }
0xc3: {  	_ =	task.clear_ibuf [dreg:s8], $0x2FFFF;
	_ =	strace $0x9FFFFFFF  }
0xc4: {  	(tm) =	ssettm $0x7FFFFFFF  }
0xc5: {  	_ =	shalt  }
tec
execute0_lowered:
.L_overlay_start_1:
0x0: {  	(tag) =	ssettag $0x1  }
0x1: {  	s1 =	stileid.u32  }
0x2: {  	p0 =	sgt.u32 s1, $0x7  }
.Ltmp0:
0x3: {  	_ = 	snop;
	(pc) =	sbr.rel @p0 .LBB2_5-.Ltmp0, $4  }
0x4: {  	s0 =	rddreg [dreg:$0x0]  }
0x5: {  	s2 =	rddreg [dreg:$0x1];
	s4 =	simm.s32 $0x0  }
0x6: {  	[smem:$0x7FF] =	sst s4  }
0x7: {  	s3 =	rddreg [dreg:$0x2];
	_ =	strace $0x80000047  }
0x8: {  	s1 =	srdreg.scid;
	s5 =	stileid.u32  }
0x9: {  	s1 =	sand.u32 $0x1, s1;
	s5 =	sshll.u32 s5, $0x1  }
0xa: {  	s8 =	sadd.s32 $0x2000, s0;
	s21 =	sadd.s32 $0x2800, s0;
	v0 =	vimm.s32 $0xFEDCBA98;
	s5 =	sor.u32 s1, s5  }
0xb: {  	v1 =	vimm.s32 $0x76543210;
	v2 =	vimm.s32 $0x3210FEDC;
	v3 =	vimm.s32 $0xBA987654;
	s6 =	smul.u32 $0x3, s5  }
0xc: {  	s18 =	sadd.s32 $0x200, s3;
	v4 =	vimm.s32 $0x10FEDCBA;
	v5 =	vimm.s32 $0x98765432;
	s29 =	simm.s32 $0x2;
	s7 =	smul.u32 $0x600, s5  }
0xd: {  	v6 =	vimm.s32 $0xFEDCBA9;
	v7 =	vimm.s32 $0x87654321;
	s30 =	simm.s32 $0x400;
	vm0 =	vmmov $0x1;
	s9 =	smul.u32 $0x900, s5;
	s5 =	sshll.u32 s5, $0x7  }
0xe: {  	s31 =	simm.s32 $0x880;
	v0 =	vunpack.c.l.s4.s8 v0;
	v1 =	vunpack.c.l.s4.s8 v1;
	v2 =	vunpack.c.l.s4.s8 v2;
	s1 =	ssub.s32 $0x2, s1;
	s20 =	sor.u32 $0x10, s5  }
0xf: {  	v3 =	vunpack.c.l.s4.s8 v3;
	v4 =	vunpack.c.l.s4.s8 v4;
	v5 =	vunpack.c.l.s4.s8 v5;
	s10 =	sadd.s32 s21, s5;
	s23 =	sor.u32 $0x20, s5;
	s11 =	sor.u32 $0x30, s5  }
0x10: {  	v6 =	vunpack.c.l.s4.s8 v6;
	v7 =	vunpack.c.l.s4.s8 v7;
	v0 =	vunpack.c.0.s8.s32 v0;
	s13 =	sor.u32 $0x40, s5;
	s15 =	sor.u32 $0x50, s5;
	s17 =	sor.u32 $0x60, s5  }
0x11: {  	v2 =	vunpack.c.0.s8.s32 v2;
	v3 =	vunpack.c.0.s8.s32 v3;
	v4 =	vunpack.c.0.s8.s32 v4;
	s6 =	sadd.s32 s6, s0;
	s7 =	sadd.s32 s7, s0;
	s26 =	sadd.s32 s9, s0  }
0x12: {  	v5 =	vunpack.c.0.s8.s32 v5;
	v6 =	vunpack.c.0.s8.s32 v6;
	v7 =	vunpack.c.0.s8.s32 v7;
	[dreg:$0x4] =	wrdreg s10;
	s22 =	sadd.s32 s8, s20;
	s9 =	sadd.s32 s21, s20  }
0x13: {  	vm3 =	vmmov $0xf;
	v1 =	vunpack.c.0.s8.s32 v1;
	s24 =	sadd.s32 s8, s23;
	s25 =	sadd.s32 s21, s23;
	s10 =	sadd.s32 s8, s11;
	v2 =	vcombine.low v3, v2  }
0x14: {  	s11 =	sadd.s32 s21, s11;
	s12 =	sadd.s32 s8, s13;
	v3 =	vcombine.low v5, v4;
	v4 =	vcombine.low v7, v6;
	v0 =	vand.u32 $0xF, v0;
	[dreg:$0x5] =	wrdreg s22  }
0x15: {  	vm4 =	vmmov $0x1f;
	s13 =	sadd.s32 s21, s13;
	s14 =	sadd.s32 s8, s15;
	[dreg:$0x6] =	wrdreg s9;
	v0 =	vcombine.low v0, v1;
	v1 =	vand.u32 $0xF, v2  }
0x16: {  	s15 =	sadd.s32 s21, s15;
	s16 =	sadd.s32 s8, s17;
	[dreg:$0x7] =	wrdreg s24;
	v2 =	vand.u32 $0xF, v3;
	v3 =	vand.u32 $0xF, v4;
	v4 =	vimm.s32 $0x0  }
0x17: {  	vm5 =	vmmov $0x3f;
	vm6 =	vmmov $0x7f;
	s17 =	sadd.s32 s21, s17;
	[dreg:$0x8] =	wrdreg s25;
	s22 =	sor.u32 $0x70, s5;
	v4 =	vsel vm0, $0xFFFFFFFF, v4  }
0x18: {  	vm7 =	vmmov $0xff;
	s19 =	sadd.s32 $0x3000, s6;
	s23 =	sadd.s32 $0x3200, s26;
	s26 =	sshrl.u32 s1, $0x1;
	vm0 =	vmmov $0x3;
	[tilespmem:$0x1FFD0] =	vst v4;
	v4 =	vimm.s32 $0x0  }
0x19: {  	vm8 =	vmmov $0x1ff;
	vm9 =	vmmov $0x3ff;
	s24 =	sadd.s32 $0x100, s2;
	s25 =	sadd.s32 $0x100, s3;
	s6 =	simm.s32 $0x0;
	v4 =	vsel vm0, $0xFFFFFFFF, v4  }
0x1a: {  	vm10 =	vmmov $0x7ff;
	s20 =	sadd.s32 s8, s22;
	s21 =	sadd.s32 s21, s22;
	s22 =	sadd.s32 $0xC200, s7;
	vm0 =	vmmov $0x7;
	[tilespmem:$0x1FFE0] =	vst v4;
	v4 =	vimm.s32 $0x0  }
0x1b: {  	vm11 =	vmmov $0xfff;
	vm12 =	vmmov $0x1fff;
	s0 =	ssub.s32 s1, s26;
	s26 =	sadd.s32 s8, s5;
	s1 =	simm.s32 $0x800;
	v4 =	vsel vm0, $0xFFFFFFFF, v4  }
0x1c: {  	vm13 =	vmmov $0x3fff;
	vm14 =	vmmov $0x7fff;
	s5 =	simm.s32 $0x3880;
	s28 =	smax.u32 s0, $0x1;
	s0 =	simm.s32 $0x1;
	[tilespmem:$0x1FFF0] =	vst v4;
	v4 =	vlaneseq.u32  }
.LBB2_2:
0x1d: {  	s7 =	simm.s32 $0x0  }
0x1e: {  	[tilespmem:s7], [sflag:$0x2] =	stream.linear.gather [hbm4b:s26+s7], $0x80, $0x38;
	[tilespmem:$0x8080] =	vst v63  }
0x1f: {  	_ =	swait.ge [sflag:s29], $0x80  }
0x20: {  	[sflag:s29] =	ssyncset.done $0x0  }
0x21: {  	s8 =	rddreg [dreg:$0x4];
	[sflag:s29] =	ssyncadd.s32 $0xFFFFFF80  }
0x22: {  	[tilespmem:s30], [sflag:$0x2] =	stream.linear.gather [hbm4b:s8+s7], $0x80, $0x38;
	[tilespmem:$0x8080] =	vst v63  }
0x23: {  	_ =	swait.ge [sflag:s29], $0x80  }
0x24: {  	[sflag:s29] =	ssyncset.done $0x0  }
0x25: {  	s9 =	simm.s32 $0x80;
	s8 =	rddreg [dreg:$0x5];
	[sflag:s29] =	ssyncadd.s32 $0xFFFFFF80  }
0x26: {  	[tilespmem:s9], [sflag:$0x2] =	stream.linear.gather [hbm4b:s8+s7], $0x80, $0x38;
	[tilespmem:$0x8080] =	vst v63  }
0x27: {  	_ =	swait.ge [sflag:s29], $0x80  }
0x28: {  	[sflag:s29] =	ssyncset.done $0x0  }
0x29: {  	s9 =	simm.s32 $0x480;
	s8 =	rddreg [dreg:$0x6];
	[sflag:s29] =	ssyncadd.s32 $0xFFFFFF80  }
0x2a: {  	[tilespmem:s9], [sflag:$0x2] =	stream.linear.gather [hbm4b:s8+s7], $0x80, $0x38;
	[tilespmem:$0x8080] =	vst v63  }
0x2b: {  	_ =	swait.ge [sflag:s29], $0x80  }
0x2c: {  	[sflag:s29] =	ssyncset.done $0x0  }
0x2d: {  	s9 =	simm.s32 $0x100;
	s8 =	rddreg [dreg:$0x7];
	[sflag:s29] =	ssyncadd.s32 $0xFFFFFF80  }
0x2e: {  	[tilespmem:s9], [sflag:$0x2] =	stream.linear.gather [hbm4b:s8+s7], $0x80, $0x38;
	[tilespmem:$0x8080] =	vst v63  }
0x2f: {  	_ =	swait.ge [sflag:s29], $0x80  }
0x30: {  	[sflag:s29] =	ssyncset.done $0x0  }
0x31: {  	s9 =	simm.s32 $0x500;
	s8 =	rddreg [dreg:$0x8];
	[sflag:s29] =	ssyncadd.s32 $0xFFFFFF80  }
0x32: {  	[tilespmem:s9], [sflag:$0x2] =	stream.linear.gather [hbm4b:s8+s7], $0x80, $0x38;
	[tilespmem:$0x8080] =	vst v63  }
0x33: {  	_ =	swait.ge [sflag:s29], $0x80  }
0x34: {  	[sflag:s29] =	ssyncset.done $0x0  }
0x35: {  	s9 =	simm.s32 $0x180;
	[sflag:s29] =	ssyncadd.s32 $0xFFFFFF80  }
0x36: {  	[tilespmem:s9], [sflag:$0x2] =	stream.linear.gather [hbm4b:s10+s7], $0x80, $0x38;
	[tilespmem:$0x8080] =	vst v63  }
0x37: {  	_ =	swait.ge [sflag:s29], $0x80  }
0x38: {  	[sflag:s29] =	ssyncset.done $0x0  }
0x39: {  	s9 =	simm.s32 $0x580;
	[sflag:s29] =	ssyncadd.s32 $0xFFFFFF80  }
0x3a: {  	[tilespmem:s9], [sflag:$0x2] =	stream.linear.gather [hbm4b:s11+s7], $0x80, $0x38;
	[tilespmem:$0x8080] =	vst v63  }
0x3b: {  	_ =	swait.ge [sflag:s29], $0x80  }
0x3c: {  	[sflag:s29] =	ssyncset.done $0x0  }
0x3d: {  	s9 =	simm.s32 $0x200;
	[sflag:s29] =	ssyncadd.s32 $0xFFFFFF80  }
0x3e: {  	[tilespmem:s9], [sflag:$0x2] =	stream.linear.gather [hbm4b:s12+s7], $0x80, $0x38;
	[tilespmem:$0x8080] =	vst v63  }
0x3f: {  	_ =	swait.ge [sflag:s29], $0x80  }
0x40: {  	[sflag:s29] =	ssyncset.done $0x0  }
0x41: {  	s9 =	simm.s32 $0x600;
	[sflag:s29] =	ssyncadd.s32 $0xFFFFFF80  }
0x42: {  	[tilespmem:s9], [sflag:$0x2] =	stream.linear.gather [hbm4b:s13+s7], $0x80, $0x38;
	[tilespmem:$0x8080] =	vst v63  }
0x43: {  	_ =	swait.ge [sflag:s29], $0x80  }
0x44: {  	[sflag:s29] =	ssyncset.done $0x0  }
0x45: {  	s9 =	simm.s32 $0x280;
	[sflag:s29] =	ssyncadd.s32 $0xFFFFFF80  }
0x46: {  	[tilespmem:s9], [sflag:$0x2] =	stream.linear.gather [hbm4b:s14+s7], $0x80, $0x38;
	[tilespmem:$0x8080] =	vst v63  }
0x47: {  	_ =	swait.ge [sflag:s29], $0x80  }
0x48: {  	[sflag:s29] =	ssyncset.done $0x0  }
0x49: {  	s9 =	simm.s32 $0x680;
	[sflag:s29] =	ssyncadd.s32 $0xFFFFFF80  }
0x4a: {  	[tilespmem:s9], [sflag:$0x2] =	stream.linear.gather [hbm4b:s15+s7], $0x80, $0x38;
	[tilespmem:$0x8080] =	vst v63  }
0x4b: {  	_ =	swait.ge [sflag:s29], $0x80  }
0x4c: {  	[sflag:s29] =	ssyncset.done $0x0  }
0x4d: {  	s9 =	simm.s32 $0x300;
	[sflag:s29] =	ssyncadd.s32 $0xFFFFFF80  }
0x4e: {  	[tilespmem:s9], [sflag:$0x2] =	stream.linear.gather [hbm4b:s16+s7], $0x80, $0x38;
	[tilespmem:$0x8080] =	vst v63  }
0x4f: {  	_ =	swait.ge [sflag:s29], $0x80  }
0x50: {  	[sflag:s29] =	ssyncset.done $0x0  }
0x51: {  	s9 =	simm.s32 $0x700;
	[sflag:s29] =	ssyncadd.s32 $0xFFFFFF80  }
0x52: {  	[tilespmem:s9], [sflag:$0x2] =	stream.linear.gather [hbm4b:s17+s7], $0x80, $0x38;
	[tilespmem:$0x8080] =	vst v63  }
0x53: {  	_ =	swait.ge [sflag:s29], $0x80  }
0x54: {  	[sflag:s29] =	ssyncset.done $0x0  }
0x55: {  	s9 =	simm.s32 $0x380;
	[sflag:s29] =	ssyncadd.s32 $0xFFFFFF80  }
0x56: {  	[tilespmem:s9], [sflag:$0x2] =	stream.linear.gather [hbm4b:s20+s7], $0x80, $0x38;
	[tilespmem:$0x8080] =	vst v63  }
0x57: {  	_ =	swait.ge [sflag:s29], $0x80  }
0x58: {  	[sflag:s29] =	ssyncset.done $0x0  }
0x59: {  	s9 =	simm.s32 $0x780;
	[sflag:s29] =	ssyncadd.s32 $0xFFFFFF80  }
0x5a: {  	[tilespmem:s9], [sflag:$0x2] =	stream.linear.gather [hbm4b:s21+s7], $0x80, $0x38;
	[tilespmem:$0x8080] =	vst v63  }
0x5b: {  	_ =	swait.ge [sflag:s29], $0x80  }
0x5c: {  	[sflag:s29] =	ssyncset.done $0x0  }
0x5d: {  	[sflag:s29] =	ssyncadd.s32 $0xFFFFFF80  }
0x5e: {  	v5 =	vld [tilespmem:$0x0]  }
0x5f: {  	v11 =	vld [tilespmem:$0x40];
	_ =	sdelay $0x1  }
0x60: {  	v6 =	vld [tilespmem:$0x10];
	_ =	sdelay $0x1  }
0x61: {  	v7 =	vld [tilespmem:$0x20]  }
0x62: {  	v8 =	vperm.xlane v5, v0;
	v14 =	vperm.xlane v11, v0  }
0x63: {  	v9 =	vld [tilespmem:$0x30]  }
0x64: {  	v5 =	vmax.f32 v5, v8;
	v8 =	vperm.xlane v6, v0;
	v11 =	vmax.f32 v11, v14  }
0x65: {  	v10 =	vperm.xlane v5, v1;
	v14 =	vperm.xlane v11, v1  }
0x66: {  	v6 =	vmax.f32 v6, v8;
	v8 =	vperm.xlane v7, v0  }
0x67: {  	v5 =	vmax.f32 v5, v10;
	v10 =	vperm.xlane v6, v1;
	v11 =	vmax.f32 v11, v14;
	v14 =	vld [tilespmem:$0x1FFE0]  }
0x68: {  	v12 =	vperm.xlane v5, v2;
	v7 =	vmax.f32 v7, v8;
	v8 =	vperm.xlane v9, v0  }
0x69: {  	v6 =	vmax.f32 v6, v10;
	v10 =	vperm.xlane v7, v1  }
0x6a: {  	v16 =	vld [tilespmem:$0x1FFD0];
	v5 =	vmax.f32 v5, v12;
	v12 =	vperm.xlane v6, v2;
	v8 =	vmax.f32 v9, v8  }
0x6b: {  	v13 =	vld [tilespmem:$0x50];
	v9 =	vperm.xlane v5, v3;
	v7 =	vmax.f32 v7, v10;
	v10 =	vperm.xlane v8, v1  }
0x6c: {  	v6 =	vmax.f32 v6, v12;
	v12 =	vperm.xlane v7, v2;
	vm1 =	vnez.u8 v14;
	v14 =	vld [tilespmem:$0x1FFF0]  }
0x6d: {  	v5 =	vmax.f32 v5, v9;
	v9 =	vperm.xlane v6, v3;
	v8 =	vmax.f32 v8, v10;
	v10 =	vld [tilespmem:$0x60]  }
0x6e: {  	v7 =	vmax.f32 v7, v12;
	v12 =	vperm.xlane v8, v2  }
0x6f: {  	v15 =	vld [tilespmem:$0x70];
	vm0 =	vnez.u8 v16;
	v6 =	vmax.f32 v6, v9;
	v9 =	vperm.xlane v7, v3  }
0x70: {  	v5 =	vsel vm0, v5, v6;
	v6 =	vmax.f32 v8, v12;
	v8 =	vperm.xlane v13, v0  }
0x71: {  	v12 =	vperm.xlane v11, v2;
	v7 =	vmax.f32 v7, v9;
	v9 =	vperm.xlane v6, v3  }
0x72: {  	vm2 =	vnez.u8 v14;
	v8 =	vmax.f32 v13, v8;
	v13 =	vperm.xlane v10, v0  }
0x73: {  	v5 =	vsel vm1, v5, v7;
	v6 =	vmax.f32 v6, v9;
	v7 =	vperm.xlane v8, v1;
	v9 =	vld [tilespmem:$0x80]  }
0x74: {  	v11 =	vmax.f32 v11, v12;
	v12 =	vperm.xlane v15, v0;
	v10 =	vmax.f32 v10, v13  }
0x75: {  	v13 =	vperm.xlane v11, v3;
	v7 =	vmax.f32 v8, v7;
	v8 =	vperm.xlane v10, v1  }
0x76: {  	v5 =	vsel vm2, v5, v6;
	v12 =	vmax.f32 v15, v12;
	v6 =	vperm.xlane v7, v2  }
0x77: {  	v11 =	vmax.f32 v11, v13;
	v13 =	vld [tilespmem:$0x90];
	v8 =	vmax.f32 v10, v8;
	v10 =	vperm.xlane v12, v1  }
0x78: {  	v6 =	vmax.f32 v7, v6;
	v7 =	vperm.xlane v8, v2;
	v14 =	vperm.xlane v9, v0  }
0x79: {  	v5 =	vsel vm3, v5, v11;
	v11 =	vperm.xlane v6, v3;
	v10 =	vmax.f32 v12, v10;
	v12 =	vld [tilespmem:$0xA0]  }
0x7a: {  	v7 =	vmax.f32 v8, v7;
	v8 =	vperm.xlane v10, v2;
	v9 =	vmax.f32 v9, v14  }
0x7b: {  	v6 =	vmax.f32 v6, v11;
	v11 =	vperm.xlane v7, v3;
	v14 =	vperm.xlane v9, v1  }
0x7c: {  	v5 =	vsel vm4, v5, v6;
	v6 =	vmax.f32 v10, v8;
	v8 =	vperm.xlane v13, v0  }
0x7d: {  	v23 =	vld [tilespmem:$0x280];
	v7 =	vmax.f32 v7, v11;
	v10 =	vperm.xlane v6, v3;
	v9 =	vmax.f32 v9, v14  }
0x7e: {  	v14 =	vld [tilespmem:$0xB0];
	v11 =	vperm.xlane v9, v2;
	v8 =	vmax.f32 v13, v8;
	v13 =	vperm.xlane v12, v0  }
0x7f: {  	v5 =	vsel vm5, v5, v7;
	v7 =	vperm.xlane v8, v1  }
0x80: {  	v6 =	vmax.f32 v6, v10;
	v9 =	vmax.f32 v9, v11;
	v10 =	vmax.f32 v12, v13;
	v11 =	vld [tilespmem:$0xC0]  }
0x81: {  	v13 =	vld [tilespmem:$0xD0];
	v12 =	vperm.xlane v9, v3;
	v7 =	vmax.f32 v8, v7;
	v8 =	vperm.xlane v10, v1  }
0x82: {  	v25 =	vperm.xlane v23, v0;
	v5 =	vsel vm6, v5, v6;
	v6 =	vperm.xlane v7, v2  }
0x83: {  	v9 =	vmax.f32 v9, v12;
	v8 =	vmax.f32 v10, v8;
	v10 =	vperm.xlane v14, v0  }
0x84: {  	v5 =	vsel vm7, v5, v9;
	v6 =	vmax.f32 v7, v6;
	v7 =	vperm.xlane v8, v2  }
0x85: {  	v9 =	vperm.xlane v6, v3;
	v10 =	vmax.f32 v14, v10;
	v12 =	vperm.xlane v11, v0;
	v14 =	vld [tilespmem:$0xE0]  }
0x86: {  	v15 =	vperm.xlane v13, v0;
	v7 =	vmax.f32 v8, v7;
	v8 =	vperm.xlane v10, v1  }
0x87: {  	v6 =	vmax.f32 v6, v9;
	v9 =	vperm.xlane v7, v3;
	v11 =	vmax.f32 v11, v12  }
0x88: {  	v12 =	vmax.f32 v13, v15;
	v8 =	vmax.f32 v10, v8;
	v10 =	vperm.xlane v11, v1  }
0x89: {  	v5 =	vsel vm8, v5, v6;
	v13 =	vperm.xlane v12, v1;
	v6 =	vperm.xlane v8, v2  }
0x8a: {  	v7 =	vmax.f32 v7, v9;
	v9 =	vmax.f32 v11, v10;
	v10 =	vperm.xlane v14, v0  }
0x8b: {  	v11 =	vmax.f32 v12, v13;
	v12 =	vld [tilespmem:$0x100];
	v6 =	vmax.f32 v8, v6;
	v8 =	vperm.xlane v9, v2  }
0x8c: {  	v15 =	vperm.xlane v11, v2;
	v13 =	vperm.xlane v6, v3;
	v10 =	vmax.f32 v14, v10;
	v14 =	vld [tilespmem:$0x110]  }
0x8d: {  	v5 =	vsel vm9, v5, v7;
	v7 =	vmax.f32 v9, v8;
	v8 =	vperm.xlane v10, v1;
	v9 =	vld [tilespmem:$0xF0]  }
0x8e: {  	v11 =	vmax.f32 v11, v15;
	v6 =	vmax.f32 v6, v13;
	v13 =	vperm.xlane v7, v3  }
0x8f: {  	v5 =	vsel vm10, v5, v6;
	v6 =	vperm.xlane v11, v3;
	v8 =	vmax.f32 v10, v8  }
0x90: {  	v7 =	vmax.f32 v7, v13;
	v10 =	vperm.xlane v8, v2;
	v13 =	vperm.xlane v12, v0  }
0x91: {  	v5 =	vsel vm11, v5, v7;
	v6 =	vmax.f32 v11, v6;
	v7 =	vperm.xlane v14, v0;
	v11 =	vld [tilespmem:$0x120]  }
0x92: {  	v8 =	vmax.f32 v8, v10;
	v10 =	vperm.xlane v9, v0;
	v12 =	vmax.f32 v12, v13  }
0x93: {  	v13 =	vperm.xlane v8, v3;
	v15 =	vperm.xlane v12, v1;
	v7 =	vmax.f32 v14, v7  }
0x94: {  	v5 =	vsel vm12, v5, v6;
	v6 =	vmax.f32 v9, v10;
	v9 =	vperm.xlane v7, v1;
	v10 =	vld [tilespmem:$0x130]  }
0x95: {  	v8 =	vmax.f32 v8, v13;
	v13 =	vperm.xlane v6, v1;
	v12 =	vmax.f32 v12, v15  }
0x96: {  	v15 =	vld [tilespmem:$0x140];
	v14 =	vperm.xlane v12, v2;
	v7 =	vmax.f32 v7, v9;
	v9 =	vperm.xlane v11, v0  }
0x97: {  	v5 =	vsel vm13, v5, v8;
	v6 =	vmax.f32 v6, v13;
	v8 =	vperm.xlane v7, v2  }
0x98: {  	v13 =	vperm.xlane v6, v2;
	v12 =	vmax.f32 v12, v14;
	v9 =	vmax.f32 v11, v9;
	v11 =	vld [tilespmem:$0x150]  }
0x99: {  	v7 =	vmax.f32 v7, v8;
	v8 =	vperm.xlane v9, v1;
	v14 =	vperm.xlane v10, v0  }
0x9a: {  	v6 =	vmax.f32 v6, v13;
	v13 =	vperm.xlane v12, v3;
	v52 =	vperm.xlane v7, v3  }
0x9b: {  	v8 =	vmax.f32 v9, v8;
	v9 =	vmax.f32 v10, v14;
	v10 =	vperm.xlane v15, v0  }
0x9c: {  	v12 =	vmax.f32 v12, v13;
	v13 =	vperm.xlane v8, v2;
	v14 =	vperm.xlane v9, v1  }
0x9d: {  	v53 =	vld [tilespmem:$0x160];
	v7 =	vmax.f32 v7, v52;
	v10 =	vmax.f32 v15, v10;
	v15 =	vperm.xlane v11, v0  }
0x9e: {  	v8 =	vmax.f32 v8, v13;
	v9 =	vmax.f32 v9, v14;
	v13 =	vperm.xlane v10, v1  }
0x9f: {  	v14 =	vperm.xlane v8, v3;
	v17 =	vperm.xlane v9, v2;
	v11 =	vmax.f32 v11, v15  }
0xa0: {  	v7 =	vsel vm0, v12, v7;
	v10 =	vmax.f32 v10, v13;
	v12 =	vperm.xlane v11, v1;
	v13 =	vld [tilespmem:$0x170]  }
0xa1: {  	v8 =	vmax.f32 v8, v14;
	v9 =	vmax.f32 v9, v17;
	v14 =	vperm.xlane v10, v2  }
0xa2: {  	v54 =	vld [tilespmem:$0x180];
	v15 =	vperm.xlane v9, v3;
	v11 =	vmax.f32 v11, v12;
	v12 =	vperm.xlane v53, v0  }
0xa3: {  	v7 =	vsel vm1, v7, v8;
	v8 =	vmax.f32 v10, v14;
	v10 =	vperm.xlane v11, v2  }
0xa4: {  	v9 =	vmax.f32 v9, v15;
	v14 =	vperm.xlane v8, v3;
	v12 =	vmax.f32 v53, v12;
	v15 =	vld [tilespmem:$0x190]  }
0xa5: {  	v10 =	vmax.f32 v11, v10;
	v11 =	vperm.xlane v12, v1;
	v55 =	vperm.xlane v13, v0  }
0xa6: {  	v7 =	vsel vm2, v7, v9;
	v8 =	vmax.f32 v8, v14;
	v9 =	vperm.xlane v10, v3  }
0xa7: {  	v11 =	vmax.f32 v12, v11;
	v12 =	vmax.f32 v13, v55;
	v13 =	vperm.xlane v54, v0  }
0xa8: {  	v7 =	vsel vm3, v7, v8;
	v8 =	vperm.xlane v11, v2;
	v14 =	vperm.xlane v12, v1  }
0xa9: {  	v56 =	vld [tilespmem:$0x1A0];
	v9 =	vmax.f32 v10, v9;
	v10 =	vmax.f32 v54, v13;
	v13 =	vperm.xlane v15, v0  }
0xaa: {  	v8 =	vmax.f32 v11, v8;
	v11 =	vmax.f32 v12, v14;
	v12 =	vperm.xlane v10, v1  }
0xab: {  	v14 =	vperm.xlane v8, v3;
	v57 =	vperm.xlane v11, v2;
	v13 =	vmax.f32 v15, v13  }
0xac: {  	v7 =	vsel vm4, v7, v9;
	v9 =	vmax.f32 v10, v12;
	v10 =	vperm.xlane v13, v1;
	v12 =	vld [tilespmem:$0x1B0]  }
0xad: {  	v8 =	vmax.f32 v8, v14;
	v11 =	vmax.f32 v11, v57;
	v14 =	vperm.xlane v9, v2  }
0xae: {  	v15 =	vperm.xlane v11, v3;
	v10 =	vmax.f32 v13, v10;
	v13 =	vperm.xlane v56, v0  }
0xaf: {  	v7 =	vsel vm5, v7, v8;
	v8 =	vmax.f32 v9, v14;
	v9 =	vperm.xlane v10, v2  }
0xb0: {  	v11 =	vmax.f32 v11, v15;
	v14 =	vperm.xlane v8, v3;
	v13 =	vmax.f32 v56, v13;
	v15 =	vld [tilespmem:$0x1C0]  }
0xb1: {  	v59 =	vld [tilespmem:$0x1D0];
	v9 =	vmax.f32 v10, v9;
	v10 =	vperm.xlane v13, v1;
	v58 =	vperm.xlane v12, v0  }
0xb2: {  	v7 =	vsel vm6, v7, v11;
	v8 =	vmax.f32 v8, v14;
	v11 =	vperm.xlane v9, v3  }
0xb3: {  	v7 =	vsel vm7, v7, v8;
	v8 =	vmax.f32 v13, v10;
	v10 =	vmax.f32 v12, v58;
	v12 =	vld [tilespmem:$0x1E0]  }
0xb4: {  	v9 =	vmax.f32 v9, v11;
	v11 =	vperm.xlane v8, v2;
	v13 =	vperm.xlane v10, v1  }
0xb5: {  	v14 =	vperm.xlane v6, v3;
	v7 =	vsel vm8, v7, v9;
	v9 =	vperm.xlane v15, v0  }
0xb6: {  	v8 =	vmax.f32 v8, v11;
	v10 =	vmax.f32 v10, v13;
	v11 =	vperm.xlane v59, v0  }
0xb7: {  	v13 =	vperm.xlane v8, v3;
	v60 =	vperm.xlane v10, v2;
	v9 =	vmax.f32 v15, v9  }
0xb8: {  	v15 =	vperm.xlane v9, v1;
	v11 =	vmax.f32 v59, v11;
	v61 =	vperm.xlane v12, v0  }
0xb9: {  	v8 =	vmax.f32 v8, v13;
	v10 =	vmax.f32 v10, v60;
	v13 =	vperm.xlane v11, v1  }
0xba: {  	v16 =	vperm.xlane v10, v3;
	v9 =	vmax.f32 v9, v15;
	v12 =	vmax.f32 v12, v61  }
0xbb: {  	v62 =	vld [tilespmem:$0x200];
	v15 =	vperm.xlane v9, v2;
	v11 =	vmax.f32 v11, v13;
	v13 =	vperm.xlane v12, v1  }
0xbc: {  	v6 =	vmax.f32 v6, v14;
	v14 =	vld [tilespmem:$0x1F0];
	v7 =	vsel vm9, v7, v8;
	v8 =	vperm.xlane v11, v2  }
0xbd: {  	v10 =	vmax.f32 v10, v16;
	v9 =	vmax.f32 v9, v15;
	v12 =	vmax.f32 v12, v13;
	v13 =	vld [tilespmem:$0x210]  }
0xbe: {  	v15 =	vperm.xlane v9, v3;
	v8 =	vmax.f32 v11, v8;
	v11 =	vperm.xlane v12, v2  }
0xbf: {  	v5 =	vsel vm14, v5, v6;
	v6 =	vsel vm10, v7, v10;
	v10 =	vld [tilespmem:$0x220];
	v7 =	vperm.xlane v8, v3  }
0xc0: {  	v9 =	vmax.f32 v9, v15;
	v11 =	vmax.f32 v12, v11;
	v12 =	vperm.xlane v62, v0  }
0xc1: {  	v6 =	vsel vm11, v6, v9;
	v7 =	vmax.f32 v8, v7;
	v8 =	vperm.xlane v11, v3  }
0xc2: {  	v9 =	vperm.xlane v14, v0;
	v12 =	vmax.f32 v62, v12;
	v15 =	vperm.xlane v13, v0  }
0xc3: {  	v6 =	vsel vm12, v6, v7;
	v7 =	vmax.f32 v11, v8;
	v8 =	vperm.xlane v12, v1;
	v11 =	vld [tilespmem:$0x230]  }
0xc4: {  	v9 =	vmax.f32 v14, v9;
	v14 =	vperm.xlane v10, v0;
	v13 =	vmax.f32 v13, v15  }
0xc5: {  	v15 =	vperm.xlane v9, v1;
	v8 =	vmax.f32 v12, v8;
	v12 =	vperm.xlane v13, v1  }
0xc6: {  	v6 =	vsel vm13, v6, v7;
	v10 =	vmax.f32 v10, v14;
	v7 =	vperm.xlane v8, v2  }
0xc7: {  	v14 =	vld [tilespmem:$0x240];
	v9 =	vmax.f32 v9, v15;
	v12 =	vmax.f32 v13, v12;
	v13 =	vperm.xlane v10, v1  }
0xc8: {  	v7 =	vmax.f32 v8, v7;
	v8 =	vperm.xlane v12, v2;
	v15 =	vperm.xlane v11, v0  }
0xc9: {  	v63 =	vperm.xlane v9, v2;
	v20 =	vperm.xlane v7, v3;
	v10 =	vmax.f32 v10, v13;
	v13 =	vld [tilespmem:$0x250]  }
0xca: {  	v8 =	vmax.f32 v12, v8;
	v12 =	vperm.xlane v10, v2;
	v11 =	vmax.f32 v11, v15  }
0xcb: {  	v15 =	vperm.xlane v8, v3;
	v21 =	vperm.xlane v11, v1  }
0xcc: {  	v7 =	vmax.f32 v7, v20;
	v10 =	vmax.f32 v10, v12;
	v12 =	vperm.xlane v14, v0  }
0xcd: {  	v8 =	vmax.f32 v8, v15;
	v15 =	vperm.xlane v10, v3;
	v11 =	vmax.f32 v11, v21  }
0xce: {  	v22 =	vld [tilespmem:$0x260];
	v16 =	vperm.xlane v11, v2;
	v12 =	vmax.f32 v14, v12;
	v14 =	vperm.xlane v13, v0  }
0xcf: {  	v9 =	vmax.f32 v9, v63;
	v7 =	vsel vm0, v7, v8;
	v8 =	vperm.xlane v12, v1  }
0xd0: {  	v10 =	vmax.f32 v10, v15;
	v11 =	vmax.f32 v11, v16;
	v13 =	vmax.f32 v13, v14;
	v14 =	vld [tilespmem:$0x270]  }
0xd1: {  	v15 =	vperm.xlane v11, v3;
	v8 =	vmax.f32 v12, v8;
	v12 =	vperm.xlane v13, v1  }
0xd2: {  	v18 =	vperm.xlane v9, v3;
	v7 =	vsel vm1, v7, v10;
	v10 =	vperm.xlane v8, v2  }
0xd3: {  	v11 =	vmax.f32 v11, v15;
	v12 =	vmax.f32 v13, v12;
	v13 =	vperm.xlane v22, v0  }
0xd4: {  	v7 =	vsel vm2, v7, v11;
	v8 =	vmax.f32 v8, v10;
	v10 =	vperm.xlane v12, v2  }
0xd5: {  	v24 =	vld [tilespmem:$0x290];
	v11 =	vperm.xlane v8, v3;
	v13 =	vmax.f32 v22, v13;
	v15 =	vperm.xlane v14, v0  }
0xd6: {  	v9 =	vmax.f32 v9, v18;
	v10 =	vmax.f32 v12, v10;
	v12 =	vperm.xlane v13, v1  }
0xd7: {  	v8 =	vmax.f32 v8, v11;
	v11 =	vperm.xlane v10, v3;
	v14 =	vmax.f32 v14, v15  }
0xd8: {  	v15 =	vmax.f32 v23, v25;
	v12 =	vmax.f32 v13, v12;
	v13 =	vperm.xlane v14, v1  }
0xd9: {  	v7 =	vsel vm3, v7, v8;
	v16 =	vperm.xlane v15, v1;
	v8 =	vperm.xlane v12, v2  }
0xda: {  	v10 =	vmax.f32 v10, v11;
	v11 =	vmax.f32 v14, v13;
	v13 =	vperm.xlane v24, v0;
	v14 =	vld [tilespmem:$0x2A0]  }
0xdb: {  	v15 =	vmax.f32 v15, v16;
	v8 =	vmax.f32 v12, v8;
	v12 =	vperm.xlane v11, v2  }
0xdc: {  	v27 =	vperm.xlane v15, v2;
	v26 =	vperm.xlane v8, v3;
	v13 =	vmax.f32 v24, v13  }
0xdd: {  	v7 =	vsel vm4, v7, v10;
	v10 =	vmax.f32 v11, v12;
	v11 =	vperm.xlane v13, v1;
	v12 =	vld [tilespmem:$0x2B0]  }
0xde: {  	v15 =	vmax.f32 v15, v27;
	v8 =	vmax.f32 v8, v26;
	v28 =	vperm.xlane v10, v3  }
0xdf: {  	v30 =	vld [tilespmem:$0x2C0];
	v29 =	vperm.xlane v15, v3;
	v11 =	vmax.f32 v13, v11;
	v13 =	vperm.xlane v14, v0  }
0xe0: {  	v7 =	vsel vm5, v7, v8;
	v8 =	vmax.f32 v10, v28;
	v10 =	vperm.xlane v11, v2  }
0xe1: {  	v7 =	vsel vm6, v7, v8;
	v8 =	vmax.f32 v15, v29;
	v13 =	vmax.f32 v14, v13;
	v14 =	vld [tilespmem:$0x2D0]  }
0xe2: {  	v10 =	vmax.f32 v11, v10;
	v11 =	vperm.xlane v13, v1;
	v15 =	vperm.xlane v12, v0  }
0xe3: {  	v6 =	vsel vm14, v6, v9;
	v7 =	vsel vm7, v7, v8;
	v8 =	vperm.xlane v10, v3  }
0xe4: {  	v9 =	vmax.f32 v13, v11;
	v11 =	vmax.f32 v12, v15;
	v12 =	vperm.xlane v30, v0;
	v13 =	vld [tilespmem:$0x2E0]  }
0xe5: {  	v8 =	vmax.f32 v10, v8;
	v10 =	vperm.xlane v9, v2;
	v15 =	vperm.xlane v11, v1  }
0xe6: {  	v7 =	vsel vm8, v7, v8;
	v8 =	vmax.f32 v30, v12;
	v12 =	vperm.xlane v14, v0  }
0xe7: {  	v9 =	vmax.f32 v9, v10;
	v10 =	vmax.f32 v11, v15;
	v11 =	vperm.xlane v8, v1  }
0xe8: {  	v15 =	vperm.xlane v9, v3;
	v31 =	vperm.xlane v10, v2;
	v12 =	vmax.f32 v14, v12  }
0xe9: {  	v8 =	vmax.f32 v8, v11;
	v11 =	vperm.xlane v12, v1;
	v14 =	vperm.xlane v13, v0  }
0xea: {  	v32 =	vld [tilespmem:$0x300];
	v9 =	vmax.f32 v9, v15;
	v10 =	vmax.f32 v10, v31;
	v15 =	vperm.xlane v8, v2  }
0xeb: {  	v33 =	vperm.xlane v10, v3;
	v11 =	vmax.f32 v12, v11;
	v12 =	vmax.f32 v13, v14;
	v13 =	vld [tilespmem:$0x310]  }
0xec: {  	v34 =	vld [tilespmem:$0x2F0];
	v8 =	vmax.f32 v8, v15;
	v14 =	vperm.xlane v11, v2;
	v15 =	vperm.xlane v12, v1  }
0xed: {  	v7 =	vsel vm9, v7, v9;
	v9 =	vmax.f32 v10, v33;
	v10 =	vperm.xlane v8, v3  }
0xee: {  	v7 =	vsel vm10, v7, v9;
	v9 =	vmax.f32 v11, v14;
	v11 =	vmax.f32 v12, v15  }
0xef: {  	v8 =	vmax.f32 v8, v10;
	v10 =	vperm.xlane v9, v3;
	v12 =	vperm.xlane v11, v2  }
0xf0: {  	v15 =	vld [tilespmem:$0x320];
	v7 =	vsel vm11, v7, v8;
	v8 =	vperm.xlane v32, v0;
	v14 =	vperm.xlane v13, v0  }
0xf1: {  	v9 =	vmax.f32 v9, v10;
	v10 =	vmax.f32 v11, v12;
	v11 =	vperm.xlane v34, v0  }
0xf2: {  	v12 =	vperm.xlane v10, v3;
	v8 =	vmax.f32 v32, v8;
	v13 =	vmax.f32 v13, v14;
	v14 =	vld [tilespmem:$0x330]  }
0xf3: {  	v11 =	vmax.f32 v34, v11;
	v16 =	vperm.xlane v8, v1;
	v35 =	vperm.xlane v13, v1  }
0xf4: {  	v7 =	vsel vm12, v7, v9;
	v9 =	vmax.f32 v10, v12;
	v10 =	vperm.xlane v11, v1  }
0xf5: {  	v36 =	vld [tilespmem:$0x340];
	v8 =	vmax.f32 v8, v16;
	v12 =	vmax.f32 v13, v35;
	v13 =	vperm.xlane v15, v0  }
0xf6: {  	v7 =	vsel vm13, v7, v9;
	v9 =	vperm.xlane v8, v2;
	v17 =	vperm.xlane v12, v2  }
0xf7: {  	v10 =	vmax.f32 v11, v10;
	v11 =	vmax.f32 v15, v13;
	v13 =	vperm.xlane v14, v0;
	v15 =	vld [tilespmem:$0x350]  }
0xf8: {  	v8 =	vmax.f32 v8, v9;
	v9 =	vmax.f32 v12, v17;
	v12 =	vperm.xlane v11, v1  }
0xf9: {  	v37 =	vperm.xlane v8, v3;
	v38 =	vperm.xlane v9, v3;
	v13 =	vmax.f32 v14, v13  }
0xfa: {  	v14 =	vperm.xlane v36, v0;
	v11 =	vmax.f32 v11, v12;
	v12 =	vperm.xlane v13, v1  }
0xfb: {  	v8 =	vmax.f32 v8, v37;
	v9 =	vmax.f32 v9, v38;
	v39 =	vperm.xlane v11, v2  }
0xfc: {  	v40 =	vld [tilespmem:$0x360];
	v12 =	vmax.f32 v13, v12;
	v13 =	vmax.f32 v36, v14;
	v14 =	vperm.xlane v15, v0  }
0xfd: {  	v11 =	vmax.f32 v11, v39;
	v41 =	vperm.xlane v12, v2;
	v42 =	vperm.xlane v13, v1  }
0xfe: {  	v8 =	vsel vm0, v8, v9;
	v9 =	vperm.xlane v11, v3;
	v14 =	vmax.f32 v15, v14  }
0xff: {  	v43 =	vld [tilespmem:$0x370];
	v12 =	vmax.f32 v12, v41;
	v13 =	vmax.f32 v13, v42;
	v15 =	vperm.xlane v14, v1  }
0x100: {  	v9 =	vmax.f32 v11, v9;
	v11 =	vperm.xlane v12, v3;
	v18 =	vperm.xlane v13, v2  }
0x101: {  	v8 =	vsel vm1, v8, v9;
	v9 =	vmax.f32 v14, v15;
	v14 =	vperm.xlane v40, v0  }
0x102: {  	v11 =	vmax.f32 v12, v11;
	v12 =	vmax.f32 v13, v18;
	v13 =	vperm.xlane v9, v2  }
0x103: {  	v15 =	vld [tilespmem:$0x380];
	v8 =	vsel vm2, v8, v11;
	v11 =	vperm.xlane v12, v3;
	v14 =	vmax.f32 v40, v14  }
0x104: {  	v45 =	vld [tilespmem:$0x390];
	v44 =	vperm.xlane v43, v0;
	v9 =	vmax.f32 v9, v13;
	v13 =	vperm.xlane v14, v1  }
0x105: {  	v19 =	vperm.xlane v10, v2;
	v11 =	vmax.f32 v12, v11;
	v12 =	vperm.xlane v9, v3  }
0x106: {  	v8 =	vsel vm3, v8, v11;
	v11 =	vmax.f32 v14, v13;
	v13 =	vmax.f32 v43, v44;
	v14 =	vld [tilespmem:$0x3A0]  }
0x107: {  	v9 =	vmax.f32 v9, v12;
	v12 =	vperm.xlane v11, v2;
	v16 =	vperm.xlane v13, v1  }
0x108: {  	v10 =	vmax.f32 v10, v19;
	v8 =	vsel vm4, v8, v9;
	v9 =	vperm.xlane v15, v0  }
0x109: {  	v11 =	vmax.f32 v11, v12;
	v12 =	vmax.f32 v13, v16;
	v13 =	vperm.xlane v45, v0  }
0x10a: {  	v46 =	vperm.xlane v11, v3;
	v47 =	vperm.xlane v12, v2;
	v9 =	vmax.f32 v15, v9  }
0x10b: {  	v49 =	vld [tilespmem:$0x3B0];
	v15 =	vperm.xlane v9, v1;
	v13 =	vmax.f32 v45, v13;
	v48 =	vperm.xlane v14, v0  }
0x10c: {  	v11 =	vmax.f32 v11, v46;
	v12 =	vmax.f32 v12, v47;
	v50 =	vperm.xlane v13, v1  }
0x10d: {  	v9 =	vmax.f32 v9, v15;
	v15 =	vperm.xlane v12, v3;
	v14 =	vmax.f32 v14, v48  }
0x10e: {  	v51 =	vperm.xlane v9, v2;
	v13 =	vmax.f32 v13, v50;
	v52 =	vperm.xlane v14, v1  }
0x10f: {  	v8 =	vsel vm5, v8, v11;
	v11 =	vmax.f32 v12, v15;
	v12 =	vperm.xlane v13, v2  }
0x110: {  	v15 =	vperm.xlane v49, v0;
	v9 =	vmax.f32 v9, v51;
	v14 =	vmax.f32 v14, v52  }
0x111: {  	v54 =	vld [tilespmem:$0x3C0];
	v53 =	vperm.xlane v9, v3;
	v12 =	vmax.f32 v13, v12;
	v13 =	vperm.xlane v14, v2  }
0x112: {  	v55 =	vld [tilespmem:$0x3D0];
	v8 =	vsel vm6, v8, v11;
	v15 =	vmax.f32 v49, v15;
	v11 =	vperm.xlane v12, v3  }
0x113: {  	v56 =	vld [tilespmem:$0x3E0];
	v9 =	vmax.f32 v9, v53;
	v13 =	vmax.f32 v14, v13;
	v14 =	vperm.xlane v15, v1  }
0x114: {  	v8 =	vsel vm7, v8, v9;
	v9 =	vmax.f32 v12, v11;
	v11 =	vperm.xlane v13, v3;
	v12 =	vld [tilespmem:$0x3F0]  }
0x115: {  	v8 =	vsel vm8, v8, v9;
	v9 =	vperm.xlane v10, v3;
	v14 =	vmax.f32 v15, v14  }
0x116: {  	v15 =	vperm.xlane v54, v0;
	v11 =	vmax.f32 v13, v11;
	v13 =	vperm.xlane v14, v2  }
0x117: {  	v9 =	vmax.f32 v10, v9;
	v8 =	vsel vm9, v8, v11;
	v10 =	vperm.xlane v55, v0  }
0x118: {  	v11 =	vmax.f32 v14, v13;
	v13 =	vmax.f32 v54, v15;
	v14 =	vperm.xlane v56, v0  }
0x119: {  	v15 =	vperm.xlane v13, v1;
	v10 =	vmax.f32 v55, v10;
	v57 =	vperm.xlane v12, v0  }
0x11a: {  	v58 =	vperm.xlane v11, v3;
	v14 =	vmax.f32 v56, v14;
	v59 =	vperm.xlane v10, v1  }
0x11b: {  	v13 =	vmax.f32 v13, v15;
	v15 =	vperm.xlane v14, v1;
	v12 =	vmax.f32 v12, v57  }
0x11c: {  	v60 =	vperm.xlane v13, v2;
	v10 =	vmax.f32 v10, v59;
	v61 =	vperm.xlane v12, v1  }
0x11d: {  	v11 =	vmax.f32 v11, v58;
	v14 =	vmax.f32 v14, v15;
	v15 =	vperm.xlane v10, v2  }
0x11e: {  	v13 =	vmax.f32 v13, v60;
	v62 =	vperm.xlane v14, v2;
	v12 =	vmax.f32 v12, v61  }
0x11f: {  	v63 =	vperm.xlane v13, v3;
	v10 =	vmax.f32 v10, v15;
	v15 =	vperm.xlane v12, v2  }
0x120: {  	v8 =	vsel vm10, v8, v11;
	v11 =	vmax.f32 v14, v62;
	v14 =	vperm.xlane v10, v3  }
0x121: {  	v13 =	vmax.f32 v13, v63;
	v12 =	vmax.f32 v12, v15;
	v15 =	vperm.xlane v11, v3  }
0x122: {  	v8 =	vsel vm11, v8, v13;
	v10 =	vmax.f32 v10, v14;
	v13 =	vperm.xlane v12, v3  }
0x123: {  	v7 =	vsel vm14, v7, v9;
	v8 =	vsel vm12, v8, v10;
	v9 =	vmax.f32 v11, v15  }
0x124: {  	v10 =	vmax.f32 v5, v6;
	v8 =	vsel vm13, v8, v9;
	v9 =	vmax.f32 v12, v13  }
0x125: {  	v8 =	vsel vm14, v8, v9;
	v9 =	vmax.f32 v10, v7  }
0x126: {  	v9 =	vmax.f32 v9, v8  }
0x127: {  	v10 =	vperm.xlane v9, v0;
	_ =	sdelay $0x1  }
0x128: {  	v9 =	vmax.f32 v9, v10  }
0x129: {  	v10 =	vperm.xlane v9, v1;
	_ =	sdelay $0x1  }
0x12a: {  	v9 =	vmax.f32 v9, v10  }
0x12b: {  	v10 =	vperm.xlane v9, v2;
	_ =	sdelay $0x1  }
0x12c: {  	v9 =	vmax.f32 v9, v10  }
0x12d: {  	v10 =	vperm.xlane v9, v3;
	_ =	sdelay $0x1  }
0x12e: {  	v9 =	vmax.f32 v9, v10  }
0x12f: {  	vm0 =	veq.f32 v5, v9  }
0x130: {  	v10 =	vmctz.xlane vm0  }
0x131: {  	vm0 =	veq.f32 v6, v9  }
0x132: {  	vm1 =	veq.f32 v7, v9;
	v11 =	vmctz.xlane vm0;
	vm0 =	vlt.s32 v10, $0x400  }
0x133: {  	v12 =	vmctz.xlane vm1;
	vm1 =	vlt.s32 v10, $0x10;
	v10 =	vnsel vm0, $0x400, v10  }
0x134: {  	vm0 =	veq.f32 v8, v9;
	v13 =	vadd.s32 $0x10, v11;
	v10 =	vnsel vm1, $0x400, v10  }
0x135: {  	vm2 =	vlt.s32 v11, $0x10;
	v14 =	vmctz.xlane vm0;
	vm1 =	vlt.s32 v10, v13  }
0x136: {  	vm0 =	vlt.s32 v12, $0x10;
	v12 =	vadd.s32 $0x20, v12;
	v11 =	vsel vm1, v10, v13  }
0x137: {  	v10 =	vsel vm2, v11, v10;
	v11 =	vnsel vm0, $0x400, v12  }
0x138: {  	vm0 =	vlt.s32 v14, $0x10;
	v12 =	vadd.s32 $0x30, v14;
	vm1 =	vlt.s32 v10, v11  }
0x139: {  	v10 =	vsel vm1, v10, v11;
	v11 =	vnsel vm0, $0x400, v12  }
0x13a: {  	vm0 =	vlt.s32 v10, v11  }
0x13b: {  	v13 =	vsel vm0, v10, v11  }
0x13c: {  	v10 =	vshll.u32 v13, $0x4  }
0x13d: {  	v11 =	vor.u32 v4, v10;
	_ =	sdelay $0x4  }
0x13e: {  	v12 =	vld.idx.msk [tilespmem:v11+s4+$0x0], $0xffff;
	_ =	sdelay $0x4  }
0x13f: {  	vm0 =	veq.f32 v12, v9  }
0x140: {  	v9 =	vmctz.xlane vm0;
	_ =	sdelay $0x1  }
0x141: {  	vm0 =	veq.s32 v9, v4  }
0x142: {  	v9 =	vadd.s32 v9, v10;
	v12 =	vsel vm0, $0xFF800000, v12  }
0x143: {  	v10 =	vperm.xlane v12, v0;
	_ =	sdelay $0x1  }
0x144: {  	v10 =	vmax.f32 v12, v10  }
0x145: {  	v14 =	vperm.xlane v10, v1  }
0x146: {  	v15 =	vmov s7;
	v9 =	vld.idx.msk [tilespmem:v9+s30+$0x0], $0xffff  }
0x147: {  	v10 =	vmax.f32 v10, v14  }
0x148: {  	v14 =	vperm.xlane v10, v2;
	_ =	sdelay $0x1  }
0x149: {  	v14 =	vmax.f32 v10, v14  }
0x14a: {  	vm1 =	veq.s32 v13, v4;
	[tilespmem:v15+s1+$0x0] =	vst.idx.msk $0x1, v9;
	v9 =	vor.u32 $0x20, v4;
	v15 =	vperm.xlane v14, v3  }
0x14b: {  	v10 =	vor.u32 $0x30, v4;
	[tilespmem:v11+s4+$0x0] =	vst.idx.msk $0xffff, v12;
	v11 =	vor.u32 $0x10, v4;
	vm0 =	veq.s32 v13, v9  }
0x14c: {  	s7 =	simm.s32 $0x1;
	vm15 =	veq.s32 v13, v10;
	vm2 =	veq.s32 v13, v11;
	v12 =	vmax.f32 v14, v15  }
.LBB2_3:
0x14d: {  	p0 =	sne.s32 s7, $0x17;
	v5 =	vsel vm1, v12, v5;
	v6 =	vsel vm2, v12, v6;
	v7 =	vsel vm0, v12, v7;
	s8 =	smov.u32 s7;
	s7 =	sadd.s32 $0x1, s7  }
0x14e: {  	v8 =	vsel vm15, v12, v8;
	v13 =	vmax.f32 v5, v6  }
0x14f: {  	v12 =	vmax.f32 v13, v7  }
0x150: {  	v12 =	vmax.f32 v12, v8  }
0x151: {  	v13 =	vperm.xlane v12, v0;
	_ =	sdelay $0x1  }
0x152: {  	v12 =	vmax.f32 v12, v13  }
0x153: {  	v13 =	vperm.xlane v12, v1;
	_ =	sdelay $0x1  }
0x154: {  	v12 =	vmax.f32 v12, v13  }
0x155: {  	v13 =	vperm.xlane v12, v2;
	_ =	sdelay $0x1  }
0x156: {  	v12 =	vmax.f32 v12, v13  }
0x157: {  	v13 =	vperm.xlane v12, v3;
	_ =	sdelay $0x1  }
0x158: {  	v12 =	vmax.f32 v12, v13  }
0x159: {  	vm0 =	veq.f32 v5, v12;
	vm1 =	veq.f32 v6, v12;
	vm2 =	veq.f32 v7, v12  }
0x15a: {  	v13 =	vmctz.xlane vm0;
	v14 =	vmctz.xlane vm1;
	vm0 =	veq.f32 v8, v12  }
0x15b: {  	v15 =	vmctz.xlane vm2;
	v16 =	vmctz.xlane vm0  }
0x15c: {  	vm0 =	vlt.s32 v13, $0x400  }
0x15d: {  	vm1 =	vlt.s32 v13, $0x10;
	v13 =	vnsel vm0, $0x400, v13;
	vm0 =	vlt.s32 v15, $0x10  }
0x15e: {  	v17 =	vadd.s32 $0x10, v14;
	v15 =	vadd.s32 $0x20, v15;
	v13 =	vnsel vm1, $0x400, v13  }
0x15f: {  	vm2 =	vlt.s32 v16, $0x10;
	v16 =	vadd.s32 $0x30, v16;
	vm1 =	vlt.s32 v13, v17  }
0x160: {  	vm15 =	vlt.s32 v14, $0x10;
	v14 =	vsel vm1, v13, v17  }
0x161: {  	v13 =	vsel vm15, v14, v13;
	v14 =	vnsel vm0, $0x400, v15  }
0x162: {  	vm0 =	vlt.s32 v13, v14  }
0x163: {  	v13 =	vsel vm0, v13, v14;
	v14 =	vnsel vm2, $0x400, v16  }
0x164: {  	vm0 =	vlt.s32 v13, v14  }
0x165: {  	v13 =	vsel vm0, v13, v14  }
0x166: {  	v14 =	vshll.u32 v13, $0x4  }
0x167: {  	v15 =	vor.u32 v4, v14;
	_ =	sdelay $0x4  }
0x168: {  	v16 =	vld.idx.msk [tilespmem:v15+s4+$0x0], $0xffff;
	_ =	sdelay $0x5  }
0x169: {  	vm0 =	veq.f32 v16, v12  }
0x16a: {  	v12 =	vmctz.xlane vm0;
	_ =	sdelay $0x1  }
0x16b: {  	v14 =	vadd.s32 v12, v14;
	vm0 =	veq.s32 v12, v4  }
0x16c: {  	v12 =	vsel vm0, $0xFF800000, v16  }
0x16d: {  	v16 =	vperm.xlane v12, v0;
	_ =	sdelay $0x1  }
0x16e: {  	v16 =	vmax.f32 v12, v16  }
0x16f: {  	v17 =	vperm.xlane v16, v1;
	v14 =	vld.idx.msk [tilespmem:v14+s30+$0x0], $0xffff  }
0x170: {  	v18 =	vmov s8  }
0x171: {  	v16 =	vmax.f32 v16, v17  }
0x172: {  	v17 =	vperm.xlane v16, v2  }
.Ltmp1:
0x173: {  	(pc) =	sbr.rel @p0 .LBB2_3-.Ltmp1, $4  }
0x174: {  	v16 =	vmax.f32 v16, v17  }
0x175: {  	[tilespmem:v18+s1+$0x0] =	vst.idx.msk $0x1, v14;
	v14 =	vperm.xlane v16, v3  }
0x176: {  	vm15 =	veq.s32 v13, v10;
	vm0 =	veq.s32 v13, v9;
	[tilespmem:v15+s4+$0x0] =	vst.idx.msk $0xffff, v12  }
0x177: {  	vm1 =	veq.s32 v13, v4;
	vm2 =	veq.s32 v13, v11;
	v12 =	vmax.f32 v16, v14  }
0x178: {  	v5 =	vld [tilespmem:$0x800];
	_ =	sdelay $0x4  }
0x179: {  	v6 =	vshll.u32 v5, $0x2  }
0x17a: {  	v5 =	vand.u32 $0x7, v5;
	v6 =	vand.u32 $0xFFFFFFE0, v6  }
0x17b: {  	v7 =	vshrl.u32 v4, $0x3;
	v5 =	vor.u32 v5, v6;
	v6 =	vand.u32 $0x7, v4  }
0x17c: {  	v7 =	vmul.u32 $0x8, v7;
	v8 =	vperm.xlane v5, v6;
	_ =	sdelay $0x1  }
0x17d: {  	v8 =	vadd.s32 v7, v8  }
0x17e: {  	v9 =	vor.u32 $0x8, v4  }
0x17f: {  	v5 =	vperm.xlane v5, v9;
	_ =	sdelay $0x1  }
0x180: {  	vm15 =	vmmov $0xffff;
	v5 =	vadd.s32 v7, v5  }
0x181: {  	[tilespmem:s31], [sflag:$0x1] =	stream.indirect_vreg.gather [hbm4b:s2+s4], $0x80, v8, vm15, $0xb8;
	[tilespmem:$0x8080] =	vst v63  }
0x182: {  	s7 =	simm.s32 $0x1080  }
0x183: {  	[tilespmem:s7], [sflag:$0x1] =	stream.indirect_vreg.gather [hbm4b:s24+s4], $0x80, v8, vm15, $0xb8;
	[tilespmem:$0x8080] =	vst v63  }
0x184: {  	s8 =	simm.s32 $0x1880  }
0x185: {  	[tilespmem:s8], [sflag:$0x1] =	stream.indirect_vreg.gather [hbm4b:s2+s4], $0x80, v5, vm15, $0xb8;
	[tilespmem:$0x8080] =	vst v63  }
0x186: {  	s9 =	simm.s32 $0x2080  }
0x187: {  	[tilespmem:s9], [sflag:$0x1] =	stream.indirect_vreg.gather [hbm4b:s24+s4], $0x80, v5, vm15, $0xb8;
	[tilespmem:$0x8080] =	vst v63  }
0x188: {  	v5 =	vld.msk [tilespmem:$0x810], $0xff;
	_ =	sdelay $0x4  }
0x189: {  	v61 =	vshll.u32 v5, $0x2  }
0x18a: {  	v5 =	vand.u32 $0x7, v5;
	v8 =	vand.u32 $0xFFFFFFE0, v61  }
0x18b: {  	v5 =	vor.u32 v5, v8  }
0x18c: {  	v5 =	vperm.xlane v5, v6;
	_ =	sdelay $0x1  }
0x18d: {  	v5 =	vadd.s32 v7, v5;
	_ =	sdelay $0x3  }
0x18e: {  	s8 =	simm.s32 $0x2880  }
0x18f: {  	[tilespmem:s8], [sflag:$0x1] =	stream.indirect_vreg.gather [hbm4b:s2+s4], $0x80, v5, vm15, $0xb8;
	[tilespmem:$0x8080] =	vst v63  }
0x190: {  	s9 =	simm.s32 $0x3080  }
0x191: {  	[tilespmem:s9], [sflag:$0x1] =	stream.indirect_vreg.gather [hbm4b:s24+s4], $0x80, v5, vm15, $0xb8;
	[tilespmem:$0x8080] =	vst v63  }
0x192: {  	_ =	swait.ge [sflag:s0], $0x3000  }
0x193: {  	[sflag:s0] =	ssyncset.done $0x0  }
0x194: {  	[sflag:s0] =	ssyncadd.s32 $0xFFFFD000  }
0x195: {  	v5 =	vld [tilespmem:$0x800];
	_ =	sdelay $0x4  }
0x196: {  	v62 =	vshrl.u32 v5, $0x3  }
0x197: {  	v8 =	vmul.u32 $0x30, v62  }
0x198: {  	v5 =	vand.u32 $0x7, v5  }
0x199: {  	v5 =	vor.u32 v5, v8  }
0x19a: {  	v8 =	vperm.xlane v5, v6;
	_ =	sdelay $0x1  }
0x19b: {  	v8 =	vadd.s32 v7, v8;
	_ =	sdelay $0x3  }
0x19c: {  	v5 =	vperm.xlane v5, v9  }
0x19d: {  	[tilespmem:s5], [sflag:$0x1] =	stream.indirect_vreg.gather [hbm4b:s3+s4], $0x80, v8, vm15, $0xb8;
	[tilespmem:$0x8080] =	vst v63  }
0x19e: {  	s8 =	simm.s32 $0x4080;
	v5 =	vadd.s32 v7, v5  }
0x19f: {  	[tilespmem:s8], [sflag:$0x1] =	stream.indirect_vreg.gather [hbm4b:s25+s4], $0x80, v8, vm15, $0xb8;
	[tilespmem:$0x8080] =	vst v63  }
0x1a0: {  	s9 =	simm.s32 $0x4880  }
0x1a1: {  	[tilespmem:s9], [sflag:$0x1] =	stream.indirect_vreg.gather [hbm4b:s18+s4], $0x80, v8, vm15, $0xb8;
	[tilespmem:$0x8080] =	vst v63  }
0x1a2: {  	s8 =	simm.s32 $0x5080  }
0x1a3: {  	[tilespmem:s8], [sflag:$0x1] =	stream.indirect_vreg.gather [hbm4b:s3+s4], $0x80, v5, vm15, $0xb8;
	[tilespmem:$0x8080] =	vst v63  }
0x1a4: {  	s9 =	simm.s32 $0x5880  }
0x1a5: {  	[tilespmem:s9], [sflag:$0x1] =	stream.indirect_vreg.gather [hbm4b:s25+s4], $0x80, v5, vm15, $0xb8;
	[tilespmem:$0x8080] =	vst v63  }
0x1a6: {  	s8 =	simm.s32 $0x6080  }
0x1a7: {  	[tilespmem:s8], [sflag:$0x1] =	stream.indirect_vreg.gather [hbm4b:s18+s4], $0x80, v5, vm15, $0xb8;
	[tilespmem:$0x8080] =	vst v63  }
0x1a8: {  	v5 =	vld.msk [tilespmem:$0x810], $0xff;
	_ =	sdelay $0x4  }
0x1a9: {  	v63 =	vshrl.u32 v5, $0x3  }
0x1aa: {  	v8 =	vmul.u32 $0x30, v63  }
0x1ab: {  	v5 =	vand.u32 $0x7, v5  }
0x1ac: {  	v5 =	vor.u32 v5, v8  }
0x1ad: {  	v5 =	vperm.xlane v5, v6;
	_ =	sdelay $0x1  }
0x1ae: {  	v5 =	vadd.s32 v7, v5;
	_ =	sdelay $0x3  }
0x1af: {  	s9 =	simm.s32 $0x6880  }
0x1b0: {  	[tilespmem:s9], [sflag:$0x1] =	stream.indirect_vreg.gather [hbm4b:s3+s4], $0x80, v5, vm15, $0xb8;
	[tilespmem:$0x8080] =	vst v63  }
0x1b1: {  	s8 =	simm.s32 $0x7080  }
0x1b2: {  	[tilespmem:s8], [sflag:$0x1] =	stream.indirect_vreg.gather [hbm4b:s25+s4], $0x80, v5, vm15, $0xb8;
	[tilespmem:$0x8080] =	vst v63  }
0x1b3: {  	s9 =	simm.s32 $0x7880  }
0x1b4: {  	[tilespmem:s9], [sflag:$0x1] =	stream.indirect_vreg.gather [hbm4b:s18+s4], $0x80, v5, vm15, $0xb8;
	[tilespmem:$0x8080] =	vst v63  }
0x1b5: {  	_ =	swait.ge [sflag:s0], $0x4800  }
0x1b6: {  	[sflag:s0] =	ssyncset.done $0x0  }
0x1b7: {  	[sflag:s0] =	ssyncadd.s32 $0xFFFFB800  }
0x1b8: {  	[hbm4b:s19+s4] =	stream.linear.scatter [tilespmem:s1], [sflag:$0x2], $0x18, $0x38;
	[tilespmem:$0x8080] =	vst v63  }
0x1b9: {  	_ =	swait.ge [sflag:s29], $0x18  }
0x1ba: {  	[sflag:s29] =	ssyncset.done $0x0  }
0x1bb: {  	[sflag:s29] =	ssyncadd.s32 $0xFFFFFFE8  }
0x1bc: {  	[hbm4b:s22+s4] =	stream.linear.scatter [tilespmem:s31], [sflag:$0x2], $0x3000, $0x38;
	[tilespmem:$0x8080] =	vst v63  }
0x1bd: {  	s6 =	sadd.s32 $0x1, s6;
	_ =	swait.ge [sflag:s29], $0x3000  }
0x1be: {  	p0 =	sne.s32 s6, s28;
	[sflag:s29] =	ssyncset.done $0x0  }
.Ltmp2:
0x1bf: {  	[sflag:s29] =	ssyncadd.s32 $0xFFFFD000;
	(pc) =	sbr.rel @p0 .LBB2_2-.Ltmp2, $4  }
0x1c0: {  	[hbm4b:s23+s4] =	stream.linear.scatter [tilespmem:s5], [sflag:$0x2], $0x4800, $0x38;
	[tilespmem:$0x8080] =	vst v63  }
0x1c1: {  	_ =	swait.ge [sflag:s29], $0x4800  }
0x1c2: {  	[sflag:s29] =	ssyncset.done $0x0  }
0x1c3: {  	[sflag:s29] =	ssyncadd.s32 $0xFFFFB800  }
.LBB2_5:
0x1c4: {  	_ =	sfence.sel $0x180000  }
0x1c5: {  	[bflag:$0x0] =	sbarrier.arrive $0xFFFF  }
0x1c6: {  	_ =	strace $0x90000047  }
0x1c7: {  	s0 =	stileid.u32;
	[bflag:$0x2] =	sbarrier.arrive $0xFFFF  }
0x1c8: {  	p0 =	sne.s32 s0, $0x0;
	s0 =	rddreg [dreg:$0x3]  }
0x1c9: {  	s0 =	sadd.s32 @!p0 $0x100000, s0  }
0x1ca: {  	[sflag:s0] =	ssyncadd.tile.s32 @!p0 $0x1;
	_ =	shalt  }
.Lfunc_end2:
_tile_overlayer_lowered:
.L_overlay_start_2:
0x1cb: {  	(tag) =	ssettag $0x2  }
0x1cc: {  	s0 =	rddreg [dreg:$0x0];
	s2 =	stileid.u32  }
0x1cd: {  	s1 =	rddreg [dreg:$0x1];
	p0 =	sne.s32 s2, $0x0  }
0x1ce: {  	s3 =	rddreg [dreg:$0x2];
	[bflag:$0x3] =	sbarrier.arrive $0xFFFF;
	s2 =	simm.s32 @!p0 $0x1C02  }
0x1cf: {  	[timem:s3], [sflag:s2] =	dma.local @!p0 [hbm:s0], s1  }
0x1d0: {  	s0 =	simm.s32 @!p0 $0x2  }
0x1d1: {  	_ =	swait.ge @!p0 [sflag:s0], s1  }
0x1d2: {  	s1 =	ssub.s32 @!p0 $0x0, s1;
	[sflag:s0] =	ssyncset.done @!p0 $0x0  }
0x1d3: {  	[sflag:s0] =	ssyncadd.s32 @!p0 s1  }
0x1d4: {  	[bflag:$0x3] =	sbarrier.arrive $0xFFFF  }
0x1d5: {  	_ =	shalt  }

</sc_bundles>
